<compile_context>
chip_gen: v7x
topology: tpu7x:2x2x1
jax: 0.10.2.dev20260603
libtpu: 0.0.44.dev20260713+nightly
codegen_flags: <defaults>
</compile_context>

<pallas_src>
import functools

import jax
import jax.numpy as jnp
from jax import lax
from jax.experimental import pallas as pl
from jax.experimental.pallas import tpu as pltpu
from jax.experimental.pallas import tpu_sc as plsc

IMG = 224
P = 16
D = 384
DEPTH = 2
HEADS = 12
HD = 32
E = 64
FF = 768
NCLS = 1000
B = 16
GRID = IMG // P
N = GRID * GRID + 1
T = B * N
CAP = 62
CAPP = 64
SLOTS = E * CAPP
NW = 32
TOK_PER_W = 112
CHUNK = 197
NCHUNK = 16
PATCH = 3 * P * P


def _ln2d(x, g, b):
    mu = jnp.mean(x, axis=1, keepdims=True)
    v = jnp.mean((x - mu) * (x - mu), axis=1, keepdims=True)
    return (x - mu) * jax.lax.rsqrt(v + 1e-6) * g + b



def _attn_body(mode, *refs):
    if mode == 0:
        (in0, pw, offs, clsp, l1g, l1b, qw, qb, prw, prb, out_ref) = refs
        m = (jnp.dot(in0[0], pw[...], preferred_element_type=jnp.float32)
             + offs[...])
        x = jnp.concatenate([clsp[...], m], axis=0)
    else:
        (in0, m_ref, g_ref, l1g, l1b, qw, qb, prw, prb, out_ref) = refs
        x = in0[0] + g_ref[0] * m_ref[0]
    h = _ln2d(x, l1g[0], l1b[0])
    qkv = jnp.dot(h, qw[0], preferred_element_type=jnp.float32) + qb[0]
    heads = []
    for hh in range(HEADS):
        lo = hh * HD
        q = qkv[:, lo:lo + HD]
        k = qkv[:, D + lo:D + lo + HD]
        v = qkv[:, 2 * D + lo:2 * D + lo + HD]
        a = lax.dot_general(
            q, k, (((1,), (1,)), ((), ())), preferred_element_type=jnp.float32
        ) * (HD ** -0.5)
        ea = jnp.exp(a)
        a = ea / jnp.sum(ea, axis=1, keepdims=True)
        heads.append(jnp.dot(a, v, preferred_element_type=jnp.float32))
    o = jnp.concatenate(heads, axis=1)
    y = jnp.dot(o, prw[0], preferred_element_type=jnp.float32) + prb[0]
    out_ref[0] = x + y


def _attn_call(mode, i, in0, in1, in2, in3, l1g, l1b, qw, qb, prw, prb):
    full = lambda shape: pl.BlockSpec(shape, lambda bb: (0,) * len(shape))
    layer = lambda shape: pl.BlockSpec(shape, lambda bb: (i,) + (0,) * (len(shape) - 1))
    tok_spec = pl.BlockSpec((1, N, D), lambda bb: (bb, 0, 0))
    if mode == 0:
        in_specs = [pl.BlockSpec((1, GRID * GRID, PATCH), lambda bb: (bb, 0, 0)),
                    full((PATCH, D)), full((GRID * GRID, D)), full((1, D))]
        args = [in0, in1, in2, in3]
    else:
        in_specs = [tok_spec, tok_spec,
                    pl.BlockSpec((1, N, 1), lambda bb: (bb, 0, 0))]
        args = [in0, in1, in2]
    in_specs += [
        layer((1, 1, D)), layer((1, 1, D)), layer((1, D, 3 * D)),
        layer((1, 1, 3 * D)), layer((1, D, D)), layer((1, 1, D)),
    ]
    args += [l1g, l1b, qw, qb, prw, prb]
    return pl.pallas_call(
        functools.partial(_attn_body, mode),
        grid=(B,),
        in_specs=in_specs,
        out_specs=tok_spec,
        out_shape=jax.ShapeDtypeStruct((B, N, D), jnp.float32),
    )(*args)



def _router_body(tok_ref, l2g, l2b, rw_ref, tri_ref, h2_ref, slot_ref, gate_ref):
    x = tok_ref[...]
    h2 = _ln2d(x, l2g[0], l2b[0])
    h2_ref[...] = h2
    logits = jnp.dot(h2, rw_ref[0], preferred_element_type=jnp.float32)
    mx = jnp.max(logits, axis=1, keepdims=True)
    ex = jnp.exp(logits - mx)
    gate = 1.0 / jnp.sum(ex, axis=1, keepdims=True)
    ii = lax.broadcasted_iota(jnp.int32, (T, E), 1)
    eidx = jnp.min(jnp.where(logits == mx, ii, E), axis=1, keepdims=True)
    tri = tri_ref[...]
    lane = lax.broadcasted_iota(jnp.int32, (CHUNK, E), 1)
    carry = jnp.zeros((1, E), jnp.float32)
    pos_chunks = []
    for j in range(NCHUNK):
        echunk = lax.slice(eidx, (j * CHUNK, 0), ((j + 1) * CHUNK, 1))
        oh = (echunk == lane).astype(jnp.float32)
        c = jnp.dot(tri, oh, preferred_element_type=jnp.float32) + carry
        pos_chunks.append(jnp.sum((c - 1.0) * oh, axis=1, keepdims=True))
        carry = carry + jnp.sum(oh, axis=0, keepdims=True)
    pos = jnp.concatenate(pos_chunks, axis=0).astype(jnp.int32)
    slot_ref[...] = eidx * CAPP + jnp.minimum(pos, CAPP - 1)
    gate_ref[...] = jnp.where(pos < CAP, gate, 0.0)


def _router_call(i, tok2d, l2g, l2b, rw, tri):
    full = lambda shape: pl.BlockSpec(shape, lambda z: (0,) * len(shape))
    layer = lambda shape: pl.BlockSpec(
        shape, lambda z: (i,) + (0,) * (len(shape) - 1))
    return pl.pallas_call(
        _router_body,
        grid=(1,),
        in_specs=[full((T, D)), layer((1, 1, D)), layer((1, 1, D)),
                  layer((1, D, E)), full((CHUNK, CHUNK))],
        out_specs=(full((T, D)), full((T, 1)), full((T, 1))),
        out_shape=(
            jax.ShapeDtypeStruct((T, D), jnp.float32),
            jax.ShapeDtypeStruct((T, 1), jnp.int32),
            jax.ShapeDtypeStruct((T, 1), jnp.float32),
        ),
    )(tok2d, l2g, l2b, rw, tri)



def _sc_mesh():
    return plsc.VectorSubcoreMesh(core_axis_name="c", subcore_axis_name="s")


def _worker_base():
    wid = lax.axis_index("s") * 2 + lax.axis_index("c")
    return jnp.minimum(wid * TOK_PER_W, T - TOK_PER_W)


def _dispatch_body(slot_hbm, xt_hbm, xe_hbm, idx_v, rows_v, sem):
    base = _worker_base()
    c1 = pltpu.async_copy(slot_hbm.at[pl.ds(base, TOK_PER_W)], idx_v, sem)
    c2 = pltpu.async_copy(xt_hbm.at[pl.ds(base, TOK_PER_W)], rows_v, sem)
    c1.wait()
    c2.wait()
    pltpu.async_copy(rows_v, xe_hbm.at[idx_v], sem).wait()


def _dispatch(slot, h2p):
    fn = pl.kernel(
        _dispatch_body,
        out_type=jax.ShapeDtypeStruct((SLOTS, D), jnp.float32),
        mesh=_sc_mesh(),
        scratch_types=[
            pltpu.VMEM((TOK_PER_W,), jnp.int32),
            pltpu.VMEM((TOK_PER_W, D), jnp.float32),
            pltpu.SemaphoreType.DMA,
        ],
    )
    return fn(slot, h2p)


def _combine_body(slot_hbm, ye_hbm, m_hbm, idx_v, rows_v, sem):
    base = _worker_base()
    pltpu.sync_copy(slot_hbm.at[pl.ds(base, TOK_PER_W)], idx_v)
    pltpu.async_copy(ye_hbm.at[idx_v], rows_v, sem).wait()
    pltpu.sync_copy(rows_v, m_hbm.at[pl.ds(base, TOK_PER_W)])


def _combine(slot, ye2d):
    fn = pl.kernel(
        _combine_body,
        out_type=jax.ShapeDtypeStruct((T, D), jnp.float32),
        mesh=_sc_mesh(),
        scratch_types=[
            pltpu.VMEM((TOK_PER_W,), jnp.int32),
            pltpu.VMEM((TOK_PER_W, D), jnp.float32),
            pltpu.SemaphoreType.DMA,
        ],
    )
    return fn(slot, ye2d)



EPB = 4


def _ffn_body(xe_ref, w1_ref, b1_ref, w2_ref, b2_ref, ye_ref):
    for j in range(EPB):
        x = xe_ref[j]
        h = jax.nn.gelu(
            jnp.dot(x, w1_ref[0, j], preferred_element_type=jnp.float32)
            + b1_ref[0, j]
        )
        ye_ref[j] = (
            jnp.dot(h, w2_ref[0, j], preferred_element_type=jnp.float32)
            + b2_ref[0, j]
        )


def _ffn_call(i, xe3, w1, b1r, w2, b2r):
    return pl.pallas_call(
        _ffn_body,
        grid=(E // EPB,),
        in_specs=[
            pl.BlockSpec((EPB, CAPP, D), lambda e: (e, 0, 0)),
            pl.BlockSpec((1, EPB, D, FF), lambda e: (i, e, 0, 0)),
            pl.BlockSpec((1, EPB, 1, FF), lambda e: (i, e, 0, 0)),
            pl.BlockSpec((1, EPB, FF, D), lambda e: (i, e, 0, 0)),
            pl.BlockSpec((1, EPB, 1, D), lambda e: (i, e, 0, 0)),
        ],
        out_specs=pl.BlockSpec((EPB, CAPP, D), lambda e: (e, 0, 0)),
        out_shape=jax.ShapeDtypeStruct((E, CAPP, D), jnp.float32),
    )(xe3, w1, b1r, w2, b2r)



def _head_body(x0, g0, m0, lg, lb, hw, hb, out_ref):
    t = x0[...] + g0[...] * m0[...]
    t = _ln2d(t, lg[...], lb[...])
    out_ref[...] = (
        jnp.dot(t, hw[...], preferred_element_type=jnp.float32) + hb[...]
    )


def _head_call(x0, g0, m0, lg, lb, hw, hb):
    return pl.pallas_call(
        _head_body,
        out_shape=jax.ShapeDtypeStruct((B, NCLS), jnp.float32),
    )(x0, g0, m0, lg, lb, hw, hb)



def kernel(x, patch_w, patch_b, cls_token, pos_embed, ln1_g, ln1_b, qkv_w,
           qkv_b, proj_w, proj_b, ln2_g, ln2_b, router_w, w1, b1, w2, b2,
           lnf_g, lnf_b, head_w, head_b):
    xp = x.reshape(B, 3, GRID, P, GRID, P).transpose(0, 2, 4, 1, 3, 5)
    xp = xp.reshape(B, GRID * GRID, PATCH)
    offs = jnp.broadcast_to(patch_b, (GRID * GRID, D)) + pos_embed[0, 1:]
    clsp = cls_token[0] + pos_embed[0, 0:1]

    tri = jnp.tril(jnp.ones((CHUNK, CHUNK), jnp.float32))

    tok = None
    m_prev = None
    g_prev = None
    for i in range(DEPTH):
        if i == 0:
            ins = (0, i, xp, patch_w, offs, clsp)
        else:
            ins = (1, i, tok, m_prev, g_prev, None)
        tok = _attn_call(
            *ins,
            ln1_g.reshape(DEPTH, 1, D), ln1_b.reshape(DEPTH, 1, D),
            qkv_w, qkv_b.reshape(DEPTH, 1, 3 * D),
            proj_w, proj_b.reshape(DEPTH, 1, D))
        h2, slot2, gate_eff = _router_call(
            i, tok.reshape(T, D),
            ln2_g.reshape(DEPTH, 1, D), ln2_b.reshape(DEPTH, 1, D),
            router_w, tri)
        slot = slot2.reshape(T)
        xe = _dispatch(slot, h2)
        ye = _ffn_call(
            i, xe.reshape(E, CAPP, D), w1, b1.reshape(DEPTH, E, 1, FF),
            w2, b2.reshape(DEPTH, E, 1, D))
        m_flat = _combine(slot, ye.reshape(SLOTS, D))
        m_prev = m_flat.reshape(B, N, D)
        g_prev = gate_eff.reshape(B, N, 1)

    x0 = tok[:, 0, :]
    m0 = m_prev[:, 0, :]
    g0 = g_prev[:, 0, :]
    return _head_call(
        x0, g0, m0, lnf_g.reshape(1, D), lnf_b.reshape(1, D),
        head_w, head_b.reshape(1, NCLS))

# --- scband reference (transcript-rebuilt; emitter-appended) ---
"""Pipeline reference for scband-token-vision-transformer-mo-e-22771916603560 (READ-ONLY COPY).

The authoritative reference and input builder live on the scoring server;
editing this copy changes nothing except your own understanding.
"""

import jax, jax.numpy as jnp
import numpy as np

IMG = 224
P = 16
D = 384
DEPTH = 2
HEADS = 12
E = 64
FF = 768
NCLS = 1000
B = 16
GRID = IMG // P
N = GRID * GRID + 1
CAPF = 1.25


def setup_inputs(seed: int = 0):
    key = jax.random.key(seed)
    ks = jax.random.split(key, 16)
    s = 0.02
    inp = {}
    inp["x"] = jax.random.normal(ks[0], (B, 3, IMG, IMG), dtype=jnp.float32)
    inp["patch_w"] = jax.random.normal(ks[1], (3 * P * P, D), dtype=jnp.float32) * s
    inp["patch_b"] = jnp.zeros((D,), dtype=jnp.float32)
    inp["cls_token"] = jax.random.normal(ks[2], (1, 1, D), dtype=jnp.float32) * s
    inp["pos_embed"] = jax.random.normal(ks[3], (1, N, D), dtype=jnp.float32) * s
    inp["ln1_g"] = jnp.ones((DEPTH, D), dtype=jnp.float32)
    inp["ln1_b"] = jnp.zeros((DEPTH, D), dtype=jnp.float32)
    inp["qkv_w"] = jax.random.normal(ks[4], (DEPTH, D, 3 * D), dtype=jnp.float32) * s
    inp["qkv_b"] = jnp.zeros((DEPTH, 3 * D), dtype=jnp.float32)
    inp["proj_w"] = jax.random.normal(ks[5], (DEPTH, D, D), dtype=jnp.float32) * s
    inp["proj_b"] = jnp.zeros((DEPTH, D), dtype=jnp.float32)
    inp["ln2_g"] = jnp.ones((DEPTH, D), dtype=jnp.float32)
    inp["ln2_b"] = jnp.zeros((DEPTH, D), dtype=jnp.float32)
    inp["router_w"] = jax.random.normal(ks[6], (DEPTH, D, E), dtype=jnp.float32) * s
    inp["w1"] = jax.random.normal(ks[7], (DEPTH, E, D, FF), dtype=jnp.float32) * s
    inp["b1"] = jnp.zeros((DEPTH, E, FF), dtype=jnp.float32)
    inp["w2"] = jax.random.normal(ks[8], (DEPTH, E, FF, D), dtype=jnp.float32) * s
    inp["b2"] = jnp.zeros((DEPTH, E, D), dtype=jnp.float32)
    inp["lnf_g"] = jnp.ones((D,), dtype=jnp.float32)
    inp["lnf_b"] = jnp.zeros((D,), dtype=jnp.float32)
    inp["head_w"] = jax.random.normal(ks[9], (D, NCLS), dtype=jnp.float32) * s
    inp["head_b"] = jnp.zeros((NCLS,), dtype=jnp.float32)
    return inp


def _ln(x, g, b):
    mu = jnp.mean(x, axis=-1, keepdims=True)
    v = jnp.var(x, axis=-1, keepdims=True)
    return (x - mu) / jnp.sqrt(v + 1e-6) * g + b


def _attn(x, qw, qb, pw, pb):
    Bn, Nn, C = x.shape
    hd = C // HEADS
    qkv = (x @ qw + qb).reshape(Bn, Nn, 3, HEADS, hd).transpose(2, 0, 3, 1, 4)
    q, k, v = qkv[0], qkv[1], qkv[2]
    a = (q @ k.transpose(0, 1, 3, 2)) * (hd ** -0.5)
    a = jax.nn.softmax(a, axis=-1)
    o = (a @ v).transpose(0, 2, 1, 3).reshape(Bn, Nn, C)
    return o @ pw + pb


def _moe(xt, rw, w1, b1, w2, b2):
    # top-1 token routing with expert capacity (Switch-style dispatch/combine)
    T = xt.shape[0]
    cap = int(np.ceil(T / E * CAPF))
    logits = xt @ rw
    gates = jax.nn.softmax(logits, axis=-1)
    eidx = jnp.argmax(gates, axis=-1)
    gate = jnp.max(gates, axis=-1)
    oh = jax.nn.one_hot(eidx, E, dtype=xt.dtype)
    pos = jnp.sum((jnp.cumsum(oh, axis=0) - 1.0) * oh, axis=1).astype(jnp.int32)
    keep = (pos < cap).astype(xt.dtype)
    dispatch = oh[:, :, None] * jax.nn.one_hot(pos, cap, dtype=xt.dtype)[:, None, :] * keep[:, None, None]
    xe = jnp.einsum('td,tec->ecd', xt, dispatch)
    h = jax.nn.gelu(jnp.einsum('ecd,edf->ecf', xe, w1) + b1[:, None, :])
    ye = jnp.einsum('ecf,efd->ecd', h, w2) + b2[:, None, :]
    comb = dispatch * gate[:, None, None]
    return jnp.einsum('ecd,tec->td', ye, comb)


def reference(x, patch_w, patch_b, cls_token, pos_embed, ln1_g, ln1_b, qkv_w, qkv_b,
              proj_w, proj_b, ln2_g, ln2_b, router_w, w1, b1, w2, b2,
              lnf_g, lnf_b, head_w, head_b):
    Bn = x.shape[0]
    xp = x.reshape(Bn, 3, GRID, P, GRID, P).transpose(0, 2, 4, 1, 3, 5).reshape(Bn, GRID * GRID, 3 * P * P)
    tok = xp @ patch_w + patch_b
    cls = jnp.broadcast_to(cls_token, (Bn, 1, D))
    tok = jnp.concatenate([cls, tok], axis=1) + pos_embed
    for i in range(DEPTH):
        h = _ln(tok, ln1_g[i], ln1_b[i])
        tok = tok + _attn(h, qkv_w[i], qkv_b[i], proj_w[i], proj_b[i])
        h2 = _ln(tok, ln2_g[i], ln2_b[i]).reshape(Bn * N, D)
        m = _moe(h2, router_w[i], w1[i], b1[i], w2[i], b2[i]).reshape(Bn, N, D)
        tok = tok + m
    out = _ln(tok, lnf_g, lnf_b)[:, 0]
    return out @ head_w + head_b

if __name__ == "__main__":
    import jax
    _d = setup_inputs()
    print(jax.jit(kernel)(*tuple(_d.values())))

</pallas_src>

<mosaic_0001>
#map = affine_map<(d0, d1) -> (0)>
#map1 = affine_map<(d0, d1) -> (0, 0)>
module attributes {stable_mosaic.version = 14 : i64} {
  func.func @_dispatch_body(%arg0: i32, %arg1: i32, %arg2: memref<3152xi32, #tpu.memory_space<hbm>>, %arg3: memref<3152x384xf32, #tpu.memory_space<hbm>>, %arg4: memref<4096x384xf32, #tpu.memory_space<hbm>>, %arg5: memref<112xi32, #tpu.memory_space<vmem>>, %arg6: memref<112x384xf32, #tpu.memory_space<vmem>>, %arg7: memref<!tpu.dma_semaphore, #tpu.memory_space<semaphore_mem>>) attributes {dimension_semantics = [#tpu.dimension_semantics<core_parallel>, #tpu.dimension_semantics<subcore_parallel>], iteration_bounds = array<i64: 2, 16>, scalar_prefetch = 0 : i64, scratch_operands = 3 : i64, tpu.core_type = #tpu.core_type<sc_vector_subcore>, window_params = [{transform_indices = #map}, {transform_indices = #map1}, {transform_indices = #map1}]} {
    %mul3A = arith.constant 2 : i32
    %mul3A_0 = arith.muli %arg1, %mul3A : i32
    %add3A = arith.addi %mul3A_0, %arg0 : i32
    %mul3A_1 = arith.constant 112 : i32
    %mul3A_2 = arith.muli %add3A, %mul3A_1 : i32
    %min3A = arith.constant 3040 : i32
    %min3A_3 = arith.minsi %mul3A_2, %min3A : i32
    %dma_start3A = tpu.memref_slice %arg2[%min3A_3] : memref<3152xi32, #tpu.memory_space<hbm>> -> memref<112xi32, #tpu.memory_space<hbm>>
    %dma_start3A_4 = tpu.memref_slice %arg2[%min3A_3] : memref<3152xi32, #tpu.memory_space<hbm>> -> memref<112xi32, #tpu.memory_space<hbm>>
    tpu.enqueue_dma source(%dma_start3A_4 : memref<112xi32, #tpu.memory_space<hbm>>) target(%arg5 : memref<112xi32, #tpu.memory_space<vmem>>) target_semaphore(%arg7 : memref<!tpu.dma_semaphore, #tpu.memory_space<semaphore_mem>>)
    %dma_start3A_5 = arith.constant 0 : i32
    %dma_start3A_6 = tpu.memref_slice %arg3[%min3A_3, %dma_start3A_5] : memref<3152x384xf32, #tpu.memory_space<hbm>> -> memref<112x384xf32, #tpu.memory_space<hbm>>
    %dma_start3A_7 = arith.constant 0 : i32
    %dma_start3A_8 = tpu.memref_slice %arg3[%min3A_3, %dma_start3A_7] : memref<3152x384xf32, #tpu.memory_space<hbm>> -> memref<112x384xf32, #tpu.memory_space<hbm>>
    tpu.enqueue_dma source(%dma_start3A_8 : memref<112x384xf32, #tpu.memory_space<hbm>>) target(%arg6 : memref<112x384xf32, #tpu.memory_space<vmem>>) target_semaphore(%arg7 : memref<!tpu.dma_semaphore, #tpu.memory_space<semaphore_mem>>)
    %dma_wait3A = tpu.memref_slice %arg2[%min3A_3] : memref<3152xi32, #tpu.memory_space<hbm>> -> memref<112xi32, #tpu.memory_space<hbm>>
    %dma_wait3A_9 = tpu.memref_slice %arg2[%min3A_3] : memref<3152xi32, #tpu.memory_space<hbm>> -> memref<112xi32, #tpu.memory_space<hbm>>
    tpu.wait_dma2 semaphore(%arg7 : memref<!tpu.dma_semaphore, #tpu.memory_space<semaphore_mem>>) src(%dma_wait3A_9 : memref<112xi32, #tpu.memory_space<hbm>>) dst(%arg5 : memref<112xi32, #tpu.memory_space<vmem>>)
    %dma_wait3A_10 = arith.constant 0 : i32
    %dma_wait3A_11 = tpu.memref_slice %arg3[%min3A_3, %dma_wait3A_10] : memref<3152x384xf32, #tpu.memory_space<hbm>> -> memref<112x384xf32, #tpu.memory_space<hbm>>
    %dma_wait3A_12 = arith.constant 0 : i32
    %dma_wait3A_13 = tpu.memref_slice %arg3[%min3A_3, %dma_wait3A_12] : memref<3152x384xf32, #tpu.memory_space<hbm>> -> memref<112x384xf32, #tpu.memory_space<hbm>>
    tpu.wait_dma2 semaphore(%arg7 : memref<!tpu.dma_semaphore, #tpu.memory_space<semaphore_mem>>) src(%dma_wait3A_13 : memref<112x384xf32, #tpu.memory_space<hbm>>) dst(%arg6 : memref<112x384xf32, #tpu.memory_space<vmem>>)
    %dma_start3A_14 = arith.constant 0 : i32
    %dma_start3A_15 = arith.constant 0 : i32
    %dma_start3A_16 = tpu.memref_slice %arg4[%dma_start3A_14, %dma_start3A_15] : memref<4096x384xf32, #tpu.memory_space<hbm>> -> memref<4096x384xf32, #tpu.memory_space<hbm>>
    tpu.enqueue_indirect_dma source(%arg6 : memref<112x384xf32, #tpu.memory_space<vmem>>) target(%dma_start3A_16 : memref<4096x384xf32, #tpu.memory_space<hbm>>) offsets(%arg5 : memref<112xi32, #tpu.memory_space<vmem>>) semaphore(%arg7 : memref<!tpu.dma_semaphore, #tpu.memory_space<semaphore_mem>>)
    %dma_wait3A_17 = arith.constant 0 : i32
    %dma_wait3A_18 = arith.constant 0 : i32
    %dma_wait3A_19 = tpu.memref_slice %arg4[%dma_wait3A_17, %dma_wait3A_18] : memref<4096x384xf32, #tpu.memory_space<hbm>> -> memref<4096x384xf32, #tpu.memory_space<hbm>>
    tpu.wait_indirect_dma semaphore(%arg7 : memref<!tpu.dma_semaphore, #tpu.memory_space<semaphore_mem>>) src(%arg6 : memref<112x384xf32, #tpu.memory_space<vmem>>) dst(%dma_wait3A_19 : memref<4096x384xf32, #tpu.memory_space<hbm>>)
    return
  }
}

#map = affine_map<(d0, d1) -> (0)>
#map1 = affine_map<(d0, d1) -> (0, 0)>
module attributes {stable_mosaic.version = 14 : i64} {
  func.func @_combine_body(%arg0: i32, %arg1: i32, %arg2: memref<3152xi32, #tpu.memory_space<hbm>>, %arg3: memref<4096x384xf32, #tpu.memory_space<hbm>>, %arg4: memref<3152x384xf32, #tpu.memory_space<hbm>>, %arg5: memref<112xi32, #tpu.memory_space<vmem>>, %arg6: memref<112x384xf32, #tpu.memory_space<vmem>>, %arg7: memref<!tpu.dma_semaphore, #tpu.memory_space<semaphore_mem>>) attributes {dimension_semantics = [#tpu.dimension_semantics<core_parallel>, #tpu.dimension_semantics<subcore_parallel>], iteration_bounds = array<i64: 2, 16>, scalar_prefetch = 0 : i64, scratch_operands = 3 : i64, tpu.core_type = #tpu.core_type<sc_vector_subcore>, window_params = [{transform_indices = #map}, {transform_indices = #map1}, {transform_indices = #map1}]} {
    %mul3A = arith.constant 2 : i32
    %mul3A_0 = arith.muli %arg1, %mul3A : i32
    %add3A = arith.addi %mul3A_0, %arg0 : i32
    %mul3A_1 = arith.constant 112 : i32
    %mul3A_2 = arith.muli %add3A, %mul3A_1 : i32
    %min3A = arith.constant 3040 : i32
    %min3A_3 = arith.minsi %mul3A_2, %min3A : i32
    "tpu.region"() ({
      %run_scoped3A = tpu.sem_alloc : memref<!tpu.dma_semaphore, #tpu.memory_space<semaphore_mem>>
      %dma_start3A_8 = tpu.memref_slice %arg2[%min3A_3] : memref<3152xi32, #tpu.memory_space<hbm>> -> memref<112xi32, #tpu.memory_space<hbm>>
      %dma_start3A_9 = tpu.memref_slice %arg2[%min3A_3] : memref<3152xi32, #tpu.memory_space<hbm>> -> memref<112xi32, #tpu.memory_space<hbm>>
      tpu.enqueue_dma source(%dma_start3A_9 : memref<112xi32, #tpu.memory_space<hbm>>) target(%arg5 : memref<112xi32, #tpu.memory_space<vmem>>) target_semaphore(%run_scoped3A : memref<!tpu.dma_semaphore, #tpu.memory_space<semaphore_mem>>)
      %dma_wait3A_10 = tpu.memref_slice %arg2[%min3A_3] : memref<3152xi32, #tpu.memory_space<hbm>> -> memref<112xi32, #tpu.memory_space<hbm>>
      %dma_wait3A_11 = tpu.memref_slice %arg2[%min3A_3] : memref<3152xi32, #tpu.memory_space<hbm>> -> memref<112xi32, #tpu.memory_space<hbm>>
      tpu.wait_dma2 semaphore(%run_scoped3A : memref<!tpu.dma_semaphore, #tpu.memory_space<semaphore_mem>>) src(%dma_wait3A_11 : memref<112xi32, #tpu.memory_space<hbm>>) dst(%arg5 : memref<112xi32, #tpu.memory_space<vmem>>)
      tpu.yield
    }) : () -> ()
    %dma_start3A = arith.constant 0 : i32
    %dma_start3A_4 = arith.constant 0 : i32
    %dma_start3A_5 = tpu.memref_slice %arg3[%dma_start3A, %dma_start3A_4] : memref<4096x384xf32, #tpu.memory_space<hbm>> -> memref<4096x384xf32, #tpu.memory_space<hbm>>
    tpu.enqueue_indirect_dma source(%dma_start3A_5 : memref<4096x384xf32, #tpu.memory_space<hbm>>) target(%arg6 : memref<112x384xf32, #tpu.memory_space<vmem>>) offsets(%arg5 : memref<112xi32, #tpu.memory_space<vmem>>) semaphore(%arg7 : memref<!tpu.dma_semaphore, #tpu.memory_space<semaphore_mem>>)
    %dma_wait3A = arith.constant 0 : i32
    %dma_wait3A_6 = arith.constant 0 : i32
    %dma_wait3A_7 = tpu.memref_slice %arg3[%dma_wait3A, %dma_wait3A_6] : memref<4096x384xf32, #tpu.memory_space<hbm>> -> memref<4096x384xf32, #tpu.memory_space<hbm>>
    tpu.wait_indirect_dma semaphore(%arg7 : memref<!tpu.dma_semaphore, #tpu.memory_space<semaphore_mem>>) src(%dma_wait3A_7 : memref<4096x384xf32, #tpu.memory_space<hbm>>) dst(%arg6 : memref<112x384xf32, #tpu.memory_space<vmem>>)
    "tpu.region"() ({
      %run_scoped3A = tpu.sem_alloc : memref<!tpu.dma_semaphore, #tpu.memory_space<semaphore_mem>>
      %dma_start3A_8 = arith.constant 0 : i32
      %dma_start3A_9 = tpu.memref_slice %arg4[%min3A_3, %dma_start3A_8] : memref<3152x384xf32, #tpu.memory_space<hbm>> -> memref<112x384xf32, #tpu.memory_space<hbm>>
      %dma_start3A_10 = arith.constant 0 : i32
      %dma_start3A_11 = tpu.memref_slice %arg4[%min3A_3, %dma_start3A_10] : memref<3152x384xf32, #tpu.memory_space<hbm>> -> memref<112x384xf32, #tpu.memory_space<hbm>>
      tpu.enqueue_dma source(%arg6 : memref<112x384xf32, #tpu.memory_space<vmem>>) target(%dma_start3A_11 : memref<112x384xf32, #tpu.memory_space<hbm>>) target_semaphore(%run_scoped3A : memref<!tpu.dma_semaphore, #tpu.memory_space<semaphore_mem>>)
      %dma_wait3A_12 = arith.constant 0 : i32
      %dma_wait3A_13 = tpu.memref_slice %arg4[%min3A_3, %dma_wait3A_12] : memref<3152x384xf32, #tpu.memory_space<hbm>> -> memref<112x384xf32, #tpu.memory_space<hbm>>
      %dma_wait3A_14 = arith.constant 0 : i32
      %dma_wait3A_15 = tpu.memref_slice %arg4[%min3A_3, %dma_wait3A_14] : memref<3152x384xf32, #tpu.memory_space<hbm>> -> memref<112x384xf32, #tpu.memory_space<hbm>>
      tpu.wait_dma2 semaphore(%run_scoped3A : memref<!tpu.dma_semaphore, #tpu.memory_space<semaphore_mem>>) src(%arg6 : memref<112x384xf32, #tpu.memory_space<vmem>>) dst(%dma_wait3A_15 : memref<112x384xf32, #tpu.memory_space<hbm>>)
      tpu.yield
    }) : () -> ()
    return
  }
}

#map = affine_map<(d0, d1) -> (0)>
#map1 = affine_map<(d0, d1) -> (0, 0)>
module attributes {stable_mosaic.version = 14 : i64} {
  func.func @_combine_body(%arg0: i32, %arg1: i32, %arg2: memref<3152xi32, #tpu.memory_space<hbm>>, %arg3: memref<4096x384xf32, #tpu.memory_space<hbm>>, %arg4: memref<3152x384xf32, #tpu.memory_space<hbm>>, %arg5: memref<112xi32, #tpu.memory_space<vmem>>, %arg6: memref<112x384xf32, #tpu.memory_space<vmem>>, %arg7: memref<!tpu.dma_semaphore, #tpu.memory_space<semaphore_mem>>) attributes {dimension_semantics = [#tpu.dimension_semantics<core_parallel>, #tpu.dimension_semantics<subcore_parallel>], iteration_bounds = array<i64: 2, 16>, scalar_prefetch = 0 : i64, scratch_operands = 3 : i64, tpu.core_type = #tpu.core_type<sc_vector_subcore>, window_params = [{transform_indices = #map}, {transform_indices = #map1}, {transform_indices = #map1}]} {
    %mul3A = arith.constant 2 : i32
    %mul3A_0 = arith.muli %arg1, %mul3A : i32
    %add3A = arith.addi %mul3A_0, %arg0 : i32
    %mul3A_1 = arith.constant 112 : i32
    %mul3A_2 = arith.muli %add3A, %mul3A_1 : i32
    %min3A = arith.constant 3040 : i32
    %min3A_3 = arith.minsi %mul3A_2, %min3A : i32
    "tpu.region"() ({
      %run_scoped3A = tpu.sem_alloc : memref<!tpu.dma_semaphore, #tpu.memory_space<semaphore_mem>>
      %dma_start3A_8 = tpu.memref_slice %arg2[%min3A_3] : memref<3152xi32, #tpu.memory_space<hbm>> -> memref<112xi32, #tpu.memory_space<hbm>>
      %dma_start3A_9 = tpu.memref_slice %arg2[%min3A_3] : memref<3152xi32, #tpu.memory_space<hbm>> -> memref<112xi32, #tpu.memory_space<hbm>>
      tpu.enqueue_dma source(%dma_start3A_9 : memref<112xi32, #tpu.memory_space<hbm>>) target(%arg5 : memref<112xi32, #tpu.memory_space<vmem>>) target_semaphore(%run_scoped3A : memref<!tpu.dma_semaphore, #tpu.memory_space<semaphore_mem>>)
      %dma_wait3A_10 = tpu.memref_slice %arg2[%min3A_3] : memref<3152xi32, #tpu.memory_space<hbm>> -> memref<112xi32, #tpu.memory_space<hbm>>
      %dma_wait3A_11 = tpu.memref_slice %arg2[%min3A_3] : memref<3152xi32, #tpu.memory_space<hbm>> -> memref<112xi32, #tpu.memory_space<hbm>>
      tpu.wait_dma2 semaphore(%run_scoped3A : memref<!tpu.dma_semaphore, #tpu.memory_space<semaphore_mem>>) src(%dma_wait3A_11 : memref<112xi32, #tpu.memory_space<hbm>>) dst(%arg5 : memref<112xi32, #tpu.memory_space<vmem>>)
      tpu.yield
    }) : () -> ()
    %dma_start3A = arith.constant 0 : i32
    %dma_start3A_4 = arith.constant 0 : i32
    %dma_start3A_5 = tpu.memref_slice %arg3[%dma_start3A, %dma_start3A_4] : memref<4096x384xf32, #tpu.memory_space<hbm>> -> memref<4096x384xf32, #tpu.memory_space<hbm>>
    tpu.enqueue_indirect_dma source(%dma_start3A_5 : memref<4096x384xf32, #tpu.memory_space<hbm>>) target(%arg6 : memref<112x384xf32, #tpu.memory_space<vmem>>) offsets(%arg5 : memref<112xi32, #tpu.memory_space<vmem>>) semaphore(%arg7 : memref<!tpu.dma_semaphore, #tpu.memory_space<semaphore_mem>>)
    %dma_wait3A = arith.constant 0 : i32
    %dma_wait3A_6 = arith.constant 0 : i32
    %dma_wait3A_7 = tpu.memref_slice %arg3[%dma_wait3A, %dma_wait3A_6] : memref<4096x384xf32, #tpu.memory_space<hbm>> -> memref<4096x384xf32, #tpu.memory_space<hbm>>
    tpu.wait_indirect_dma semaphore(%arg7 : memref<!tpu.dma_semaphore, #tpu.memory_space<semaphore_mem>>) src(%dma_wait3A_7 : memref<4096x384xf32, #tpu.memory_space<hbm>>) dst(%arg6 : memref<112x384xf32, #tpu.memory_space<vmem>>)
    "tpu.region"() ({
      %run_scoped3A = tpu.sem_alloc : memref<!tpu.dma_semaphore, #tpu.memory_space<semaphore_mem>>
      %dma_start3A_8 = arith.constant 0 : i32
      %dma_start3A_9 = tpu.memref_slice %arg4[%min3A_3, %dma_start3A_8] : memref<3152x384xf32, #tpu.memory_space<hbm>> -> memref<112x384xf32, #tpu.memory_space<hbm>>
      %dma_start3A_10 = arith.constant 0 : i32
      %dma_start3A_11 = tpu.memref_slice %arg4[%min3A_3, %dma_start3A_10] : memref<3152x384xf32, #tpu.memory_space<hbm>> -> memref<112x384xf32, #tpu.memory_space<hbm>>
      tpu.enqueue_dma source(%arg6 : memref<112x384xf32, #tpu.memory_space<vmem>>) target(%dma_start3A_11 : memref<112x384xf32, #tpu.memory_space<hbm>>) target_semaphore(%run_scoped3A : memref<!tpu.dma_semaphore, #tpu.memory_space<semaphore_mem>>)
      %dma_wait3A_12 = arith.constant 0 : i32
      %dma_wait3A_13 = tpu.memref_slice %arg4[%min3A_3, %dma_wait3A_12] : memref<3152x384xf32, #tpu.memory_space<hbm>> -> memref<112x384xf32, #tpu.memory_space<hbm>>
      %dma_wait3A_14 = arith.constant 0 : i32
      %dma_wait3A_15 = tpu.memref_slice %arg4[%min3A_3, %dma_wait3A_14] : memref<3152x384xf32, #tpu.memory_space<hbm>> -> memref<112x384xf32, #tpu.memory_space<hbm>>
      tpu.wait_dma2 semaphore(%run_scoped3A : memref<!tpu.dma_semaphore, #tpu.memory_space<semaphore_mem>>) src(%arg6 : memref<112x384xf32, #tpu.memory_space<vmem>>) dst(%dma_wait3A_15 : memref<112x384xf32, #tpu.memory_space<hbm>>)
      tpu.yield
    }) : () -> ()
    return
  }
}

#map = affine_map<(d0, d1) -> (0)>
#map1 = affine_map<(d0, d1) -> (0, 0)>
module attributes {stable_mosaic.version = 14 : i64} {
  func.func @_dispatch_body(%arg0: i32, %arg1: i32, %arg2: memref<3152xi32, #tpu.memory_space<hbm>>, %arg3: memref<3152x384xf32, #tpu.memory_space<hbm>>, %arg4: memref<4096x384xf32, #tpu.memory_space<hbm>>, %arg5: memref<112xi32, #tpu.memory_space<vmem>>, %arg6: memref<112x384xf32, #tpu.memory_space<vmem>>, %arg7: memref<!tpu.dma_semaphore, #tpu.memory_space<semaphore_mem>>) attributes {dimension_semantics = [#tpu.dimension_semantics<core_parallel>, #tpu.dimension_semantics<subcore_parallel>], iteration_bounds = array<i64: 2, 16>, scalar_prefetch = 0 : i64, scratch_operands = 3 : i64, tpu.core_type = #tpu.core_type<sc_vector_subcore>, window_params = [{transform_indices = #map}, {transform_indices = #map1}, {transform_indices = #map1}]} {
    %mul3A = arith.constant 2 : i32
    %mul3A_0 = arith.muli %arg1, %mul3A : i32
    %add3A = arith.addi %mul3A_0, %arg0 : i32
    %mul3A_1 = arith.constant 112 : i32
    %mul3A_2 = arith.muli %add3A, %mul3A_1 : i32
    %min3A = arith.constant 3040 : i32
    %min3A_3 = arith.minsi %mul3A_2, %min3A : i32
    %dma_start3A = tpu.memref_slice %arg2[%min3A_3] : memref<3152xi32, #tpu.memory_space<hbm>> -> memref<112xi32, #tpu.memory_space<hbm>>
    %dma_start3A_4 = tpu.memref_slice %arg2[%min3A_3] : memref<3152xi32, #tpu.memory_space<hbm>> -> memref<112xi32, #tpu.memory_space<hbm>>
    tpu.enqueue_dma source(%dma_start3A_4 : memref<112xi32, #tpu.memory_space<hbm>>) target(%arg5 : memref<112xi32, #tpu.memory_space<vmem>>) target_semaphore(%arg7 : memref<!tpu.dma_semaphore, #tpu.memory_space<semaphore_mem>>)
    %dma_start3A_5 = arith.constant 0 : i32
    %dma_start3A_6 = tpu.memref_slice %arg3[%min3A_3, %dma_start3A_5] : memref<3152x384xf32, #tpu.memory_space<hbm>> -> memref<112x384xf32, #tpu.memory_space<hbm>>
    %dma_start3A_7 = arith.constant 0 : i32
    %dma_start3A_8 = tpu.memref_slice %arg3[%min3A_3, %dma_start3A_7] : memref<3152x384xf32, #tpu.memory_space<hbm>> -> memref<112x384xf32, #tpu.memory_space<hbm>>
    tpu.enqueue_dma source(%dma_start3A_8 : memref<112x384xf32, #tpu.memory_space<hbm>>) target(%arg6 : memref<112x384xf32, #tpu.memory_space<vmem>>) target_semaphore(%arg7 : memref<!tpu.dma_semaphore, #tpu.memory_space<semaphore_mem>>)
    %dma_wait3A = tpu.memref_slice %arg2[%min3A_3] : memref<3152xi32, #tpu.memory_space<hbm>> -> memref<112xi32, #tpu.memory_space<hbm>>
    %dma_wait3A_9 = tpu.memref_slice %arg2[%min3A_3] : memref<3152xi32, #tpu.memory_space<hbm>> -> memref<112xi32, #tpu.memory_space<hbm>>
    tpu.wait_dma2 semaphore(%arg7 : memref<!tpu.dma_semaphore, #tpu.memory_space<semaphore_mem>>) src(%dma_wait3A_9 : memref<112xi32, #tpu.memory_space<hbm>>) dst(%arg5 : memref<112xi32, #tpu.memory_space<vmem>>)
    %dma_wait3A_10 = arith.constant 0 : i32
    %dma_wait3A_11 = tpu.memref_slice %arg3[%min3A_3, %dma_wait3A_10] : memref<3152x384xf32, #tpu.memory_space<hbm>> -> memref<112x384xf32, #tpu.memory_space<hbm>>
    %dma_wait3A_12 = arith.constant 0 : i32
    %dma_wait3A_13 = tpu.memref_slice %arg3[%min3A_3, %dma_wait3A_12] : memref<3152x384xf32, #tpu.memory_space<hbm>> -> memref<112x384xf32, #tpu.memory_space<hbm>>
    tpu.wait_dma2 semaphore(%arg7 : memref<!tpu.dma_semaphore, #tpu.memory_space<semaphore_mem>>) src(%dma_wait3A_13 : memref<112x384xf32, #tpu.memory_space<hbm>>) dst(%arg6 : memref<112x384xf32, #tpu.memory_space<vmem>>)
    %dma_start3A_14 = arith.constant 0 : i32
    %dma_start3A_15 = arith.constant 0 : i32
    %dma_start3A_16 = tpu.memref_slice %arg4[%dma_start3A_14, %dma_start3A_15] : memref<4096x384xf32, #tpu.memory_space<hbm>> -> memref<4096x384xf32, #tpu.memory_space<hbm>>
    tpu.enqueue_indirect_dma source(%arg6 : memref<112x384xf32, #tpu.memory_space<vmem>>) target(%dma_start3A_16 : memref<4096x384xf32, #tpu.memory_space<hbm>>) offsets(%arg5 : memref<112xi32, #tpu.memory_space<vmem>>) semaphore(%arg7 : memref<!tpu.dma_semaphore, #tpu.memory_space<semaphore_mem>>)
    %dma_wait3A_17 = arith.constant 0 : i32
    %dma_wait3A_18 = arith.constant 0 : i32
    %dma_wait3A_19 = tpu.memref_slice %arg4[%dma_wait3A_17, %dma_wait3A_18] : memref<4096x384xf32, #tpu.memory_space<hbm>> -> memref<4096x384xf32, #tpu.memory_space<hbm>>
    tpu.wait_indirect_dma semaphore(%arg7 : memref<!tpu.dma_semaphore, #tpu.memory_space<semaphore_mem>>) src(%arg6 : memref<112x384xf32, #tpu.memory_space<vmem>>) dst(%dma_wait3A_19 : memref<4096x384xf32, #tpu.memory_space<hbm>>)
    return
  }
}

module attributes {stable_mosaic.version = 14 : i64} {
  func.func @_attn_body(%arg0: i32, %arg1: memref<1x196x768xf32, #tpu.memory_space<vmem>>, %arg2: memref<768x384xf32, #tpu.memory_space<vmem>>, %arg3: memref<196x384xf32, #tpu.memory_space<vmem>>, %arg4: memref<1x384xf32, #tpu.memory_space<vmem>>, %arg5: memref<1x1x384xf32, #tpu.memory_space<vmem>>, %arg6: memref<1x1x384xf32, #tpu.memory_space<vmem>>, %arg7: memref<1x384x1152xf32, #tpu.memory_space<vmem>>, %arg8: memref<1x1x1152xf32, #tpu.memory_space<vmem>>, %arg9: memref<1x384x384xf32, #tpu.memory_space<vmem>>, %arg10: memref<1x1x384xf32, #tpu.memory_space<vmem>>, %arg11: memref<1x197x384xf32, #tpu.memory_space<vmem>>) attributes {dimension_semantics = [#tpu.dimension_semantics<arbitrary>], iteration_bounds = array<i64: 16>, scalar_prefetch = 0 : i64, scratch_operands = 0 : i64, tpu.core_type = #tpu.core_type<tc>, window_params = [{transform_indices = @transform_0, window_bounds = array<i64: 1, 196, 768>}, {pipeline_mode = #tpu.pipeline_mode<synchronous>, transform_indices = @transform_1, window_bounds = array<i64: 768, 384>}, {pipeline_mode = #tpu.pipeline_mode<synchronous>, transform_indices = @transform_2, window_bounds = array<i64: 196, 384>}, {pipeline_mode = #tpu.pipeline_mode<synchronous>, transform_indices = @transform_3, window_bounds = array<i64: 1, 384>}, {transform_indices = @transform_4, window_bounds = array<i64: 1, 1, 384>}, {transform_indices = @transform_5, window_bounds = array<i64: 1, 1, 384>}, {transform_indices = @transform_6, window_bounds = array<i64: 1, 384, 1152>}, {transform_indices = @transform_7, window_bounds = array<i64: 1, 1, 1152>}, {transform_indices = @transform_8, window_bounds = array<i64: 1, 384, 384>}, {transform_indices = @transform_9, window_bounds = array<i64: 1, 1, 384>}, {transform_indices = @transform_10, window_bounds = array<i64: 1, 197, 384>}]} {
    %get3A = arith.constant 0 : index
    %get3A_0 = arith.constant 0 : index
    %get3A_1 = arith.constant 0 : index
    %get3A_2 = vector.load %arg1[%get3A, %get3A_0, %get3A_1] : memref<1x196x768xf32, #tpu.memory_space<vmem>>, vector<1x196x768xf32>
    %get3A_3 = vector.shape_cast %get3A_2 : vector<1x196x768xf32> to vector<196x768xf32>
    %get3A_4 = arith.constant 0 : index
    %get3A_5 = arith.constant 0 : index
    %get3A_6 = vector.load %arg2[%get3A_4, %get3A_5] : memref<768x384xf32, #tpu.memory_space<vmem>>, vector<768x384xf32>
    %dot_general3A = arith.constant dense<0.000000e+00> : vector<196x384xf32>
    %dot_general3A_7 = tpu.matmul %get3A_3, %get3A_6, %dot_general3A {dimension_numbers = #tpu.dot_dimension_numbers<[1], [0], [0], [1], [0, 0, 1, 1], [], []>, transpose_lhs_hint = false} : vector<196x768xf32>, vector<768x384xf32>, vector<196x384xf32> -> vector<196x384xf32>
    %get3A_8 = arith.constant 0 : index
    %get3A_9 = arith.constant 0 : index
    %get3A_10 = vector.load %arg3[%get3A_8, %get3A_9] : memref<196x384xf32, #tpu.memory_space<vmem>>, vector<196x384xf32>
    %add3A = arith.addf %dot_general3A_7, %get3A_10 : vector<196x384xf32>
    %get3A_11 = arith.constant 0 : index
    %get3A_12 = arith.constant 0 : index
    %get3A_13 = vector.load %arg4[%get3A_11, %get3A_12] : memref<1x384xf32, #tpu.memory_space<vmem>>, vector<1x384xf32>
    %concatenate3A = tpu.concatenate %get3A_13, %add3A in 0 : vector<1x384xf32>, vector<196x384xf32> -> vector<197x384xf32>
    %get3A_14 = arith.constant 0 : index
    %get3A_15 = arith.constant 0 : index
    %get3A_16 = arith.constant 0 : index
    %get3A_17 = vector.load %arg5[%get3A_14, %get3A_15, %get3A_16] : memref<1x1x384xf32, #tpu.memory_space<vmem>>, vector<1x1x384xf32>
    %get3A_18 = vector.shape_cast %get3A_17 : vector<1x1x384xf32> to vector<1x384xf32>
    %get3A_19 = arith.constant 0 : index
    %get3A_20 = arith.constant 0 : index
    %get3A_21 = arith.constant 0 : index
    %get3A_22 = vector.load %arg6[%get3A_19, %get3A_20, %get3A_21] : memref<1x1x384xf32, #tpu.memory_space<vmem>>, vector<1x1x384xf32>
    %get3A_23 = vector.shape_cast %get3A_22 : vector<1x1x384xf32> to vector<1x384xf32>
    %reduce_sum3A = arith.constant dense<0.000000e+00> : vector<197xf32>
    %reduce_sum3A_24 = vector.multi_reduction <add>, %concatenate3A, %reduce_sum3A [1] : vector<197x384xf32> to vector<197xf32>
    %broadcast_in_dim3A = vector.shape_cast %reduce_sum3A_24 : vector<197xf32> to vector<197x1xf32>
    %div3A = arith.constant 3.840000e+02 : f32
    %div3A_25 = vector.broadcast %div3A : f32 to vector<197x1xf32>
    %div3A_26 = arith.divf %broadcast_in_dim3A, %div3A_25 : vector<197x1xf32>
    %sub3A = vector.broadcast %div3A_26 : vector<197x1xf32> to vector<197x384xf32>
    %sub3A_27 = arith.subf %concatenate3A, %sub3A : vector<197x384xf32>
    %sub3A_28 = vector.broadcast %div3A_26 : vector<197x1xf32> to vector<197x384xf32>
    %sub3A_29 = arith.subf %concatenate3A, %sub3A_28 : vector<197x384xf32>
    %mul3A = arith.mulf %sub3A_27, %sub3A_29 : vector<197x384xf32>
    %reduce_sum3A_30 = arith.constant dense<0.000000e+00> : vector<197xf32>
    %reduce_sum3A_31 = vector.multi_reduction <add>, %mul3A, %reduce_sum3A_30 [1] : vector<197x384xf32> to vector<197xf32>
    %broadcast_in_dim3A_32 = vector.shape_cast %reduce_sum3A_31 : vector<197xf32> to vector<197x1xf32>
    %div3A_33 = arith.constant 3.840000e+02 : f32
    %div3A_34 = vector.broadcast %div3A_33 : f32 to vector<197x1xf32>
    %div3A_35 = arith.divf %broadcast_in_dim3A_32, %div3A_34 : vector<197x1xf32>
    %sub3A_36 = vector.broadcast %div3A_26 : vector<197x1xf32> to vector<197x384xf32>
    %sub3A_37 = arith.subf %concatenate3A, %sub3A_36 : vector<197x384xf32>
    %add3A_38 = arith.constant 9.99999997E-7 : f32
    %add3A_39 = vector.broadcast %add3A_38 : f32 to vector<197x1xf32>
    %add3A_40 = arith.addf %div3A_35, %add3A_39 : vector<197x1xf32>
    %rsqrt3A = math.rsqrt %add3A_40 : vector<197x1xf32>
    %mul3A_41 = vector.broadcast %rsqrt3A : vector<197x1xf32> to vector<197x384xf32>
    %mul3A_42 = arith.mulf %sub3A_37, %mul3A_41 : vector<197x384xf32>
    %mul3A_43 = vector.broadcast %get3A_18 : vector<1x384xf32> to vector<197x384xf32>
    %mul3A_44 = arith.mulf %mul3A_42, %mul3A_43 : vector<197x384xf32>
    %add3A_45 = vector.broadcast %get3A_23 : vector<1x384xf32> to vector<197x384xf32>
    %add3A_46 = arith.addf %mul3A_44, %add3A_45 : vector<197x384xf32>
    %get3A_47 = arith.constant 0 : index
    %get3A_48 = arith.constant 0 : index
    %get3A_49 = arith.constant 0 : index
    %get3A_50 = vector.load %arg7[%get3A_47, %get3A_48, %get3A_49] : memref<1x384x1152xf32, #tpu.memory_space<vmem>>, vector<1x384x1152xf32>
    %get3A_51 = vector.shape_cast %get3A_50 : vector<1x384x1152xf32> to vector<384x1152xf32>
    %dot_general3A_52 = arith.constant dense<0.000000e+00> : vector<197x1152xf32>
    %dot_general3A_53 = tpu.matmul %add3A_46, %get3A_51, %dot_general3A_52 {dimension_numbers = #tpu.dot_dimension_numbers<[1], [0], [0], [1], [0, 0, 1, 1], [], []>, transpose_lhs_hint = false} : vector<197x384xf32>, vector<384x1152xf32>, vector<197x1152xf32> -> vector<197x1152xf32>
    %get3A_54 = arith.constant 0 : index
    %get3A_55 = arith.constant 0 : index
    %get3A_56 = arith.constant 0 : index
    %get3A_57 = vector.load %arg8[%get3A_54, %get3A_55, %get3A_56] : memref<1x1x1152xf32, #tpu.memory_space<vmem>>, vector<1x1x1152xf32>
    %get3A_58 = vector.shape_cast %get3A_57 : vector<1x1x1152xf32> to vector<1x1152xf32>
    %add3A_59 = vector.broadcast %get3A_58 : vector<1x1152xf32> to vector<197x1152xf32>
    %add3A_60 = arith.addf %dot_general3A_53, %add3A_59 : vector<197x1152xf32>
    %slice3A = vector.extract_strided_slice %add3A_60 {offsets = [0, 0], sizes = [197, 32], strides = [1, 1]} : vector<197x1152xf32> to vector<197x32xf32>
    %slice3A_61 = vector.extract_strided_slice %add3A_60 {offsets = [0, 384], sizes = [197, 32], strides = [1, 1]} : vector<197x1152xf32> to vector<197x32xf32>
    %slice3A_62 = vector.extract_strided_slice %add3A_60 {offsets = [0, 768], sizes = [197, 32], strides = [1, 1]} : vector<197x1152xf32> to vector<197x32xf32>
    %dot_general3A_63 = arith.constant dense<0.000000e+00> : vector<197x197xf32>
    %dot_general3A_64 = tpu.matmul %slice3A, %slice3A_61, %dot_general3A_63 {dimension_numbers = #tpu.dot_dimension_numbers<[1], [1], [0], [0], [0, 0, 1, 0], [], []>, transpose_lhs_hint = false} : vector<197x32xf32>, vector<197x32xf32>, vector<197x197xf32> -> vector<197x197xf32>
    %mul3A_65 = arith.constant 0.176776692 : f32
    %mul3A_66 = vector.broadcast %mul3A_65 : f32 to vector<197x197xf32>
    %mul3A_67 = arith.mulf %dot_general3A_64, %mul3A_66 : vector<197x197xf32>
    %exp3A = math.exp %mul3A_67 : vector<197x197xf32>
    %reduce_sum3A_68 = arith.constant dense<0.000000e+00> : vector<197xf32>
    %reduce_sum3A_69 = vector.multi_reduction <add>, %exp3A, %reduce_sum3A_68 [1] : vector<197x197xf32> to vector<197xf32>
    %broadcast_in_dim3A_70 = vector.shape_cast %reduce_sum3A_69 : vector<197xf32> to vector<197x1xf32>
    %div3A_71 = vector.broadcast %broadcast_in_dim3A_70 : vector<197x1xf32> to vector<197x197xf32>
    %div3A_72 = arith.divf %exp3A, %div3A_71 : vector<197x197xf32>
    %dot_general3A_73 = arith.constant dense<0.000000e+00> : vector<197x32xf32>
    %dot_general3A_74 = tpu.matmul %div3A_72, %slice3A_62, %dot_general3A_73 {dimension_numbers = #tpu.dot_dimension_numbers<[1], [0], [0], [1], [0, 0, 1, 1], [], []>, transpose_lhs_hint = false} : vector<197x197xf32>, vector<197x32xf32>, vector<197x32xf32> -> vector<197x32xf32>
    %slice3A_75 = vector.extract_strided_slice %add3A_60 {offsets = [0, 32], sizes = [197, 32], strides = [1, 1]} : vector<197x1152xf32> to vector<197x32xf32>
    %slice3A_76 = vector.extract_strided_slice %add3A_60 {offsets = [0, 416], sizes = [197, 32], strides = [1, 1]} : vector<197x1152xf32> to vector<197x32xf32>
    %slice3A_77 = vector.extract_strided_slice %add3A_60 {offsets = [0, 800], sizes = [197, 32], strides = [1, 1]} : vector<197x1152xf32> to vector<197x32xf32>
    %dot_general3A_78 = arith.constant dense<0.000000e+00> : vector<197x197xf32>
    %dot_general3A_79 = tpu.matmul %slice3A_75, %slice3A_76, %dot_general3A_78 {dimension_numbers = #tpu.dot_dimension_numbers<[1], [1], [0], [0], [0, 0, 1, 0], [], []>, transpose_lhs_hint = false} : vector<197x32xf32>, vector<197x32xf32>, vector<197x197xf32> -> vector<197x197xf32>
    %mul3A_80 = arith.constant 0.176776692 : f32
    %mul3A_81 = vector.broadcast %mul3A_80 : f32 to vector<197x197xf32>
    %mul3A_82 = arith.mulf %dot_general3A_79, %mul3A_81 : vector<197x197xf32>
    %exp3A_83 = math.exp %mul3A_82 : vector<197x197xf32>
    %reduce_sum3A_84 = arith.constant dense<0.000000e+00> : vector<197xf32>
    %reduce_sum3A_85 = vector.multi_reduction <add>, %exp3A_83, %reduce_sum3A_84 [1] : vector<197x197xf32> to vector<197xf32>
    %broadcast_in_dim3A_86 = vector.shape_cast %reduce_sum3A_85 : vector<197xf32> to vector<197x1xf32>
    %div3A_87 = vector.broadcast %broadcast_in_dim3A_86 : vector<197x1xf32> to vector<197x197xf32>
    %div3A_88 = arith.divf %exp3A_83, %div3A_87 : vector<197x197xf32>
    %dot_general3A_89 = arith.constant dense<0.000000e+00> : vector<197x32xf32>
    %dot_general3A_90 = tpu.matmul %div3A_88, %slice3A_77, %dot_general3A_89 {dimension_numbers = #tpu.dot_dimension_numbers<[1], [0], [0], [1], [0, 0, 1, 1], [], []>, transpose_lhs_hint = false} : vector<197x197xf32>, vector<197x32xf32>, vector<197x32xf32> -> vector<197x32xf32>
    %slice3A_91 = vector.extract_strided_slice %add3A_60 {offsets = [0, 64], sizes = [197, 32], strides = [1, 1]} : vector<197x1152xf32> to vector<197x32xf32>
    %slice3A_92 = vector.extract_strided_slice %add3A_60 {offsets = [0, 448], sizes = [197, 32], strides = [1, 1]} : vector<197x1152xf32> to vector<197x32xf32>
    %slice3A_93 = vector.extract_strided_slice %add3A_60 {offsets = [0, 832], sizes = [197, 32], strides = [1, 1]} : vector<197x1152xf32> to vector<197x32xf32>
    %dot_general3A_94 = arith.constant dense<0.000000e+00> : vector<197x197xf32>
    %dot_general3A_95 = tpu.matmul %slice3A_91, %slice3A_92, %dot_general3A_94 {dimension_numbers = #tpu.dot_dimension_numbers<[1], [1], [0], [0], [0, 0, 1, 0], [], []>, transpose_lhs_hint = false} : vector<197x32xf32>, vector<197x32xf32>, vector<197x197xf32> -> vector<197x197xf32>
    %mul3A_96 = arith.constant 0.176776692 : f32
    %mul3A_97 = vector.broadcast %mul3A_96 : f32 to vector<197x197xf32>
    %mul3A_98 = arith.mulf %dot_general3A_95, %mul3A_97 : vector<197x197xf32>
    %exp3A_99 = math.exp %mul3A_98 : vector<197x197xf32>
    %reduce_sum3A_100 = arith.constant dense<0.000000e+00> : vector<197xf32>
    %reduce_sum3A_101 = vector.multi_reduction <add>, %exp3A_99, %reduce_sum3A_100 [1] : vector<197x197xf32> to vector<197xf32>
    %broadcast_in_dim3A_102 = vector.shape_cast %reduce_sum3A_101 : vector<197xf32> to vector<197x1xf32>
    %div3A_103 = vector.broadcast %broadcast_in_dim3A_102 : vector<197x1xf32> to vector<197x197xf32>
    %div3A_104 = arith.divf %exp3A_99, %div3A_103 : vector<197x197xf32>
    %dot_general3A_105 = arith.constant dense<0.000000e+00> : vector<197x32xf32>
    %dot_general3A_106 = tpu.matmul %div3A_104, %slice3A_93, %dot_general3A_105 {dimension_numbers = #tpu.dot_dimension_numbers<[1], [0], [0], [1], [0, 0, 1, 1], [], []>, transpose_lhs_hint = false} : vector<197x197xf32>, vector<197x32xf32>, vector<197x32xf32> -> vector<197x32xf32>
    %slice3A_107 = vector.extract_strided_slice %add3A_60 {offsets = [0, 96], sizes = [197, 32], strides = [1, 1]} : vector<197x1152xf32> to vector<197x32xf32>
    %slice3A_108 = vector.extract_strided_slice %add3A_60 {offsets = [0, 480], sizes = [197, 32], strides = [1, 1]} : vector<197x1152xf32> to vector<197x32xf32>
    %slice3A_109 = vector.extract_strided_slice %add3A_60 {offsets = [0, 864], sizes = [197, 32], strides = [1, 1]} : vector<197x1152xf32> to vector<197x32xf32>
    %dot_general3A_110 = arith.constant dense<0.000000e+00> : vector<197x197xf32>
    %dot_general3A_111 = tpu.matmul %slice3A_107, %slice3A_108, %dot_general3A_110 {dimension_numbers = #tpu.dot_dimension_numbers<[1], [1], [0], [0], [0, 0, 1, 0], [], []>, transpose_lhs_hint = false} : vector<197x32xf32>, vector<197x32xf32>, vector<197x197xf32> -> vector<197x197xf32>
    %mul3A_112 = arith.constant 0.176776692 : f32
    %mul3A_113 = vector.broadcast %mul3A_112 : f32 to vector<197x197xf32>
    %mul3A_114 = arith.mulf %dot_general3A_111, %mul3A_113 : vector<197x197xf32>
    %exp3A_115 = math.exp %mul3A_114 : vector<197x197xf32>
    %reduce_sum3A_116 = arith.constant dense<0.000000e+00> : vector<197xf32>
    %reduce_sum3A_117 = vector.multi_reduction <add>, %exp3A_115, %reduce_sum3A_116 [1] : vector<197x197xf32> to vector<197xf32>
    %broadcast_in_dim3A_118 = vector.shape_cast %reduce_sum3A_117 : vector<197xf32> to vector<197x1xf32>
    %div3A_119 = vector.broadcast %broadcast_in_dim3A_118 : vector<197x1xf32> to vector<197x197xf32>
    %div3A_120 = arith.divf %exp3A_115, %div3A_119 : vector<197x197xf32>
    %dot_general3A_121 = arith.constant dense<0.000000e+00> : vector<197x32xf32>
    %dot_general3A_122 = tpu.matmul %div3A_120, %slice3A_109, %dot_general3A_121 {dimension_numbers = #tpu.dot_dimension_numbers<[1], [0], [0], [1], [0, 0, 1, 1], [], []>, transpose_lhs_hint = false} : vector<197x197xf32>, vector<197x32xf32>, vector<197x32xf32> -> vector<197x32xf32>
    %slice3A_123 = vector.extract_strided_slice %add3A_60 {offsets = [0, 128], sizes = [197, 32], strides = [1, 1]} : vector<197x1152xf32> to vector<197x32xf32>
    %slice3A_124 = vector.extract_strided_slice %add3A_60 {offsets = [0, 512], sizes = [197, 32], strides = [1, 1]} : vector<197x1152xf32> to vector<197x32xf32>
    %slice3A_125 = vector.extract_strided_slice %add3A_60 {offsets = [0, 896], sizes = [197, 32], strides = [1, 1]} : vector<197x1152xf32> to vector<197x32xf32>
    %dot_general3A_126 = arith.constant dense<0.000000e+00> : vector<197x197xf32>
    %dot_general3A_127 = tpu.matmul %slice3A_123, %slice3A_124, %dot_general3A_126 {dimension_numbers = #tpu.dot_dimension_numbers<[1], [1], [0], [0], [0, 0, 1, 0], [], []>, transpose_lhs_hint = false} : vector<197x32xf32>, vector<197x32xf32>, vector<197x197xf32> -> vector<197x197xf32>
    %mul3A_128 = arith.constant 0.176776692 : f32
    %mul3A_129 = vector.broadcast %mul3A_128 : f32 to vector<197x197xf32>
    %mul3A_130 = arith.mulf %dot_general3A_127, %mul3A_129 : vector<197x197xf32>
    %exp3A_131 = math.exp %mul3A_130 : vector<197x197xf32>
    %reduce_sum3A_132 = arith.constant dense<0.000000e+00> : vector<197xf32>
    %reduce_sum3A_133 = vector.multi_reduction <add>, %exp3A_131, %reduce_sum3A_132 [1] : vector<197x197xf32> to vector<197xf32>
    %broadcast_in_dim3A_134 = vector.shape_cast %reduce_sum3A_133 : vector<197xf32> to vector<197x1xf32>
    %div3A_135 = vector.broadcast %broadcast_in_dim3A_134 : vector<197x1xf32> to vector<197x197xf32>
    %div3A_136 = arith.divf %exp3A_131, %div3A_135 : vector<197x197xf32>
    %dot_general3A_137 = arith.constant dense<0.000000e+00> : vector<197x32xf32>
    %dot_general3A_138 = tpu.matmul %div3A_136, %slice3A_125, %dot_general3A_137 {dimension_numbers = #tpu.dot_dimension_numbers<[1], [0], [0], [1], [0, 0, 1, 1], [], []>, transpose_lhs_hint = false} : vector<197x197xf32>, vector<197x32xf32>, vector<197x32xf32> -> vector<197x32xf32>
    %slice3A_139 = vector.extract_strided_slice %add3A_60 {offsets = [0, 160], sizes = [197, 32], strides = [1, 1]} : vector<197x1152xf32> to vector<197x32xf32>
    %slice3A_140 = vector.extract_strided_slice %add3A_60 {offsets = [0, 544], sizes = [197, 32], strides = [1, 1]} : vector<197x1152xf32> to vector<197x32xf32>
    %slice3A_141 = vector.extract_strided_slice %add3A_60 {offsets = [0, 928], sizes = [197, 32], strides = [1, 1]} : vector<197x1152xf32> to vector<197x32xf32>
    %dot_general3A_142 = arith.constant dense<0.000000e+00> : vector<197x197xf32>
    %dot_general3A_143 = tpu.matmul %slice3A_139, %slice3A_140, %dot_general3A_142 {dimension_numbers = #tpu.dot_dimension_numbers<[1], [1], [0], [0], [0, 0, 1, 0], [], []>, transpose_lhs_hint = false} : vector<197x32xf32>, vector<197x32xf32>, vector<197x197xf32> -> vector<197x197xf32>
    %mul3A_144 = arith.constant 0.176776692 : f32
    %mul3A_145 = vector.broadcast %mul3A_144 : f32 to vector<197x197xf32>
    %mul3A_146 = arith.mulf %dot_general3A_143, %mul3A_145 : vector<197x197xf32>
    %exp3A_147 = math.exp %mul3A_146 : vector<197x197xf32>
    %reduce_sum3A_148 = arith.constant dense<0.000000e+00> : vector<197xf32>
    %reduce_sum3A_149 = vector.multi_reduction <add>, %exp3A_147, %reduce_sum3A_148 [1] : vector<197x197xf32> to vector<197xf32>
    %broadcast_in_dim3A_150 = vector.shape_cast %reduce_sum3A_149 : vector<197xf32> to vector<197x1xf32>
    %div3A_151 = vector.broadcast %broadcast_in_dim3A_150 : vector<197x1xf32> to vector<197x197xf32>
    %div3A_152 = arith.divf %exp3A_147, %div3A_151 : vector<197x197xf32>
    %dot_general3A_153 = arith.constant dense<0.000000e+00> : vector<197x32xf32>
    %dot_general3A_154 = tpu.matmul %div3A_152, %slice3A_141, %dot_general3A_153 {dimension_numbers = #tpu.dot_dimension_numbers<[1], [0], [0], [1], [0, 0, 1, 1], [], []>, transpose_lhs_hint = false} : vector<197x197xf32>, vector<197x32xf32>, vector<197x32xf32> -> vector<197x32xf32>
    %slice3A_155 = vector.extract_strided_slice %add3A_60 {offsets = [0, 192], sizes = [197, 32], strides = [1, 1]} : vector<197x1152xf32> to vector<197x32xf32>
    %slice3A_156 = vector.extract_strided_slice %add3A_60 {offsets = [0, 576], sizes = [197, 32], strides = [1, 1]} : vector<197x1152xf32> to vector<197x32xf32>
    %slice3A_157 = vector.extract_strided_slice %add3A_60 {offsets = [0, 960], sizes = [197, 32], strides = [1, 1]} : vector<197x1152xf32> to vector<197x32xf32>
    %dot_general3A_158 = arith.constant dense<0.000000e+00> : vector<197x197xf32>
    %dot_general3A_159 = tpu.matmul %slice3A_155, %slice3A_156, %dot_general3A_158 {dimension_numbers = #tpu.dot_dimension_numbers<[1], [1], [0], [0], [0, 0, 1, 0], [], []>, transpose_lhs_hint = false} : vector<197x32xf32>, vector<197x32xf32>, vector<197x197xf32> -> vector<197x197xf32>
    %mul3A_160 = arith.constant 0.176776692 : f32
    %mul3A_161 = vector.broadcast %mul3A_160 : f32 to vector<197x197xf32>
    %mul3A_162 = arith.mulf %dot_general3A_159, %mul3A_161 : vector<197x197xf32>
    %exp3A_163 = math.exp %mul3A_162 : vector<197x197xf32>
    %reduce_sum3A_164 = arith.constant dense<0.000000e+00> : vector<197xf32>
    %reduce_sum3A_165 = vector.multi_reduction <add>, %exp3A_163, %reduce_sum3A_164 [1] : vector<197x197xf32> to vector<197xf32>
    %broadcast_in_dim3A_166 = vector.shape_cast %reduce_sum3A_165 : vector<197xf32> to vector<197x1xf32>
    %div3A_167 = vector.broadcast %broadcast_in_dim3A_166 : vector<197x1xf32> to vector<197x197xf32>
    %div3A_168 = arith.divf %exp3A_163, %div3A_167 : vector<197x197xf32>
    %dot_general3A_169 = arith.constant dense<0.000000e+00> : vector<197x32xf32>
    %dot_general3A_170 = tpu.matmul %div3A_168, %slice3A_157, %dot_general3A_169 {dimension_numbers = #tpu.dot_dimension_numbers<[1], [0], [0], [1], [0, 0, 1, 1], [], []>, transpose_lhs_hint = false} : vector<197x197xf32>, vector<197x32xf32>, vector<197x32xf32> -> vector<197x32xf32>
    %slice3A_171 = vector.extract_strided_slice %add3A_60 {offsets = [0, 224], sizes = [197, 32], strides = [1, 1]} : vector<197x1152xf32> to vector<197x32xf32>
    %slice3A_172 = vector.extract_strided_slice %add3A_60 {offsets = [0, 608], sizes = [197, 32], strides = [1, 1]} : vector<197x1152xf32> to vector<197x32xf32>
    %slice3A_173 = vector.extract_strided_slice %add3A_60 {offsets = [0, 992], sizes = [197, 32], strides = [1, 1]} : vector<197x1152xf32> to vector<197x32xf32>
    %dot_general3A_174 = arith.constant dense<0.000000e+00> : vector<197x197xf32>
    %dot_general3A_175 = tpu.matmul %slice3A_171, %slice3A_172, %dot_general3A_174 {dimension_numbers = #tpu.dot_dimension_numbers<[1], [1], [0], [0], [0, 0, 1, 0], [], []>, transpose_lhs_hint = false} : vector<197x32xf32>, vector<197x32xf32>, vector<197x197xf32> -> vector<197x197xf32>
    %mul3A_176 = arith.constant 0.176776692 : f32
    %mul3A_177 = vector.broadcast %mul3A_176 : f32 to vector<197x197xf32>
    %mul3A_178 = arith.mulf %dot_general3A_175, %mul3A_177 : vector<197x197xf32>
    %exp3A_179 = math.exp %mul3A_178 : vector<197x197xf32>
    %reduce_sum3A_180 = arith.constant dense<0.000000e+00> : vector<197xf32>
    %reduce_sum3A_181 = vector.multi_reduction <add>, %exp3A_179, %reduce_sum3A_180 [1] : vector<197x197xf32> to vector<197xf32>
    %broadcast_in_dim3A_182 = vector.shape_cast %reduce_sum3A_181 : vector<197xf32> to vector<197x1xf32>
    %div3A_183 = vector.broadcast %broadcast_in_dim3A_182 : vector<197x1xf32> to vector<197x197xf32>
    %div3A_184 = arith.divf %exp3A_179, %div3A_183 : vector<197x197xf32>
    %dot_general3A_185 = arith.constant dense<0.000000e+00> : vector<197x32xf32>
    %dot_general3A_186 = tpu.matmul %div3A_184, %slice3A_173, %dot_general3A_185 {dimension_numbers = #tpu.dot_dimension_numbers<[1], [0], [0], [1], [0, 0, 1, 1], [], []>, transpose_lhs_hint = false} : vector<197x197xf32>, vector<197x32xf32>, vector<197x32xf32> -> vector<197x32xf32>
    %slice3A_187 = vector.extract_strided_slice %add3A_60 {offsets = [0, 256], sizes = [197, 32], strides = [1, 1]} : vector<197x1152xf32> to vector<197x32xf32>
    %slice3A_188 = vector.extract_strided_slice %add3A_60 {offsets = [0, 640], sizes = [197, 32], strides = [1, 1]} : vector<197x1152xf32> to vector<197x32xf32>
    %slice3A_189 = vector.extract_strided_slice %add3A_60 {offsets = [0, 1024], sizes = [197, 32], strides = [1, 1]} : vector<197x1152xf32> to vector<197x32xf32>
    %dot_general3A_190 = arith.constant dense<0.000000e+00> : vector<197x197xf32>
    %dot_general3A_191 = tpu.matmul %slice3A_187, %slice3A_188, %dot_general3A_190 {dimension_numbers = #tpu.dot_dimension_numbers<[1], [1], [0], [0], [0, 0, 1, 0], [], []>, transpose_lhs_hint = false} : vector<197x32xf32>, vector<197x32xf32>, vector<197x197xf32> -> vector<197x197xf32>
    %mul3A_192 = arith.constant 0.176776692 : f32
    %mul3A_193 = vector.broadcast %mul3A_192 : f32 to vector<197x197xf32>
    %mul3A_194 = arith.mulf %dot_general3A_191, %mul3A_193 : vector<197x197xf32>
    %exp3A_195 = math.exp %mul3A_194 : vector<197x197xf32>
    %reduce_sum3A_196 = arith.constant dense<0.000000e+00> : vector<197xf32>
    %reduce_sum3A_197 = vector.multi_reduction <add>, %exp3A_195, %reduce_sum3A_196 [1] : vector<197x197xf32> to vector<197xf32>
    %broadcast_in_dim3A_198 = vector.shape_cast %reduce_sum3A_197 : vector<197xf32> to vector<197x1xf32>
    %div3A_199 = vector.broadcast %broadcast_in_dim3A_198 : vector<197x1xf32> to vector<197x197xf32>
    %div3A_200 = arith.divf %exp3A_195, %div3A_199 : vector<197x197xf32>
    %dot_general3A_201 = arith.constant dense<0.000000e+00> : vector<197x32xf32>
    %dot_general3A_202 = tpu.matmul %div3A_200, %slice3A_189, %dot_general3A_201 {dimension_numbers = #tpu.dot_dimension_numbers<[1], [0], [0], [1], [0, 0, 1, 1], [], []>, transpose_lhs_hint = false} : vector<197x197xf32>, vector<197x32xf32>, vector<197x32xf32> -> vector<197x32xf32>
    %slice3A_203 = vector.extract_strided_slice %add3A_60 {offsets = [0, 288], sizes = [197, 32], strides = [1, 1]} : vector<197x1152xf32> to vector<197x32xf32>
    %slice3A_204 = vector.extract_strided_slice %add3A_60 {offsets = [0, 672], sizes = [197, 32], strides = [1, 1]} : vector<197x1152xf32> to vector<197x32xf32>
    %slice3A_205 = vector.extract_strided_slice %add3A_60 {offsets = [0, 1056], sizes = [197, 32], strides = [1, 1]} : vector<197x1152xf32> to vector<197x32xf32>
    %dot_general3A_206 = arith.constant dense<0.000000e+00> : vector<197x197xf32>
    %dot_general3A_207 = tpu.matmul %slice3A_203, %slice3A_204, %dot_general3A_206 {dimension_numbers = #tpu.dot_dimension_numbers<[1], [1], [0], [0], [0, 0, 1, 0], [], []>, transpose_lhs_hint = false} : vector<197x32xf32>, vector<197x32xf32>, vector<197x197xf32> -> vector<197x197xf32>
    %mul3A_208 = arith.constant 0.176776692 : f32
    %mul3A_209 = vector.broadcast %mul3A_208 : f32 to vector<197x197xf32>
    %mul3A_210 = arith.mulf %dot_general3A_207, %mul3A_209 : vector<197x197xf32>
    %exp3A_211 = math.exp %mul3A_210 : vector<197x197xf32>
    %reduce_sum3A_212 = arith.constant dense<0.000000e+00> : vector<197xf32>
    %reduce_sum3A_213 = vector.multi_reduction <add>, %exp3A_211, %reduce_sum3A_212 [1] : vector<197x197xf32> to vector<197xf32>
    %broadcast_in_dim3A_214 = vector.shape_cast %reduce_sum3A_213 : vector<197xf32> to vector<197x1xf32>
    %div3A_215 = vector.broadcast %broadcast_in_dim3A_214 : vector<197x1xf32> to vector<197x197xf32>
    %div3A_216 = arith.divf %exp3A_211, %div3A_215 : vector<197x197xf32>
    %dot_general3A_217 = arith.constant dense<0.000000e+00> : vector<197x32xf32>
    %dot_general3A_218 = tpu.matmul %div3A_216, %slice3A_205, %dot_general3A_217 {dimension_numbers = #tpu.dot_dimension_numbers<[1], [0], [0], [1], [0, 0, 1, 1], [], []>, transpose_lhs_hint = false} : vector<197x197xf32>, vector<197x32xf32>, vector<197x32xf32> -> vector<197x32xf32>
    %slice3A_219 = vector.extract_strided_slice %add3A_60 {offsets = [0, 320], sizes = [197, 32], strides = [1, 1]} : vector<197x1152xf32> to vector<197x32xf32>
    %slice3A_220 = vector.extract_strided_slice %add3A_60 {offsets = [0, 704], sizes = [197, 32], strides = [1, 1]} : vector<197x1152xf32> to vector<197x32xf32>
    %slice3A_221 = vector.extract_strided_slice %add3A_60 {offsets = [0, 1088], sizes = [197, 32], strides = [1, 1]} : vector<197x1152xf32> to vector<197x32xf32>
    %dot_general3A_222 = arith.constant dense<0.000000e+00> : vector<197x197xf32>
    %dot_general3A_223 = tpu.matmul %slice3A_219, %slice3A_220, %dot_general3A_222 {dimension_numbers = #tpu.dot_dimension_numbers<[1], [1], [0], [0], [0, 0, 1, 0], [], []>, transpose_lhs_hint = false} : vector<197x32xf32>, vector<197x32xf32>, vector<197x197xf32> -> vector<197x197xf32>
    %mul3A_224 = arith.constant 0.176776692 : f32
    %mul3A_225 = vector.broadcast %mul3A_224 : f32 to vector<197x197xf32>
    %mul3A_226 = arith.mulf %dot_general3A_223, %mul3A_225 : vector<197x197xf32>
    %exp3A_227 = math.exp %mul3A_226 : vector<197x197xf32>
    %reduce_sum3A_228 = arith.constant dense<0.000000e+00> : vector<197xf32>
    %reduce_sum3A_229 = vector.multi_reduction <add>, %exp3A_227, %reduce_sum3A_228 [1] : vector<197x197xf32> to vector<197xf32>
    %broadcast_in_dim3A_230 = vector.shape_cast %reduce_sum3A_229 : vector<197xf32> to vector<197x1xf32>
    %div3A_231 = vector.broadcast %broadcast_in_dim3A_230 : vector<197x1xf32> to vector<197x197xf32>
    %div3A_232 = arith.divf %exp3A_227, %div3A_231 : vector<197x197xf32>
    %dot_general3A_233 = arith.constant dense<0.000000e+00> : vector<197x32xf32>
    %dot_general3A_234 = tpu.matmul %div3A_232, %slice3A_221, %dot_general3A_233 {dimension_numbers = #tpu.dot_dimension_numbers<[1], [0], [0], [1], [0, 0, 1, 1], [], []>, transpose_lhs_hint = false} : vector<197x197xf32>, vector<197x32xf32>, vector<197x32xf32> -> vector<197x32xf32>
    %slice3A_235 = vector.extract_strided_slice %add3A_60 {offsets = [0, 352], sizes = [197, 32], strides = [1, 1]} : vector<197x1152xf32> to vector<197x32xf32>
    %slice3A_236 = vector.extract_strided_slice %add3A_60 {offsets = [0, 736], sizes = [197, 32], strides = [1, 1]} : vector<197x1152xf32> to vector<197x32xf32>
    %slice3A_237 = vector.extract_strided_slice %add3A_60 {offsets = [0, 1120], sizes = [197, 32], strides = [1, 1]} : vector<197x1152xf32> to vector<197x32xf32>
    %dot_general3A_238 = arith.constant dense<0.000000e+00> : vector<197x197xf32>
    %dot_general3A_239 = tpu.matmul %slice3A_235, %slice3A_236, %dot_general3A_238 {dimension_numbers = #tpu.dot_dimension_numbers<[1], [1], [0], [0], [0, 0, 1, 0], [], []>, transpose_lhs_hint = false} : vector<197x32xf32>, vector<197x32xf32>, vector<197x197xf32> -> vector<197x197xf32>
    %mul3A_240 = arith.constant 0.176776692 : f32
    %mul3A_241 = vector.broadcast %mul3A_240 : f32 to vector<197x197xf32>
    %mul3A_242 = arith.mulf %dot_general3A_239, %mul3A_241 : vector<197x197xf32>
    %exp3A_243 = math.exp %mul3A_242 : vector<197x197xf32>
    %reduce_sum3A_244 = arith.constant dense<0.000000e+00> : vector<197xf32>
    %reduce_sum3A_245 = vector.multi_reduction <add>, %exp3A_243, %reduce_sum3A_244 [1] : vector<197x197xf32> to vector<197xf32>
    %broadcast_in_dim3A_246 = vector.shape_cast %reduce_sum3A_245 : vector<197xf32> to vector<197x1xf32>
    %div3A_247 = vector.broadcast %broadcast_in_dim3A_246 : vector<197x1xf32> to vector<197x197xf32>
    %div3A_248 = arith.divf %exp3A_243, %div3A_247 : vector<197x197xf32>
    %dot_general3A_249 = arith.constant dense<0.000000e+00> : vector<197x32xf32>
    %dot_general3A_250 = tpu.matmul %div3A_248, %slice3A_237, %dot_general3A_249 {dimension_numbers = #tpu.dot_dimension_numbers<[1], [0], [0], [1], [0, 0, 1, 1], [], []>, transpose_lhs_hint = false} : vector<197x197xf32>, vector<197x32xf32>, vector<197x32xf32> -> vector<197x32xf32>
    %concatenate3A_251 = tpu.concatenate %dot_general3A_74, %dot_general3A_90, %dot_general3A_106, %dot_general3A_122, %dot_general3A_138, %dot_general3A_154, %dot_general3A_170, %dot_general3A_186, %dot_general3A_202, %dot_general3A_218, %dot_general3A_234, %dot_general3A_250 in 1 : vector<197x32xf32>, vector<197x32xf32>, vector<197x32xf32>, vector<197x32xf32>, vector<197x32xf32>, vector<197x32xf32>, vector<197x32xf32>, vector<197x32xf32>, vector<197x32xf32>, vector<197x32xf32>, vector<197x32xf32>, vector<197x32xf32> -> vector<197x384xf32>
    %get3A_252 = arith.constant 0 : index
    %get3A_253 = arith.constant 0 : index
    %get3A_254 = arith.constant 0 : index
    %get3A_255 = vector.load %arg9[%get3A_252, %get3A_253, %get3A_254] : memref<1x384x384xf32, #tpu.memory_space<vmem>>, vector<1x384x384xf32>
    %get3A_256 = vector.shape_cast %get3A_255 : vector<1x384x384xf32> to vector<384x384xf32>
    %dot_general3A_257 = arith.constant dense<0.000000e+00> : vector<197x384xf32>
    %dot_general3A_258 = tpu.matmul %concatenate3A_251, %get3A_256, %dot_general3A_257 {dimension_numbers = #tpu.dot_dimension_numbers<[1], [0], [0], [1], [0, 0, 1, 1], [], []>, transpose_lhs_hint = false} : vector<197x384xf32>, vector<384x384xf32>, vector<197x384xf32> -> vector<197x384xf32>
    %get3A_259 = arith.constant 0 : index
    %get3A_260 = arith.constant 0 : index
    %get3A_261 = arith.constant 0 : index
    %get3A_262 = vector.load %arg10[%get3A_259, %get3A_260, %get3A_261] : memref<1x1x384xf32, #tpu.memory_space<vmem>>, vector<1x1x384xf32>
    %get3A_263 = vector.shape_cast %get3A_262 : vector<1x1x384xf32> to vector<1x384xf32>
    %add3A_264 = vector.broadcast %get3A_263 : vector<1x384xf32> to vector<197x384xf32>
    %add3A_265 = arith.addf %dot_general3A_258, %add3A_264 : vector<197x384xf32>
    %add3A_266 = arith.addf %concatenate3A, %add3A_265 : vector<197x384xf32>
    %swap3A = arith.constant 0 : index
    %swap3A_267 = arith.constant 0 : index
    %swap3A_268 = arith.constant 0 : index
    %swap3A_269 = vector.load %arg11[%swap3A, %swap3A_267, %swap3A_268] : memref<1x197x384xf32, #tpu.memory_space<vmem>>, vector<1x197x384xf32>
    %swap3A_270 = vector.shape_cast %swap3A_269 : vector<1x197x384xf32> to vector<197x384xf32>
    %swap3A_271 = vector.shape_cast %add3A_266 : vector<197x384xf32> to vector<1x197x384xf32>
    tpu.vector_store %arg11[%swap3A, %swap3A_267, %swap3A_268], %swap3A_271 {strides = array<i32>} : memref<1x197x384xf32, #tpu.memory_space<vmem>>, vector<1x197x384xf32>,
    return
  }
  func.func @transform_0(%arg0: i32) -> (i32, i32, i32) {
    %c0_i32 = arith.constant 0 : i32
    %c0_i32_0 = arith.constant 0 : i32
    %c0_i32_1 = arith.constant 0 : i32
    return %arg0, %c0_i32, %c0_i32_0 : i32, i32, i32
  }
  func.func @transform_1(%arg0: i32) -> (i32, i32) {
    %c0_i32 = arith.constant 0 : i32
    %c0_i32_0 = arith.constant 0 : i32
    %c0_i32_1 = arith.constant 0 : i32
    return %c0_i32, %c0_i32_0 : i32, i32
  }
  func.func @transform_2(%arg0: i32) -> (i32, i32) {
    %c0_i32 = arith.constant 0 : i32
    %c0_i32_0 = arith.constant 0 : i32
    %c0_i32_1 = arith.constant 0 : i32
    return %c0_i32, %c0_i32_0 : i32, i32
  }
  func.func @transform_3(%arg0: i32) -> (i32, i32) {
    %c0_i32 = arith.constant 0 : i32
    %c0_i32_0 = arith.constant 0 : i32
    %c0_i32_1 = arith.constant 0 : i32
    return %c0_i32, %c0_i32_0 : i32, i32
  }
  func.func @transform_4(%arg0: i32) -> (i32, i32, i32) {
    %c0_i32 = arith.constant 0 : i32
    %c0_i32_0 = arith.constant 0 : i32
    %c0_i32_1 = arith.constant 0 : i32
    %c0_i32_2 = arith.constant 0 : i32
    return %c0_i32, %c0_i32_0, %c0_i32_1 : i32, i32, i32
  }
  func.func @transform_5(%arg0: i32) -> (i32, i32, i32) {
    %c0_i32 = arith.constant 0 : i32
    %c0_i32_0 = arith.constant 0 : i32
    %c0_i32_1 = arith.constant 0 : i32
    %c0_i32_2 = arith.constant 0 : i32
    return %c0_i32, %c0_i32_0, %c0_i32_1 : i32, i32, i32
  }
  func.func @transform_6(%arg0: i32) -> (i32, i32, i32) {
    %c0_i32 = arith.constant 0 : i32
    %c0_i32_0 = arith.constant 0 : i32
    %c0_i32_1 = arith.constant 0 : i32
    %c0_i32_2 = arith.constant 0 : i32
    return %c0_i32, %c0_i32_0, %c0_i32_1 : i32, i32, i32
  }
  func.func @transform_7(%arg0: i32) -> (i32, i32, i32) {
    %c0_i32 = arith.constant 0 : i32
    %c0_i32_0 = arith.constant 0 : i32
    %c0_i32_1 = arith.constant 0 : i32
    %c0_i32_2 = arith.constant 0 : i32
    return %c0_i32, %c0_i32_0, %c0_i32_1 : i32, i32, i32
  }
  func.func @transform_8(%arg0: i32) -> (i32, i32, i32) {
    %c0_i32 = arith.constant 0 : i32
    %c0_i32_0 = arith.constant 0 : i32
    %c0_i32_1 = arith.constant 0 : i32
    %c0_i32_2 = arith.constant 0 : i32
    return %c0_i32, %c0_i32_0, %c0_i32_1 : i32, i32, i32
  }
  func.func @transform_9(%arg0: i32) -> (i32, i32, i32) {
    %c0_i32 = arith.constant 0 : i32
    %c0_i32_0 = arith.constant 0 : i32
    %c0_i32_1 = arith.constant 0 : i32
    %c0_i32_2 = arith.constant 0 : i32
    return %c0_i32, %c0_i32_0, %c0_i32_1 : i32, i32, i32
  }
  func.func @transform_10(%arg0: i32) -> (i32, i32, i32) {
    %c0_i32 = arith.constant 0 : i32
    %c0_i32_0 = arith.constant 0 : i32
    %c0_i32_1 = arith.constant 0 : i32
    return %arg0, %c0_i32, %c0_i32_0 : i32, i32, i32
  }
}

module attributes {stable_mosaic.version = 14 : i64} {
  func.func @_router_body(%arg0: i32, %arg1: memref<3152x384xf32, #tpu.memory_space<vmem>>, %arg2: memref<1x1x384xf32, #tpu.memory_space<vmem>>, %arg3: memref<1x1x384xf32, #tpu.memory_space<vmem>>, %arg4: memref<1x384x64xf32, #tpu.memory_space<vmem>>, %arg5: memref<197x197xf32, #tpu.memory_space<vmem>>, %arg6: memref<3152x384xf32, #tpu.memory_space<vmem>>, %arg7: memref<3152x1xi32, #tpu.memory_space<vmem>>, %arg8: memref<3152x1xf32, #tpu.memory_space<vmem>>) attributes {dimension_semantics = [#tpu.dimension_semantics<arbitrary>], iteration_bounds = array<i64: 1>, scalar_prefetch = 0 : i64, scratch_operands = 0 : i64, tpu.core_type = #tpu.core_type<tc>, window_params = [{pipeline_mode = #tpu.pipeline_mode<synchronous>, transform_indices = @transform_0, window_bounds = array<i64: 3152, 384>}, {transform_indices = @transform_1, window_bounds = array<i64: 1, 1, 384>}, {transform_indices = @transform_2, window_bounds = array<i64: 1, 1, 384>}, {transform_indices = @transform_3, window_bounds = array<i64: 1, 384, 64>}, {pipeline_mode = #tpu.pipeline_mode<synchronous>, transform_indices = @transform_4, window_bounds = array<i64: 197, 197>}, {pipeline_mode = #tpu.pipeline_mode<synchronous>, transform_indices = @transform_5, window_bounds = array<i64: 3152, 384>}, {pipeline_mode = #tpu.pipeline_mode<synchronous>, transform_indices = @transform_6, window_bounds = array<i64: 3152, 1>}, {pipeline_mode = #tpu.pipeline_mode<synchronous>, transform_indices = @transform_7, window_bounds = array<i64: 3152, 1>}]} {
    %get3A = arith.constant 0 : index
    %get3A_0 = arith.constant 0 : index
    %get3A_1 = vector.load %arg1[%get3A, %get3A_0] : memref<3152x384xf32, #tpu.memory_space<vmem>>, vector<3152x384xf32>
    %get3A_2 = arith.constant 0 : index
    %get3A_3 = arith.constant 0 : index
    %get3A_4 = arith.constant 0 : index
    %get3A_5 = vector.load %arg2[%get3A_2, %get3A_3, %get3A_4] : memref<1x1x384xf32, #tpu.memory_space<vmem>>, vector<1x1x384xf32>
    %get3A_6 = vector.shape_cast %get3A_5 : vector<1x1x384xf32> to vector<1x384xf32>
    %get3A_7 = arith.constant 0 : index
    %get3A_8 = arith.constant 0 : index
    %get3A_9 = arith.constant 0 : index
    %get3A_10 = vector.load %arg3[%get3A_7, %get3A_8, %get3A_9] : memref<1x1x384xf32, #tpu.memory_space<vmem>>, vector<1x1x384xf32>
    %get3A_11 = vector.shape_cast %get3A_10 : vector<1x1x384xf32> to vector<1x384xf32>
    %reduce_sum3A = arith.constant dense<0.000000e+00> : vector<3152xf32>
    %reduce_sum3A_12 = vector.multi_reduction <add>, %get3A_1, %reduce_sum3A [1] : vector<3152x384xf32> to vector<3152xf32>
    %broadcast_in_dim3A = vector.shape_cast %reduce_sum3A_12 : vector<3152xf32> to vector<3152x1xf32>
    %div3A = arith.constant 3.840000e+02 : f32
    %div3A_13 = vector.broadcast %div3A : f32 to vector<3152x1xf32>
    %div3A_14 = arith.divf %broadcast_in_dim3A, %div3A_13 : vector<3152x1xf32>
    %sub3A = vector.broadcast %div3A_14 : vector<3152x1xf32> to vector<3152x384xf32>
    %sub3A_15 = arith.subf %get3A_1, %sub3A : vector<3152x384xf32>
    %sub3A_16 = vector.broadcast %div3A_14 : vector<3152x1xf32> to vector<3152x384xf32>
    %sub3A_17 = arith.subf %get3A_1, %sub3A_16 : vector<3152x384xf32>
    %mul3A = arith.mulf %sub3A_15, %sub3A_17 : vector<3152x384xf32>
    %reduce_sum3A_18 = arith.constant dense<0.000000e+00> : vector<3152xf32>
    %reduce_sum3A_19 = vector.multi_reduction <add>, %mul3A, %reduce_sum3A_18 [1] : vector<3152x384xf32> to vector<3152xf32>
    %broadcast_in_dim3A_20 = vector.shape_cast %reduce_sum3A_19 : vector<3152xf32> to vector<3152x1xf32>
    %div3A_21 = arith.constant 3.840000e+02 : f32
    %div3A_22 = vector.broadcast %div3A_21 : f32 to vector<3152x1xf32>
    %div3A_23 = arith.divf %broadcast_in_dim3A_20, %div3A_22 : vector<3152x1xf32>
    %sub3A_24 = vector.broadcast %div3A_14 : vector<3152x1xf32> to vector<3152x384xf32>
    %sub3A_25 = arith.subf %get3A_1, %sub3A_24 : vector<3152x384xf32>
    %add3A = arith.constant 9.99999997E-7 : f32
    %add3A_26 = vector.broadcast %add3A : f32 to vector<3152x1xf32>
    %add3A_27 = arith.addf %div3A_23, %add3A_26 : vector<3152x1xf32>
    %rsqrt3A = math.rsqrt %add3A_27 : vector<3152x1xf32>
    %mul3A_28 = vector.broadcast %rsqrt3A : vector<3152x1xf32> to vector<3152x384xf32>
    %mul3A_29 = arith.mulf %sub3A_25, %mul3A_28 : vector<3152x384xf32>
    %mul3A_30 = vector.broadcast %get3A_6 : vector<1x384xf32> to vector<3152x384xf32>
    %mul3A_31 = arith.mulf %mul3A_29, %mul3A_30 : vector<3152x384xf32>
    %add3A_32 = vector.broadcast %get3A_11 : vector<1x384xf32> to vector<3152x384xf32>
    %add3A_33 = arith.addf %mul3A_31, %add3A_32 : vector<3152x384xf32>
    %swap3A = arith.constant 0 : index
    %swap3A_34 = arith.constant 0 : index
    %swap3A_35 = vector.load %arg6[%swap3A, %swap3A_34] : memref<3152x384xf32, #tpu.memory_space<vmem>>, vector<3152x384xf32>
    tpu.vector_store %arg6[%swap3A, %swap3A_34], %add3A_33 {strides = array<i32>} : memref<3152x384xf32, #tpu.memory_space<vmem>>, vector<3152x384xf32>,
    %get3A_36 = arith.constant 0 : index
    %get3A_37 = arith.constant 0 : index
    %get3A_38 = arith.constant 0 : index
    %get3A_39 = vector.load %arg4[%get3A_36, %get3A_37, %get3A_38] : memref<1x384x64xf32, #tpu.memory_space<vmem>>, vector<1x384x64xf32>
    %get3A_40 = vector.shape_cast %get3A_39 : vector<1x384x64xf32> to vector<384x64xf32>
    %dot_general3A = arith.constant dense<0.000000e+00> : vector<3152x64xf32>
    %dot_general3A_41 = tpu.matmul %add3A_33, %get3A_40, %dot_general3A {dimension_numbers = #tpu.dot_dimension_numbers<[1], [0], [0], [1], [0, 0, 1, 1], [], []>, transpose_lhs_hint = false} : vector<3152x384xf32>, vector<384x64xf32>, vector<3152x64xf32> -> vector<3152x64xf32>
    %reduce_max3A = arith.constant dense<0xFF800000> : vector<3152xf32>
    %reduce_max3A_42 = vector.multi_reduction <maximumf>, %dot_general3A_41, %reduce_max3A [1] : vector<3152x64xf32> to vector<3152xf32>
    %broadcast_in_dim3A_43 = vector.shape_cast %reduce_max3A_42 : vector<3152xf32> to vector<3152x1xf32>
    %sub3A_44 = vector.broadcast %broadcast_in_dim3A_43 : vector<3152x1xf32> to vector<3152x64xf32>
    %sub3A_45 = arith.subf %dot_general3A_41, %sub3A_44 : vector<3152x64xf32>
    %exp3A = math.exp %sub3A_45 : vector<3152x64xf32>
    %reduce_sum3A_46 = arith.constant dense<0.000000e+00> : vector<3152xf32>
    %reduce_sum3A_47 = vector.multi_reduction <add>, %exp3A, %reduce_sum3A_46 [1] : vector<3152x64xf32> to vector<3152xf32>
    %broadcast_in_dim3A_48 = vector.shape_cast %reduce_sum3A_47 : vector<3152xf32> to vector<3152x1xf32>
    %div3A_49 = arith.constant 1.000000e+00 : f32
    %div3A_50 = vector.broadcast %div3A_49 : f32 to vector<3152x1xf32>
    %div3A_51 = arith.divf %div3A_50, %broadcast_in_dim3A_48 : vector<3152x1xf32>
    %iota3A = tpu.iota {dimensions = array<i32: 1>} : vector<3152x64xi32>
    %eq3A = vector.broadcast %broadcast_in_dim3A_43 : vector<3152x1xf32> to vector<3152x64xf32>
    %eq3A_52 = arith.cmpf oeq, %dot_general3A_41, %eq3A : vector<3152x64xf32>
    %jit3A = arith.constant 64 : i32
    %broadcast_in_dim3A_53 = vector.broadcast %jit3A : i32 to vector<3152x64xi32>
    %select_n3A = arith.select %eq3A_52, %iota3A, %broadcast_in_dim3A_53 : vector<3152x64xi1>, vector<3152x64xi32>
    %reduce_min3A = arith.constant dense<2147483647> : vector<3152xi32>
    %reduce_min3A_54 = vector.multi_reduction <minsi>, %select_n3A, %reduce_min3A [1] : vector<3152x64xi32> to vector<3152xi32>
    %broadcast_in_dim3A_55 = vector.shape_cast %reduce_min3A_54 : vector<3152xi32> to vector<3152x1xi32>
    %get3A_56 = arith.constant 0 : index
    %get3A_57 = arith.constant 0 : index
    %get3A_58 = vector.load %arg5[%get3A_56, %get3A_57] : memref<197x197xf32, #tpu.memory_space<vmem>>, vector<197x197xf32>
    %iota3A_59 = tpu.iota {dimensions = array<i32: 1>} : vector<197x64xi32>
    %broadcast_in_dim3A_60 = arith.constant 0.000000e+00 : f32
    %broadcast_in_dim3A_61 = vector.broadcast %broadcast_in_dim3A_60 : f32 to vector<1x64xf32>
    %slice3A = vector.extract_strided_slice %broadcast_in_dim3A_55 {offsets = [0, 0], sizes = [197, 1], strides = [1, 1]} : vector<3152x1xi32> to vector<197x1xi32>
    %eq3A_62 = vector.broadcast %slice3A : vector<197x1xi32> to vector<197x64xi32>
    %eq3A_63 = arith.cmpi eq, %eq3A_62, %iota3A_59 : vector<197x64xi32>
    %convert_element_type3A = arith.extui %eq3A_63 : vector<197x64xi1> to vector<197x64xi32>
    %convert_element_type3A_64 = arith.sitofp %convert_element_type3A : vector<197x64xi32> to vector<197x64xf32>
    %dot_general3A_65 = arith.constant dense<0.000000e+00> : vector<197x64xf32>
    %dot_general3A_66 = tpu.matmul %get3A_58, %convert_element_type3A_64, %dot_general3A_65 {dimension_numbers = #tpu.dot_dimension_numbers<[1], [0], [0], [1], [0, 0, 1, 1], [], []>, transpose_lhs_hint = false} : vector<197x197xf32>, vector<197x64xf32>, vector<197x64xf32> -> vector<197x64xf32>
    %add3A_67 = vector.broadcast %broadcast_in_dim3A_61 : vector<1x64xf32> to vector<197x64xf32>
    %add3A_68 = arith.addf %dot_general3A_66, %add3A_67 : vector<197x64xf32>
    %sub3A_69 = arith.constant 1.000000e+00 : f32
    %sub3A_70 = vector.broadcast %sub3A_69 : f32 to vector<197x64xf32>
    %sub3A_71 = arith.subf %add3A_68, %sub3A_70 : vector<197x64xf32>
    %mul3A_72 = arith.mulf %sub3A_71, %convert_element_type3A_64 : vector<197x64xf32>
    %reduce_sum3A_73 = arith.constant dense<0.000000e+00> : vector<197xf32>
    %reduce_sum3A_74 = vector.multi_reduction <add>, %mul3A_72, %reduce_sum3A_73 [1] : vector<197x64xf32> to vector<197xf32>
    %broadcast_in_dim3A_75 = vector.shape_cast %reduce_sum3A_74 : vector<197xf32> to vector<197x1xf32>
    %reduce_sum3A_76 = arith.constant dense<0.000000e+00> : vector<64xf32>
    %reduce_sum3A_77 = vector.multi_reduction <add>, %convert_element_type3A_64, %reduce_sum3A_76 [0] : vector<197x64xf32> to vector<64xf32>
    %broadcast_in_dim3A_78 = vector.shape_cast %reduce_sum3A_77 : vector<64xf32> to vector<1x64xf32>
    %add3A_79 = arith.addf %broadcast_in_dim3A_61, %broadcast_in_dim3A_78 : vector<1x64xf32>
    %slice3A_80 = vector.extract_strided_slice %broadcast_in_dim3A_55 {offsets = [197, 0], sizes = [197, 1], strides = [1, 1]} : vector<3152x1xi32> to vector<197x1xi32>
    %eq3A_81 = vector.broadcast %slice3A_80 : vector<197x1xi32> to vector<197x64xi32>
    %eq3A_82 = arith.cmpi eq, %eq3A_81, %iota3A_59 : vector<197x64xi32>
    %convert_element_type3A_83 = arith.extui %eq3A_82 : vector<197x64xi1> to vector<197x64xi32>
    %convert_element_type3A_84 = arith.sitofp %convert_element_type3A_83 : vector<197x64xi32> to vector<197x64xf32>
    %dot_general3A_85 = arith.constant dense<0.000000e+00> : vector<197x64xf32>
    %dot_general3A_86 = tpu.matmul %get3A_58, %convert_element_type3A_84, %dot_general3A_85 {dimension_numbers = #tpu.dot_dimension_numbers<[1], [0], [0], [1], [0, 0, 1, 1], [], []>, transpose_lhs_hint = false} : vector<197x197xf32>, vector<197x64xf32>, vector<197x64xf32> -> vector<197x64xf32>
    %add3A_87 = vector.broadcast %add3A_79 : vector<1x64xf32> to vector<197x64xf32>
    %add3A_88 = arith.addf %dot_general3A_86, %add3A_87 : vector<197x64xf32>
    %sub3A_89 = arith.constant 1.000000e+00 : f32
    %sub3A_90 = vector.broadcast %sub3A_89 : f32 to vector<197x64xf32>
    %sub3A_91 = arith.subf %add3A_88, %sub3A_90 : vector<197x64xf32>
    %mul3A_92 = arith.mulf %sub3A_91, %convert_element_type3A_84 : vector<197x64xf32>
    %reduce_sum3A_93 = arith.constant dense<0.000000e+00> : vector<197xf32>
    %reduce_sum3A_94 = vector.multi_reduction <add>, %mul3A_92, %reduce_sum3A_93 [1] : vector<197x64xf32> to vector<197xf32>
    %broadcast_in_dim3A_95 = vector.shape_cast %reduce_sum3A_94 : vector<197xf32> to vector<197x1xf32>
    %reduce_sum3A_96 = arith.constant dense<0.000000e+00> : vector<64xf32>
    %reduce_sum3A_97 = vector.multi_reduction <add>, %convert_element_type3A_84, %reduce_sum3A_96 [0] : vector<197x64xf32> to vector<64xf32>
    %broadcast_in_dim3A_98 = vector.shape_cast %reduce_sum3A_97 : vector<64xf32> to vector<1x64xf32>
    %add3A_99 = arith.addf %add3A_79, %broadcast_in_dim3A_98 : vector<1x64xf32>
    %slice3A_100 = vector.extract_strided_slice %broadcast_in_dim3A_55 {offsets = [394, 0], sizes = [197, 1], strides = [1, 1]} : vector<3152x1xi32> to vector<197x1xi32>
    %eq3A_101 = vector.broadcast %slice3A_100 : vector<197x1xi32> to vector<197x64xi32>
    %eq3A_102 = arith.cmpi eq, %eq3A_101, %iota3A_59 : vector<197x64xi32>
    %convert_element_type3A_103 = arith.extui %eq3A_102 : vector<197x64xi1> to vector<197x64xi32>
    %convert_element_type3A_104 = arith.sitofp %convert_element_type3A_103 : vector<197x64xi32> to vector<197x64xf32>
    %dot_general3A_105 = arith.constant dense<0.000000e+00> : vector<197x64xf32>
    %dot_general3A_106 = tpu.matmul %get3A_58, %convert_element_type3A_104, %dot_general3A_105 {dimension_numbers = #tpu.dot_dimension_numbers<[1], [0], [0], [1], [0, 0, 1, 1], [], []>, transpose_lhs_hint = false} : vector<197x197xf32>, vector<197x64xf32>, vector<197x64xf32> -> vector<197x64xf32>
    %add3A_107 = vector.broadcast %add3A_99 : vector<1x64xf32> to vector<197x64xf32>
    %add3A_108 = arith.addf %dot_general3A_106, %add3A_107 : vector<197x64xf32>
    %sub3A_109 = arith.constant 1.000000e+00 : f32
    %sub3A_110 = vector.broadcast %sub3A_109 : f32 to vector<197x64xf32>
    %sub3A_111 = arith.subf %add3A_108, %sub3A_110 : vector<197x64xf32>
    %mul3A_112 = arith.mulf %sub3A_111, %convert_element_type3A_104 : vector<197x64xf32>
    %reduce_sum3A_113 = arith.constant dense<0.000000e+00> : vector<197xf32>
    %reduce_sum3A_114 = vector.multi_reduction <add>, %mul3A_112, %reduce_sum3A_113 [1] : vector<197x64xf32> to vector<197xf32>
    %broadcast_in_dim3A_115 = vector.shape_cast %reduce_sum3A_114 : vector<197xf32> to vector<197x1xf32>
    %reduce_sum3A_116 = arith.constant dense<0.000000e+00> : vector<64xf32>
    %reduce_sum3A_117 = vector.multi_reduction <add>, %convert_element_type3A_104, %reduce_sum3A_116 [0] : vector<197x64xf32> to vector<64xf32>
    %broadcast_in_dim3A_118 = vector.shape_cast %reduce_sum3A_117 : vector<64xf32> to vector<1x64xf32>
    %add3A_119 = arith.addf %add3A_99, %broadcast_in_dim3A_118 : vector<1x64xf32>
    %slice3A_120 = vector.extract_strided_slice %broadcast_in_dim3A_55 {offsets = [591, 0], sizes = [197, 1], strides = [1, 1]} : vector<3152x1xi32> to vector<197x1xi32>
    %eq3A_121 = vector.broadcast %slice3A_120 : vector<197x1xi32> to vector<197x64xi32>
    %eq3A_122 = arith.cmpi eq, %eq3A_121, %iota3A_59 : vector<197x64xi32>
    %convert_element_type3A_123 = arith.extui %eq3A_122 : vector<197x64xi1> to vector<197x64xi32>
    %convert_element_type3A_124 = arith.sitofp %convert_element_type3A_123 : vector<197x64xi32> to vector<197x64xf32>
    %dot_general3A_125 = arith.constant dense<0.000000e+00> : vector<197x64xf32>
    %dot_general3A_126 = tpu.matmul %get3A_58, %convert_element_type3A_124, %dot_general3A_125 {dimension_numbers = #tpu.dot_dimension_numbers<[1], [0], [0], [1], [0, 0, 1, 1], [], []>, transpose_lhs_hint = false} : vector<197x197xf32>, vector<197x64xf32>, vector<197x64xf32> -> vector<197x64xf32>
    %add3A_127 = vector.broadcast %add3A_119 : vector<1x64xf32> to vector<197x64xf32>
    %add3A_128 = arith.addf %dot_general3A_126, %add3A_127 : vector<197x64xf32>
    %sub3A_129 = arith.constant 1.000000e+00 : f32
    %sub3A_130 = vector.broadcast %sub3A_129 : f32 to vector<197x64xf32>
    %sub3A_131 = arith.subf %add3A_128, %sub3A_130 : vector<197x64xf32>
    %mul3A_132 = arith.mulf %sub3A_131, %convert_element_type3A_124 : vector<197x64xf32>
    %reduce_sum3A_133 = arith.constant dense<0.000000e+00> : vector<197xf32>
    %reduce_sum3A_134 = vector.multi_reduction <add>, %mul3A_132, %reduce_sum3A_133 [1] : vector<197x64xf32> to vector<197xf32>
    %broadcast_in_dim3A_135 = vector.shape_cast %reduce_sum3A_134 : vector<197xf32> to vector<197x1xf32>
    %reduce_sum3A_136 = arith.constant dense<0.000000e+00> : vector<64xf32>
    %reduce_sum3A_137 = vector.multi_reduction <add>, %convert_element_type3A_124, %reduce_sum3A_136 [0] : vector<197x64xf32> to vector<64xf32>
    %broadcast_in_dim3A_138 = vector.shape_cast %reduce_sum3A_137 : vector<64xf32> to vector<1x64xf32>
    %add3A_139 = arith.addf %add3A_119, %broadcast_in_dim3A_138 : vector<1x64xf32>
    %slice3A_140 = vector.extract_strided_slice %broadcast_in_dim3A_55 {offsets = [788, 0], sizes = [197, 1], strides = [1, 1]} : vector<3152x1xi32> to vector<197x1xi32>
    %eq3A_141 = vector.broadcast %slice3A_140 : vector<197x1xi32> to vector<197x64xi32>
    %eq3A_142 = arith.cmpi eq, %eq3A_141, %iota3A_59 : vector<197x64xi32>
    %convert_element_type3A_143 = arith.extui %eq3A_142 : vector<197x64xi1> to vector<197x64xi32>
    %convert_element_type3A_144 = arith.sitofp %convert_element_type3A_143 : vector<197x64xi32> to vector<197x64xf32>
    %dot_general3A_145 = arith.constant dense<0.000000e+00> : vector<197x64xf32>
    %dot_general3A_146 = tpu.matmul %get3A_58, %convert_element_type3A_144, %dot_general3A_145 {dimension_numbers = #tpu.dot_dimension_numbers<[1], [0], [0], [1], [0, 0, 1, 1], [], []>, transpose_lhs_hint = false} : vector<197x197xf32>, vector<197x64xf32>, vector<197x64xf32> -> vector<197x64xf32>
    %add3A_147 = vector.broadcast %add3A_139 : vector<1x64xf32> to vector<197x64xf32>
    %add3A_148 = arith.addf %dot_general3A_146, %add3A_147 : vector<197x64xf32>
    %sub3A_149 = arith.constant 1.000000e+00 : f32
    %sub3A_150 = vector.broadcast %sub3A_149 : f32 to vector<197x64xf32>
    %sub3A_151 = arith.subf %add3A_148, %sub3A_150 : vector<197x64xf32>
    %mul3A_152 = arith.mulf %sub3A_151, %convert_element_type3A_144 : vector<197x64xf32>
    %reduce_sum3A_153 = arith.constant dense<0.000000e+00> : vector<197xf32>
    %reduce_sum3A_154 = vector.multi_reduction <add>, %mul3A_152, %reduce_sum3A_153 [1] : vector<197x64xf32> to vector<197xf32>
    %broadcast_in_dim3A_155 = vector.shape_cast %reduce_sum3A_154 : vector<197xf32> to vector<197x1xf32>
    %reduce_sum3A_156 = arith.constant dense<0.000000e+00> : vector<64xf32>
    %reduce_sum3A_157 = vector.multi_reduction <add>, %convert_element_type3A_144, %reduce_sum3A_156 [0] : vector<197x64xf32> to vector<64xf32>
    %broadcast_in_dim3A_158 = vector.shape_cast %reduce_sum3A_157 : vector<64xf32> to vector<1x64xf32>
    %add3A_159 = arith.addf %add3A_139, %broadcast_in_dim3A_158 : vector<1x64xf32>
    %slice3A_160 = vector.extract_strided_slice %broadcast_in_dim3A_55 {offsets = [985, 0], sizes = [197, 1], strides = [1, 1]} : vector<3152x1xi32> to vector<197x1xi32>
    %eq3A_161 = vector.broadcast %slice3A_160 : vector<197x1xi32> to vector<197x64xi32>
    %eq3A_162 = arith.cmpi eq, %eq3A_161, %iota3A_59 : vector<197x64xi32>
    %convert_element_type3A_163 = arith.extui %eq3A_162 : vector<197x64xi1> to vector<197x64xi32>
    %convert_element_type3A_164 = arith.sitofp %convert_element_type3A_163 : vector<197x64xi32> to vector<197x64xf32>
    %dot_general3A_165 = arith.constant dense<0.000000e+00> : vector<197x64xf32>
    %dot_general3A_166 = tpu.matmul %get3A_58, %convert_element_type3A_164, %dot_general3A_165 {dimension_numbers = #tpu.dot_dimension_numbers<[1], [0], [0], [1], [0, 0, 1, 1], [], []>, transpose_lhs_hint = false} : vector<197x197xf32>, vector<197x64xf32>, vector<197x64xf32> -> vector<197x64xf32>
    %add3A_167 = vector.broadcast %add3A_159 : vector<1x64xf32> to vector<197x64xf32>
    %add3A_168 = arith.addf %dot_general3A_166, %add3A_167 : vector<197x64xf32>
    %sub3A_169 = arith.constant 1.000000e+00 : f32
    %sub3A_170 = vector.broadcast %sub3A_169 : f32 to vector<197x64xf32>
    %sub3A_171 = arith.subf %add3A_168, %sub3A_170 : vector<197x64xf32>
    %mul3A_172 = arith.mulf %sub3A_171, %convert_element_type3A_164 : vector<197x64xf32>
    %reduce_sum3A_173 = arith.constant dense<0.000000e+00> : vector<197xf32>
    %reduce_sum3A_174 = vector.multi_reduction <add>, %mul3A_172, %reduce_sum3A_173 [1] : vector<197x64xf32> to vector<197xf32>
    %broadcast_in_dim3A_175 = vector.shape_cast %reduce_sum3A_174 : vector<197xf32> to vector<197x1xf32>
    %reduce_sum3A_176 = arith.constant dense<0.000000e+00> : vector<64xf32>
    %reduce_sum3A_177 = vector.multi_reduction <add>, %convert_element_type3A_164, %reduce_sum3A_176 [0] : vector<197x64xf32> to vector<64xf32>
    %broadcast_in_dim3A_178 = vector.shape_cast %reduce_sum3A_177 : vector<64xf32> to vector<1x64xf32>
    %add3A_179 = arith.addf %add3A_159, %broadcast_in_dim3A_178 : vector<1x64xf32>
    %slice3A_180 = vector.extract_strided_slice %broadcast_in_dim3A_55 {offsets = [1182, 0], sizes = [197, 1], strides = [1, 1]} : vector<3152x1xi32> to vector<197x1xi32>
    %eq3A_181 = vector.broadcast %slice3A_180 : vector<197x1xi32> to vector<197x64xi32>
    %eq3A_182 = arith.cmpi eq, %eq3A_181, %iota3A_59 : vector<197x64xi32>
    %convert_element_type3A_183 = arith.extui %eq3A_182 : vector<197x64xi1> to vector<197x64xi32>
    %convert_element_type3A_184 = arith.sitofp %convert_element_type3A_183 : vector<197x64xi32> to vector<197x64xf32>
    %dot_general3A_185 = arith.constant dense<0.000000e+00> : vector<197x64xf32>
    %dot_general3A_186 = tpu.matmul %get3A_58, %convert_element_type3A_184, %dot_general3A_185 {dimension_numbers = #tpu.dot_dimension_numbers<[1], [0], [0], [1], [0, 0, 1, 1], [], []>, transpose_lhs_hint = false} : vector<197x197xf32>, vector<197x64xf32>, vector<197x64xf32> -> vector<197x64xf32>
    %add3A_187 = vector.broadcast %add3A_179 : vector<1x64xf32> to vector<197x64xf32>
    %add3A_188 = arith.addf %dot_general3A_186, %add3A_187 : vector<197x64xf32>
    %sub3A_189 = arith.constant 1.000000e+00 : f32
    %sub3A_190 = vector.broadcast %sub3A_189 : f32 to vector<197x64xf32>
    %sub3A_191 = arith.subf %add3A_188, %sub3A_190 : vector<197x64xf32>
    %mul3A_192 = arith.mulf %sub3A_191, %convert_element_type3A_184 : vector<197x64xf32>
    %reduce_sum3A_193 = arith.constant dense<0.000000e+00> : vector<197xf32>
    %reduce_sum3A_194 = vector.multi_reduction <add>, %mul3A_192, %reduce_sum3A_193 [1] : vector<197x64xf32> to vector<197xf32>
    %broadcast_in_dim3A_195 = vector.shape_cast %reduce_sum3A_194 : vector<197xf32> to vector<197x1xf32>
    %reduce_sum3A_196 = arith.constant dense<0.000000e+00> : vector<64xf32>
    %reduce_sum3A_197 = vector.multi_reduction <add>, %convert_element_type3A_184, %reduce_sum3A_196 [0] : vector<197x64xf32> to vector<64xf32>
    %broadcast_in_dim3A_198 = vector.shape_cast %reduce_sum3A_197 : vector<64xf32> to vector<1x64xf32>
    %add3A_199 = arith.addf %add3A_179, %broadcast_in_dim3A_198 : vector<1x64xf32>
    %slice3A_200 = vector.extract_strided_slice %broadcast_in_dim3A_55 {offsets = [1379, 0], sizes = [197, 1], strides = [1, 1]} : vector<3152x1xi32> to vector<197x1xi32>
    %eq3A_201 = vector.broadcast %slice3A_200 : vector<197x1xi32> to vector<197x64xi32>
    %eq3A_202 = arith.cmpi eq, %eq3A_201, %iota3A_59 : vector<197x64xi32>
    %convert_element_type3A_203 = arith.extui %eq3A_202 : vector<197x64xi1> to vector<197x64xi32>
    %convert_element_type3A_204 = arith.sitofp %convert_element_type3A_203 : vector<197x64xi32> to vector<197x64xf32>
    %dot_general3A_205 = arith.constant dense<0.000000e+00> : vector<197x64xf32>
    %dot_general3A_206 = tpu.matmul %get3A_58, %convert_element_type3A_204, %dot_general3A_205 {dimension_numbers = #tpu.dot_dimension_numbers<[1], [0], [0], [1], [0, 0, 1, 1], [], []>, transpose_lhs_hint = false} : vector<197x197xf32>, vector<197x64xf32>, vector<197x64xf32> -> vector<197x64xf32>
    %add3A_207 = vector.broadcast %add3A_199 : vector<1x64xf32> to vector<197x64xf32>
    %add3A_208 = arith.addf %dot_general3A_206, %add3A_207 : vector<197x64xf32>
    %sub3A_209 = arith.constant 1.000000e+00 : f32
    %sub3A_210 = vector.broadcast %sub3A_209 : f32 to vector<197x64xf32>
    %sub3A_211 = arith.subf %add3A_208, %sub3A_210 : vector<197x64xf32>
    %mul3A_212 = arith.mulf %sub3A_211, %convert_element_type3A_204 : vector<197x64xf32>
    %reduce_sum3A_213 = arith.constant dense<0.000000e+00> : vector<197xf32>
    %reduce_sum3A_214 = vector.multi_reduction <add>, %mul3A_212, %reduce_sum3A_213 [1] : vector<197x64xf32> to vector<197xf32>
    %broadcast_in_dim3A_215 = vector.shape_cast %reduce_sum3A_214 : vector<197xf32> to vector<197x1xf32>
    %reduce_sum3A_216 = arith.constant dense<0.000000e+00> : vector<64xf32>
    %reduce_sum3A_217 = vector.multi_reduction <add>, %convert_element_type3A_204, %reduce_sum3A_216 [0] : vector<197x64xf32> to vector<64xf32>
    %broadcast_in_dim3A_218 = vector.shape_cast %reduce_sum3A_217 : vector<64xf32> to vector<1x64xf32>
    %add3A_219 = arith.addf %add3A_199, %broadcast_in_dim3A_218 : vector<1x64xf32>
    %slice3A_220 = vector.extract_strided_slice %broadcast_in_dim3A_55 {offsets = [1576, 0], sizes = [197, 1], strides = [1, 1]} : vector<3152x1xi32> to vector<197x1xi32>
    %eq3A_221 = vector.broadcast %slice3A_220 : vector<197x1xi32> to vector<197x64xi32>
    %eq3A_222 = arith.cmpi eq, %eq3A_221, %iota3A_59 : vector<197x64xi32>
    %convert_element_type3A_223 = arith.extui %eq3A_222 : vector<197x64xi1> to vector<197x64xi32>
    %convert_element_type3A_224 = arith.sitofp %convert_element_type3A_223 : vector<197x64xi32> to vector<197x64xf32>
    %dot_general3A_225 = arith.constant dense<0.000000e+00> : vector<197x64xf32>
    %dot_general3A_226 = tpu.matmul %get3A_58, %convert_element_type3A_224, %dot_general3A_225 {dimension_numbers = #tpu.dot_dimension_numbers<[1], [0], [0], [1], [0, 0, 1, 1], [], []>, transpose_lhs_hint = false} : vector<197x197xf32>, vector<197x64xf32>, vector<197x64xf32> -> vector<197x64xf32>
    %add3A_227 = vector.broadcast %add3A_219 : vector<1x64xf32> to vector<197x64xf32>
    %add3A_228 = arith.addf %dot_general3A_226, %add3A_227 : vector<197x64xf32>
    %sub3A_229 = arith.constant 1.000000e+00 : f32
    %sub3A_230 = vector.broadcast %sub3A_229 : f32 to vector<197x64xf32>
    %sub3A_231 = arith.subf %add3A_228, %sub3A_230 : vector<197x64xf32>
    %mul3A_232 = arith.mulf %sub3A_231, %convert_element_type3A_224 : vector<197x64xf32>
    %reduce_sum3A_233 = arith.constant dense<0.000000e+00> : vector<197xf32>
    %reduce_sum3A_234 = vector.multi_reduction <add>, %mul3A_232, %reduce_sum3A_233 [1] : vector<197x64xf32> to vector<197xf32>
    %broadcast_in_dim3A_235 = vector.shape_cast %reduce_sum3A_234 : vector<197xf32> to vector<197x1xf32>
    %reduce_sum3A_236 = arith.constant dense<0.000000e+00> : vector<64xf32>
    %reduce_sum3A_237 = vector.multi_reduction <add>, %convert_element_type3A_224, %reduce_sum3A_236 [0] : vector<197x64xf32> to vector<64xf32>
    %broadcast_in_dim3A_238 = vector.shape_cast %reduce_sum3A_237 : vector<64xf32> to vector<1x64xf32>
    %add3A_239 = arith.addf %add3A_219, %broadcast_in_dim3A_238 : vector<1x64xf32>
    %slice3A_240 = vector.extract_strided_slice %broadcast_in_dim3A_55 {offsets = [1773, 0], sizes = [197, 1], strides = [1, 1]} : vector<3152x1xi32> to vector<197x1xi32>
    %eq3A_241 = vector.broadcast %slice3A_240 : vector<197x1xi32> to vector<197x64xi32>
    %eq3A_242 = arith.cmpi eq, %eq3A_241, %iota3A_59 : vector<197x64xi32>
    %convert_element_type3A_243 = arith.extui %eq3A_242 : vector<197x64xi1> to vector<197x64xi32>
    %convert_element_type3A_244 = arith.sitofp %convert_element_type3A_243 : vector<197x64xi32> to vector<197x64xf32>
    %dot_general3A_245 = arith.constant dense<0.000000e+00> : vector<197x64xf32>
    %dot_general3A_246 = tpu.matmul %get3A_58, %convert_element_type3A_244, %dot_general3A_245 {dimension_numbers = #tpu.dot_dimension_numbers<[1], [0], [0], [1], [0, 0, 1, 1], [], []>, transpose_lhs_hint = false} : vector<197x197xf32>, vector<197x64xf32>, vector<197x64xf32> -> vector<197x64xf32>
    %add3A_247 = vector.broadcast %add3A_239 : vector<1x64xf32> to vector<197x64xf32>
    %add3A_248 = arith.addf %dot_general3A_246, %add3A_247 : vector<197x64xf32>
    %sub3A_249 = arith.constant 1.000000e+00 : f32
    %sub3A_250 = vector.broadcast %sub3A_249 : f32 to vector<197x64xf32>
    %sub3A_251 = arith.subf %add3A_248, %sub3A_250 : vector<197x64xf32>
    %mul3A_252 = arith.mulf %sub3A_251, %convert_element_type3A_244 : vector<197x64xf32>
    %reduce_sum3A_253 = arith.constant dense<0.000000e+00> : vector<197xf32>
    %reduce_sum3A_254 = vector.multi_reduction <add>, %mul3A_252, %reduce_sum3A_253 [1] : vector<197x64xf32> to vector<197xf32>
    %broadcast_in_dim3A_255 = vector.shape_cast %reduce_sum3A_254 : vector<197xf32> to vector<197x1xf32>
    %reduce_sum3A_256 = arith.constant dense<0.000000e+00> : vector<64xf32>
    %reduce_sum3A_257 = vector.multi_reduction <add>, %convert_element_type3A_244, %reduce_sum3A_256 [0] : vector<197x64xf32> to vector<64xf32>
    %broadcast_in_dim3A_258 = vector.shape_cast %reduce_sum3A_257 : vector<64xf32> to vector<1x64xf32>
    %add3A_259 = arith.addf %add3A_239, %broadcast_in_dim3A_258 : vector<1x64xf32>
    %slice3A_260 = vector.extract_strided_slice %broadcast_in_dim3A_55 {offsets = [1970, 0], sizes = [197, 1], strides = [1, 1]} : vector<3152x1xi32> to vector<197x1xi32>
    %eq3A_261 = vector.broadcast %slice3A_260 : vector<197x1xi32> to vector<197x64xi32>
    %eq3A_262 = arith.cmpi eq, %eq3A_261, %iota3A_59 : vector<197x64xi32>
    %convert_element_type3A_263 = arith.extui %eq3A_262 : vector<197x64xi1> to vector<197x64xi32>
    %convert_element_type3A_264 = arith.sitofp %convert_element_type3A_263 : vector<197x64xi32> to vector<197x64xf32>
    %dot_general3A_265 = arith.constant dense<0.000000e+00> : vector<197x64xf32>
    %dot_general3A_266 = tpu.matmul %get3A_58, %convert_element_type3A_264, %dot_general3A_265 {dimension_numbers = #tpu.dot_dimension_numbers<[1], [0], [0], [1], [0, 0, 1, 1], [], []>, transpose_lhs_hint = false} : vector<197x197xf32>, vector<197x64xf32>, vector<197x64xf32> -> vector<197x64xf32>
    %add3A_267 = vector.broadcast %add3A_259 : vector<1x64xf32> to vector<197x64xf32>
    %add3A_268 = arith.addf %dot_general3A_266, %add3A_267 : vector<197x64xf32>
    %sub3A_269 = arith.constant 1.000000e+00 : f32
    %sub3A_270 = vector.broadcast %sub3A_269 : f32 to vector<197x64xf32>
    %sub3A_271 = arith.subf %add3A_268, %sub3A_270 : vector<197x64xf32>
    %mul3A_272 = arith.mulf %sub3A_271, %convert_element_type3A_264 : vector<197x64xf32>
    %reduce_sum3A_273 = arith.constant dense<0.000000e+00> : vector<197xf32>
    %reduce_sum3A_274 = vector.multi_reduction <add>, %mul3A_272, %reduce_sum3A_273 [1] : vector<197x64xf32> to vector<197xf32>
    %broadcast_in_dim3A_275 = vector.shape_cast %reduce_sum3A_274 : vector<197xf32> to vector<197x1xf32>
    %reduce_sum3A_276 = arith.constant dense<0.000000e+00> : vector<64xf32>
    %reduce_sum3A_277 = vector.multi_reduction <add>, %convert_element_type3A_264, %reduce_sum3A_276 [0] : vector<197x64xf32> to vector<64xf32>
    %broadcast_in_dim3A_278 = vector.shape_cast %reduce_sum3A_277 : vector<64xf32> to vector<1x64xf32>
    %add3A_279 = arith.addf %add3A_259, %broadcast_in_dim3A_278 : vector<1x64xf32>
    %slice3A_280 = vector.extract_strided_slice %broadcast_in_dim3A_55 {offsets = [2167, 0], sizes = [197, 1], strides = [1, 1]} : vector<3152x1xi32> to vector<197x1xi32>
    %eq3A_281 = vector.broadcast %slice3A_280 : vector<197x1xi32> to vector<197x64xi32>
    %eq3A_282 = arith.cmpi eq, %eq3A_281, %iota3A_59 : vector<197x64xi32>
    %convert_element_type3A_283 = arith.extui %eq3A_282 : vector<197x64xi1> to vector<197x64xi32>
    %convert_element_type3A_284 = arith.sitofp %convert_element_type3A_283 : vector<197x64xi32> to vector<197x64xf32>
    %dot_general3A_285 = arith.constant dense<0.000000e+00> : vector<197x64xf32>
    %dot_general3A_286 = tpu.matmul %get3A_58, %convert_element_type3A_284, %dot_general3A_285 {dimension_numbers = #tpu.dot_dimension_numbers<[1], [0], [0], [1], [0, 0, 1, 1], [], []>, transpose_lhs_hint = false} : vector<197x197xf32>, vector<197x64xf32>, vector<197x64xf32> -> vector<197x64xf32>
    %add3A_287 = vector.broadcast %add3A_279 : vector<1x64xf32> to vector<197x64xf32>
    %add3A_288 = arith.addf %dot_general3A_286, %add3A_287 : vector<197x64xf32>
    %sub3A_289 = arith.constant 1.000000e+00 : f32
    %sub3A_290 = vector.broadcast %sub3A_289 : f32 to vector<197x64xf32>
    %sub3A_291 = arith.subf %add3A_288, %sub3A_290 : vector<197x64xf32>
    %mul3A_292 = arith.mulf %sub3A_291, %convert_element_type3A_284 : vector<197x64xf32>
    %reduce_sum3A_293 = arith.constant dense<0.000000e+00> : vector<197xf32>
    %reduce_sum3A_294 = vector.multi_reduction <add>, %mul3A_292, %reduce_sum3A_293 [1] : vector<197x64xf32> to vector<197xf32>
    %broadcast_in_dim3A_295 = vector.shape_cast %reduce_sum3A_294 : vector<197xf32> to vector<197x1xf32>
    %reduce_sum3A_296 = arith.constant dense<0.000000e+00> : vector<64xf32>
    %reduce_sum3A_297 = vector.multi_reduction <add>, %convert_element_type3A_284, %reduce_sum3A_296 [0] : vector<197x64xf32> to vector<64xf32>
    %broadcast_in_dim3A_298 = vector.shape_cast %reduce_sum3A_297 : vector<64xf32> to vector<1x64xf32>
    %add3A_299 = arith.addf %add3A_279, %broadcast_in_dim3A_298 : vector<1x64xf32>
    %slice3A_300 = vector.extract_strided_slice %broadcast_in_dim3A_55 {offsets = [2364, 0], sizes = [197, 1], strides = [1, 1]} : vector<3152x1xi32> to vector<197x1xi32>
    %eq3A_301 = vector.broadcast %slice3A_300 : vector<197x1xi32> to vector<197x64xi32>
    %eq3A_302 = arith.cmpi eq, %eq3A_301, %iota3A_59 : vector<197x64xi32>
    %convert_element_type3A_303 = arith.extui %eq3A_302 : vector<197x64xi1> to vector<197x64xi32>
    %convert_element_type3A_304 = arith.sitofp %convert_element_type3A_303 : vector<197x64xi32> to vector<197x64xf32>
    %dot_general3A_305 = arith.constant dense<0.000000e+00> : vector<197x64xf32>
    %dot_general3A_306 = tpu.matmul %get3A_58, %convert_element_type3A_304, %dot_general3A_305 {dimension_numbers = #tpu.dot_dimension_numbers<[1], [0], [0], [1], [0, 0, 1, 1], [], []>, transpose_lhs_hint = false} : vector<197x197xf32>, vector<197x64xf32>, vector<197x64xf32> -> vector<197x64xf32>
    %add3A_307 = vector.broadcast %add3A_299 : vector<1x64xf32> to vector<197x64xf32>
    %add3A_308 = arith.addf %dot_general3A_306, %add3A_307 : vector<197x64xf32>
    %sub3A_309 = arith.constant 1.000000e+00 : f32
    %sub3A_310 = vector.broadcast %sub3A_309 : f32 to vector<197x64xf32>
    %sub3A_311 = arith.subf %add3A_308, %sub3A_310 : vector<197x64xf32>
    %mul3A_312 = arith.mulf %sub3A_311, %convert_element_type3A_304 : vector<197x64xf32>
    %reduce_sum3A_313 = arith.constant dense<0.000000e+00> : vector<197xf32>
    %reduce_sum3A_314 = vector.multi_reduction <add>, %mul3A_312, %reduce_sum3A_313 [1] : vector<197x64xf32> to vector<197xf32>
    %broadcast_in_dim3A_315 = vector.shape_cast %reduce_sum3A_314 : vector<197xf32> to vector<197x1xf32>
    %reduce_sum3A_316 = arith.constant dense<0.000000e+00> : vector<64xf32>
    %reduce_sum3A_317 = vector.multi_reduction <add>, %convert_element_type3A_304, %reduce_sum3A_316 [0] : vector<197x64xf32> to vector<64xf32>
    %broadcast_in_dim3A_318 = vector.shape_cast %reduce_sum3A_317 : vector<64xf32> to vector<1x64xf32>
    %add3A_319 = arith.addf %add3A_299, %broadcast_in_dim3A_318 : vector<1x64xf32>
    %slice3A_320 = vector.extract_strided_slice %broadcast_in_dim3A_55 {offsets = [2561, 0], sizes = [197, 1], strides = [1, 1]} : vector<3152x1xi32> to vector<197x1xi32>
    %eq3A_321 = vector.broadcast %slice3A_320 : vector<197x1xi32> to vector<197x64xi32>
    %eq3A_322 = arith.cmpi eq, %eq3A_321, %iota3A_59 : vector<197x64xi32>
    %convert_element_type3A_323 = arith.extui %eq3A_322 : vector<197x64xi1> to vector<197x64xi32>
    %convert_element_type3A_324 = arith.sitofp %convert_element_type3A_323 : vector<197x64xi32> to vector<197x64xf32>
    %dot_general3A_325 = arith.constant dense<0.000000e+00> : vector<197x64xf32>
    %dot_general3A_326 = tpu.matmul %get3A_58, %convert_element_type3A_324, %dot_general3A_325 {dimension_numbers = #tpu.dot_dimension_numbers<[1], [0], [0], [1], [0, 0, 1, 1], [], []>, transpose_lhs_hint = false} : vector<197x197xf32>, vector<197x64xf32>, vector<197x64xf32> -> vector<197x64xf32>
    %add3A_327 = vector.broadcast %add3A_319 : vector<1x64xf32> to vector<197x64xf32>
    %add3A_328 = arith.addf %dot_general3A_326, %add3A_327 : vector<197x64xf32>
    %sub3A_329 = arith.constant 1.000000e+00 : f32
    %sub3A_330 = vector.broadcast %sub3A_329 : f32 to vector<197x64xf32>
    %sub3A_331 = arith.subf %add3A_328, %sub3A_330 : vector<197x64xf32>
    %mul3A_332 = arith.mulf %sub3A_331, %convert_element_type3A_324 : vector<197x64xf32>
    %reduce_sum3A_333 = arith.constant dense<0.000000e+00> : vector<197xf32>
    %reduce_sum3A_334 = vector.multi_reduction <add>, %mul3A_332, %reduce_sum3A_333 [1] : vector<197x64xf32> to vector<197xf32>
    %broadcast_in_dim3A_335 = vector.shape_cast %reduce_sum3A_334 : vector<197xf32> to vector<197x1xf32>
    %reduce_sum3A_336 = arith.constant dense<0.000000e+00> : vector<64xf32>
    %reduce_sum3A_337 = vector.multi_reduction <add>, %convert_element_type3A_324, %reduce_sum3A_336 [0] : vector<197x64xf32> to vector<64xf32>
    %broadcast_in_dim3A_338 = vector.shape_cast %reduce_sum3A_337 : vector<64xf32> to vector<1x64xf32>
    %add3A_339 = arith.addf %add3A_319, %broadcast_in_dim3A_338 : vector<1x64xf32>
    %slice3A_340 = vector.extract_strided_slice %broadcast_in_dim3A_55 {offsets = [2758, 0], sizes = [197, 1], strides = [1, 1]} : vector<3152x1xi32> to vector<197x1xi32>
    %eq3A_341 = vector.broadcast %slice3A_340 : vector<197x1xi32> to vector<197x64xi32>
    %eq3A_342 = arith.cmpi eq, %eq3A_341, %iota3A_59 : vector<197x64xi32>
    %convert_element_type3A_343 = arith.extui %eq3A_342 : vector<197x64xi1> to vector<197x64xi32>
    %convert_element_type3A_344 = arith.sitofp %convert_element_type3A_343 : vector<197x64xi32> to vector<197x64xf32>
    %dot_general3A_345 = arith.constant dense<0.000000e+00> : vector<197x64xf32>
    %dot_general3A_346 = tpu.matmul %get3A_58, %convert_element_type3A_344, %dot_general3A_345 {dimension_numbers = #tpu.dot_dimension_numbers<[1], [0], [0], [1], [0, 0, 1, 1], [], []>, transpose_lhs_hint = false} : vector<197x197xf32>, vector<197x64xf32>, vector<197x64xf32> -> vector<197x64xf32>
    %add3A_347 = vector.broadcast %add3A_339 : vector<1x64xf32> to vector<197x64xf32>
    %add3A_348 = arith.addf %dot_general3A_346, %add3A_347 : vector<197x64xf32>
    %sub3A_349 = arith.constant 1.000000e+00 : f32
    %sub3A_350 = vector.broadcast %sub3A_349 : f32 to vector<197x64xf32>
    %sub3A_351 = arith.subf %add3A_348, %sub3A_350 : vector<197x64xf32>
    %mul3A_352 = arith.mulf %sub3A_351, %convert_element_type3A_344 : vector<197x64xf32>
    %reduce_sum3A_353 = arith.constant dense<0.000000e+00> : vector<197xf32>
    %reduce_sum3A_354 = vector.multi_reduction <add>, %mul3A_352, %reduce_sum3A_353 [1] : vector<197x64xf32> to vector<197xf32>
    %broadcast_in_dim3A_355 = vector.shape_cast %reduce_sum3A_354 : vector<197xf32> to vector<197x1xf32>
    %reduce_sum3A_356 = arith.constant dense<0.000000e+00> : vector<64xf32>
    %reduce_sum3A_357 = vector.multi_reduction <add>, %convert_element_type3A_344, %reduce_sum3A_356 [0] : vector<197x64xf32> to vector<64xf32>
    %broadcast_in_dim3A_358 = vector.shape_cast %reduce_sum3A_357 : vector<64xf32> to vector<1x64xf32>
    %add3A_359 = arith.addf %add3A_339, %broadcast_in_dim3A_358 : vector<1x64xf32>
    %slice3A_360 = vector.extract_strided_slice %broadcast_in_dim3A_55 {offsets = [2955, 0], sizes = [197, 1], strides = [1, 1]} : vector<3152x1xi32> to vector<197x1xi32>
    %eq3A_361 = vector.broadcast %slice3A_360 : vector<197x1xi32> to vector<197x64xi32>
    %eq3A_362 = arith.cmpi eq, %eq3A_361, %iota3A_59 : vector<197x64xi32>
    %convert_element_type3A_363 = arith.extui %eq3A_362 : vector<197x64xi1> to vector<197x64xi32>
    %convert_element_type3A_364 = arith.sitofp %convert_element_type3A_363 : vector<197x64xi32> to vector<197x64xf32>
    %dot_general3A_365 = arith.constant dense<0.000000e+00> : vector<197x64xf32>
    %dot_general3A_366 = tpu.matmul %get3A_58, %convert_element_type3A_364, %dot_general3A_365 {dimension_numbers = #tpu.dot_dimension_numbers<[1], [0], [0], [1], [0, 0, 1, 1], [], []>, transpose_lhs_hint = false} : vector<197x197xf32>, vector<197x64xf32>, vector<197x64xf32> -> vector<197x64xf32>
    %add3A_367 = vector.broadcast %add3A_359 : vector<1x64xf32> to vector<197x64xf32>
    %add3A_368 = arith.addf %dot_general3A_366, %add3A_367 : vector<197x64xf32>
    %sub3A_369 = arith.constant 1.000000e+00 : f32
    %sub3A_370 = vector.broadcast %sub3A_369 : f32 to vector<197x64xf32>
    %sub3A_371 = arith.subf %add3A_368, %sub3A_370 : vector<197x64xf32>
    %mul3A_372 = arith.mulf %sub3A_371, %convert_element_type3A_364 : vector<197x64xf32>
    %reduce_sum3A_373 = arith.constant dense<0.000000e+00> : vector<197xf32>
    %reduce_sum3A_374 = vector.multi_reduction <add>, %mul3A_372, %reduce_sum3A_373 [1] : vector<197x64xf32> to vector<197xf32>
    %broadcast_in_dim3A_375 = vector.shape_cast %reduce_sum3A_374 : vector<197xf32> to vector<197x1xf32>
    %concatenate3A = tpu.concatenate %broadcast_in_dim3A_75, %broadcast_in_dim3A_95, %broadcast_in_dim3A_115, %broadcast_in_dim3A_135, %broadcast_in_dim3A_155, %broadcast_in_dim3A_175, %broadcast_in_dim3A_195, %broadcast_in_dim3A_215, %broadcast_in_dim3A_235, %broadcast_in_dim3A_255, %broadcast_in_dim3A_275, %broadcast_in_dim3A_295, %broadcast_in_dim3A_315, %broadcast_in_dim3A_335, %broadcast_in_dim3A_355, %broadcast_in_dim3A_375 in 0 : vector<197x1xf32>, vector<197x1xf32>, vector<197x1xf32>, vector<197x1xf32>, vector<197x1xf32>, vector<197x1xf32>, vector<197x1xf32>, vector<197x1xf32>, vector<197x1xf32>, vector<197x1xf32>, vector<197x1xf32>, vector<197x1xf32>, vector<197x1xf32>, vector<197x1xf32>, vector<197x1xf32>, vector<197x1xf32> -> vector<3152x1xf32>
    %convert_element_type3A_376 = arith.fptosi %concatenate3A : vector<3152x1xf32> to vector<3152x1xi32>
    %mul3A_377 = arith.constant 64 : i32
    %mul3A_378 = vector.broadcast %mul3A_377 : i32 to vector<3152x1xi32>
    %mul3A_379 = arith.muli %broadcast_in_dim3A_55, %mul3A_378 : vector<3152x1xi32>
    %min3A = arith.constant 63 : i32
    %min3A_380 = vector.broadcast %min3A : i32 to vector<3152x1xi32>
    %min3A_381 = arith.minsi %convert_element_type3A_376, %min3A_380 : vector<3152x1xi32>
    %add3A_382 = arith.addi %mul3A_379, %min3A_381 : vector<3152x1xi32>
    %swap3A_383 = arith.constant 0 : index
    %swap3A_384 = arith.constant 0 : index
    %swap3A_385 = vector.load %arg7[%swap3A_383, %swap3A_384] : memref<3152x1xi32, #tpu.memory_space<vmem>>, vector<3152x1xi32>
    tpu.vector_store %arg7[%swap3A_383, %swap3A_384], %add3A_382 {strides = array<i32>} : memref<3152x1xi32, #tpu.memory_space<vmem>>, vector<3152x1xi32>,
    %lt3A = arith.constant 62 : i32
    %lt3A_386 = vector.broadcast %lt3A : i32 to vector<3152x1xi32>
    %lt3A_387 = arith.cmpi slt, %convert_element_type3A_376, %lt3A_386 : vector<3152x1xi32>
    %jit3A_388 = arith.constant 0.000000e+00 : f32
    %broadcast_in_dim3A_389 = vector.broadcast %jit3A_388 : f32 to vector<3152x1xf32>
    %select_n3A_390 = arith.select %lt3A_387, %div3A_51, %broadcast_in_dim3A_389 : vector<3152x1xi1>, vector<3152x1xf32>
    %swap3A_391 = arith.constant 0 : index
    %swap3A_392 = arith.constant 0 : index
    %swap3A_393 = vector.load %arg8[%swap3A_391, %swap3A_392] : memref<3152x1xf32, #tpu.memory_space<vmem>>, vector<3152x1xf32>
    tpu.vector_store %arg8[%swap3A_391, %swap3A_392], %select_n3A_390 {strides = array<i32>} : memref<3152x1xf32, #tpu.memory_space<vmem>>, vector<3152x1xf32>,
    return
  }
  func.func @transform_0(%arg0: i32) -> (i32, i32) {
    %c0_i32 = arith.constant 0 : i32
    %c0_i32_0 = arith.constant 0 : i32
    %c0_i32_1 = arith.constant 0 : i32
    return %c0_i32, %c0_i32_0 : i32, i32
  }
  func.func @transform_1(%arg0: i32) -> (i32, i32, i32) {
    %c0_i32 = arith.constant 0 : i32
    %c0_i32_0 = arith.constant 0 : i32
    %c0_i32_1 = arith.constant 0 : i32
    %c0_i32_2 = arith.constant 0 : i32
    return %c0_i32, %c0_i32_0, %c0_i32_1 : i32, i32, i32
  }
  func.func @transform_2(%arg0: i32) -> (i32, i32, i32) {
    %c0_i32 = arith.constant 0 : i32
    %c0_i32_0 = arith.constant 0 : i32
    %c0_i32_1 = arith.constant 0 : i32
    %c0_i32_2 = arith.constant 0 : i32
    return %c0_i32, %c0_i32_0, %c0_i32_1 : i32, i32, i32
  }
  func.func @transform_3(%arg0: i32) -> (i32, i32, i32) {
    %c0_i32 = arith.constant 0 : i32
    %c0_i32_0 = arith.constant 0 : i32
    %c0_i32_1 = arith.constant 0 : i32
    %c0_i32_2 = arith.constant 0 : i32
    return %c0_i32, %c0_i32_0, %c0_i32_1 : i32, i32, i32
  }
  func.func @transform_4(%arg0: i32) -> (i32, i32) {
    %c0_i32 = arith.constant 0 : i32
    %c0_i32_0 = arith.constant 0 : i32
    %c0_i32_1 = arith.constant 0 : i32
    return %c0_i32, %c0_i32_0 : i32, i32
  }
  func.func @transform_5(%arg0: i32) -> (i32, i32) {
    %c0_i32 = arith.constant 0 : i32
    %c0_i32_0 = arith.constant 0 : i32
    %c0_i32_1 = arith.constant 0 : i32
    return %c0_i32, %c0_i32_0 : i32, i32
  }
  func.func @transform_6(%arg0: i32) -> (i32, i32) {
    %c0_i32 = arith.constant 0 : i32
    %c0_i32_0 = arith.constant 0 : i32
    %c0_i32_1 = arith.constant 0 : i32
    return %c0_i32, %c0_i32_0 : i32, i32
  }
  func.func @transform_7(%arg0: i32) -> (i32, i32) {
    %c0_i32 = arith.constant 0 : i32
    %c0_i32_0 = arith.constant 0 : i32
    %c0_i32_1 = arith.constant 0 : i32
    return %c0_i32, %c0_i32_0 : i32, i32
  }
}

module attributes {stable_mosaic.version = 14 : i64} {
  func.func @_ffn_body(%arg0: i32, %arg1: memref<4x64x384xf32, #tpu.memory_space<vmem>>, %arg2: memref<1x4x384x768xf32, #tpu.memory_space<vmem>>, %arg3: memref<1x4x1x768xf32, #tpu.memory_space<vmem>>, %arg4: memref<1x4x768x384xf32, #tpu.memory_space<vmem>>, %arg5: memref<1x4x1x384xf32, #tpu.memory_space<vmem>>, %arg6: memref<4x64x384xf32, #tpu.memory_space<vmem>>) attributes {dimension_semantics = [#tpu.dimension_semantics<arbitrary>], iteration_bounds = array<i64: 16>, scalar_prefetch = 0 : i64, scratch_operands = 0 : i64, tpu.core_type = #tpu.core_type<tc>, window_params = [{transform_indices = @transform_0, window_bounds = array<i64: 4, 64, 384>}, {transform_indices = @transform_1, window_bounds = array<i64: 1, 4, 384, 768>}, {transform_indices = @transform_2, window_bounds = array<i64: 1, 4, 1, 768>}, {transform_indices = @transform_3, window_bounds = array<i64: 1, 4, 768, 384>}, {transform_indices = @transform_4, window_bounds = array<i64: 1, 4, 1, 384>}, {transform_indices = @transform_5, window_bounds = array<i64: 4, 64, 384>}]} {
    %get3A = arith.constant 0 : index
    %get3A_0 = arith.constant 0 : index
    %get3A_1 = arith.constant 0 : index
    %get3A_2 = vector.load %arg1[%get3A, %get3A_0, %get3A_1] : memref<4x64x384xf32, #tpu.memory_space<vmem>>, vector<1x64x384xf32>
    %get3A_3 = vector.shape_cast %get3A_2 : vector<1x64x384xf32> to vector<64x384xf32>
    %get3A_4 = arith.constant 0 : index
    %get3A_5 = arith.constant 0 : index
    %get3A_6 = arith.constant 0 : index
    %get3A_7 = arith.constant 0 : index
    %get3A_8 = vector.load %arg2[%get3A_4, %get3A_5, %get3A_6, %get3A_7] : memref<1x4x384x768xf32, #tpu.memory_space<vmem>>, vector<1x1x384x768xf32>
    %get3A_9 = vector.shape_cast %get3A_8 : vector<1x1x384x768xf32> to vector<384x768xf32>
    %dot_general3A = arith.constant dense<0.000000e+00> : vector<64x768xf32>
    %dot_general3A_10 = tpu.matmul %get3A_3, %get3A_9, %dot_general3A {dimension_numbers = #tpu.dot_dimension_numbers<[1], [0], [0], [1], [0, 0, 1, 1], [], []>, transpose_lhs_hint = false} : vector<64x384xf32>, vector<384x768xf32>, vector<64x768xf32> -> vector<64x768xf32>
    %get3A_11 = arith.constant 0 : index
    %get3A_12 = arith.constant 0 : index
    %get3A_13 = arith.constant 0 : index
    %get3A_14 = arith.constant 0 : index
    %get3A_15 = vector.load %arg3[%get3A_11, %get3A_12, %get3A_13, %get3A_14] : memref<1x4x1x768xf32, #tpu.memory_space<vmem>>, vector<1x1x1x768xf32>
    %get3A_16 = vector.shape_cast %get3A_15 : vector<1x1x1x768xf32> to vector<1x768xf32>
    %add3A = vector.broadcast %get3A_16 : vector<1x768xf32> to vector<64x768xf32>
    %add3A_17 = arith.addf %dot_general3A_10, %add3A : vector<64x768xf32>
    %integer_pow3A = arith.mulf %add3A_17, %add3A_17 : vector<64x768xf32>
    %integer_pow3A_18 = arith.mulf %add3A_17, %integer_pow3A : vector<64x768xf32>
    %mul3A = arith.constant 4.471500e-02 : f32
    %mul3A_19 = vector.broadcast %mul3A : f32 to vector<64x768xf32>
    %mul3A_20 = arith.mulf %mul3A_19, %integer_pow3A_18 : vector<64x768xf32>
    %add3A_21 = arith.addf %add3A_17, %mul3A_20 : vector<64x768xf32>
    %mul3A_22 = arith.constant 0.797884583 : f32
    %mul3A_23 = vector.broadcast %mul3A_22 : f32 to vector<64x768xf32>
    %mul3A_24 = arith.mulf %mul3A_23, %add3A_21 : vector<64x768xf32>
    %tanh3A = math.tanh %mul3A_24 : vector<64x768xf32>
    %add3A_25 = arith.constant 1.000000e+00 : f32
    %add3A_26 = vector.broadcast %add3A_25 : f32 to vector<64x768xf32>
    %add3A_27 = arith.addf %add3A_26, %tanh3A : vector<64x768xf32>
    %mul3A_28 = arith.constant 5.000000e-01 : f32
    %mul3A_29 = vector.broadcast %mul3A_28 : f32 to vector<64x768xf32>
    %mul3A_30 = arith.mulf %mul3A_29, %add3A_27 : vector<64x768xf32>
    %mul3A_31 = arith.mulf %add3A_17, %mul3A_30 : vector<64x768xf32>
    %get3A_32 = arith.constant 0 : index
    %get3A_33 = arith.constant 0 : index
    %get3A_34 = arith.constant 0 : index
    %get3A_35 = arith.constant 0 : index
    %get3A_36 = vector.load %arg4[%get3A_32, %get3A_33, %get3A_34, %get3A_35] : memref<1x4x768x384xf32, #tpu.memory_space<vmem>>, vector<1x1x768x384xf32>
    %get3A_37 = vector.shape_cast %get3A_36 : vector<1x1x768x384xf32> to vector<768x384xf32>
    %dot_general3A_38 = arith.constant dense<0.000000e+00> : vector<64x384xf32>
    %dot_general3A_39 = tpu.matmul %mul3A_31, %get3A_37, %dot_general3A_38 {dimension_numbers = #tpu.dot_dimension_numbers<[1], [0], [0], [1], [0, 0, 1, 1], [], []>, transpose_lhs_hint = false} : vector<64x768xf32>, vector<768x384xf32>, vector<64x384xf32> -> vector<64x384xf32>
    %get3A_40 = arith.constant 0 : index
    %get3A_41 = arith.constant 0 : index
    %get3A_42 = arith.constant 0 : index
    %get3A_43 = arith.constant 0 : index
    %get3A_44 = vector.load %arg5[%get3A_40, %get3A_41, %get3A_42, %get3A_43] : memref<1x4x1x384xf32, #tpu.memory_space<vmem>>, vector<1x1x1x384xf32>
    %get3A_45 = vector.shape_cast %get3A_44 : vector<1x1x1x384xf32> to vector<1x384xf32>
    %add3A_46 = vector.broadcast %get3A_45 : vector<1x384xf32> to vector<64x384xf32>
    %add3A_47 = arith.addf %dot_general3A_39, %add3A_46 : vector<64x384xf32>
    %swap3A = arith.constant 0 : index
    %swap3A_48 = arith.constant 0 : index
    %swap3A_49 = arith.constant 0 : index
    %swap3A_50 = vector.load %arg6[%swap3A, %swap3A_48, %swap3A_49] : memref<4x64x384xf32, #tpu.memory_space<vmem>>, vector<1x64x384xf32>
    %swap3A_51 = vector.shape_cast %swap3A_50 : vector<1x64x384xf32> to vector<64x384xf32>
    %swap3A_52 = vector.shape_cast %add3A_47 : vector<64x384xf32> to vector<1x64x384xf32>
    tpu.vector_store %arg6[%swap3A, %swap3A_48, %swap3A_49], %swap3A_52 {strides = array<i32>} : memref<4x64x384xf32, #tpu.memory_space<vmem>>, vector<1x64x384xf32>,
    %get3A_53 = arith.constant 1 : index
    %get3A_54 = arith.constant 0 : index
    %get3A_55 = arith.constant 0 : index
    %get3A_56 = vector.load %arg1[%get3A_53, %get3A_54, %get3A_55] : memref<4x64x384xf32, #tpu.memory_space<vmem>>, vector<1x64x384xf32>
    %get3A_57 = vector.shape_cast %get3A_56 : vector<1x64x384xf32> to vector<64x384xf32>
    %get3A_58 = arith.constant 0 : index
    %get3A_59 = arith.constant 1 : index
    %get3A_60 = arith.constant 0 : index
    %get3A_61 = arith.constant 0 : index
    %get3A_62 = vector.load %arg2[%get3A_58, %get3A_59, %get3A_60, %get3A_61] : memref<1x4x384x768xf32, #tpu.memory_space<vmem>>, vector<1x1x384x768xf32>
    %get3A_63 = vector.shape_cast %get3A_62 : vector<1x1x384x768xf32> to vector<384x768xf32>
    %dot_general3A_64 = arith.constant dense<0.000000e+00> : vector<64x768xf32>
    %dot_general3A_65 = tpu.matmul %get3A_57, %get3A_63, %dot_general3A_64 {dimension_numbers = #tpu.dot_dimension_numbers<[1], [0], [0], [1], [0, 0, 1, 1], [], []>, transpose_lhs_hint = false} : vector<64x384xf32>, vector<384x768xf32>, vector<64x768xf32> -> vector<64x768xf32>
    %get3A_66 = arith.constant 0 : index
    %get3A_67 = arith.constant 1 : index
    %get3A_68 = arith.constant 0 : index
    %get3A_69 = arith.constant 0 : index
    %get3A_70 = vector.load %arg3[%get3A_66, %get3A_67, %get3A_68, %get3A_69] : memref<1x4x1x768xf32, #tpu.memory_space<vmem>>, vector<1x1x1x768xf32>
    %get3A_71 = vector.shape_cast %get3A_70 : vector<1x1x1x768xf32> to vector<1x768xf32>
    %add3A_72 = vector.broadcast %get3A_71 : vector<1x768xf32> to vector<64x768xf32>
    %add3A_73 = arith.addf %dot_general3A_65, %add3A_72 : vector<64x768xf32>
    %integer_pow3A_74 = arith.mulf %add3A_73, %add3A_73 : vector<64x768xf32>
    %integer_pow3A_75 = arith.mulf %add3A_73, %integer_pow3A_74 : vector<64x768xf32>
    %mul3A_76 = arith.constant 4.471500e-02 : f32
    %mul3A_77 = vector.broadcast %mul3A_76 : f32 to vector<64x768xf32>
    %mul3A_78 = arith.mulf %mul3A_77, %integer_pow3A_75 : vector<64x768xf32>
    %add3A_79 = arith.addf %add3A_73, %mul3A_78 : vector<64x768xf32>
    %mul3A_80 = arith.constant 0.797884583 : f32
    %mul3A_81 = vector.broadcast %mul3A_80 : f32 to vector<64x768xf32>
    %mul3A_82 = arith.mulf %mul3A_81, %add3A_79 : vector<64x768xf32>
    %tanh3A_83 = math.tanh %mul3A_82 : vector<64x768xf32>
    %add3A_84 = arith.constant 1.000000e+00 : f32
    %add3A_85 = vector.broadcast %add3A_84 : f32 to vector<64x768xf32>
    %add3A_86 = arith.addf %add3A_85, %tanh3A_83 : vector<64x768xf32>
    %mul3A_87 = arith.constant 5.000000e-01 : f32
    %mul3A_88 = vector.broadcast %mul3A_87 : f32 to vector<64x768xf32>
    %mul3A_89 = arith.mulf %mul3A_88, %add3A_86 : vector<64x768xf32>
    %mul3A_90 = arith.mulf %add3A_73, %mul3A_89 : vector<64x768xf32>
    %get3A_91 = arith.constant 0 : index
    %get3A_92 = arith.constant 1 : index
    %get3A_93 = arith.constant 0 : index
    %get3A_94 = arith.constant 0 : index
    %get3A_95 = vector.load %arg4[%get3A_91, %get3A_92, %get3A_93, %get3A_94] : memref<1x4x768x384xf32, #tpu.memory_space<vmem>>, vector<1x1x768x384xf32>
    %get3A_96 = vector.shape_cast %get3A_95 : vector<1x1x768x384xf32> to vector<768x384xf32>
    %dot_general3A_97 = arith.constant dense<0.000000e+00> : vector<64x384xf32>
    %dot_general3A_98 = tpu.matmul %mul3A_90, %get3A_96, %dot_general3A_97 {dimension_numbers = #tpu.dot_dimension_numbers<[1], [0], [0], [1], [0, 0, 1, 1], [], []>, transpose_lhs_hint = false} : vector<64x768xf32>, vector<768x384xf32>, vector<64x384xf32> -> vector<64x384xf32>
    %get3A_99 = arith.constant 0 : index
    %get3A_100 = arith.constant 1 : index
    %get3A_101 = arith.constant 0 : index
    %get3A_102 = arith.constant 0 : index
    %get3A_103 = vector.load %arg5[%get3A_99, %get3A_100, %get3A_101, %get3A_102] : memref<1x4x1x384xf32, #tpu.memory_space<vmem>>, vector<1x1x1x384xf32>
    %get3A_104 = vector.shape_cast %get3A_103 : vector<1x1x1x384xf32> to vector<1x384xf32>
    %add3A_105 = vector.broadcast %get3A_104 : vector<1x384xf32> to vector<64x384xf32>
    %add3A_106 = arith.addf %dot_general3A_98, %add3A_105 : vector<64x384xf32>
    %swap3A_107 = arith.constant 1 : index
    %swap3A_108 = arith.constant 0 : index
    %swap3A_109 = arith.constant 0 : index
    %swap3A_110 = vector.load %arg6[%swap3A_107, %swap3A_108, %swap3A_109] : memref<4x64x384xf32, #tpu.memory_space<vmem>>, vector<1x64x384xf32>
    %swap3A_111 = vector.shape_cast %swap3A_110 : vector<1x64x384xf32> to vector<64x384xf32>
    %swap3A_112 = vector.shape_cast %add3A_106 : vector<64x384xf32> to vector<1x64x384xf32>
    tpu.vector_store %arg6[%swap3A_107, %swap3A_108, %swap3A_109], %swap3A_112 {strides = array<i32>} : memref<4x64x384xf32, #tpu.memory_space<vmem>>, vector<1x64x384xf32>,
    %get3A_113 = arith.constant 2 : index
    %get3A_114 = arith.constant 0 : index
    %get3A_115 = arith.constant 0 : index
    %get3A_116 = vector.load %arg1[%get3A_113, %get3A_114, %get3A_115] : memref<4x64x384xf32, #tpu.memory_space<vmem>>, vector<1x64x384xf32>
    %get3A_117 = vector.shape_cast %get3A_116 : vector<1x64x384xf32> to vector<64x384xf32>
    %get3A_118 = arith.constant 0 : index
    %get3A_119 = arith.constant 2 : index
    %get3A_120 = arith.constant 0 : index
    %get3A_121 = arith.constant 0 : index
    %get3A_122 = vector.load %arg2[%get3A_118, %get3A_119, %get3A_120, %get3A_121] : memref<1x4x384x768xf32, #tpu.memory_space<vmem>>, vector<1x1x384x768xf32>
    %get3A_123 = vector.shape_cast %get3A_122 : vector<1x1x384x768xf32> to vector<384x768xf32>
    %dot_general3A_124 = arith.constant dense<0.000000e+00> : vector<64x768xf32>
    %dot_general3A_125 = tpu.matmul %get3A_117, %get3A_123, %dot_general3A_124 {dimension_numbers = #tpu.dot_dimension_numbers<[1], [0], [0], [1], [0, 0, 1, 1], [], []>, transpose_lhs_hint = false} : vector<64x384xf32>, vector<384x768xf32>, vector<64x768xf32> -> vector<64x768xf32>
    %get3A_126 = arith.constant 0 : index
    %get3A_127 = arith.constant 2 : index
    %get3A_128 = arith.constant 0 : index
    %get3A_129 = arith.constant 0 : index
    %get3A_130 = vector.load %arg3[%get3A_126, %get3A_127, %get3A_128, %get3A_129] : memref<1x4x1x768xf32, #tpu.memory_space<vmem>>, vector<1x1x1x768xf32>
    %get3A_131 = vector.shape_cast %get3A_130 : vector<1x1x1x768xf32> to vector<1x768xf32>
    %add3A_132 = vector.broadcast %get3A_131 : vector<1x768xf32> to vector<64x768xf32>
    %add3A_133 = arith.addf %dot_general3A_125, %add3A_132 : vector<64x768xf32>
    %integer_pow3A_134 = arith.mulf %add3A_133, %add3A_133 : vector<64x768xf32>
    %integer_pow3A_135 = arith.mulf %add3A_133, %integer_pow3A_134 : vector<64x768xf32>
    %mul3A_136 = arith.constant 4.471500e-02 : f32
    %mul3A_137 = vector.broadcast %mul3A_136 : f32 to vector<64x768xf32>
    %mul3A_138 = arith.mulf %mul3A_137, %integer_pow3A_135 : vector<64x768xf32>
    %add3A_139 = arith.addf %add3A_133, %mul3A_138 : vector<64x768xf32>
    %mul3A_140 = arith.constant 0.797884583 : f32
    %mul3A_141 = vector.broadcast %mul3A_140 : f32 to vector<64x768xf32>
    %mul3A_142 = arith.mulf %mul3A_141, %add3A_139 : vector<64x768xf32>
    %tanh3A_143 = math.tanh %mul3A_142 : vector<64x768xf32>
    %add3A_144 = arith.constant 1.000000e+00 : f32
    %add3A_145 = vector.broadcast %add3A_144 : f32 to vector<64x768xf32>
    %add3A_146 = arith.addf %add3A_145, %tanh3A_143 : vector<64x768xf32>
    %mul3A_147 = arith.constant 5.000000e-01 : f32
    %mul3A_148 = vector.broadcast %mul3A_147 : f32 to vector<64x768xf32>
    %mul3A_149 = arith.mulf %mul3A_148, %add3A_146 : vector<64x768xf32>
    %mul3A_150 = arith.mulf %add3A_133, %mul3A_149 : vector<64x768xf32>
    %get3A_151 = arith.constant 0 : index
    %get3A_152 = arith.constant 2 : index
    %get3A_153 = arith.constant 0 : index
    %get3A_154 = arith.constant 0 : index
    %get3A_155 = vector.load %arg4[%get3A_151, %get3A_152, %get3A_153, %get3A_154] : memref<1x4x768x384xf32, #tpu.memory_space<vmem>>, vector<1x1x768x384xf32>
    %get3A_156 = vector.shape_cast %get3A_155 : vector<1x1x768x384xf32> to vector<768x384xf32>
    %dot_general3A_157 = arith.constant dense<0.000000e+00> : vector<64x384xf32>
    %dot_general3A_158 = tpu.matmul %mul3A_150, %get3A_156, %dot_general3A_157 {dimension_numbers = #tpu.dot_dimension_numbers<[1], [0], [0], [1], [0, 0, 1, 1], [], []>, transpose_lhs_hint = false} : vector<64x768xf32>, vector<768x384xf32>, vector<64x384xf32> -> vector<64x384xf32>
    %get3A_159 = arith.constant 0 : index
    %get3A_160 = arith.constant 2 : index
    %get3A_161 = arith.constant 0 : index
    %get3A_162 = arith.constant 0 : index
    %get3A_163 = vector.load %arg5[%get3A_159, %get3A_160, %get3A_161, %get3A_162] : memref<1x4x1x384xf32, #tpu.memory_space<vmem>>, vector<1x1x1x384xf32>
    %get3A_164 = vector.shape_cast %get3A_163 : vector<1x1x1x384xf32> to vector<1x384xf32>
    %add3A_165 = vector.broadcast %get3A_164 : vector<1x384xf32> to vector<64x384xf32>
    %add3A_166 = arith.addf %dot_general3A_158, %add3A_165 : vector<64x384xf32>
    %swap3A_167 = arith.constant 2 : index
    %swap3A_168 = arith.constant 0 : index
    %swap3A_169 = arith.constant 0 : index
    %swap3A_170 = vector.load %arg6[%swap3A_167, %swap3A_168, %swap3A_169] : memref<4x64x384xf32, #tpu.memory_space<vmem>>, vector<1x64x384xf32>
    %swap3A_171 = vector.shape_cast %swap3A_170 : vector<1x64x384xf32> to vector<64x384xf32>
    %swap3A_172 = vector.shape_cast %add3A_166 : vector<64x384xf32> to vector<1x64x384xf32>
    tpu.vector_store %arg6[%swap3A_167, %swap3A_168, %swap3A_169], %swap3A_172 {strides = array<i32>} : memref<4x64x384xf32, #tpu.memory_space<vmem>>, vector<1x64x384xf32>,
    %get3A_173 = arith.constant 3 : index
    %get3A_174 = arith.constant 0 : index
    %get3A_175 = arith.constant 0 : index
    %get3A_176 = vector.load %arg1[%get3A_173, %get3A_174, %get3A_175] : memref<4x64x384xf32, #tpu.memory_space<vmem>>, vector<1x64x384xf32>
    %get3A_177 = vector.shape_cast %get3A_176 : vector<1x64x384xf32> to vector<64x384xf32>
    %get3A_178 = arith.constant 0 : index
    %get3A_179 = arith.constant 3 : index
    %get3A_180 = arith.constant 0 : index
    %get3A_181 = arith.constant 0 : index
    %get3A_182 = vector.load %arg2[%get3A_178, %get3A_179, %get3A_180, %get3A_181] : memref<1x4x384x768xf32, #tpu.memory_space<vmem>>, vector<1x1x384x768xf32>
    %get3A_183 = vector.shape_cast %get3A_182 : vector<1x1x384x768xf32> to vector<384x768xf32>
    %dot_general3A_184 = arith.constant dense<0.000000e+00> : vector<64x768xf32>
    %dot_general3A_185 = tpu.matmul %get3A_177, %get3A_183, %dot_general3A_184 {dimension_numbers = #tpu.dot_dimension_numbers<[1], [0], [0], [1], [0, 0, 1, 1], [], []>, transpose_lhs_hint = false} : vector<64x384xf32>, vector<384x768xf32>, vector<64x768xf32> -> vector<64x768xf32>
    %get3A_186 = arith.constant 0 : index
    %get3A_187 = arith.constant 3 : index
    %get3A_188 = arith.constant 0 : index
    %get3A_189 = arith.constant 0 : index
    %get3A_190 = vector.load %arg3[%get3A_186, %get3A_187, %get3A_188, %get3A_189] : memref<1x4x1x768xf32, #tpu.memory_space<vmem>>, vector<1x1x1x768xf32>
    %get3A_191 = vector.shape_cast %get3A_190 : vector<1x1x1x768xf32> to vector<1x768xf32>
    %add3A_192 = vector.broadcast %get3A_191 : vector<1x768xf32> to vector<64x768xf32>
    %add3A_193 = arith.addf %dot_general3A_185, %add3A_192 : vector<64x768xf32>
    %integer_pow3A_194 = arith.mulf %add3A_193, %add3A_193 : vector<64x768xf32>
    %integer_pow3A_195 = arith.mulf %add3A_193, %integer_pow3A_194 : vector<64x768xf32>
    %mul3A_196 = arith.constant 4.471500e-02 : f32
    %mul3A_197 = vector.broadcast %mul3A_196 : f32 to vector<64x768xf32>
    %mul3A_198 = arith.mulf %mul3A_197, %integer_pow3A_195 : vector<64x768xf32>
    %add3A_199 = arith.addf %add3A_193, %mul3A_198 : vector<64x768xf32>
    %mul3A_200 = arith.constant 0.797884583 : f32
    %mul3A_201 = vector.broadcast %mul3A_200 : f32 to vector<64x768xf32>
    %mul3A_202 = arith.mulf %mul3A_201, %add3A_199 : vector<64x768xf32>
    %tanh3A_203 = math.tanh %mul3A_202 : vector<64x768xf32>
    %add3A_204 = arith.constant 1.000000e+00 : f32
    %add3A_205 = vector.broadcast %add3A_204 : f32 to vector<64x768xf32>
    %add3A_206 = arith.addf %add3A_205, %tanh3A_203 : vector<64x768xf32>
    %mul3A_207 = arith.constant 5.000000e-01 : f32
    %mul3A_208 = vector.broadcast %mul3A_207 : f32 to vector<64x768xf32>
    %mul3A_209 = arith.mulf %mul3A_208, %add3A_206 : vector<64x768xf32>
    %mul3A_210 = arith.mulf %add3A_193, %mul3A_209 : vector<64x768xf32>
    %get3A_211 = arith.constant 0 : index
    %get3A_212 = arith.constant 3 : index
    %get3A_213 = arith.constant 0 : index
    %get3A_214 = arith.constant 0 : index
    %get3A_215 = vector.load %arg4[%get3A_211, %get3A_212, %get3A_213, %get3A_214] : memref<1x4x768x384xf32, #tpu.memory_space<vmem>>, vector<1x1x768x384xf32>
    %get3A_216 = vector.shape_cast %get3A_215 : vector<1x1x768x384xf32> to vector<768x384xf32>
    %dot_general3A_217 = arith.constant dense<0.000000e+00> : vector<64x384xf32>
    %dot_general3A_218 = tpu.matmul %mul3A_210, %get3A_216, %dot_general3A_217 {dimension_numbers = #tpu.dot_dimension_numbers<[1], [0], [0], [1], [0, 0, 1, 1], [], []>, transpose_lhs_hint = false} : vector<64x768xf32>, vector<768x384xf32>, vector<64x384xf32> -> vector<64x384xf32>
    %get3A_219 = arith.constant 0 : index
    %get3A_220 = arith.constant 3 : index
    %get3A_221 = arith.constant 0 : index
    %get3A_222 = arith.constant 0 : index
    %get3A_223 = vector.load %arg5[%get3A_219, %get3A_220, %get3A_221, %get3A_222] : memref<1x4x1x384xf32, #tpu.memory_space<vmem>>, vector<1x1x1x384xf32>
    %get3A_224 = vector.shape_cast %get3A_223 : vector<1x1x1x384xf32> to vector<1x384xf32>
    %add3A_225 = vector.broadcast %get3A_224 : vector<1x384xf32> to vector<64x384xf32>
    %add3A_226 = arith.addf %dot_general3A_218, %add3A_225 : vector<64x384xf32>
    %swap3A_227 = arith.constant 3 : index
    %swap3A_228 = arith.constant 0 : index
    %swap3A_229 = arith.constant 0 : index
    %swap3A_230 = vector.load %arg6[%swap3A_227, %swap3A_228, %swap3A_229] : memref<4x64x384xf32, #tpu.memory_space<vmem>>, vector<1x64x384xf32>
    %swap3A_231 = vector.shape_cast %swap3A_230 : vector<1x64x384xf32> to vector<64x384xf32>
    %swap3A_232 = vector.shape_cast %add3A_226 : vector<64x384xf32> to vector<1x64x384xf32>
    tpu.vector_store %arg6[%swap3A_227, %swap3A_228, %swap3A_229], %swap3A_232 {strides = array<i32>} : memref<4x64x384xf32, #tpu.memory_space<vmem>>, vector<1x64x384xf32>,
    return
  }
  func.func @transform_0(%arg0: i32) -> (i32, i32, i32) {
    %c0_i32 = arith.constant 0 : i32
    %c0_i32_0 = arith.constant 0 : i32
    %c0_i32_1 = arith.constant 0 : i32
    return %arg0, %c0_i32, %c0_i32_0 : i32, i32, i32
  }
  func.func @transform_1(%arg0: i32) -> (i32, i32, i32, i32) {
    %c0_i32 = arith.constant 0 : i32
    %c0_i32_0 = arith.constant 0 : i32
    %c0_i32_1 = arith.constant 0 : i32
    %c0_i32_2 = arith.constant 0 : i32
    return %c0_i32, %arg0, %c0_i32_0, %c0_i32_1 : i32, i32, i32, i32
  }
  func.func @transform_2(%arg0: i32) -> (i32, i32, i32, i32) {
    %c0_i32 = arith.constant 0 : i32
    %c0_i32_0 = arith.constant 0 : i32
    %c0_i32_1 = arith.constant 0 : i32
    %c0_i32_2 = arith.constant 0 : i32
    return %c0_i32, %arg0, %c0_i32_0, %c0_i32_1 : i32, i32, i32, i32
  }
  func.func @transform_3(%arg0: i32) -> (i32, i32, i32, i32) {
    %c0_i32 = arith.constant 0 : i32
    %c0_i32_0 = arith.constant 0 : i32
    %c0_i32_1 = arith.constant 0 : i32
    %c0_i32_2 = arith.constant 0 : i32
    return %c0_i32, %arg0, %c0_i32_0, %c0_i32_1 : i32, i32, i32, i32
  }
  func.func @transform_4(%arg0: i32) -> (i32, i32, i32, i32) {
    %c0_i32 = arith.constant 0 : i32
    %c0_i32_0 = arith.constant 0 : i32
    %c0_i32_1 = arith.constant 0 : i32
    %c0_i32_2 = arith.constant 0 : i32
    return %c0_i32, %arg0, %c0_i32_0, %c0_i32_1 : i32, i32, i32, i32
  }
  func.func @transform_5(%arg0: i32) -> (i32, i32, i32) {
    %c0_i32 = arith.constant 0 : i32
    %c0_i32_0 = arith.constant 0 : i32
    %c0_i32_1 = arith.constant 0 : i32
    return %arg0, %c0_i32, %c0_i32_0 : i32, i32, i32
  }
}

module attributes {stable_mosaic.version = 14 : i64} {
  func.func @_attn_body(%arg0: i32, %arg1: memref<1x197x384xf32, #tpu.memory_space<vmem>>, %arg2: memref<1x197x384xf32, #tpu.memory_space<vmem>>, %arg3: memref<1x197x1xf32, #tpu.memory_space<vmem>>, %arg4: memref<1x1x384xf32, #tpu.memory_space<vmem>>, %arg5: memref<1x1x384xf32, #tpu.memory_space<vmem>>, %arg6: memref<1x384x1152xf32, #tpu.memory_space<vmem>>, %arg7: memref<1x1x1152xf32, #tpu.memory_space<vmem>>, %arg8: memref<1x384x384xf32, #tpu.memory_space<vmem>>, %arg9: memref<1x1x384xf32, #tpu.memory_space<vmem>>, %arg10: memref<1x197x384xf32, #tpu.memory_space<vmem>>) attributes {dimension_semantics = [#tpu.dimension_semantics<arbitrary>], iteration_bounds = array<i64: 16>, scalar_prefetch = 0 : i64, scratch_operands = 0 : i64, tpu.core_type = #tpu.core_type<tc>, window_params = [{transform_indices = @transform_0, window_bounds = array<i64: 1, 197, 384>}, {transform_indices = @transform_1, window_bounds = array<i64: 1, 197, 384>}, {transform_indices = @transform_2, window_bounds = array<i64: 1, 197, 1>}, {transform_indices = @transform_3, window_bounds = array<i64: 1, 1, 384>}, {transform_indices = @transform_4, window_bounds = array<i64: 1, 1, 384>}, {transform_indices = @transform_5, window_bounds = array<i64: 1, 384, 1152>}, {transform_indices = @transform_6, window_bounds = array<i64: 1, 1, 1152>}, {transform_indices = @transform_7, window_bounds = array<i64: 1, 384, 384>}, {transform_indices = @transform_8, window_bounds = array<i64: 1, 1, 384>}, {transform_indices = @transform_9, window_bounds = array<i64: 1, 197, 384>}]} {
    %get3A = arith.constant 0 : index
    %get3A_0 = arith.constant 0 : index
    %get3A_1 = arith.constant 0 : index
    %get3A_2 = vector.load %arg1[%get3A, %get3A_0, %get3A_1] : memref<1x197x384xf32, #tpu.memory_space<vmem>>, vector<1x197x384xf32>
    %get3A_3 = vector.shape_cast %get3A_2 : vector<1x197x384xf32> to vector<197x384xf32>
    %get3A_4 = arith.constant 0 : index
    %get3A_5 = arith.constant 0 : index
    %get3A_6 = arith.constant 0 : index
    %get3A_7 = vector.load %arg3[%get3A_4, %get3A_5, %get3A_6] : memref<1x197x1xf32, #tpu.memory_space<vmem>>, vector<1x197x1xf32>
    %get3A_8 = vector.shape_cast %get3A_7 : vector<1x197x1xf32> to vector<197x1xf32>
    %get3A_9 = arith.constant 0 : index
    %get3A_10 = arith.constant 0 : index
    %get3A_11 = arith.constant 0 : index
    %get3A_12 = vector.load %arg2[%get3A_9, %get3A_10, %get3A_11] : memref<1x197x384xf32, #tpu.memory_space<vmem>>, vector<1x197x384xf32>
    %get3A_13 = vector.shape_cast %get3A_12 : vector<1x197x384xf32> to vector<197x384xf32>
    %mul3A = vector.broadcast %get3A_8 : vector<197x1xf32> to vector<197x384xf32>
    %mul3A_14 = arith.mulf %mul3A, %get3A_13 : vector<197x384xf32>
    %add3A = arith.addf %get3A_3, %mul3A_14 : vector<197x384xf32>
    %get3A_15 = arith.constant 0 : index
    %get3A_16 = arith.constant 0 : index
    %get3A_17 = arith.constant 0 : index
    %get3A_18 = vector.load %arg4[%get3A_15, %get3A_16, %get3A_17] : memref<1x1x384xf32, #tpu.memory_space<vmem>>, vector<1x1x384xf32>
    %get3A_19 = vector.shape_cast %get3A_18 : vector<1x1x384xf32> to vector<1x384xf32>
    %get3A_20 = arith.constant 0 : index
    %get3A_21 = arith.constant 0 : index
    %get3A_22 = arith.constant 0 : index
    %get3A_23 = vector.load %arg5[%get3A_20, %get3A_21, %get3A_22] : memref<1x1x384xf32, #tpu.memory_space<vmem>>, vector<1x1x384xf32>
    %get3A_24 = vector.shape_cast %get3A_23 : vector<1x1x384xf32> to vector<1x384xf32>
    %reduce_sum3A = arith.constant dense<0.000000e+00> : vector<197xf32>
    %reduce_sum3A_25 = vector.multi_reduction <add>, %add3A, %reduce_sum3A [1] : vector<197x384xf32> to vector<197xf32>
    %broadcast_in_dim3A = vector.shape_cast %reduce_sum3A_25 : vector<197xf32> to vector<197x1xf32>
    %div3A = arith.constant 3.840000e+02 : f32
    %div3A_26 = vector.broadcast %div3A : f32 to vector<197x1xf32>
    %div3A_27 = arith.divf %broadcast_in_dim3A, %div3A_26 : vector<197x1xf32>
    %sub3A = vector.broadcast %div3A_27 : vector<197x1xf32> to vector<197x384xf32>
    %sub3A_28 = arith.subf %add3A, %sub3A : vector<197x384xf32>
    %sub3A_29 = vector.broadcast %div3A_27 : vector<197x1xf32> to vector<197x384xf32>
    %sub3A_30 = arith.subf %add3A, %sub3A_29 : vector<197x384xf32>
    %mul3A_31 = arith.mulf %sub3A_28, %sub3A_30 : vector<197x384xf32>
    %reduce_sum3A_32 = arith.constant dense<0.000000e+00> : vector<197xf32>
    %reduce_sum3A_33 = vector.multi_reduction <add>, %mul3A_31, %reduce_sum3A_32 [1] : vector<197x384xf32> to vector<197xf32>
    %broadcast_in_dim3A_34 = vector.shape_cast %reduce_sum3A_33 : vector<197xf32> to vector<197x1xf32>
    %div3A_35 = arith.constant 3.840000e+02 : f32
    %div3A_36 = vector.broadcast %div3A_35 : f32 to vector<197x1xf32>
    %div3A_37 = arith.divf %broadcast_in_dim3A_34, %div3A_36 : vector<197x1xf32>
    %sub3A_38 = vector.broadcast %div3A_27 : vector<197x1xf32> to vector<197x384xf32>
    %sub3A_39 = arith.subf %add3A, %sub3A_38 : vector<197x384xf32>
    %add3A_40 = arith.constant 9.99999997E-7 : f32
    %add3A_41 = vector.broadcast %add3A_40 : f32 to vector<197x1xf32>
    %add3A_42 = arith.addf %div3A_37, %add3A_41 : vector<197x1xf32>
    %rsqrt3A = math.rsqrt %add3A_42 : vector<197x1xf32>
    %mul3A_43 = vector.broadcast %rsqrt3A : vector<197x1xf32> to vector<197x384xf32>
    %mul3A_44 = arith.mulf %sub3A_39, %mul3A_43 : vector<197x384xf32>
    %mul3A_45 = vector.broadcast %get3A_19 : vector<1x384xf32> to vector<197x384xf32>
    %mul3A_46 = arith.mulf %mul3A_44, %mul3A_45 : vector<197x384xf32>
    %add3A_47 = vector.broadcast %get3A_24 : vector<1x384xf32> to vector<197x384xf32>
    %add3A_48 = arith.addf %mul3A_46, %add3A_47 : vector<197x384xf32>
    %get3A_49 = arith.constant 0 : index
    %get3A_50 = arith.constant 0 : index
    %get3A_51 = arith.constant 0 : index
    %get3A_52 = vector.load %arg6[%get3A_49, %get3A_50, %get3A_51] : memref<1x384x1152xf32, #tpu.memory_space<vmem>>, vector<1x384x1152xf32>
    %get3A_53 = vector.shape_cast %get3A_52 : vector<1x384x1152xf32> to vector<384x1152xf32>
    %dot_general3A = arith.constant dense<0.000000e+00> : vector<197x1152xf32>
    %dot_general3A_54 = tpu.matmul %add3A_48, %get3A_53, %dot_general3A {dimension_numbers = #tpu.dot_dimension_numbers<[1], [0], [0], [1], [0, 0, 1, 1], [], []>, transpose_lhs_hint = false} : vector<197x384xf32>, vector<384x1152xf32>, vector<197x1152xf32> -> vector<197x1152xf32>
    %get3A_55 = arith.constant 0 : index
    %get3A_56 = arith.constant 0 : index
    %get3A_57 = arith.constant 0 : index
    %get3A_58 = vector.load %arg7[%get3A_55, %get3A_56, %get3A_57] : memref<1x1x1152xf32, #tpu.memory_space<vmem>>, vector<1x1x1152xf32>
    %get3A_59 = vector.shape_cast %get3A_58 : vector<1x1x1152xf32> to vector<1x1152xf32>
    %add3A_60 = vector.broadcast %get3A_59 : vector<1x1152xf32> to vector<197x1152xf32>
    %add3A_61 = arith.addf %dot_general3A_54, %add3A_60 : vector<197x1152xf32>
    %slice3A = vector.extract_strided_slice %add3A_61 {offsets = [0, 0], sizes = [197, 32], strides = [1, 1]} : vector<197x1152xf32> to vector<197x32xf32>
    %slice3A_62 = vector.extract_strided_slice %add3A_61 {offsets = [0, 384], sizes = [197, 32], strides = [1, 1]} : vector<197x1152xf32> to vector<197x32xf32>
    %slice3A_63 = vector.extract_strided_slice %add3A_61 {offsets = [0, 768], sizes = [197, 32], strides = [1, 1]} : vector<197x1152xf32> to vector<197x32xf32>
    %dot_general3A_64 = arith.constant dense<0.000000e+00> : vector<197x197xf32>
    %dot_general3A_65 = tpu.matmul %slice3A, %slice3A_62, %dot_general3A_64 {dimension_numbers = #tpu.dot_dimension_numbers<[1], [1], [0], [0], [0, 0, 1, 0], [], []>, transpose_lhs_hint = false} : vector<197x32xf32>, vector<197x32xf32>, vector<197x197xf32> -> vector<197x197xf32>
    %mul3A_66 = arith.constant 0.176776692 : f32
    %mul3A_67 = vector.broadcast %mul3A_66 : f32 to vector<197x197xf32>
    %mul3A_68 = arith.mulf %dot_general3A_65, %mul3A_67 : vector<197x197xf32>
    %exp3A = math.exp %mul3A_68 : vector<197x197xf32>
    %reduce_sum3A_69 = arith.constant dense<0.000000e+00> : vector<197xf32>
    %reduce_sum3A_70 = vector.multi_reduction <add>, %exp3A, %reduce_sum3A_69 [1] : vector<197x197xf32> to vector<197xf32>
    %broadcast_in_dim3A_71 = vector.shape_cast %reduce_sum3A_70 : vector<197xf32> to vector<197x1xf32>
    %div3A_72 = vector.broadcast %broadcast_in_dim3A_71 : vector<197x1xf32> to vector<197x197xf32>
    %div3A_73 = arith.divf %exp3A, %div3A_72 : vector<197x197xf32>
    %dot_general3A_74 = arith.constant dense<0.000000e+00> : vector<197x32xf32>
    %dot_general3A_75 = tpu.matmul %div3A_73, %slice3A_63, %dot_general3A_74 {dimension_numbers = #tpu.dot_dimension_numbers<[1], [0], [0], [1], [0, 0, 1, 1], [], []>, transpose_lhs_hint = false} : vector<197x197xf32>, vector<197x32xf32>, vector<197x32xf32> -> vector<197x32xf32>
    %slice3A_76 = vector.extract_strided_slice %add3A_61 {offsets = [0, 32], sizes = [197, 32], strides = [1, 1]} : vector<197x1152xf32> to vector<197x32xf32>
    %slice3A_77 = vector.extract_strided_slice %add3A_61 {offsets = [0, 416], sizes = [197, 32], strides = [1, 1]} : vector<197x1152xf32> to vector<197x32xf32>
    %slice3A_78 = vector.extract_strided_slice %add3A_61 {offsets = [0, 800], sizes = [197, 32], strides = [1, 1]} : vector<197x1152xf32> to vector<197x32xf32>
    %dot_general3A_79 = arith.constant dense<0.000000e+00> : vector<197x197xf32>
    %dot_general3A_80 = tpu.matmul %slice3A_76, %slice3A_77, %dot_general3A_79 {dimension_numbers = #tpu.dot_dimension_numbers<[1], [1], [0], [0], [0, 0, 1, 0], [], []>, transpose_lhs_hint = false} : vector<197x32xf32>, vector<197x32xf32>, vector<197x197xf32> -> vector<197x197xf32>
    %mul3A_81 = arith.constant 0.176776692 : f32
    %mul3A_82 = vector.broadcast %mul3A_81 : f32 to vector<197x197xf32>
    %mul3A_83 = arith.mulf %dot_general3A_80, %mul3A_82 : vector<197x197xf32>
    %exp3A_84 = math.exp %mul3A_83 : vector<197x197xf32>
    %reduce_sum3A_85 = arith.constant dense<0.000000e+00> : vector<197xf32>
    %reduce_sum3A_86 = vector.multi_reduction <add>, %exp3A_84, %reduce_sum3A_85 [1] : vector<197x197xf32> to vector<197xf32>
    %broadcast_in_dim3A_87 = vector.shape_cast %reduce_sum3A_86 : vector<197xf32> to vector<197x1xf32>
    %div3A_88 = vector.broadcast %broadcast_in_dim3A_87 : vector<197x1xf32> to vector<197x197xf32>
    %div3A_89 = arith.divf %exp3A_84, %div3A_88 : vector<197x197xf32>
    %dot_general3A_90 = arith.constant dense<0.000000e+00> : vector<197x32xf32>
    %dot_general3A_91 = tpu.matmul %div3A_89, %slice3A_78, %dot_general3A_90 {dimension_numbers = #tpu.dot_dimension_numbers<[1], [0], [0], [1], [0, 0, 1, 1], [], []>, transpose_lhs_hint = false} : vector<197x197xf32>, vector<197x32xf32>, vector<197x32xf32> -> vector<197x32xf32>
    %slice3A_92 = vector.extract_strided_slice %add3A_61 {offsets = [0, 64], sizes = [197, 32], strides = [1, 1]} : vector<197x1152xf32> to vector<197x32xf32>
    %slice3A_93 = vector.extract_strided_slice %add3A_61 {offsets = [0, 448], sizes = [197, 32], strides = [1, 1]} : vector<197x1152xf32> to vector<197x32xf32>
    %slice3A_94 = vector.extract_strided_slice %add3A_61 {offsets = [0, 832], sizes = [197, 32], strides = [1, 1]} : vector<197x1152xf32> to vector<197x32xf32>
    %dot_general3A_95 = arith.constant dense<0.000000e+00> : vector<197x197xf32>
    %dot_general3A_96 = tpu.matmul %slice3A_92, %slice3A_93, %dot_general3A_95 {dimension_numbers = #tpu.dot_dimension_numbers<[1], [1], [0], [0], [0, 0, 1, 0], [], []>, transpose_lhs_hint = false} : vector<197x32xf32>, vector<197x32xf32>, vector<197x197xf32> -> vector<197x197xf32>
    %mul3A_97 = arith.constant 0.176776692 : f32
    %mul3A_98 = vector.broadcast %mul3A_97 : f32 to vector<197x197xf32>
    %mul3A_99 = arith.mulf %dot_general3A_96, %mul3A_98 : vector<197x197xf32>
    %exp3A_100 = math.exp %mul3A_99 : vector<197x197xf32>
    %reduce_sum3A_101 = arith.constant dense<0.000000e+00> : vector<197xf32>
    %reduce_sum3A_102 = vector.multi_reduction <add>, %exp3A_100, %reduce_sum3A_101 [1] : vector<197x197xf32> to vector<197xf32>
    %broadcast_in_dim3A_103 = vector.shape_cast %reduce_sum3A_102 : vector<197xf32> to vector<197x1xf32>
    %div3A_104 = vector.broadcast %broadcast_in_dim3A_103 : vector<197x1xf32> to vector<197x197xf32>
    %div3A_105 = arith.divf %exp3A_100, %div3A_104 : vector<197x197xf32>
    %dot_general3A_106 = arith.constant dense<0.000000e+00> : vector<197x32xf32>
    %dot_general3A_107 = tpu.matmul %div3A_105, %slice3A_94, %dot_general3A_106 {dimension_numbers = #tpu.dot_dimension_numbers<[1], [0], [0], [1], [0, 0, 1, 1], [], []>, transpose_lhs_hint = false} : vector<197x197xf32>, vector<197x32xf32>, vector<197x32xf32> -> vector<197x32xf32>
    %slice3A_108 = vector.extract_strided_slice %add3A_61 {offsets = [0, 96], sizes = [197, 32], strides = [1, 1]} : vector<197x1152xf32> to vector<197x32xf32>
    %slice3A_109 = vector.extract_strided_slice %add3A_61 {offsets = [0, 480], sizes = [197, 32], strides = [1, 1]} : vector<197x1152xf32> to vector<197x32xf32>
    %slice3A_110 = vector.extract_strided_slice %add3A_61 {offsets = [0, 864], sizes = [197, 32], strides = [1, 1]} : vector<197x1152xf32> to vector<197x32xf32>
    %dot_general3A_111 = arith.constant dense<0.000000e+00> : vector<197x197xf32>
    %dot_general3A_112 = tpu.matmul %slice3A_108, %slice3A_109, %dot_general3A_111 {dimension_numbers = #tpu.dot_dimension_numbers<[1], [1], [0], [0], [0, 0, 1, 0], [], []>, transpose_lhs_hint = false} : vector<197x32xf32>, vector<197x32xf32>, vector<197x197xf32> -> vector<197x197xf32>
    %mul3A_113 = arith.constant 0.176776692 : f32
    %mul3A_114 = vector.broadcast %mul3A_113 : f32 to vector<197x197xf32>
    %mul3A_115 = arith.mulf %dot_general3A_112, %mul3A_114 : vector<197x197xf32>
    %exp3A_116 = math.exp %mul3A_115 : vector<197x197xf32>
    %reduce_sum3A_117 = arith.constant dense<0.000000e+00> : vector<197xf32>
    %reduce_sum3A_118 = vector.multi_reduction <add>, %exp3A_116, %reduce_sum3A_117 [1] : vector<197x197xf32> to vector<197xf32>
    %broadcast_in_dim3A_119 = vector.shape_cast %reduce_sum3A_118 : vector<197xf32> to vector<197x1xf32>
    %div3A_120 = vector.broadcast %broadcast_in_dim3A_119 : vector<197x1xf32> to vector<197x197xf32>
    %div3A_121 = arith.divf %exp3A_116, %div3A_120 : vector<197x197xf32>
    %dot_general3A_122 = arith.constant dense<0.000000e+00> : vector<197x32xf32>
    %dot_general3A_123 = tpu.matmul %div3A_121, %slice3A_110, %dot_general3A_122 {dimension_numbers = #tpu.dot_dimension_numbers<[1], [0], [0], [1], [0, 0, 1, 1], [], []>, transpose_lhs_hint = false} : vector<197x197xf32>, vector<197x32xf32>, vector<197x32xf32> -> vector<197x32xf32>
    %slice3A_124 = vector.extract_strided_slice %add3A_61 {offsets = [0, 128], sizes = [197, 32], strides = [1, 1]} : vector<197x1152xf32> to vector<197x32xf32>
    %slice3A_125 = vector.extract_strided_slice %add3A_61 {offsets = [0, 512], sizes = [197, 32], strides = [1, 1]} : vector<197x1152xf32> to vector<197x32xf32>
    %slice3A_126 = vector.extract_strided_slice %add3A_61 {offsets = [0, 896], sizes = [197, 32], strides = [1, 1]} : vector<197x1152xf32> to vector<197x32xf32>
    %dot_general3A_127 = arith.constant dense<0.000000e+00> : vector<197x197xf32>
    %dot_general3A_128 = tpu.matmul %slice3A_124, %slice3A_125, %dot_general3A_127 {dimension_numbers = #tpu.dot_dimension_numbers<[1], [1], [0], [0], [0, 0, 1, 0], [], []>, transpose_lhs_hint = false} : vector<197x32xf32>, vector<197x32xf32>, vector<197x197xf32> -> vector<197x197xf32>
    %mul3A_129 = arith.constant 0.176776692 : f32
    %mul3A_130 = vector.broadcast %mul3A_129 : f32 to vector<197x197xf32>
    %mul3A_131 = arith.mulf %dot_general3A_128, %mul3A_130 : vector<197x197xf32>
    %exp3A_132 = math.exp %mul3A_131 : vector<197x197xf32>
    %reduce_sum3A_133 = arith.constant dense<0.000000e+00> : vector<197xf32>
    %reduce_sum3A_134 = vector.multi_reduction <add>, %exp3A_132, %reduce_sum3A_133 [1] : vector<197x197xf32> to vector<197xf32>
    %broadcast_in_dim3A_135 = vector.shape_cast %reduce_sum3A_134 : vector<197xf32> to vector<197x1xf32>
    %div3A_136 = vector.broadcast %broadcast_in_dim3A_135 : vector<197x1xf32> to vector<197x197xf32>
    %div3A_137 = arith.divf %exp3A_132, %div3A_136 : vector<197x197xf32>
    %dot_general3A_138 = arith.constant dense<0.000000e+00> : vector<197x32xf32>
    %dot_general3A_139 = tpu.matmul %div3A_137, %slice3A_126, %dot_general3A_138 {dimension_numbers = #tpu.dot_dimension_numbers<[1], [0], [0], [1], [0, 0, 1, 1], [], []>, transpose_lhs_hint = false} : vector<197x197xf32>, vector<197x32xf32>, vector<197x32xf32> -> vector<197x32xf32>
    %slice3A_140 = vector.extract_strided_slice %add3A_61 {offsets = [0, 160], sizes = [197, 32], strides = [1, 1]} : vector<197x1152xf32> to vector<197x32xf32>
    %slice3A_141 = vector.extract_strided_slice %add3A_61 {offsets = [0, 544], sizes = [197, 32], strides = [1, 1]} : vector<197x1152xf32> to vector<197x32xf32>
    %slice3A_142 = vector.extract_strided_slice %add3A_61 {offsets = [0, 928], sizes = [197, 32], strides = [1, 1]} : vector<197x1152xf32> to vector<197x32xf32>
    %dot_general3A_143 = arith.constant dense<0.000000e+00> : vector<197x197xf32>
    %dot_general3A_144 = tpu.matmul %slice3A_140, %slice3A_141, %dot_general3A_143 {dimension_numbers = #tpu.dot_dimension_numbers<[1], [1], [0], [0], [0, 0, 1, 0], [], []>, transpose_lhs_hint = false} : vector<197x32xf32>, vector<197x32xf32>, vector<197x197xf32> -> vector<197x197xf32>
    %mul3A_145 = arith.constant 0.176776692 : f32
    %mul3A_146 = vector.broadcast %mul3A_145 : f32 to vector<197x197xf32>
    %mul3A_147 = arith.mulf %dot_general3A_144, %mul3A_146 : vector<197x197xf32>
    %exp3A_148 = math.exp %mul3A_147 : vector<197x197xf32>
    %reduce_sum3A_149 = arith.constant dense<0.000000e+00> : vector<197xf32>
    %reduce_sum3A_150 = vector.multi_reduction <add>, %exp3A_148, %reduce_sum3A_149 [1] : vector<197x197xf32> to vector<197xf32>
    %broadcast_in_dim3A_151 = vector.shape_cast %reduce_sum3A_150 : vector<197xf32> to vector<197x1xf32>
    %div3A_152 = vector.broadcast %broadcast_in_dim3A_151 : vector<197x1xf32> to vector<197x197xf32>
    %div3A_153 = arith.divf %exp3A_148, %div3A_152 : vector<197x197xf32>
    %dot_general3A_154 = arith.constant dense<0.000000e+00> : vector<197x32xf32>
    %dot_general3A_155 = tpu.matmul %div3A_153, %slice3A_142, %dot_general3A_154 {dimension_numbers = #tpu.dot_dimension_numbers<[1], [0], [0], [1], [0, 0, 1, 1], [], []>, transpose_lhs_hint = false} : vector<197x197xf32>, vector<197x32xf32>, vector<197x32xf32> -> vector<197x32xf32>
    %slice3A_156 = vector.extract_strided_slice %add3A_61 {offsets = [0, 192], sizes = [197, 32], strides = [1, 1]} : vector<197x1152xf32> to vector<197x32xf32>
    %slice3A_157 = vector.extract_strided_slice %add3A_61 {offsets = [0, 576], sizes = [197, 32], strides = [1, 1]} : vector<197x1152xf32> to vector<197x32xf32>
    %slice3A_158 = vector.extract_strided_slice %add3A_61 {offsets = [0, 960], sizes = [197, 32], strides = [1, 1]} : vector<197x1152xf32> to vector<197x32xf32>
    %dot_general3A_159 = arith.constant dense<0.000000e+00> : vector<197x197xf32>
    %dot_general3A_160 = tpu.matmul %slice3A_156, %slice3A_157, %dot_general3A_159 {dimension_numbers = #tpu.dot_dimension_numbers<[1], [1], [0], [0], [0, 0, 1, 0], [], []>, transpose_lhs_hint = false} : vector<197x32xf32>, vector<197x32xf32>, vector<197x197xf32> -> vector<197x197xf32>
    %mul3A_161 = arith.constant 0.176776692 : f32
    %mul3A_162 = vector.broadcast %mul3A_161 : f32 to vector<197x197xf32>
    %mul3A_163 = arith.mulf %dot_general3A_160, %mul3A_162 : vector<197x197xf32>
    %exp3A_164 = math.exp %mul3A_163 : vector<197x197xf32>
    %reduce_sum3A_165 = arith.constant dense<0.000000e+00> : vector<197xf32>
    %reduce_sum3A_166 = vector.multi_reduction <add>, %exp3A_164, %reduce_sum3A_165 [1] : vector<197x197xf32> to vector<197xf32>
    %broadcast_in_dim3A_167 = vector.shape_cast %reduce_sum3A_166 : vector<197xf32> to vector<197x1xf32>
    %div3A_168 = vector.broadcast %broadcast_in_dim3A_167 : vector<197x1xf32> to vector<197x197xf32>
    %div3A_169 = arith.divf %exp3A_164, %div3A_168 : vector<197x197xf32>
    %dot_general3A_170 = arith.constant dense<0.000000e+00> : vector<197x32xf32>
    %dot_general3A_171 = tpu.matmul %div3A_169, %slice3A_158, %dot_general3A_170 {dimension_numbers = #tpu.dot_dimension_numbers<[1], [0], [0], [1], [0, 0, 1, 1], [], []>, transpose_lhs_hint = false} : vector<197x197xf32>, vector<197x32xf32>, vector<197x32xf32> -> vector<197x32xf32>
    %slice3A_172 = vector.extract_strided_slice %add3A_61 {offsets = [0, 224], sizes = [197, 32], strides = [1, 1]} : vector<197x1152xf32> to vector<197x32xf32>
    %slice3A_173 = vector.extract_strided_slice %add3A_61 {offsets = [0, 608], sizes = [197, 32], strides = [1, 1]} : vector<197x1152xf32> to vector<197x32xf32>
    %slice3A_174 = vector.extract_strided_slice %add3A_61 {offsets = [0, 992], sizes = [197, 32], strides = [1, 1]} : vector<197x1152xf32> to vector<197x32xf32>
    %dot_general3A_175 = arith.constant dense<0.000000e+00> : vector<197x197xf32>
    %dot_general3A_176 = tpu.matmul %slice3A_172, %slice3A_173, %dot_general3A_175 {dimension_numbers = #tpu.dot_dimension_numbers<[1], [1], [0], [0], [0, 0, 1, 0], [], []>, transpose_lhs_hint = false} : vector<197x32xf32>, vector<197x32xf32>, vector<197x197xf32> -> vector<197x197xf32>
    %mul3A_177 = arith.constant 0.176776692 : f32
    %mul3A_178 = vector.broadcast %mul3A_177 : f32 to vector<197x197xf32>
    %mul3A_179 = arith.mulf %dot_general3A_176, %mul3A_178 : vector<197x197xf32>
    %exp3A_180 = math.exp %mul3A_179 : vector<197x197xf32>
    %reduce_sum3A_181 = arith.constant dense<0.000000e+00> : vector<197xf32>
    %reduce_sum3A_182 = vector.multi_reduction <add>, %exp3A_180, %reduce_sum3A_181 [1] : vector<197x197xf32> to vector<197xf32>
    %broadcast_in_dim3A_183 = vector.shape_cast %reduce_sum3A_182 : vector<197xf32> to vector<197x1xf32>
    %div3A_184 = vector.broadcast %broadcast_in_dim3A_183 : vector<197x1xf32> to vector<197x197xf32>
    %div3A_185 = arith.divf %exp3A_180, %div3A_184 : vector<197x197xf32>
    %dot_general3A_186 = arith.constant dense<0.000000e+00> : vector<197x32xf32>
    %dot_general3A_187 = tpu.matmul %div3A_185, %slice3A_174, %dot_general3A_186 {dimension_numbers = #tpu.dot_dimension_numbers<[1], [0], [0], [1], [0, 0, 1, 1], [], []>, transpose_lhs_hint = false} : vector<197x197xf32>, vector<197x32xf32>, vector<197x32xf32> -> vector<197x32xf32>
    %slice3A_188 = vector.extract_strided_slice %add3A_61 {offsets = [0, 256], sizes = [197, 32], strides = [1, 1]} : vector<197x1152xf32> to vector<197x32xf32>
    %slice3A_189 = vector.extract_strided_slice %add3A_61 {offsets = [0, 640], sizes = [197, 32], strides = [1, 1]} : vector<197x1152xf32> to vector<197x32xf32>
    %slice3A_190 = vector.extract_strided_slice %add3A_61 {offsets = [0, 1024], sizes = [197, 32], strides = [1, 1]} : vector<197x1152xf32> to vector<197x32xf32>
    %dot_general3A_191 = arith.constant dense<0.000000e+00> : vector<197x197xf32>
    %dot_general3A_192 = tpu.matmul %slice3A_188, %slice3A_189, %dot_general3A_191 {dimension_numbers = #tpu.dot_dimension_numbers<[1], [1], [0], [0], [0, 0, 1, 0], [], []>, transpose_lhs_hint = false} : vector<197x32xf32>, vector<197x32xf32>, vector<197x197xf32> -> vector<197x197xf32>
    %mul3A_193 = arith.constant 0.176776692 : f32
    %mul3A_194 = vector.broadcast %mul3A_193 : f32 to vector<197x197xf32>
    %mul3A_195 = arith.mulf %dot_general3A_192, %mul3A_194 : vector<197x197xf32>
    %exp3A_196 = math.exp %mul3A_195 : vector<197x197xf32>
    %reduce_sum3A_197 = arith.constant dense<0.000000e+00> : vector<197xf32>
    %reduce_sum3A_198 = vector.multi_reduction <add>, %exp3A_196, %reduce_sum3A_197 [1] : vector<197x197xf32> to vector<197xf32>
    %broadcast_in_dim3A_199 = vector.shape_cast %reduce_sum3A_198 : vector<197xf32> to vector<197x1xf32>
    %div3A_200 = vector.broadcast %broadcast_in_dim3A_199 : vector<197x1xf32> to vector<197x197xf32>
    %div3A_201 = arith.divf %exp3A_196, %div3A_200 : vector<197x197xf32>
    %dot_general3A_202 = arith.constant dense<0.000000e+00> : vector<197x32xf32>
    %dot_general3A_203 = tpu.matmul %div3A_201, %slice3A_190, %dot_general3A_202 {dimension_numbers = #tpu.dot_dimension_numbers<[1], [0], [0], [1], [0, 0, 1, 1], [], []>, transpose_lhs_hint = false} : vector<197x197xf32>, vector<197x32xf32>, vector<197x32xf32> -> vector<197x32xf32>
    %slice3A_204 = vector.extract_strided_slice %add3A_61 {offsets = [0, 288], sizes = [197, 32], strides = [1, 1]} : vector<197x1152xf32> to vector<197x32xf32>
    %slice3A_205 = vector.extract_strided_slice %add3A_61 {offsets = [0, 672], sizes = [197, 32], strides = [1, 1]} : vector<197x1152xf32> to vector<197x32xf32>
    %slice3A_206 = vector.extract_strided_slice %add3A_61 {offsets = [0, 1056], sizes = [197, 32], strides = [1, 1]} : vector<197x1152xf32> to vector<197x32xf32>
    %dot_general3A_207 = arith.constant dense<0.000000e+00> : vector<197x197xf32>
    %dot_general3A_208 = tpu.matmul %slice3A_204, %slice3A_205, %dot_general3A_207 {dimension_numbers = #tpu.dot_dimension_numbers<[1], [1], [0], [0], [0, 0, 1, 0], [], []>, transpose_lhs_hint = false} : vector<197x32xf32>, vector<197x32xf32>, vector<197x197xf32> -> vector<197x197xf32>
    %mul3A_209 = arith.constant 0.176776692 : f32
    %mul3A_210 = vector.broadcast %mul3A_209 : f32 to vector<197x197xf32>
    %mul3A_211 = arith.mulf %dot_general3A_208, %mul3A_210 : vector<197x197xf32>
    %exp3A_212 = math.exp %mul3A_211 : vector<197x197xf32>
    %reduce_sum3A_213 = arith.constant dense<0.000000e+00> : vector<197xf32>
    %reduce_sum3A_214 = vector.multi_reduction <add>, %exp3A_212, %reduce_sum3A_213 [1] : vector<197x197xf32> to vector<197xf32>
    %broadcast_in_dim3A_215 = vector.shape_cast %reduce_sum3A_214 : vector<197xf32> to vector<197x1xf32>
    %div3A_216 = vector.broadcast %broadcast_in_dim3A_215 : vector<197x1xf32> to vector<197x197xf32>
    %div3A_217 = arith.divf %exp3A_212, %div3A_216 : vector<197x197xf32>
    %dot_general3A_218 = arith.constant dense<0.000000e+00> : vector<197x32xf32>
    %dot_general3A_219 = tpu.matmul %div3A_217, %slice3A_206, %dot_general3A_218 {dimension_numbers = #tpu.dot_dimension_numbers<[1], [0], [0], [1], [0, 0, 1, 1], [], []>, transpose_lhs_hint = false} : vector<197x197xf32>, vector<197x32xf32>, vector<197x32xf32> -> vector<197x32xf32>
    %slice3A_220 = vector.extract_strided_slice %add3A_61 {offsets = [0, 320], sizes = [197, 32], strides = [1, 1]} : vector<197x1152xf32> to vector<197x32xf32>
    %slice3A_221 = vector.extract_strided_slice %add3A_61 {offsets = [0, 704], sizes = [197, 32], strides = [1, 1]} : vector<197x1152xf32> to vector<197x32xf32>
    %slice3A_222 = vector.extract_strided_slice %add3A_61 {offsets = [0, 1088], sizes = [197, 32], strides = [1, 1]} : vector<197x1152xf32> to vector<197x32xf32>
    %dot_general3A_223 = arith.constant dense<0.000000e+00> : vector<197x197xf32>
    %dot_general3A_224 = tpu.matmul %slice3A_220, %slice3A_221, %dot_general3A_223 {dimension_numbers = #tpu.dot_dimension_numbers<[1], [1], [0], [0], [0, 0, 1, 0], [], []>, transpose_lhs_hint = false} : vector<197x32xf32>, vector<197x32xf32>, vector<197x197xf32> -> vector<197x197xf32>
    %mul3A_225 = arith.constant 0.176776692 : f32
    %mul3A_226 = vector.broadcast %mul3A_225 : f32 to vector<197x197xf32>
    %mul3A_227 = arith.mulf %dot_general3A_224, %mul3A_226 : vector<197x197xf32>
    %exp3A_228 = math.exp %mul3A_227 : vector<197x197xf32>
    %reduce_sum3A_229 = arith.constant dense<0.000000e+00> : vector<197xf32>
    %reduce_sum3A_230 = vector.multi_reduction <add>, %exp3A_228, %reduce_sum3A_229 [1] : vector<197x197xf32> to vector<197xf32>
    %broadcast_in_dim3A_231 = vector.shape_cast %reduce_sum3A_230 : vector<197xf32> to vector<197x1xf32>
    %div3A_232 = vector.broadcast %broadcast_in_dim3A_231 : vector<197x1xf32> to vector<197x197xf32>
    %div3A_233 = arith.divf %exp3A_228, %div3A_232 : vector<197x197xf32>
    %dot_general3A_234 = arith.constant dense<0.000000e+00> : vector<197x32xf32>
    %dot_general3A_235 = tpu.matmul %div3A_233, %slice3A_222, %dot_general3A_234 {dimension_numbers = #tpu.dot_dimension_numbers<[1], [0], [0], [1], [0, 0, 1, 1], [], []>, transpose_lhs_hint = false} : vector<197x197xf32>, vector<197x32xf32>, vector<197x32xf32> -> vector<197x32xf32>
    %slice3A_236 = vector.extract_strided_slice %add3A_61 {offsets = [0, 352], sizes = [197, 32], strides = [1, 1]} : vector<197x1152xf32> to vector<197x32xf32>
    %slice3A_237 = vector.extract_strided_slice %add3A_61 {offsets = [0, 736], sizes = [197, 32], strides = [1, 1]} : vector<197x1152xf32> to vector<197x32xf32>
    %slice3A_238 = vector.extract_strided_slice %add3A_61 {offsets = [0, 1120], sizes = [197, 32], strides = [1, 1]} : vector<197x1152xf32> to vector<197x32xf32>
    %dot_general3A_239 = arith.constant dense<0.000000e+00> : vector<197x197xf32>
    %dot_general3A_240 = tpu.matmul %slice3A_236, %slice3A_237, %dot_general3A_239 {dimension_numbers = #tpu.dot_dimension_numbers<[1], [1], [0], [0], [0, 0, 1, 0], [], []>, transpose_lhs_hint = false} : vector<197x32xf32>, vector<197x32xf32>, vector<197x197xf32> -> vector<197x197xf32>
    %mul3A_241 = arith.constant 0.176776692 : f32
    %mul3A_242 = vector.broadcast %mul3A_241 : f32 to vector<197x197xf32>
    %mul3A_243 = arith.mulf %dot_general3A_240, %mul3A_242 : vector<197x197xf32>
    %exp3A_244 = math.exp %mul3A_243 : vector<197x197xf32>
    %reduce_sum3A_245 = arith.constant dense<0.000000e+00> : vector<197xf32>
    %reduce_sum3A_246 = vector.multi_reduction <add>, %exp3A_244, %reduce_sum3A_245 [1] : vector<197x197xf32> to vector<197xf32>
    %broadcast_in_dim3A_247 = vector.shape_cast %reduce_sum3A_246 : vector<197xf32> to vector<197x1xf32>
    %div3A_248 = vector.broadcast %broadcast_in_dim3A_247 : vector<197x1xf32> to vector<197x197xf32>
    %div3A_249 = arith.divf %exp3A_244, %div3A_248 : vector<197x197xf32>
    %dot_general3A_250 = arith.constant dense<0.000000e+00> : vector<197x32xf32>
    %dot_general3A_251 = tpu.matmul %div3A_249, %slice3A_238, %dot_general3A_250 {dimension_numbers = #tpu.dot_dimension_numbers<[1], [0], [0], [1], [0, 0, 1, 1], [], []>, transpose_lhs_hint = false} : vector<197x197xf32>, vector<197x32xf32>, vector<197x32xf32> -> vector<197x32xf32>
    %concatenate3A = tpu.concatenate %dot_general3A_75, %dot_general3A_91, %dot_general3A_107, %dot_general3A_123, %dot_general3A_139, %dot_general3A_155, %dot_general3A_171, %dot_general3A_187, %dot_general3A_203, %dot_general3A_219, %dot_general3A_235, %dot_general3A_251 in 1 : vector<197x32xf32>, vector<197x32xf32>, vector<197x32xf32>, vector<197x32xf32>, vector<197x32xf32>, vector<197x32xf32>, vector<197x32xf32>, vector<197x32xf32>, vector<197x32xf32>, vector<197x32xf32>, vector<197x32xf32>, vector<197x32xf32> -> vector<197x384xf32>
    %get3A_252 = arith.constant 0 : index
    %get3A_253 = arith.constant 0 : index
    %get3A_254 = arith.constant 0 : index
    %get3A_255 = vector.load %arg8[%get3A_252, %get3A_253, %get3A_254] : memref<1x384x384xf32, #tpu.memory_space<vmem>>, vector<1x384x384xf32>
    %get3A_256 = vector.shape_cast %get3A_255 : vector<1x384x384xf32> to vector<384x384xf32>
    %dot_general3A_257 = arith.constant dense<0.000000e+00> : vector<197x384xf32>
    %dot_general3A_258 = tpu.matmul %concatenate3A, %get3A_256, %dot_general3A_257 {dimension_numbers = #tpu.dot_dimension_numbers<[1], [0], [0], [1], [0, 0, 1, 1], [], []>, transpose_lhs_hint = false} : vector<197x384xf32>, vector<384x384xf32>, vector<197x384xf32> -> vector<197x384xf32>
    %get3A_259 = arith.constant 0 : index
    %get3A_260 = arith.constant 0 : index
    %get3A_261 = arith.constant 0 : index
    %get3A_262 = vector.load %arg9[%get3A_259, %get3A_260, %get3A_261] : memref<1x1x384xf32, #tpu.memory_space<vmem>>, vector<1x1x384xf32>
    %get3A_263 = vector.shape_cast %get3A_262 : vector<1x1x384xf32> to vector<1x384xf32>
    %add3A_264 = vector.broadcast %get3A_263 : vector<1x384xf32> to vector<197x384xf32>
    %add3A_265 = arith.addf %dot_general3A_258, %add3A_264 : vector<197x384xf32>
    %add3A_266 = arith.addf %add3A, %add3A_265 : vector<197x384xf32>
    %swap3A = arith.constant 0 : index
    %swap3A_267 = arith.constant 0 : index
    %swap3A_268 = arith.constant 0 : index
    %swap3A_269 = vector.load %arg10[%swap3A, %swap3A_267, %swap3A_268] : memref<1x197x384xf32, #tpu.memory_space<vmem>>, vector<1x197x384xf32>
    %swap3A_270 = vector.shape_cast %swap3A_269 : vector<1x197x384xf32> to vector<197x384xf32>
    %swap3A_271 = vector.shape_cast %add3A_266 : vector<197x384xf32> to vector<1x197x384xf32>
    tpu.vector_store %arg10[%swap3A, %swap3A_267, %swap3A_268], %swap3A_271 {strides = array<i32>} : memref<1x197x384xf32, #tpu.memory_space<vmem>>, vector<1x197x384xf32>,
    return
  }
  func.func @transform_0(%arg0: i32) -> (i32, i32, i32) {
    %c0_i32 = arith.constant 0 : i32
    %c0_i32_0 = arith.constant 0 : i32
    %c0_i32_1 = arith.constant 0 : i32
    return %arg0, %c0_i32, %c0_i32_0 : i32, i32, i32
  }
  func.func @transform_1(%arg0: i32) -> (i32, i32, i32) {
    %c0_i32 = arith.constant 0 : i32
    %c0_i32_0 = arith.constant 0 : i32
    %c0_i32_1 = arith.constant 0 : i32
    return %arg0, %c0_i32, %c0_i32_0 : i32, i32, i32
  }
  func.func @transform_2(%arg0: i32) -> (i32, i32, i32) {
    %c0_i32 = arith.constant 0 : i32
    %c0_i32_0 = arith.constant 0 : i32
    %c0_i32_1 = arith.constant 0 : i32
    return %arg0, %c0_i32, %c0_i32_0 : i32, i32, i32
  }
  func.func @transform_3(%arg0: i32) -> (i32, i32, i32) {
    %c1_i32 = arith.constant 1 : i32
    %c0_i32 = arith.constant 0 : i32
    %c0_i32_0 = arith.constant 0 : i32
    %c0_i32_1 = arith.constant 0 : i32
    return %c1_i32, %c0_i32, %c0_i32_0 : i32, i32, i32
  }
  func.func @transform_4(%arg0: i32) -> (i32, i32, i32) {
    %c1_i32 = arith.constant 1 : i32
    %c0_i32 = arith.constant 0 : i32
    %c0_i32_0 = arith.constant 0 : i32
    %c0_i32_1 = arith.constant 0 : i32
    return %c1_i32, %c0_i32, %c0_i32_0 : i32, i32, i32
  }
  func.func @transform_5(%arg0: i32) -> (i32, i32, i32) {
    %c1_i32 = arith.constant 1 : i32
    %c0_i32 = arith.constant 0 : i32
    %c0_i32_0 = arith.constant 0 : i32
    %c0_i32_1 = arith.constant 0 : i32
    return %c1_i32, %c0_i32, %c0_i32_0 : i32, i32, i32
  }
  func.func @transform_6(%arg0: i32) -> (i32, i32, i32) {
    %c1_i32 = arith.constant 1 : i32
    %c0_i32 = arith.constant 0 : i32
    %c0_i32_0 = arith.constant 0 : i32
    %c0_i32_1 = arith.constant 0 : i32
    return %c1_i32, %c0_i32, %c0_i32_0 : i32, i32, i32
  }
  func.func @transform_7(%arg0: i32) -> (i32, i32, i32) {
    %c1_i32 = arith.constant 1 : i32
    %c0_i32 = arith.constant 0 : i32
    %c0_i32_0 = arith.constant 0 : i32
    %c0_i32_1 = arith.constant 0 : i32
    return %c1_i32, %c0_i32, %c0_i32_0 : i32, i32, i32
  }
  func.func @transform_8(%arg0: i32) -> (i32, i32, i32) {
    %c1_i32 = arith.constant 1 : i32
    %c0_i32 = arith.constant 0 : i32
    %c0_i32_0 = arith.constant 0 : i32
    %c0_i32_1 = arith.constant 0 : i32
    return %c1_i32, %c0_i32, %c0_i32_0 : i32, i32, i32
  }
  func.func @transform_9(%arg0: i32) -> (i32, i32, i32) {
    %c0_i32 = arith.constant 0 : i32
    %c0_i32_0 = arith.constant 0 : i32
    %c0_i32_1 = arith.constant 0 : i32
    return %arg0, %c0_i32, %c0_i32_0 : i32, i32, i32
  }
}

module attributes {stable_mosaic.version = 14 : i64} {
  func.func @_router_body(%arg0: i32, %arg1: memref<3152x384xf32, #tpu.memory_space<vmem>>, %arg2: memref<1x1x384xf32, #tpu.memory_space<vmem>>, %arg3: memref<1x1x384xf32, #tpu.memory_space<vmem>>, %arg4: memref<1x384x64xf32, #tpu.memory_space<vmem>>, %arg5: memref<197x197xf32, #tpu.memory_space<vmem>>, %arg6: memref<3152x384xf32, #tpu.memory_space<vmem>>, %arg7: memref<3152x1xi32, #tpu.memory_space<vmem>>, %arg8: memref<3152x1xf32, #tpu.memory_space<vmem>>) attributes {dimension_semantics = [#tpu.dimension_semantics<arbitrary>], iteration_bounds = array<i64: 1>, scalar_prefetch = 0 : i64, scratch_operands = 0 : i64, tpu.core_type = #tpu.core_type<tc>, window_params = [{pipeline_mode = #tpu.pipeline_mode<synchronous>, transform_indices = @transform_0, window_bounds = array<i64: 3152, 384>}, {transform_indices = @transform_1, window_bounds = array<i64: 1, 1, 384>}, {transform_indices = @transform_2, window_bounds = array<i64: 1, 1, 384>}, {transform_indices = @transform_3, window_bounds = array<i64: 1, 384, 64>}, {pipeline_mode = #tpu.pipeline_mode<synchronous>, transform_indices = @transform_4, window_bounds = array<i64: 197, 197>}, {pipeline_mode = #tpu.pipeline_mode<synchronous>, transform_indices = @transform_5, window_bounds = array<i64: 3152, 384>}, {pipeline_mode = #tpu.pipeline_mode<synchronous>, transform_indices = @transform_6, window_bounds = array<i64: 3152, 1>}, {pipeline_mode = #tpu.pipeline_mode<synchronous>, transform_indices = @transform_7, window_bounds = array<i64: 3152, 1>}]} {
    %get3A = arith.constant 0 : index
    %get3A_0 = arith.constant 0 : index
    %get3A_1 = vector.load %arg1[%get3A, %get3A_0] : memref<3152x384xf32, #tpu.memory_space<vmem>>, vector<3152x384xf32>
    %get3A_2 = arith.constant 0 : index
    %get3A_3 = arith.constant 0 : index
    %get3A_4 = arith.constant 0 : index
    %get3A_5 = vector.load %arg2[%get3A_2, %get3A_3, %get3A_4] : memref<1x1x384xf32, #tpu.memory_space<vmem>>, vector<1x1x384xf32>
    %get3A_6 = vector.shape_cast %get3A_5 : vector<1x1x384xf32> to vector<1x384xf32>
    %get3A_7 = arith.constant 0 : index
    %get3A_8 = arith.constant 0 : index
    %get3A_9 = arith.constant 0 : index
    %get3A_10 = vector.load %arg3[%get3A_7, %get3A_8, %get3A_9] : memref<1x1x384xf32, #tpu.memory_space<vmem>>, vector<1x1x384xf32>
    %get3A_11 = vector.shape_cast %get3A_10 : vector<1x1x384xf32> to vector<1x384xf32>
    %reduce_sum3A = arith.constant dense<0.000000e+00> : vector<3152xf32>
    %reduce_sum3A_12 = vector.multi_reduction <add>, %get3A_1, %reduce_sum3A [1] : vector<3152x384xf32> to vector<3152xf32>
    %broadcast_in_dim3A = vector.shape_cast %reduce_sum3A_12 : vector<3152xf32> to vector<3152x1xf32>
    %div3A = arith.constant 3.840000e+02 : f32
    %div3A_13 = vector.broadcast %div3A : f32 to vector<3152x1xf32>
    %div3A_14 = arith.divf %broadcast_in_dim3A, %div3A_13 : vector<3152x1xf32>
    %sub3A = vector.broadcast %div3A_14 : vector<3152x1xf32> to vector<3152x384xf32>
    %sub3A_15 = arith.subf %get3A_1, %sub3A : vector<3152x384xf32>
    %sub3A_16 = vector.broadcast %div3A_14 : vector<3152x1xf32> to vector<3152x384xf32>
    %sub3A_17 = arith.subf %get3A_1, %sub3A_16 : vector<3152x384xf32>
    %mul3A = arith.mulf %sub3A_15, %sub3A_17 : vector<3152x384xf32>
    %reduce_sum3A_18 = arith.constant dense<0.000000e+00> : vector<3152xf32>
    %reduce_sum3A_19 = vector.multi_reduction <add>, %mul3A, %reduce_sum3A_18 [1] : vector<3152x384xf32> to vector<3152xf32>
    %broadcast_in_dim3A_20 = vector.shape_cast %reduce_sum3A_19 : vector<3152xf32> to vector<3152x1xf32>
    %div3A_21 = arith.constant 3.840000e+02 : f32
    %div3A_22 = vector.broadcast %div3A_21 : f32 to vector<3152x1xf32>
    %div3A_23 = arith.divf %broadcast_in_dim3A_20, %div3A_22 : vector<3152x1xf32>
    %sub3A_24 = vector.broadcast %div3A_14 : vector<3152x1xf32> to vector<3152x384xf32>
    %sub3A_25 = arith.subf %get3A_1, %sub3A_24 : vector<3152x384xf32>
    %add3A = arith.constant 9.99999997E-7 : f32
    %add3A_26 = vector.broadcast %add3A : f32 to vector<3152x1xf32>
    %add3A_27 = arith.addf %div3A_23, %add3A_26 : vector<3152x1xf32>
    %rsqrt3A = math.rsqrt %add3A_27 : vector<3152x1xf32>
    %mul3A_28 = vector.broadcast %rsqrt3A : vector<3152x1xf32> to vector<3152x384xf32>
    %mul3A_29 = arith.mulf %sub3A_25, %mul3A_28 : vector<3152x384xf32>
    %mul3A_30 = vector.broadcast %get3A_6 : vector<1x384xf32> to vector<3152x384xf32>
    %mul3A_31 = arith.mulf %mul3A_29, %mul3A_30 : vector<3152x384xf32>
    %add3A_32 = vector.broadcast %get3A_11 : vector<1x384xf32> to vector<3152x384xf32>
    %add3A_33 = arith.addf %mul3A_31, %add3A_32 : vector<3152x384xf32>
    %swap3A = arith.constant 0 : index
    %swap3A_34 = arith.constant 0 : index
    %swap3A_35 = vector.load %arg6[%swap3A, %swap3A_34] : memref<3152x384xf32, #tpu.memory_space<vmem>>, vector<3152x384xf32>
    tpu.vector_store %arg6[%swap3A, %swap3A_34], %add3A_33 {strides = array<i32>} : memref<3152x384xf32, #tpu.memory_space<vmem>>, vector<3152x384xf32>,
    %get3A_36 = arith.constant 0 : index
    %get3A_37 = arith.constant 0 : index
    %get3A_38 = arith.constant 0 : index
    %get3A_39 = vector.load %arg4[%get3A_36, %get3A_37, %get3A_38] : memref<1x384x64xf32, #tpu.memory_space<vmem>>, vector<1x384x64xf32>
    %get3A_40 = vector.shape_cast %get3A_39 : vector<1x384x64xf32> to vector<384x64xf32>
    %dot_general3A = arith.constant dense<0.000000e+00> : vector<3152x64xf32>
    %dot_general3A_41 = tpu.matmul %add3A_33, %get3A_40, %dot_general3A {dimension_numbers = #tpu.dot_dimension_numbers<[1], [0], [0], [1], [0, 0, 1, 1], [], []>, transpose_lhs_hint = false} : vector<3152x384xf32>, vector<384x64xf32>, vector<3152x64xf32> -> vector<3152x64xf32>
    %reduce_max3A = arith.constant dense<0xFF800000> : vector<3152xf32>
    %reduce_max3A_42 = vector.multi_reduction <maximumf>, %dot_general3A_41, %reduce_max3A [1] : vector<3152x64xf32> to vector<3152xf32>
    %broadcast_in_dim3A_43 = vector.shape_cast %reduce_max3A_42 : vector<3152xf32> to vector<3152x1xf32>
    %sub3A_44 = vector.broadcast %broadcast_in_dim3A_43 : vector<3152x1xf32> to vector<3152x64xf32>
    %sub3A_45 = arith.subf %dot_general3A_41, %sub3A_44 : vector<3152x64xf32>
    %exp3A = math.exp %sub3A_45 : vector<3152x64xf32>
    %reduce_sum3A_46 = arith.constant dense<0.000000e+00> : vector<3152xf32>
    %reduce_sum3A_47 = vector.multi_reduction <add>, %exp3A, %reduce_sum3A_46 [1] : vector<3152x64xf32> to vector<3152xf32>
    %broadcast_in_dim3A_48 = vector.shape_cast %reduce_sum3A_47 : vector<3152xf32> to vector<3152x1xf32>
    %div3A_49 = arith.constant 1.000000e+00 : f32
    %div3A_50 = vector.broadcast %div3A_49 : f32 to vector<3152x1xf32>
    %div3A_51 = arith.divf %div3A_50, %broadcast_in_dim3A_48 : vector<3152x1xf32>
    %iota3A = tpu.iota {dimensions = array<i32: 1>} : vector<3152x64xi32>
    %eq3A = vector.broadcast %broadcast_in_dim3A_43 : vector<3152x1xf32> to vector<3152x64xf32>
    %eq3A_52 = arith.cmpf oeq, %dot_general3A_41, %eq3A : vector<3152x64xf32>
    %jit3A = arith.constant 64 : i32
    %broadcast_in_dim3A_53 = vector.broadcast %jit3A : i32 to vector<3152x64xi32>
    %select_n3A = arith.select %eq3A_52, %iota3A, %broadcast_in_dim3A_53 : vector<3152x64xi1>, vector<3152x64xi32>
    %reduce_min3A = arith.constant dense<2147483647> : vector<3152xi32>
    %reduce_min3A_54 = vector.multi_reduction <minsi>, %select_n3A, %reduce_min3A [1] : vector<3152x64xi32> to vector<3152xi32>
    %broadcast_in_dim3A_55 = vector.shape_cast %reduce_min3A_54 : vector<3152xi32> to vector<3152x1xi32>
    %get3A_56 = arith.constant 0 : index
    %get3A_57 = arith.constant 0 : index
    %get3A_58 = vector.load %arg5[%get3A_56, %get3A_57] : memref<197x197xf32, #tpu.memory_space<vmem>>, vector<197x197xf32>
    %iota3A_59 = tpu.iota {dimensions = array<i32: 1>} : vector<197x64xi32>
    %broadcast_in_dim3A_60 = arith.constant 0.000000e+00 : f32
    %broadcast_in_dim3A_61 = vector.broadcast %broadcast_in_dim3A_60 : f32 to vector<1x64xf32>
    %slice3A = vector.extract_strided_slice %broadcast_in_dim3A_55 {offsets = [0, 0], sizes = [197, 1], strides = [1, 1]} : vector<3152x1xi32> to vector<197x1xi32>
    %eq3A_62 = vector.broadcast %slice3A : vector<197x1xi32> to vector<197x64xi32>
    %eq3A_63 = arith.cmpi eq, %eq3A_62, %iota3A_59 : vector<197x64xi32>
    %convert_element_type3A = arith.extui %eq3A_63 : vector<197x64xi1> to vector<197x64xi32>
    %convert_element_type3A_64 = arith.sitofp %convert_element_type3A : vector<197x64xi32> to vector<197x64xf32>
    %dot_general3A_65 = arith.constant dense<0.000000e+00> : vector<197x64xf32>
    %dot_general3A_66 = tpu.matmul %get3A_58, %convert_element_type3A_64, %dot_general3A_65 {dimension_numbers = #tpu.dot_dimension_numbers<[1], [0], [0], [1], [0, 0, 1, 1], [], []>, transpose_lhs_hint = false} : vector<197x197xf32>, vector<197x64xf32>, vector<197x64xf32> -> vector<197x64xf32>
    %add3A_67 = vector.broadcast %broadcast_in_dim3A_61 : vector<1x64xf32> to vector<197x64xf32>
    %add3A_68 = arith.addf %dot_general3A_66, %add3A_67 : vector<197x64xf32>
    %sub3A_69 = arith.constant 1.000000e+00 : f32
    %sub3A_70 = vector.broadcast %sub3A_69 : f32 to vector<197x64xf32>
    %sub3A_71 = arith.subf %add3A_68, %sub3A_70 : vector<197x64xf32>
    %mul3A_72 = arith.mulf %sub3A_71, %convert_element_type3A_64 : vector<197x64xf32>
    %reduce_sum3A_73 = arith.constant dense<0.000000e+00> : vector<197xf32>
    %reduce_sum3A_74 = vector.multi_reduction <add>, %mul3A_72, %reduce_sum3A_73 [1] : vector<197x64xf32> to vector<197xf32>
    %broadcast_in_dim3A_75 = vector.shape_cast %reduce_sum3A_74 : vector<197xf32> to vector<197x1xf32>
    %reduce_sum3A_76 = arith.constant dense<0.000000e+00> : vector<64xf32>
    %reduce_sum3A_77 = vector.multi_reduction <add>, %convert_element_type3A_64, %reduce_sum3A_76 [0] : vector<197x64xf32> to vector<64xf32>
    %broadcast_in_dim3A_78 = vector.shape_cast %reduce_sum3A_77 : vector<64xf32> to vector<1x64xf32>
    %add3A_79 = arith.addf %broadcast_in_dim3A_61, %broadcast_in_dim3A_78 : vector<1x64xf32>
    %slice3A_80 = vector.extract_strided_slice %broadcast_in_dim3A_55 {offsets = [197, 0], sizes = [197, 1], strides = [1, 1]} : vector<3152x1xi32> to vector<197x1xi32>
    %eq3A_81 = vector.broadcast %slice3A_80 : vector<197x1xi32> to vector<197x64xi32>
    %eq3A_82 = arith.cmpi eq, %eq3A_81, %iota3A_59 : vector<197x64xi32>
    %convert_element_type3A_83 = arith.extui %eq3A_82 : vector<197x64xi1> to vector<197x64xi32>
    %convert_element_type3A_84 = arith.sitofp %convert_element_type3A_83 : vector<197x64xi32> to vector<197x64xf32>
    %dot_general3A_85 = arith.constant dense<0.000000e+00> : vector<197x64xf32>
    %dot_general3A_86 = tpu.matmul %get3A_58, %convert_element_type3A_84, %dot_general3A_85 {dimension_numbers = #tpu.dot_dimension_numbers<[1], [0], [0], [1], [0, 0, 1, 1], [], []>, transpose_lhs_hint = false} : vector<197x197xf32>, vector<197x64xf32>, vector<197x64xf32> -> vector<197x64xf32>
    %add3A_87 = vector.broadcast %add3A_79 : vector<1x64xf32> to vector<197x64xf32>
    %add3A_88 = arith.addf %dot_general3A_86, %add3A_87 : vector<197x64xf32>
    %sub3A_89 = arith.constant 1.000000e+00 : f32
    %sub3A_90 = vector.broadcast %sub3A_89 : f32 to vector<197x64xf32>
    %sub3A_91 = arith.subf %add3A_88, %sub3A_90 : vector<197x64xf32>
    %mul3A_92 = arith.mulf %sub3A_91, %convert_element_type3A_84 : vector<197x64xf32>
    %reduce_sum3A_93 = arith.constant dense<0.000000e+00> : vector<197xf32>
    %reduce_sum3A_94 = vector.multi_reduction <add>, %mul3A_92, %reduce_sum3A_93 [1] : vector<197x64xf32> to vector<197xf32>
    %broadcast_in_dim3A_95 = vector.shape_cast %reduce_sum3A_94 : vector<197xf32> to vector<197x1xf32>
    %reduce_sum3A_96 = arith.constant dense<0.000000e+00> : vector<64xf32>
    %reduce_sum3A_97 = vector.multi_reduction <add>, %convert_element_type3A_84, %reduce_sum3A_96 [0] : vector<197x64xf32> to vector<64xf32>
    %broadcast_in_dim3A_98 = vector.shape_cast %reduce_sum3A_97 : vector<64xf32> to vector<1x64xf32>
    %add3A_99 = arith.addf %add3A_79, %broadcast_in_dim3A_98 : vector<1x64xf32>
    %slice3A_100 = vector.extract_strided_slice %broadcast_in_dim3A_55 {offsets = [394, 0], sizes = [197, 1], strides = [1, 1]} : vector<3152x1xi32> to vector<197x1xi32>
    %eq3A_101 = vector.broadcast %slice3A_100 : vector<197x1xi32> to vector<197x64xi32>
    %eq3A_102 = arith.cmpi eq, %eq3A_101, %iota3A_59 : vector<197x64xi32>
    %convert_element_type3A_103 = arith.extui %eq3A_102 : vector<197x64xi1> to vector<197x64xi32>
    %convert_element_type3A_104 = arith.sitofp %convert_element_type3A_103 : vector<197x64xi32> to vector<197x64xf32>
    %dot_general3A_105 = arith.constant dense<0.000000e+00> : vector<197x64xf32>
    %dot_general3A_106 = tpu.matmul %get3A_58, %convert_element_type3A_104, %dot_general3A_105 {dimension_numbers = #tpu.dot_dimension_numbers<[1], [0], [0], [1], [0, 0, 1, 1], [], []>, transpose_lhs_hint = false} : vector<197x197xf32>, vector<197x64xf32>, vector<197x64xf32> -> vector<197x64xf32>
    %add3A_107 = vector.broadcast %add3A_99 : vector<1x64xf32> to vector<197x64xf32>
    %add3A_108 = arith.addf %dot_general3A_106, %add3A_107 : vector<197x64xf32>
    %sub3A_109 = arith.constant 1.000000e+00 : f32
    %sub3A_110 = vector.broadcast %sub3A_109 : f32 to vector<197x64xf32>
    %sub3A_111 = arith.subf %add3A_108, %sub3A_110 : vector<197x64xf32>
    %mul3A_112 = arith.mulf %sub3A_111, %convert_element_type3A_104 : vector<197x64xf32>
    %reduce_sum3A_113 = arith.constant dense<0.000000e+00> : vector<197xf32>
    %reduce_sum3A_114 = vector.multi_reduction <add>, %mul3A_112, %reduce_sum3A_113 [1] : vector<197x64xf32> to vector<197xf32>
    %broadcast_in_dim3A_115 = vector.shape_cast %reduce_sum3A_114 : vector<197xf32> to vector<197x1xf32>
    %reduce_sum3A_116 = arith.constant dense<0.000000e+00> : vector<64xf32>
    %reduce_sum3A_117 = vector.multi_reduction <add>, %convert_element_type3A_104, %reduce_sum3A_116 [0] : vector<197x64xf32> to vector<64xf32>
    %broadcast_in_dim3A_118 = vector.shape_cast %reduce_sum3A_117 : vector<64xf32> to vector<1x64xf32>
    %add3A_119 = arith.addf %add3A_99, %broadcast_in_dim3A_118 : vector<1x64xf32>
    %slice3A_120 = vector.extract_strided_slice %broadcast_in_dim3A_55 {offsets = [591, 0], sizes = [197, 1], strides = [1, 1]} : vector<3152x1xi32> to vector<197x1xi32>
    %eq3A_121 = vector.broadcast %slice3A_120 : vector<197x1xi32> to vector<197x64xi32>
    %eq3A_122 = arith.cmpi eq, %eq3A_121, %iota3A_59 : vector<197x64xi32>
    %convert_element_type3A_123 = arith.extui %eq3A_122 : vector<197x64xi1> to vector<197x64xi32>
    %convert_element_type3A_124 = arith.sitofp %convert_element_type3A_123 : vector<197x64xi32> to vector<197x64xf32>
    %dot_general3A_125 = arith.constant dense<0.000000e+00> : vector<197x64xf32>
    %dot_general3A_126 = tpu.matmul %get3A_58, %convert_element_type3A_124, %dot_general3A_125 {dimension_numbers = #tpu.dot_dimension_numbers<[1], [0], [0], [1], [0, 0, 1, 1], [], []>, transpose_lhs_hint = false} : vector<197x197xf32>, vector<197x64xf32>, vector<197x64xf32> -> vector<197x64xf32>
    %add3A_127 = vector.broadcast %add3A_119 : vector<1x64xf32> to vector<197x64xf32>
    %add3A_128 = arith.addf %dot_general3A_126, %add3A_127 : vector<197x64xf32>
    %sub3A_129 = arith.constant 1.000000e+00 : f32
    %sub3A_130 = vector.broadcast %sub3A_129 : f32 to vector<197x64xf32>
    %sub3A_131 = arith.subf %add3A_128, %sub3A_130 : vector<197x64xf32>
    %mul3A_132 = arith.mulf %sub3A_131, %convert_element_type3A_124 : vector<197x64xf32>
    %reduce_sum3A_133 = arith.constant dense<0.000000e+00> : vector<197xf32>
    %reduce_sum3A_134 = vector.multi_reduction <add>, %mul3A_132, %reduce_sum3A_133 [1] : vector<197x64xf32> to vector<197xf32>
    %broadcast_in_dim3A_135 = vector.shape_cast %reduce_sum3A_134 : vector<197xf32> to vector<197x1xf32>
    %reduce_sum3A_136 = arith.constant dense<0.000000e+00> : vector<64xf32>
    %reduce_sum3A_137 = vector.multi_reduction <add>, %convert_element_type3A_124, %reduce_sum3A_136 [0] : vector<197x64xf32> to vector<64xf32>
    %broadcast_in_dim3A_138 = vector.shape_cast %reduce_sum3A_137 : vector<64xf32> to vector<1x64xf32>
    %add3A_139 = arith.addf %add3A_119, %broadcast_in_dim3A_138 : vector<1x64xf32>
    %slice3A_140 = vector.extract_strided_slice %broadcast_in_dim3A_55 {offsets = [788, 0], sizes = [197, 1], strides = [1, 1]} : vector<3152x1xi32> to vector<197x1xi32>
    %eq3A_141 = vector.broadcast %slice3A_140 : vector<197x1xi32> to vector<197x64xi32>
    %eq3A_142 = arith.cmpi eq, %eq3A_141, %iota3A_59 : vector<197x64xi32>
    %convert_element_type3A_143 = arith.extui %eq3A_142 : vector<197x64xi1> to vector<197x64xi32>
    %convert_element_type3A_144 = arith.sitofp %convert_element_type3A_143 : vector<197x64xi32> to vector<197x64xf32>
    %dot_general3A_145 = arith.constant dense<0.000000e+00> : vector<197x64xf32>
    %dot_general3A_146 = tpu.matmul %get3A_58, %convert_element_type3A_144, %dot_general3A_145 {dimension_numbers = #tpu.dot_dimension_numbers<[1], [0], [0], [1], [0, 0, 1, 1], [], []>, transpose_lhs_hint = false} : vector<197x197xf32>, vector<197x64xf32>, vector<197x64xf32> -> vector<197x64xf32>
    %add3A_147 = vector.broadcast %add3A_139 : vector<1x64xf32> to vector<197x64xf32>
    %add3A_148 = arith.addf %dot_general3A_146, %add3A_147 : vector<197x64xf32>
    %sub3A_149 = arith.constant 1.000000e+00 : f32
    %sub3A_150 = vector.broadcast %sub3A_149 : f32 to vector<197x64xf32>
    %sub3A_151 = arith.subf %add3A_148, %sub3A_150 : vector<197x64xf32>
    %mul3A_152 = arith.mulf %sub3A_151, %convert_element_type3A_144 : vector<197x64xf32>
    %reduce_sum3A_153 = arith.constant dense<0.000000e+00> : vector<197xf32>
    %reduce_sum3A_154 = vector.multi_reduction <add>, %mul3A_152, %reduce_sum3A_153 [1] : vector<197x64xf32> to vector<197xf32>
    %broadcast_in_dim3A_155 = vector.shape_cast %reduce_sum3A_154 : vector<197xf32> to vector<197x1xf32>
    %reduce_sum3A_156 = arith.constant dense<0.000000e+00> : vector<64xf32>
    %reduce_sum3A_157 = vector.multi_reduction <add>, %convert_element_type3A_144, %reduce_sum3A_156 [0] : vector<197x64xf32> to vector<64xf32>
    %broadcast_in_dim3A_158 = vector.shape_cast %reduce_sum3A_157 : vector<64xf32> to vector<1x64xf32>
    %add3A_159 = arith.addf %add3A_139, %broadcast_in_dim3A_158 : vector<1x64xf32>
    %slice3A_160 = vector.extract_strided_slice %broadcast_in_dim3A_55 {offsets = [985, 0], sizes = [197, 1], strides = [1, 1]} : vector<3152x1xi32> to vector<197x1xi32>
    %eq3A_161 = vector.broadcast %slice3A_160 : vector<197x1xi32> to vector<197x64xi32>
    %eq3A_162 = arith.cmpi eq, %eq3A_161, %iota3A_59 : vector<197x64xi32>
    %convert_element_type3A_163 = arith.extui %eq3A_162 : vector<197x64xi1> to vector<197x64xi32>
    %convert_element_type3A_164 = arith.sitofp %convert_element_type3A_163 : vector<197x64xi32> to vector<197x64xf32>
    %dot_general3A_165 = arith.constant dense<0.000000e+00> : vector<197x64xf32>
    %dot_general3A_166 = tpu.matmul %get3A_58, %convert_element_type3A_164, %dot_general3A_165 {dimension_numbers = #tpu.dot_dimension_numbers<[1], [0], [0], [1], [0, 0, 1, 1], [], []>, transpose_lhs_hint = false} : vector<197x197xf32>, vector<197x64xf32>, vector<197x64xf32> -> vector<197x64xf32>
    %add3A_167 = vector.broadcast %add3A_159 : vector<1x64xf32> to vector<197x64xf32>
    %add3A_168 = arith.addf %dot_general3A_166, %add3A_167 : vector<197x64xf32>
    %sub3A_169 = arith.constant 1.000000e+00 : f32
    %sub3A_170 = vector.broadcast %sub3A_169 : f32 to vector<197x64xf32>
    %sub3A_171 = arith.subf %add3A_168, %sub3A_170 : vector<197x64xf32>
    %mul3A_172 = arith.mulf %sub3A_171, %convert_element_type3A_164 : vector<197x64xf32>
    %reduce_sum3A_173 = arith.constant dense<0.000000e+00> : vector<197xf32>
    %reduce_sum3A_174 = vector.multi_reduction <add>, %mul3A_172, %reduce_sum3A_173 [1] : vector<197x64xf32> to vector<197xf32>
    %broadcast_in_dim3A_175 = vector.shape_cast %reduce_sum3A_174 : vector<197xf32> to vector<197x1xf32>
    %reduce_sum3A_176 = arith.constant dense<0.000000e+00> : vector<64xf32>
    %reduce_sum3A_177 = vector.multi_reduction <add>, %convert_element_type3A_164, %reduce_sum3A_176 [0] : vector<197x64xf32> to vector<64xf32>
    %broadcast_in_dim3A_178 = vector.shape_cast %reduce_sum3A_177 : vector<64xf32> to vector<1x64xf32>
    %add3A_179 = arith.addf %add3A_159, %broadcast_in_dim3A_178 : vector<1x64xf32>
    %slice3A_180 = vector.extract_strided_slice %broadcast_in_dim3A_55 {offsets = [1182, 0], sizes = [197, 1], strides = [1, 1]} : vector<3152x1xi32> to vector<197x1xi32>
    %eq3A_181 = vector.broadcast %slice3A_180 : vector<197x1xi32> to vector<197x64xi32>
    %eq3A_182 = arith.cmpi eq, %eq3A_181, %iota3A_59 : vector<197x64xi32>
    %convert_element_type3A_183 = arith.extui %eq3A_182 : vector<197x64xi1> to vector<197x64xi32>
    %convert_element_type3A_184 = arith.sitofp %convert_element_type3A_183 : vector<197x64xi32> to vector<197x64xf32>
    %dot_general3A_185 = arith.constant dense<0.000000e+00> : vector<197x64xf32>
    %dot_general3A_186 = tpu.matmul %get3A_58, %convert_element_type3A_184, %dot_general3A_185 {dimension_numbers = #tpu.dot_dimension_numbers<[1], [0], [0], [1], [0, 0, 1, 1], [], []>, transpose_lhs_hint = false} : vector<197x197xf32>, vector<197x64xf32>, vector<197x64xf32> -> vector<197x64xf32>
    %add3A_187 = vector.broadcast %add3A_179 : vector<1x64xf32> to vector<197x64xf32>
    %add3A_188 = arith.addf %dot_general3A_186, %add3A_187 : vector<197x64xf32>
    %sub3A_189 = arith.constant 1.000000e+00 : f32
    %sub3A_190 = vector.broadcast %sub3A_189 : f32 to vector<197x64xf32>
    %sub3A_191 = arith.subf %add3A_188, %sub3A_190 : vector<197x64xf32>
    %mul3A_192 = arith.mulf %sub3A_191, %convert_element_type3A_184 : vector<197x64xf32>
    %reduce_sum3A_193 = arith.constant dense<0.000000e+00> : vector<197xf32>
    %reduce_sum3A_194 = vector.multi_reduction <add>, %mul3A_192, %reduce_sum3A_193 [1] : vector<197x64xf32> to vector<197xf32>
    %broadcast_in_dim3A_195 = vector.shape_cast %reduce_sum3A_194 : vector<197xf32> to vector<197x1xf32>
    %reduce_sum3A_196 = arith.constant dense<0.000000e+00> : vector<64xf32>
    %reduce_sum3A_197 = vector.multi_reduction <add>, %convert_element_type3A_184, %reduce_sum3A_196 [0] : vector<197x64xf32> to vector<64xf32>
    %broadcast_in_dim3A_198 = vector.shape_cast %reduce_sum3A_197 : vector<64xf32> to vector<1x64xf32>
    %add3A_199 = arith.addf %add3A_179, %broadcast_in_dim3A_198 : vector<1x64xf32>
    %slice3A_200 = vector.extract_strided_slice %broadcast_in_dim3A_55 {offsets = [1379, 0], sizes = [197, 1], strides = [1, 1]} : vector<3152x1xi32> to vector<197x1xi32>
    %eq3A_201 = vector.broadcast %slice3A_200 : vector<197x1xi32> to vector<197x64xi32>
    %eq3A_202 = arith.cmpi eq, %eq3A_201, %iota3A_59 : vector<197x64xi32>
    %convert_element_type3A_203 = arith.extui %eq3A_202 : vector<197x64xi1> to vector<197x64xi32>
    %convert_element_type3A_204 = arith.sitofp %convert_element_type3A_203 : vector<197x64xi32> to vector<197x64xf32>
    %dot_general3A_205 = arith.constant dense<0.000000e+00> : vector<197x64xf32>
    %dot_general3A_206 = tpu.matmul %get3A_58, %convert_element_type3A_204, %dot_general3A_205 {dimension_numbers = #tpu.dot_dimension_numbers<[1], [0], [0], [1], [0, 0, 1, 1], [], []>, transpose_lhs_hint = false} : vector<197x197xf32>, vector<197x64xf32>, vector<197x64xf32> -> vector<197x64xf32>
    %add3A_207 = vector.broadcast %add3A_199 : vector<1x64xf32> to vector<197x64xf32>
    %add3A_208 = arith.addf %dot_general3A_206, %add3A_207 : vector<197x64xf32>
    %sub3A_209 = arith.constant 1.000000e+00 : f32
    %sub3A_210 = vector.broadcast %sub3A_209 : f32 to vector<197x64xf32>
    %sub3A_211 = arith.subf %add3A_208, %sub3A_210 : vector<197x64xf32>
    %mul3A_212 = arith.mulf %sub3A_211, %convert_element_type3A_204 : vector<197x64xf32>
    %reduce_sum3A_213 = arith.constant dense<0.000000e+00> : vector<197xf32>
    %reduce_sum3A_214 = vector.multi_reduction <add>, %mul3A_212, %reduce_sum3A_213 [1] : vector<197x64xf32> to vector<197xf32>
    %broadcast_in_dim3A_215 = vector.shape_cast %reduce_sum3A_214 : vector<197xf32> to vector<197x1xf32>
    %reduce_sum3A_216 = arith.constant dense<0.000000e+00> : vector<64xf32>
    %reduce_sum3A_217 = vector.multi_reduction <add>, %convert_element_type3A_204, %reduce_sum3A_216 [0] : vector<197x64xf32> to vector<64xf32>
    %broadcast_in_dim3A_218 = vector.shape_cast %reduce_sum3A_217 : vector<64xf32> to vector<1x64xf32>
    %add3A_219 = arith.addf %add3A_199, %broadcast_in_dim3A_218 : vector<1x64xf32>
    %slice3A_220 = vector.extract_strided_slice %broadcast_in_dim3A_55 {offsets = [1576, 0], sizes = [197, 1], strides = [1, 1]} : vector<3152x1xi32> to vector<197x1xi32>
    %eq3A_221 = vector.broadcast %slice3A_220 : vector<197x1xi32> to vector<197x64xi32>
    %eq3A_222 = arith.cmpi eq, %eq3A_221, %iota3A_59 : vector<197x64xi32>
    %convert_element_type3A_223 = arith.extui %eq3A_222 : vector<197x64xi1> to vector<197x64xi32>
    %convert_element_type3A_224 = arith.sitofp %convert_element_type3A_223 : vector<197x64xi32> to vector<197x64xf32>
    %dot_general3A_225 = arith.constant dense<0.000000e+00> : vector<197x64xf32>
    %dot_general3A_226 = tpu.matmul %get3A_58, %convert_element_type3A_224, %dot_general3A_225 {dimension_numbers = #tpu.dot_dimension_numbers<[1], [0], [0], [1], [0, 0, 1, 1], [], []>, transpose_lhs_hint = false} : vector<197x197xf32>, vector<197x64xf32>, vector<197x64xf32> -> vector<197x64xf32>
    %add3A_227 = vector.broadcast %add3A_219 : vector<1x64xf32> to vector<197x64xf32>
    %add3A_228 = arith.addf %dot_general3A_226, %add3A_227 : vector<197x64xf32>
    %sub3A_229 = arith.constant 1.000000e+00 : f32
    %sub3A_230 = vector.broadcast %sub3A_229 : f32 to vector<197x64xf32>
    %sub3A_231 = arith.subf %add3A_228, %sub3A_230 : vector<197x64xf32>
    %mul3A_232 = arith.mulf %sub3A_231, %convert_element_type3A_224 : vector<197x64xf32>
    %reduce_sum3A_233 = arith.constant dense<0.000000e+00> : vector<197xf32>
    %reduce_sum3A_234 = vector.multi_reduction <add>, %mul3A_232, %reduce_sum3A_233 [1] : vector<197x64xf32> to vector<197xf32>
    %broadcast_in_dim3A_235 = vector.shape_cast %reduce_sum3A_234 : vector<197xf32> to vector<197x1xf32>
    %reduce_sum3A_236 = arith.constant dense<0.000000e+00> : vector<64xf32>
    %reduce_sum3A_237 = vector.multi_reduction <add>, %convert_element_type3A_224, %reduce_sum3A_236 [0] : vector<197x64xf32> to vector<64xf32>
    %broadcast_in_dim3A_238 = vector.shape_cast %reduce_sum3A_237 : vector<64xf32> to vector<1x64xf32>
    %add3A_239 = arith.addf %add3A_219, %broadcast_in_dim3A_238 : vector<1x64xf32>
    %slice3A_240 = vector.extract_strided_slice %broadcast_in_dim3A_55 {offsets = [1773, 0], sizes = [197, 1], strides = [1, 1]} : vector<3152x1xi32> to vector<197x1xi32>
    %eq3A_241 = vector.broadcast %slice3A_240 : vector<197x1xi32> to vector<197x64xi32>
    %eq3A_242 = arith.cmpi eq, %eq3A_241, %iota3A_59 : vector<197x64xi32>
    %convert_element_type3A_243 = arith.extui %eq3A_242 : vector<197x64xi1> to vector<197x64xi32>
    %convert_element_type3A_244 = arith.sitofp %convert_element_type3A_243 : vector<197x64xi32> to vector<197x64xf32>
    %dot_general3A_245 = arith.constant dense<0.000000e+00> : vector<197x64xf32>
    %dot_general3A_246 = tpu.matmul %get3A_58, %convert_element_type3A_244, %dot_general3A_245 {dimension_numbers = #tpu.dot_dimension_numbers<[1], [0], [0], [1], [0, 0, 1, 1], [], []>, transpose_lhs_hint = false} : vector<197x197xf32>, vector<197x64xf32>, vector<197x64xf32> -> vector<197x64xf32>
    %add3A_247 = vector.broadcast %add3A_239 : vector<1x64xf32> to vector<197x64xf32>
    %add3A_248 = arith.addf %dot_general3A_246, %add3A_247 : vector<197x64xf32>
    %sub3A_249 = arith.constant 1.000000e+00 : f32
    %sub3A_250 = vector.broadcast %sub3A_249 : f32 to vector<197x64xf32>
    %sub3A_251 = arith.subf %add3A_248, %sub3A_250 : vector<197x64xf32>
    %mul3A_252 = arith.mulf %sub3A_251, %convert_element_type3A_244 : vector<197x64xf32>
    %reduce_sum3A_253 = arith.constant dense<0.000000e+00> : vector<197xf32>
    %reduce_sum3A_254 = vector.multi_reduction <add>, %mul3A_252, %reduce_sum3A_253 [1] : vector<197x64xf32> to vector<197xf32>
    %broadcast_in_dim3A_255 = vector.shape_cast %reduce_sum3A_254 : vector<197xf32> to vector<197x1xf32>
    %reduce_sum3A_256 = arith.constant dense<0.000000e+00> : vector<64xf32>
    %reduce_sum3A_257 = vector.multi_reduction <add>, %convert_element_type3A_244, %reduce_sum3A_256 [0] : vector<197x64xf32> to vector<64xf32>
    %broadcast_in_dim3A_258 = vector.shape_cast %reduce_sum3A_257 : vector<64xf32> to vector<1x64xf32>
    %add3A_259 = arith.addf %add3A_239, %broadcast_in_dim3A_258 : vector<1x64xf32>
    %slice3A_260 = vector.extract_strided_slice %broadcast_in_dim3A_55 {offsets = [1970, 0], sizes = [197, 1], strides = [1, 1]} : vector<3152x1xi32> to vector<197x1xi32>
    %eq3A_261 = vector.broadcast %slice3A_260 : vector<197x1xi32> to vector<197x64xi32>
    %eq3A_262 = arith.cmpi eq, %eq3A_261, %iota3A_59 : vector<197x64xi32>
    %convert_element_type3A_263 = arith.extui %eq3A_262 : vector<197x64xi1> to vector<197x64xi32>
    %convert_element_type3A_264 = arith.sitofp %convert_element_type3A_263 : vector<197x64xi32> to vector<197x64xf32>
    %dot_general3A_265 = arith.constant dense<0.000000e+00> : vector<197x64xf32>
    %dot_general3A_266 = tpu.matmul %get3A_58, %convert_element_type3A_264, %dot_general3A_265 {dimension_numbers = #tpu.dot_dimension_numbers<[1], [0], [0], [1], [0, 0, 1, 1], [], []>, transpose_lhs_hint = false} : vector<197x197xf32>, vector<197x64xf32>, vector<197x64xf32> -> vector<197x64xf32>
    %add3A_267 = vector.broadcast %add3A_259 : vector<1x64xf32> to vector<197x64xf32>
    %add3A_268 = arith.addf %dot_general3A_266, %add3A_267 : vector<197x64xf32>
    %sub3A_269 = arith.constant 1.000000e+00 : f32
    %sub3A_270 = vector.broadcast %sub3A_269 : f32 to vector<197x64xf32>
    %sub3A_271 = arith.subf %add3A_268, %sub3A_270 : vector<197x64xf32>
    %mul3A_272 = arith.mulf %sub3A_271, %convert_element_type3A_264 : vector<197x64xf32>
    %reduce_sum3A_273 = arith.constant dense<0.000000e+00> : vector<197xf32>
    %reduce_sum3A_274 = vector.multi_reduction <add>, %mul3A_272, %reduce_sum3A_273 [1] : vector<197x64xf32> to vector<197xf32>
    %broadcast_in_dim3A_275 = vector.shape_cast %reduce_sum3A_274 : vector<197xf32> to vector<197x1xf32>
    %reduce_sum3A_276 = arith.constant dense<0.000000e+00> : vector<64xf32>
    %reduce_sum3A_277 = vector.multi_reduction <add>, %convert_element_type3A_264, %reduce_sum3A_276 [0] : vector<197x64xf32> to vector<64xf32>
    %broadcast_in_dim3A_278 = vector.shape_cast %reduce_sum3A_277 : vector<64xf32> to vector<1x64xf32>
    %add3A_279 = arith.addf %add3A_259, %broadcast_in_dim3A_278 : vector<1x64xf32>
    %slice3A_280 = vector.extract_strided_slice %broadcast_in_dim3A_55 {offsets = [2167, 0], sizes = [197, 1], strides = [1, 1]} : vector<3152x1xi32> to vector<197x1xi32>
    %eq3A_281 = vector.broadcast %slice3A_280 : vector<197x1xi32> to vector<197x64xi32>
    %eq3A_282 = arith.cmpi eq, %eq3A_281, %iota3A_59 : vector<197x64xi32>
    %convert_element_type3A_283 = arith.extui %eq3A_282 : vector<197x64xi1> to vector<197x64xi32>
    %convert_element_type3A_284 = arith.sitofp %convert_element_type3A_283 : vector<197x64xi32> to vector<197x64xf32>
    %dot_general3A_285 = arith.constant dense<0.000000e+00> : vector<197x64xf32>
    %dot_general3A_286 = tpu.matmul %get3A_58, %convert_element_type3A_284, %dot_general3A_285 {dimension_numbers = #tpu.dot_dimension_numbers<[1], [0], [0], [1], [0, 0, 1, 1], [], []>, transpose_lhs_hint = false} : vector<197x197xf32>, vector<197x64xf32>, vector<197x64xf32> -> vector<197x64xf32>
    %add3A_287 = vector.broadcast %add3A_279 : vector<1x64xf32> to vector<197x64xf32>
    %add3A_288 = arith.addf %dot_general3A_286, %add3A_287 : vector<197x64xf32>
    %sub3A_289 = arith.constant 1.000000e+00 : f32
    %sub3A_290 = vector.broadcast %sub3A_289 : f32 to vector<197x64xf32>
    %sub3A_291 = arith.subf %add3A_288, %sub3A_290 : vector<197x64xf32>
    %mul3A_292 = arith.mulf %sub3A_291, %convert_element_type3A_284 : vector<197x64xf32>
    %reduce_sum3A_293 = arith.constant dense<0.000000e+00> : vector<197xf32>
    %reduce_sum3A_294 = vector.multi_reduction <add>, %mul3A_292, %reduce_sum3A_293 [1] : vector<197x64xf32> to vector<197xf32>
    %broadcast_in_dim3A_295 = vector.shape_cast %reduce_sum3A_294 : vector<197xf32> to vector<197x1xf32>
    %reduce_sum3A_296 = arith.constant dense<0.000000e+00> : vector<64xf32>
    %reduce_sum3A_297 = vector.multi_reduction <add>, %convert_element_type3A_284, %reduce_sum3A_296 [0] : vector<197x64xf32> to vector<64xf32>
    %broadcast_in_dim3A_298 = vector.shape_cast %reduce_sum3A_297 : vector<64xf32> to vector<1x64xf32>
    %add3A_299 = arith.addf %add3A_279, %broadcast_in_dim3A_298 : vector<1x64xf32>
    %slice3A_300 = vector.extract_strided_slice %broadcast_in_dim3A_55 {offsets = [2364, 0], sizes = [197, 1], strides = [1, 1]} : vector<3152x1xi32> to vector<197x1xi32>
    %eq3A_301 = vector.broadcast %slice3A_300 : vector<197x1xi32> to vector<197x64xi32>
    %eq3A_302 = arith.cmpi eq, %eq3A_301, %iota3A_59 : vector<197x64xi32>
    %convert_element_type3A_303 = arith.extui %eq3A_302 : vector<197x64xi1> to vector<197x64xi32>
    %convert_element_type3A_304 = arith.sitofp %convert_element_type3A_303 : vector<197x64xi32> to vector<197x64xf32>
    %dot_general3A_305 = arith.constant dense<0.000000e+00> : vector<197x64xf32>
    %dot_general3A_306 = tpu.matmul %get3A_58, %convert_element_type3A_304, %dot_general3A_305 {dimension_numbers = #tpu.dot_dimension_numbers<[1], [0], [0], [1], [0, 0, 1, 1], [], []>, transpose_lhs_hint = false} : vector<197x197xf32>, vector<197x64xf32>, vector<197x64xf32> -> vector<197x64xf32>
    %add3A_307 = vector.broadcast %add3A_299 : vector<1x64xf32> to vector<197x64xf32>
    %add3A_308 = arith.addf %dot_general3A_306, %add3A_307 : vector<197x64xf32>
    %sub3A_309 = arith.constant 1.000000e+00 : f32
    %sub3A_310 = vector.broadcast %sub3A_309 : f32 to vector<197x64xf32>
    %sub3A_311 = arith.subf %add3A_308, %sub3A_310 : vector<197x64xf32>
    %mul3A_312 = arith.mulf %sub3A_311, %convert_element_type3A_304 : vector<197x64xf32>
    %reduce_sum3A_313 = arith.constant dense<0.000000e+00> : vector<197xf32>
    %reduce_sum3A_314 = vector.multi_reduction <add>, %mul3A_312, %reduce_sum3A_313 [1] : vector<197x64xf32> to vector<197xf32>
    %broadcast_in_dim3A_315 = vector.shape_cast %reduce_sum3A_314 : vector<197xf32> to vector<197x1xf32>
    %reduce_sum3A_316 = arith.constant dense<0.000000e+00> : vector<64xf32>
    %reduce_sum3A_317 = vector.multi_reduction <add>, %convert_element_type3A_304, %reduce_sum3A_316 [0] : vector<197x64xf32> to vector<64xf32>
    %broadcast_in_dim3A_318 = vector.shape_cast %reduce_sum3A_317 : vector<64xf32> to vector<1x64xf32>
    %add3A_319 = arith.addf %add3A_299, %broadcast_in_dim3A_318 : vector<1x64xf32>
    %slice3A_320 = vector.extract_strided_slice %broadcast_in_dim3A_55 {offsets = [2561, 0], sizes = [197, 1], strides = [1, 1]} : vector<3152x1xi32> to vector<197x1xi32>
    %eq3A_321 = vector.broadcast %slice3A_320 : vector<197x1xi32> to vector<197x64xi32>
    %eq3A_322 = arith.cmpi eq, %eq3A_321, %iota3A_59 : vector<197x64xi32>
    %convert_element_type3A_323 = arith.extui %eq3A_322 : vector<197x64xi1> to vector<197x64xi32>
    %convert_element_type3A_324 = arith.sitofp %convert_element_type3A_323 : vector<197x64xi32> to vector<197x64xf32>
    %dot_general3A_325 = arith.constant dense<0.000000e+00> : vector<197x64xf32>
    %dot_general3A_326 = tpu.matmul %get3A_58, %convert_element_type3A_324, %dot_general3A_325 {dimension_numbers = #tpu.dot_dimension_numbers<[1], [0], [0], [1], [0, 0, 1, 1], [], []>, transpose_lhs_hint = false} : vector<197x197xf32>, vector<197x64xf32>, vector<197x64xf32> -> vector<197x64xf32>
    %add3A_327 = vector.broadcast %add3A_319 : vector<1x64xf32> to vector<197x64xf32>
    %add3A_328 = arith.addf %dot_general3A_326, %add3A_327 : vector<197x64xf32>
    %sub3A_329 = arith.constant 1.000000e+00 : f32
    %sub3A_330 = vector.broadcast %sub3A_329 : f32 to vector<197x64xf32>
    %sub3A_331 = arith.subf %add3A_328, %sub3A_330 : vector<197x64xf32>
    %mul3A_332 = arith.mulf %sub3A_331, %convert_element_type3A_324 : vector<197x64xf32>
    %reduce_sum3A_333 = arith.constant dense<0.000000e+00> : vector<197xf32>
    %reduce_sum3A_334 = vector.multi_reduction <add>, %mul3A_332, %reduce_sum3A_333 [1] : vector<197x64xf32> to vector<197xf32>
    %broadcast_in_dim3A_335 = vector.shape_cast %reduce_sum3A_334 : vector<197xf32> to vector<197x1xf32>
    %reduce_sum3A_336 = arith.constant dense<0.000000e+00> : vector<64xf32>
    %reduce_sum3A_337 = vector.multi_reduction <add>, %convert_element_type3A_324, %reduce_sum3A_336 [0] : vector<197x64xf32> to vector<64xf32>
    %broadcast_in_dim3A_338 = vector.shape_cast %reduce_sum3A_337 : vector<64xf32> to vector<1x64xf32>
    %add3A_339 = arith.addf %add3A_319, %broadcast_in_dim3A_338 : vector<1x64xf32>
    %slice3A_340 = vector.extract_strided_slice %broadcast_in_dim3A_55 {offsets = [2758, 0], sizes = [197, 1], strides = [1, 1]} : vector<3152x1xi32> to vector<197x1xi32>
    %eq3A_341 = vector.broadcast %slice3A_340 : vector<197x1xi32> to vector<197x64xi32>
    %eq3A_342 = arith.cmpi eq, %eq3A_341, %iota3A_59 : vector<197x64xi32>
    %convert_element_type3A_343 = arith.extui %eq3A_342 : vector<197x64xi1> to vector<197x64xi32>
    %convert_element_type3A_344 = arith.sitofp %convert_element_type3A_343 : vector<197x64xi32> to vector<197x64xf32>
    %dot_general3A_345 = arith.constant dense<0.000000e+00> : vector<197x64xf32>
    %dot_general3A_346 = tpu.matmul %get3A_58, %convert_element_type3A_344, %dot_general3A_345 {dimension_numbers = #tpu.dot_dimension_numbers<[1], [0], [0], [1], [0, 0, 1, 1], [], []>, transpose_lhs_hint = false} : vector<197x197xf32>, vector<197x64xf32>, vector<197x64xf32> -> vector<197x64xf32>
    %add3A_347 = vector.broadcast %add3A_339 : vector<1x64xf32> to vector<197x64xf32>
    %add3A_348 = arith.addf %dot_general3A_346, %add3A_347 : vector<197x64xf32>
    %sub3A_349 = arith.constant 1.000000e+00 : f32
    %sub3A_350 = vector.broadcast %sub3A_349 : f32 to vector<197x64xf32>
    %sub3A_351 = arith.subf %add3A_348, %sub3A_350 : vector<197x64xf32>
    %mul3A_352 = arith.mulf %sub3A_351, %convert_element_type3A_344 : vector<197x64xf32>
    %reduce_sum3A_353 = arith.constant dense<0.000000e+00> : vector<197xf32>
    %reduce_sum3A_354 = vector.multi_reduction <add>, %mul3A_352, %reduce_sum3A_353 [1] : vector<197x64xf32> to vector<197xf32>
    %broadcast_in_dim3A_355 = vector.shape_cast %reduce_sum3A_354 : vector<197xf32> to vector<197x1xf32>
    %reduce_sum3A_356 = arith.constant dense<0.000000e+00> : vector<64xf32>
    %reduce_sum3A_357 = vector.multi_reduction <add>, %convert_element_type3A_344, %reduce_sum3A_356 [0] : vector<197x64xf32> to vector<64xf32>
    %broadcast_in_dim3A_358 = vector.shape_cast %reduce_sum3A_357 : vector<64xf32> to vector<1x64xf32>
    %add3A_359 = arith.addf %add3A_339, %broadcast_in_dim3A_358 : vector<1x64xf32>
    %slice3A_360 = vector.extract_strided_slice %broadcast_in_dim3A_55 {offsets = [2955, 0], sizes = [197, 1], strides = [1, 1]} : vector<3152x1xi32> to vector<197x1xi32>
    %eq3A_361 = vector.broadcast %slice3A_360 : vector<197x1xi32> to vector<197x64xi32>
    %eq3A_362 = arith.cmpi eq, %eq3A_361, %iota3A_59 : vector<197x64xi32>
    %convert_element_type3A_363 = arith.extui %eq3A_362 : vector<197x64xi1> to vector<197x64xi32>
    %convert_element_type3A_364 = arith.sitofp %convert_element_type3A_363 : vector<197x64xi32> to vector<197x64xf32>
    %dot_general3A_365 = arith.constant dense<0.000000e+00> : vector<197x64xf32>
    %dot_general3A_366 = tpu.matmul %get3A_58, %convert_element_type3A_364, %dot_general3A_365 {dimension_numbers = #tpu.dot_dimension_numbers<[1], [0], [0], [1], [0, 0, 1, 1], [], []>, transpose_lhs_hint = false} : vector<197x197xf32>, vector<197x64xf32>, vector<197x64xf32> -> vector<197x64xf32>
    %add3A_367 = vector.broadcast %add3A_359 : vector<1x64xf32> to vector<197x64xf32>
    %add3A_368 = arith.addf %dot_general3A_366, %add3A_367 : vector<197x64xf32>
    %sub3A_369 = arith.constant 1.000000e+00 : f32
    %sub3A_370 = vector.broadcast %sub3A_369 : f32 to vector<197x64xf32>
    %sub3A_371 = arith.subf %add3A_368, %sub3A_370 : vector<197x64xf32>
    %mul3A_372 = arith.mulf %sub3A_371, %convert_element_type3A_364 : vector<197x64xf32>
    %reduce_sum3A_373 = arith.constant dense<0.000000e+00> : vector<197xf32>
    %reduce_sum3A_374 = vector.multi_reduction <add>, %mul3A_372, %reduce_sum3A_373 [1] : vector<197x64xf32> to vector<197xf32>
    %broadcast_in_dim3A_375 = vector.shape_cast %reduce_sum3A_374 : vector<197xf32> to vector<197x1xf32>
    %concatenate3A = tpu.concatenate %broadcast_in_dim3A_75, %broadcast_in_dim3A_95, %broadcast_in_dim3A_115, %broadcast_in_dim3A_135, %broadcast_in_dim3A_155, %broadcast_in_dim3A_175, %broadcast_in_dim3A_195, %broadcast_in_dim3A_215, %broadcast_in_dim3A_235, %broadcast_in_dim3A_255, %broadcast_in_dim3A_275, %broadcast_in_dim3A_295, %broadcast_in_dim3A_315, %broadcast_in_dim3A_335, %broadcast_in_dim3A_355, %broadcast_in_dim3A_375 in 0 : vector<197x1xf32>, vector<197x1xf32>, vector<197x1xf32>, vector<197x1xf32>, vector<197x1xf32>, vector<197x1xf32>, vector<197x1xf32>, vector<197x1xf32>, vector<197x1xf32>, vector<197x1xf32>, vector<197x1xf32>, vector<197x1xf32>, vector<197x1xf32>, vector<197x1xf32>, vector<197x1xf32>, vector<197x1xf32> -> vector<3152x1xf32>
    %convert_element_type3A_376 = arith.fptosi %concatenate3A : vector<3152x1xf32> to vector<3152x1xi32>
    %mul3A_377 = arith.constant 64 : i32
    %mul3A_378 = vector.broadcast %mul3A_377 : i32 to vector<3152x1xi32>
    %mul3A_379 = arith.muli %broadcast_in_dim3A_55, %mul3A_378 : vector<3152x1xi32>
    %min3A = arith.constant 63 : i32
    %min3A_380 = vector.broadcast %min3A : i32 to vector<3152x1xi32>
    %min3A_381 = arith.minsi %convert_element_type3A_376, %min3A_380 : vector<3152x1xi32>
    %add3A_382 = arith.addi %mul3A_379, %min3A_381 : vector<3152x1xi32>
    %swap3A_383 = arith.constant 0 : index
    %swap3A_384 = arith.constant 0 : index
    %swap3A_385 = vector.load %arg7[%swap3A_383, %swap3A_384] : memref<3152x1xi32, #tpu.memory_space<vmem>>, vector<3152x1xi32>
    tpu.vector_store %arg7[%swap3A_383, %swap3A_384], %add3A_382 {strides = array<i32>} : memref<3152x1xi32, #tpu.memory_space<vmem>>, vector<3152x1xi32>,
    %lt3A = arith.constant 62 : i32
    %lt3A_386 = vector.broadcast %lt3A : i32 to vector<3152x1xi32>
    %lt3A_387 = arith.cmpi slt, %convert_element_type3A_376, %lt3A_386 : vector<3152x1xi32>
    %jit3A_388 = arith.constant 0.000000e+00 : f32
    %broadcast_in_dim3A_389 = vector.broadcast %jit3A_388 : f32 to vector<3152x1xf32>
    %select_n3A_390 = arith.select %lt3A_387, %div3A_51, %broadcast_in_dim3A_389 : vector<3152x1xi1>, vector<3152x1xf32>
    %swap3A_391 = arith.constant 0 : index
    %swap3A_392 = arith.constant 0 : index
    %swap3A_393 = vector.load %arg8[%swap3A_391, %swap3A_392] : memref<3152x1xf32, #tpu.memory_space<vmem>>, vector<3152x1xf32>
    tpu.vector_store %arg8[%swap3A_391, %swap3A_392], %select_n3A_390 {strides = array<i32>} : memref<3152x1xf32, #tpu.memory_space<vmem>>, vector<3152x1xf32>,
    return
  }
  func.func @transform_0(%arg0: i32) -> (i32, i32) {
    %c0_i32 = arith.constant 0 : i32
    %c0_i32_0 = arith.constant 0 : i32
    %c0_i32_1 = arith.constant 0 : i32
    return %c0_i32, %c0_i32_0 : i32, i32
  }
  func.func @transform_1(%arg0: i32) -> (i32, i32, i32) {
    %c1_i32 = arith.constant 1 : i32
    %c0_i32 = arith.constant 0 : i32
    %c0_i32_0 = arith.constant 0 : i32
    %c0_i32_1 = arith.constant 0 : i32
    return %c1_i32, %c0_i32, %c0_i32_0 : i32, i32, i32
  }
  func.func @transform_2(%arg0: i32) -> (i32, i32, i32) {
    %c1_i32 = arith.constant 1 : i32
    %c0_i32 = arith.constant 0 : i32
    %c0_i32_0 = arith.constant 0 : i32
    %c0_i32_1 = arith.constant 0 : i32
    return %c1_i32, %c0_i32, %c0_i32_0 : i32, i32, i32
  }
  func.func @transform_3(%arg0: i32) -> (i32, i32, i32) {
    %c1_i32 = arith.constant 1 : i32
    %c0_i32 = arith.constant 0 : i32
    %c0_i32_0 = arith.constant 0 : i32
    %c0_i32_1 = arith.constant 0 : i32
    return %c1_i32, %c0_i32, %c0_i32_0 : i32, i32, i32
  }
  func.func @transform_4(%arg0: i32) -> (i32, i32) {
    %c0_i32 = arith.constant 0 : i32
    %c0_i32_0 = arith.constant 0 : i32
    %c0_i32_1 = arith.constant 0 : i32
    return %c0_i32, %c0_i32_0 : i32, i32
  }
  func.func @transform_5(%arg0: i32) -> (i32, i32) {
    %c0_i32 = arith.constant 0 : i32
    %c0_i32_0 = arith.constant 0 : i32
    %c0_i32_1 = arith.constant 0 : i32
    return %c0_i32, %c0_i32_0 : i32, i32
  }
  func.func @transform_6(%arg0: i32) -> (i32, i32) {
    %c0_i32 = arith.constant 0 : i32
    %c0_i32_0 = arith.constant 0 : i32
    %c0_i32_1 = arith.constant 0 : i32
    return %c0_i32, %c0_i32_0 : i32, i32
  }
  func.func @transform_7(%arg0: i32) -> (i32, i32) {
    %c0_i32 = arith.constant 0 : i32
    %c0_i32_0 = arith.constant 0 : i32
    %c0_i32_1 = arith.constant 0 : i32
    return %c0_i32, %c0_i32_0 : i32, i32
  }
}

module attributes {stable_mosaic.version = 14 : i64} {
  func.func @_ffn_body(%arg0: i32, %arg1: memref<4x64x384xf32, #tpu.memory_space<vmem>>, %arg2: memref<1x4x384x768xf32, #tpu.memory_space<vmem>>, %arg3: memref<1x4x1x768xf32, #tpu.memory_space<vmem>>, %arg4: memref<1x4x768x384xf32, #tpu.memory_space<vmem>>, %arg5: memref<1x4x1x384xf32, #tpu.memory_space<vmem>>, %arg6: memref<4x64x384xf32, #tpu.memory_space<vmem>>) attributes {dimension_semantics = [#tpu.dimension_semantics<arbitrary>], iteration_bounds = array<i64: 16>, scalar_prefetch = 0 : i64, scratch_operands = 0 : i64, tpu.core_type = #tpu.core_type<tc>, window_params = [{transform_indices = @transform_0, window_bounds = array<i64: 4, 64, 384>}, {transform_indices = @transform_1, window_bounds = array<i64: 1, 4, 384, 768>}, {transform_indices = @transform_2, window_bounds = array<i64: 1, 4, 1, 768>}, {transform_indices = @transform_3, window_bounds = array<i64: 1, 4, 768, 384>}, {transform_indices = @transform_4, window_bounds = array<i64: 1, 4, 1, 384>}, {transform_indices = @transform_5, window_bounds = array<i64: 4, 64, 384>}]} {
    %get3A = arith.constant 0 : index
    %get3A_0 = arith.constant 0 : index
    %get3A_1 = arith.constant 0 : index
    %get3A_2 = vector.load %arg1[%get3A, %get3A_0, %get3A_1] : memref<4x64x384xf32, #tpu.memory_space<vmem>>, vector<1x64x384xf32>
    %get3A_3 = vector.shape_cast %get3A_2 : vector<1x64x384xf32> to vector<64x384xf32>
    %get3A_4 = arith.constant 0 : index
    %get3A_5 = arith.constant 0 : index
    %get3A_6 = arith.constant 0 : index
    %get3A_7 = arith.constant 0 : index
    %get3A_8 = vector.load %arg2[%get3A_4, %get3A_5, %get3A_6, %get3A_7] : memref<1x4x384x768xf32, #tpu.memory_space<vmem>>, vector<1x1x384x768xf32>
    %get3A_9 = vector.shape_cast %get3A_8 : vector<1x1x384x768xf32> to vector<384x768xf32>
    %dot_general3A = arith.constant dense<0.000000e+00> : vector<64x768xf32>
    %dot_general3A_10 = tpu.matmul %get3A_3, %get3A_9, %dot_general3A {dimension_numbers = #tpu.dot_dimension_numbers<[1], [0], [0], [1], [0, 0, 1, 1], [], []>, transpose_lhs_hint = false} : vector<64x384xf32>, vector<384x768xf32>, vector<64x768xf32> -> vector<64x768xf32>
    %get3A_11 = arith.constant 0 : index
    %get3A_12 = arith.constant 0 : index
    %get3A_13 = arith.constant 0 : index
    %get3A_14 = arith.constant 0 : index
    %get3A_15 = vector.load %arg3[%get3A_11, %get3A_12, %get3A_13, %get3A_14] : memref<1x4x1x768xf32, #tpu.memory_space<vmem>>, vector<1x1x1x768xf32>
    %get3A_16 = vector.shape_cast %get3A_15 : vector<1x1x1x768xf32> to vector<1x768xf32>
    %add3A = vector.broadcast %get3A_16 : vector<1x768xf32> to vector<64x768xf32>
    %add3A_17 = arith.addf %dot_general3A_10, %add3A : vector<64x768xf32>
    %integer_pow3A = arith.mulf %add3A_17, %add3A_17 : vector<64x768xf32>
    %integer_pow3A_18 = arith.mulf %add3A_17, %integer_pow3A : vector<64x768xf32>
    %mul3A = arith.constant 4.471500e-02 : f32
    %mul3A_19 = vector.broadcast %mul3A : f32 to vector<64x768xf32>
    %mul3A_20 = arith.mulf %mul3A_19, %integer_pow3A_18 : vector<64x768xf32>
    %add3A_21 = arith.addf %add3A_17, %mul3A_20 : vector<64x768xf32>
    %mul3A_22 = arith.constant 0.797884583 : f32
    %mul3A_23 = vector.broadcast %mul3A_22 : f32 to vector<64x768xf32>
    %mul3A_24 = arith.mulf %mul3A_23, %add3A_21 : vector<64x768xf32>
    %tanh3A = math.tanh %mul3A_24 : vector<64x768xf32>
    %add3A_25 = arith.constant 1.000000e+00 : f32
    %add3A_26 = vector.broadcast %add3A_25 : f32 to vector<64x768xf32>
    %add3A_27 = arith.addf %add3A_26, %tanh3A : vector<64x768xf32>
    %mul3A_28 = arith.constant 5.000000e-01 : f32
    %mul3A_29 = vector.broadcast %mul3A_28 : f32 to vector<64x768xf32>
    %mul3A_30 = arith.mulf %mul3A_29, %add3A_27 : vector<64x768xf32>
    %mul3A_31 = arith.mulf %add3A_17, %mul3A_30 : vector<64x768xf32>
    %get3A_32 = arith.constant 0 : index
    %get3A_33 = arith.constant 0 : index
    %get3A_34 = arith.constant 0 : index
    %get3A_35 = arith.constant 0 : index
    %get3A_36 = vector.load %arg4[%get3A_32, %get3A_33, %get3A_34, %get3A_35] : memref<1x4x768x384xf32, #tpu.memory_space<vmem>>, vector<1x1x768x384xf32>
    %get3A_37 = vector.shape_cast %get3A_36 : vector<1x1x768x384xf32> to vector<768x384xf32>
    %dot_general3A_38 = arith.constant dense<0.000000e+00> : vector<64x384xf32>
    %dot_general3A_39 = tpu.matmul %mul3A_31, %get3A_37, %dot_general3A_38 {dimension_numbers = #tpu.dot_dimension_numbers<[1], [0], [0], [1], [0, 0, 1, 1], [], []>, transpose_lhs_hint = false} : vector<64x768xf32>, vector<768x384xf32>, vector<64x384xf32> -> vector<64x384xf32>
    %get3A_40 = arith.constant 0 : index
    %get3A_41 = arith.constant 0 : index
    %get3A_42 = arith.constant 0 : index
    %get3A_43 = arith.constant 0 : index
    %get3A_44 = vector.load %arg5[%get3A_40, %get3A_41, %get3A_42, %get3A_43] : memref<1x4x1x384xf32, #tpu.memory_space<vmem>>, vector<1x1x1x384xf32>
    %get3A_45 = vector.shape_cast %get3A_44 : vector<1x1x1x384xf32> to vector<1x384xf32>
    %add3A_46 = vector.broadcast %get3A_45 : vector<1x384xf32> to vector<64x384xf32>
    %add3A_47 = arith.addf %dot_general3A_39, %add3A_46 : vector<64x384xf32>
    %swap3A = arith.constant 0 : index
    %swap3A_48 = arith.constant 0 : index
    %swap3A_49 = arith.constant 0 : index
    %swap3A_50 = vector.load %arg6[%swap3A, %swap3A_48, %swap3A_49] : memref<4x64x384xf32, #tpu.memory_space<vmem>>, vector<1x64x384xf32>
    %swap3A_51 = vector.shape_cast %swap3A_50 : vector<1x64x384xf32> to vector<64x384xf32>
    %swap3A_52 = vector.shape_cast %add3A_47 : vector<64x384xf32> to vector<1x64x384xf32>
    tpu.vector_store %arg6[%swap3A, %swap3A_48, %swap3A_49], %swap3A_52 {strides = array<i32>} : memref<4x64x384xf32, #tpu.memory_space<vmem>>, vector<1x64x384xf32>,
    %get3A_53 = arith.constant 1 : index
    %get3A_54 = arith.constant 0 : index
    %get3A_55 = arith.constant 0 : index
    %get3A_56 = vector.load %arg1[%get3A_53, %get3A_54, %get3A_55] : memref<4x64x384xf32, #tpu.memory_space<vmem>>, vector<1x64x384xf32>
    %get3A_57 = vector.shape_cast %get3A_56 : vector<1x64x384xf32> to vector<64x384xf32>
    %get3A_58 = arith.constant 0 : index
    %get3A_59 = arith.constant 1 : index
    %get3A_60 = arith.constant 0 : index
    %get3A_61 = arith.constant 0 : index
    %get3A_62 = vector.load %arg2[%get3A_58, %get3A_59, %get3A_60, %get3A_61] : memref<1x4x384x768xf32, #tpu.memory_space<vmem>>, vector<1x1x384x768xf32>
    %get3A_63 = vector.shape_cast %get3A_62 : vector<1x1x384x768xf32> to vector<384x768xf32>
    %dot_general3A_64 = arith.constant dense<0.000000e+00> : vector<64x768xf32>
    %dot_general3A_65 = tpu.matmul %get3A_57, %get3A_63, %dot_general3A_64 {dimension_numbers = #tpu.dot_dimension_numbers<[1], [0], [0], [1], [0, 0, 1, 1], [], []>, transpose_lhs_hint = false} : vector<64x384xf32>, vector<384x768xf32>, vector<64x768xf32> -> vector<64x768xf32>
    %get3A_66 = arith.constant 0 : index
    %get3A_67 = arith.constant 1 : index
    %get3A_68 = arith.constant 0 : index
    %get3A_69 = arith.constant 0 : index
    %get3A_70 = vector.load %arg3[%get3A_66, %get3A_67, %get3A_68, %get3A_69] : memref<1x4x1x768xf32, #tpu.memory_space<vmem>>, vector<1x1x1x768xf32>
    %get3A_71 = vector.shape_cast %get3A_70 : vector<1x1x1x768xf32> to vector<1x768xf32>
    %add3A_72 = vector.broadcast %get3A_71 : vector<1x768xf32> to vector<64x768xf32>
    %add3A_73 = arith.addf %dot_general3A_65, %add3A_72 : vector<64x768xf32>
    %integer_pow3A_74 = arith.mulf %add3A_73, %add3A_73 : vector<64x768xf32>
    %integer_pow3A_75 = arith.mulf %add3A_73, %integer_pow3A_74 : vector<64x768xf32>
    %mul3A_76 = arith.constant 4.471500e-02 : f32
    %mul3A_77 = vector.broadcast %mul3A_76 : f32 to vector<64x768xf32>
    %mul3A_78 = arith.mulf %mul3A_77, %integer_pow3A_75 : vector<64x768xf32>
    %add3A_79 = arith.addf %add3A_73, %mul3A_78 : vector<64x768xf32>
    %mul3A_80 = arith.constant 0.797884583 : f32
    %mul3A_81 = vector.broadcast %mul3A_80 : f32 to vector<64x768xf32>
    %mul3A_82 = arith.mulf %mul3A_81, %add3A_79 : vector<64x768xf32>
    %tanh3A_83 = math.tanh %mul3A_82 : vector<64x768xf32>
    %add3A_84 = arith.constant 1.000000e+00 : f32
    %add3A_85 = vector.broadcast %add3A_84 : f32 to vector<64x768xf32>
    %add3A_86 = arith.addf %add3A_85, %tanh3A_83 : vector<64x768xf32>
    %mul3A_87 = arith.constant 5.000000e-01 : f32
    %mul3A_88 = vector.broadcast %mul3A_87 : f32 to vector<64x768xf32>
    %mul3A_89 = arith.mulf %mul3A_88, %add3A_86 : vector<64x768xf32>
    %mul3A_90 = arith.mulf %add3A_73, %mul3A_89 : vector<64x768xf32>
    %get3A_91 = arith.constant 0 : index
    %get3A_92 = arith.constant 1 : index
    %get3A_93 = arith.constant 0 : index
    %get3A_94 = arith.constant 0 : index
    %get3A_95 = vector.load %arg4[%get3A_91, %get3A_92, %get3A_93, %get3A_94] : memref<1x4x768x384xf32, #tpu.memory_space<vmem>>, vector<1x1x768x384xf32>
    %get3A_96 = vector.shape_cast %get3A_95 : vector<1x1x768x384xf32> to vector<768x384xf32>
    %dot_general3A_97 = arith.constant dense<0.000000e+00> : vector<64x384xf32>
    %dot_general3A_98 = tpu.matmul %mul3A_90, %get3A_96, %dot_general3A_97 {dimension_numbers = #tpu.dot_dimension_numbers<[1], [0], [0], [1], [0, 0, 1, 1], [], []>, transpose_lhs_hint = false} : vector<64x768xf32>, vector<768x384xf32>, vector<64x384xf32> -> vector<64x384xf32>
    %get3A_99 = arith.constant 0 : index
    %get3A_100 = arith.constant 1 : index
    %get3A_101 = arith.constant 0 : index
    %get3A_102 = arith.constant 0 : index
    %get3A_103 = vector.load %arg5[%get3A_99, %get3A_100, %get3A_101, %get3A_102] : memref<1x4x1x384xf32, #tpu.memory_space<vmem>>, vector<1x1x1x384xf32>
    %get3A_104 = vector.shape_cast %get3A_103 : vector<1x1x1x384xf32> to vector<1x384xf32>
    %add3A_105 = vector.broadcast %get3A_104 : vector<1x384xf32> to vector<64x384xf32>
    %add3A_106 = arith.addf %dot_general3A_98, %add3A_105 : vector<64x384xf32>
    %swap3A_107 = arith.constant 1 : index
    %swap3A_108 = arith.constant 0 : index
    %swap3A_109 = arith.constant 0 : index
    %swap3A_110 = vector.load %arg6[%swap3A_107, %swap3A_108, %swap3A_109] : memref<4x64x384xf32, #tpu.memory_space<vmem>>, vector<1x64x384xf32>
    %swap3A_111 = vector.shape_cast %swap3A_110 : vector<1x64x384xf32> to vector<64x384xf32>
    %swap3A_112 = vector.shape_cast %add3A_106 : vector<64x384xf32> to vector<1x64x384xf32>
    tpu.vector_store %arg6[%swap3A_107, %swap3A_108, %swap3A_109], %swap3A_112 {strides = array<i32>} : memref<4x64x384xf32, #tpu.memory_space<vmem>>, vector<1x64x384xf32>,
    %get3A_113 = arith.constant 2 : index
    %get3A_114 = arith.constant 0 : index
    %get3A_115 = arith.constant 0 : index
    %get3A_116 = vector.load %arg1[%get3A_113, %get3A_114, %get3A_115] : memref<4x64x384xf32, #tpu.memory_space<vmem>>, vector<1x64x384xf32>
    %get3A_117 = vector.shape_cast %get3A_116 : vector<1x64x384xf32> to vector<64x384xf32>
    %get3A_118 = arith.constant 0 : index
    %get3A_119 = arith.constant 2 : index
    %get3A_120 = arith.constant 0 : index
    %get3A_121 = arith.constant 0 : index
    %get3A_122 = vector.load %arg2[%get3A_118, %get3A_119, %get3A_120, %get3A_121] : memref<1x4x384x768xf32, #tpu.memory_space<vmem>>, vector<1x1x384x768xf32>
    %get3A_123 = vector.shape_cast %get3A_122 : vector<1x1x384x768xf32> to vector<384x768xf32>
    %dot_general3A_124 = arith.constant dense<0.000000e+00> : vector<64x768xf32>
    %dot_general3A_125 = tpu.matmul %get3A_117, %get3A_123, %dot_general3A_124 {dimension_numbers = #tpu.dot_dimension_numbers<[1], [0], [0], [1], [0, 0, 1, 1], [], []>, transpose_lhs_hint = false} : vector<64x384xf32>, vector<384x768xf32>, vector<64x768xf32> -> vector<64x768xf32>
    %get3A_126 = arith.constant 0 : index
    %get3A_127 = arith.constant 2 : index
    %get3A_128 = arith.constant 0 : index
    %get3A_129 = arith.constant 0 : index
    %get3A_130 = vector.load %arg3[%get3A_126, %get3A_127, %get3A_128, %get3A_129] : memref<1x4x1x768xf32, #tpu.memory_space<vmem>>, vector<1x1x1x768xf32>
    %get3A_131 = vector.shape_cast %get3A_130 : vector<1x1x1x768xf32> to vector<1x768xf32>
    %add3A_132 = vector.broadcast %get3A_131 : vector<1x768xf32> to vector<64x768xf32>
    %add3A_133 = arith.addf %dot_general3A_125, %add3A_132 : vector<64x768xf32>
    %integer_pow3A_134 = arith.mulf %add3A_133, %add3A_133 : vector<64x768xf32>
    %integer_pow3A_135 = arith.mulf %add3A_133, %integer_pow3A_134 : vector<64x768xf32>
    %mul3A_136 = arith.constant 4.471500e-02 : f32
    %mul3A_137 = vector.broadcast %mul3A_136 : f32 to vector<64x768xf32>
    %mul3A_138 = arith.mulf %mul3A_137, %integer_pow3A_135 : vector<64x768xf32>
    %add3A_139 = arith.addf %add3A_133, %mul3A_138 : vector<64x768xf32>
    %mul3A_140 = arith.constant 0.797884583 : f32
    %mul3A_141 = vector.broadcast %mul3A_140 : f32 to vector<64x768xf32>
    %mul3A_142 = arith.mulf %mul3A_141, %add3A_139 : vector<64x768xf32>
    %tanh3A_143 = math.tanh %mul3A_142 : vector<64x768xf32>
    %add3A_144 = arith.constant 1.000000e+00 : f32
    %add3A_145 = vector.broadcast %add3A_144 : f32 to vector<64x768xf32>
    %add3A_146 = arith.addf %add3A_145, %tanh3A_143 : vector<64x768xf32>
    %mul3A_147 = arith.constant 5.000000e-01 : f32
    %mul3A_148 = vector.broadcast %mul3A_147 : f32 to vector<64x768xf32>
    %mul3A_149 = arith.mulf %mul3A_148, %add3A_146 : vector<64x768xf32>
    %mul3A_150 = arith.mulf %add3A_133, %mul3A_149 : vector<64x768xf32>
    %get3A_151 = arith.constant 0 : index
    %get3A_152 = arith.constant 2 : index
    %get3A_153 = arith.constant 0 : index
    %get3A_154 = arith.constant 0 : index
    %get3A_155 = vector.load %arg4[%get3A_151, %get3A_152, %get3A_153, %get3A_154] : memref<1x4x768x384xf32, #tpu.memory_space<vmem>>, vector<1x1x768x384xf32>
    %get3A_156 = vector.shape_cast %get3A_155 : vector<1x1x768x384xf32> to vector<768x384xf32>
    %dot_general3A_157 = arith.constant dense<0.000000e+00> : vector<64x384xf32>
    %dot_general3A_158 = tpu.matmul %mul3A_150, %get3A_156, %dot_general3A_157 {dimension_numbers = #tpu.dot_dimension_numbers<[1], [0], [0], [1], [0, 0, 1, 1], [], []>, transpose_lhs_hint = false} : vector<64x768xf32>, vector<768x384xf32>, vector<64x384xf32> -> vector<64x384xf32>
    %get3A_159 = arith.constant 0 : index
    %get3A_160 = arith.constant 2 : index
    %get3A_161 = arith.constant 0 : index
    %get3A_162 = arith.constant 0 : index
    %get3A_163 = vector.load %arg5[%get3A_159, %get3A_160, %get3A_161, %get3A_162] : memref<1x4x1x384xf32, #tpu.memory_space<vmem>>, vector<1x1x1x384xf32>
    %get3A_164 = vector.shape_cast %get3A_163 : vector<1x1x1x384xf32> to vector<1x384xf32>
    %add3A_165 = vector.broadcast %get3A_164 : vector<1x384xf32> to vector<64x384xf32>
    %add3A_166 = arith.addf %dot_general3A_158, %add3A_165 : vector<64x384xf32>
    %swap3A_167 = arith.constant 2 : index
    %swap3A_168 = arith.constant 0 : index
    %swap3A_169 = arith.constant 0 : index
    %swap3A_170 = vector.load %arg6[%swap3A_167, %swap3A_168, %swap3A_169] : memref<4x64x384xf32, #tpu.memory_space<vmem>>, vector<1x64x384xf32>
    %swap3A_171 = vector.shape_cast %swap3A_170 : vector<1x64x384xf32> to vector<64x384xf32>
    %swap3A_172 = vector.shape_cast %add3A_166 : vector<64x384xf32> to vector<1x64x384xf32>
    tpu.vector_store %arg6[%swap3A_167, %swap3A_168, %swap3A_169], %swap3A_172 {strides = array<i32>} : memref<4x64x384xf32, #tpu.memory_space<vmem>>, vector<1x64x384xf32>,
    %get3A_173 = arith.constant 3 : index
    %get3A_174 = arith.constant 0 : index
    %get3A_175 = arith.constant 0 : index
    %get3A_176 = vector.load %arg1[%get3A_173, %get3A_174, %get3A_175] : memref<4x64x384xf32, #tpu.memory_space<vmem>>, vector<1x64x384xf32>
    %get3A_177 = vector.shape_cast %get3A_176 : vector<1x64x384xf32> to vector<64x384xf32>
    %get3A_178 = arith.constant 0 : index
    %get3A_179 = arith.constant 3 : index
    %get3A_180 = arith.constant 0 : index
    %get3A_181 = arith.constant 0 : index
    %get3A_182 = vector.load %arg2[%get3A_178, %get3A_179, %get3A_180, %get3A_181] : memref<1x4x384x768xf32, #tpu.memory_space<vmem>>, vector<1x1x384x768xf32>
    %get3A_183 = vector.shape_cast %get3A_182 : vector<1x1x384x768xf32> to vector<384x768xf32>
    %dot_general3A_184 = arith.constant dense<0.000000e+00> : vector<64x768xf32>
    %dot_general3A_185 = tpu.matmul %get3A_177, %get3A_183, %dot_general3A_184 {dimension_numbers = #tpu.dot_dimension_numbers<[1], [0], [0], [1], [0, 0, 1, 1], [], []>, transpose_lhs_hint = false} : vector<64x384xf32>, vector<384x768xf32>, vector<64x768xf32> -> vector<64x768xf32>
    %get3A_186 = arith.constant 0 : index
    %get3A_187 = arith.constant 3 : index
    %get3A_188 = arith.constant 0 : index
    %get3A_189 = arith.constant 0 : index
    %get3A_190 = vector.load %arg3[%get3A_186, %get3A_187, %get3A_188, %get3A_189] : memref<1x4x1x768xf32, #tpu.memory_space<vmem>>, vector<1x1x1x768xf32>
    %get3A_191 = vector.shape_cast %get3A_190 : vector<1x1x1x768xf32> to vector<1x768xf32>
    %add3A_192 = vector.broadcast %get3A_191 : vector<1x768xf32> to vector<64x768xf32>
    %add3A_193 = arith.addf %dot_general3A_185, %add3A_192 : vector<64x768xf32>
    %integer_pow3A_194 = arith.mulf %add3A_193, %add3A_193 : vector<64x768xf32>
    %integer_pow3A_195 = arith.mulf %add3A_193, %integer_pow3A_194 : vector<64x768xf32>
    %mul3A_196 = arith.constant 4.471500e-02 : f32
    %mul3A_197 = vector.broadcast %mul3A_196 : f32 to vector<64x768xf32>
    %mul3A_198 = arith.mulf %mul3A_197, %integer_pow3A_195 : vector<64x768xf32>
    %add3A_199 = arith.addf %add3A_193, %mul3A_198 : vector<64x768xf32>
    %mul3A_200 = arith.constant 0.797884583 : f32
    %mul3A_201 = vector.broadcast %mul3A_200 : f32 to vector<64x768xf32>
    %mul3A_202 = arith.mulf %mul3A_201, %add3A_199 : vector<64x768xf32>
    %tanh3A_203 = math.tanh %mul3A_202 : vector<64x768xf32>
    %add3A_204 = arith.constant 1.000000e+00 : f32
    %add3A_205 = vector.broadcast %add3A_204 : f32 to vector<64x768xf32>
    %add3A_206 = arith.addf %add3A_205, %tanh3A_203 : vector<64x768xf32>
    %mul3A_207 = arith.constant 5.000000e-01 : f32
    %mul3A_208 = vector.broadcast %mul3A_207 : f32 to vector<64x768xf32>
    %mul3A_209 = arith.mulf %mul3A_208, %add3A_206 : vector<64x768xf32>
    %mul3A_210 = arith.mulf %add3A_193, %mul3A_209 : vector<64x768xf32>
    %get3A_211 = arith.constant 0 : index
    %get3A_212 = arith.constant 3 : index
    %get3A_213 = arith.constant 0 : index
    %get3A_214 = arith.constant 0 : index
    %get3A_215 = vector.load %arg4[%get3A_211, %get3A_212, %get3A_213, %get3A_214] : memref<1x4x768x384xf32, #tpu.memory_space<vmem>>, vector<1x1x768x384xf32>
    %get3A_216 = vector.shape_cast %get3A_215 : vector<1x1x768x384xf32> to vector<768x384xf32>
    %dot_general3A_217 = arith.constant dense<0.000000e+00> : vector<64x384xf32>
    %dot_general3A_218 = tpu.matmul %mul3A_210, %get3A_216, %dot_general3A_217 {dimension_numbers = #tpu.dot_dimension_numbers<[1], [0], [0], [1], [0, 0, 1, 1], [], []>, transpose_lhs_hint = false} : vector<64x768xf32>, vector<768x384xf32>, vector<64x384xf32> -> vector<64x384xf32>
    %get3A_219 = arith.constant 0 : index
    %get3A_220 = arith.constant 3 : index
    %get3A_221 = arith.constant 0 : index
    %get3A_222 = arith.constant 0 : index
    %get3A_223 = vector.load %arg5[%get3A_219, %get3A_220, %get3A_221, %get3A_222] : memref<1x4x1x384xf32, #tpu.memory_space<vmem>>, vector<1x1x1x384xf32>
    %get3A_224 = vector.shape_cast %get3A_223 : vector<1x1x1x384xf32> to vector<1x384xf32>
    %add3A_225 = vector.broadcast %get3A_224 : vector<1x384xf32> to vector<64x384xf32>
    %add3A_226 = arith.addf %dot_general3A_218, %add3A_225 : vector<64x384xf32>
    %swap3A_227 = arith.constant 3 : index
    %swap3A_228 = arith.constant 0 : index
    %swap3A_229 = arith.constant 0 : index
    %swap3A_230 = vector.load %arg6[%swap3A_227, %swap3A_228, %swap3A_229] : memref<4x64x384xf32, #tpu.memory_space<vmem>>, vector<1x64x384xf32>
    %swap3A_231 = vector.shape_cast %swap3A_230 : vector<1x64x384xf32> to vector<64x384xf32>
    %swap3A_232 = vector.shape_cast %add3A_226 : vector<64x384xf32> to vector<1x64x384xf32>
    tpu.vector_store %arg6[%swap3A_227, %swap3A_228, %swap3A_229], %swap3A_232 {strides = array<i32>} : memref<4x64x384xf32, #tpu.memory_space<vmem>>, vector<1x64x384xf32>,
    return
  }
  func.func @transform_0(%arg0: i32) -> (i32, i32, i32) {
    %c0_i32 = arith.constant 0 : i32
    %c0_i32_0 = arith.constant 0 : i32
    %c0_i32_1 = arith.constant 0 : i32
    return %arg0, %c0_i32, %c0_i32_0 : i32, i32, i32
  }
  func.func @transform_1(%arg0: i32) -> (i32, i32, i32, i32) {
    %c1_i32 = arith.constant 1 : i32
    %c0_i32 = arith.constant 0 : i32
    %c0_i32_0 = arith.constant 0 : i32
    %c0_i32_1 = arith.constant 0 : i32
    return %c1_i32, %arg0, %c0_i32, %c0_i32_0 : i32, i32, i32, i32
  }
  func.func @transform_2(%arg0: i32) -> (i32, i32, i32, i32) {
    %c1_i32 = arith.constant 1 : i32
    %c0_i32 = arith.constant 0 : i32
    %c0_i32_0 = arith.constant 0 : i32
    %c0_i32_1 = arith.constant 0 : i32
    return %c1_i32, %arg0, %c0_i32, %c0_i32_0 : i32, i32, i32, i32
  }
  func.func @transform_3(%arg0: i32) -> (i32, i32, i32, i32) {
    %c1_i32 = arith.constant 1 : i32
    %c0_i32 = arith.constant 0 : i32
    %c0_i32_0 = arith.constant 0 : i32
    %c0_i32_1 = arith.constant 0 : i32
    return %c1_i32, %arg0, %c0_i32, %c0_i32_0 : i32, i32, i32, i32
  }
  func.func @transform_4(%arg0: i32) -> (i32, i32, i32, i32) {
    %c1_i32 = arith.constant 1 : i32
    %c0_i32 = arith.constant 0 : i32
    %c0_i32_0 = arith.constant 0 : i32
    %c0_i32_1 = arith.constant 0 : i32
    return %c1_i32, %arg0, %c0_i32, %c0_i32_0 : i32, i32, i32, i32
  }
  func.func @transform_5(%arg0: i32) -> (i32, i32, i32) {
    %c0_i32 = arith.constant 0 : i32
    %c0_i32_0 = arith.constant 0 : i32
    %c0_i32_1 = arith.constant 0 : i32
    return %arg0, %c0_i32, %c0_i32_0 : i32, i32, i32
  }
}

module attributes {stable_mosaic.version = 14 : i64} {
  func.func @_head_body(%arg0: memref<16x384xf32, #tpu.memory_space<vmem>>, %arg1: memref<16x1xf32, #tpu.memory_space<vmem>>, %arg2: memref<16x384xf32, #tpu.memory_space<vmem>>, %arg3: memref<1x384xf32, #tpu.memory_space<vmem>>, %arg4: memref<1x384xf32, #tpu.memory_space<vmem>>, %arg5: memref<384x1000xf32, #tpu.memory_space<vmem>>, %arg6: memref<1x1000xf32, #tpu.memory_space<vmem>>, %arg7: memref<16x1000xf32, #tpu.memory_space<vmem>>) attributes {dimension_semantics = [], scalar_prefetch = 0 : i64, scratch_operands = 0 : i64, tpu.core_type = #tpu.core_type<tc>} {
    %get3A = arith.constant 0 : index
    %get3A_0 = arith.constant 0 : index
    %get3A_1 = vector.load %arg0[%get3A, %get3A_0] : memref<16x384xf32, #tpu.memory_space<vmem>>, vector<16x384xf32>
    %get3A_2 = arith.constant 0 : index
    %get3A_3 = arith.constant 0 : index
    %get3A_4 = vector.load %arg1[%get3A_2, %get3A_3] : memref<16x1xf32, #tpu.memory_space<vmem>>, vector<16x1xf32>
    %get3A_5 = arith.constant 0 : index
    %get3A_6 = arith.constant 0 : index
    %get3A_7 = vector.load %arg2[%get3A_5, %get3A_6] : memref<16x384xf32, #tpu.memory_space<vmem>>, vector<16x384xf32>
    %mul3A = vector.broadcast %get3A_4 : vector<16x1xf32> to vector<16x384xf32>
    %mul3A_8 = arith.mulf %mul3A, %get3A_7 : vector<16x384xf32>
    %add3A = arith.addf %get3A_1, %mul3A_8 : vector<16x384xf32>
    %get3A_9 = arith.constant 0 : index
    %get3A_10 = arith.constant 0 : index
    %get3A_11 = vector.load %arg3[%get3A_9, %get3A_10] : memref<1x384xf32, #tpu.memory_space<vmem>>, vector<1x384xf32>
    %get3A_12 = arith.constant 0 : index
    %get3A_13 = arith.constant 0 : index
    %get3A_14 = vector.load %arg4[%get3A_12, %get3A_13] : memref<1x384xf32, #tpu.memory_space<vmem>>, vector<1x384xf32>
    %reduce_sum3A = arith.constant dense<0.000000e+00> : vector<16xf32>
    %reduce_sum3A_15 = vector.multi_reduction <add>, %add3A, %reduce_sum3A [1] : vector<16x384xf32> to vector<16xf32>
    %broadcast_in_dim3A = vector.shape_cast %reduce_sum3A_15 : vector<16xf32> to vector<16x1xf32>
    %div3A = arith.constant 3.840000e+02 : f32
    %div3A_16 = vector.broadcast %div3A : f32 to vector<16x1xf32>
    %div3A_17 = arith.divf %broadcast_in_dim3A, %div3A_16 : vector<16x1xf32>
    %sub3A = vector.broadcast %div3A_17 : vector<16x1xf32> to vector<16x384xf32>
    %sub3A_18 = arith.subf %add3A, %sub3A : vector<16x384xf32>
    %sub3A_19 = vector.broadcast %div3A_17 : vector<16x1xf32> to vector<16x384xf32>
    %sub3A_20 = arith.subf %add3A, %sub3A_19 : vector<16x384xf32>
    %mul3A_21 = arith.mulf %sub3A_18, %sub3A_20 : vector<16x384xf32>
    %reduce_sum3A_22 = arith.constant dense<0.000000e+00> : vector<16xf32>
    %reduce_sum3A_23 = vector.multi_reduction <add>, %mul3A_21, %reduce_sum3A_22 [1] : vector<16x384xf32> to vector<16xf32>
    %broadcast_in_dim3A_24 = vector.shape_cast %reduce_sum3A_23 : vector<16xf32> to vector<16x1xf32>
    %div3A_25 = arith.constant 3.840000e+02 : f32
    %div3A_26 = vector.broadcast %div3A_25 : f32 to vector<16x1xf32>
    %div3A_27 = arith.divf %broadcast_in_dim3A_24, %div3A_26 : vector<16x1xf32>
    %sub3A_28 = vector.broadcast %div3A_17 : vector<16x1xf32> to vector<16x384xf32>
    %sub3A_29 = arith.subf %add3A, %sub3A_28 : vector<16x384xf32>
    %add3A_30 = arith.constant 9.99999997E-7 : f32
    %add3A_31 = vector.broadcast %add3A_30 : f32 to vector<16x1xf32>
    %add3A_32 = arith.addf %div3A_27, %add3A_31 : vector<16x1xf32>
    %rsqrt3A = math.rsqrt %add3A_32 : vector<16x1xf32>
    %mul3A_33 = vector.broadcast %rsqrt3A : vector<16x1xf32> to vector<16x384xf32>
    %mul3A_34 = arith.mulf %sub3A_29, %mul3A_33 : vector<16x384xf32>
    %mul3A_35 = vector.broadcast %get3A_11 : vector<1x384xf32> to vector<16x384xf32>
    %mul3A_36 = arith.mulf %mul3A_34, %mul3A_35 : vector<16x384xf32>
    %add3A_37 = vector.broadcast %get3A_14 : vector<1x384xf32> to vector<16x384xf32>
    %add3A_38 = arith.addf %mul3A_36, %add3A_37 : vector<16x384xf32>
    %get3A_39 = arith.constant 0 : index
    %get3A_40 = arith.constant 0 : index
    %get3A_41 = vector.load %arg5[%get3A_39, %get3A_40] : memref<384x1000xf32, #tpu.memory_space<vmem>>, vector<384x1000xf32>
    %dot_general3A = arith.constant dense<0.000000e+00> : vector<16x1000xf32>
    %dot_general3A_42 = tpu.matmul %add3A_38, %get3A_41, %dot_general3A {dimension_numbers = #tpu.dot_dimension_numbers<[1], [0], [0], [1], [0, 0, 1, 1], [], []>, transpose_lhs_hint = false} : vector<16x384xf32>, vector<384x1000xf32>, vector<16x1000xf32> -> vector<16x1000xf32>
    %get3A_43 = arith.constant 0 : index
    %get3A_44 = arith.constant 0 : index
    %get3A_45 = vector.load %arg6[%get3A_43, %get3A_44] : memref<1x1000xf32, #tpu.memory_space<vmem>>, vector<1x1000xf32>
    %add3A_46 = vector.broadcast %get3A_45 : vector<1x1000xf32> to vector<16x1000xf32>
    %add3A_47 = arith.addf %dot_general3A_42, %add3A_46 : vector<16x1000xf32>
    %swap3A = arith.constant 0 : index
    %swap3A_48 = arith.constant 0 : index
    %swap3A_49 = vector.load %arg7[%swap3A, %swap3A_48] : memref<16x1000xf32, #tpu.memory_space<vmem>>, vector<16x1000xf32>
    tpu.vector_store %arg7[%swap3A, %swap3A_48], %add3A_47 {strides = array<i32>} : memref<16x1000xf32, #tpu.memory_space<vmem>>, vector<16x1000xf32>,
    return
  }
}

</mosaic_0001>

<sc_bundles>
// kernel: kernel.13.cloned.1.call-start
scs
__scs_entry_jumppad:
0x0: {  	(pc) =	sbr.rel $0x88, $3  }
0x1: {  	(tag) =	ssettag $0x0;
	lr =	simm.s32 $0x1  }
0x2: {  	[smem:$0x3F8B] =	sst lr;
	_ =	strace $0xD0000000  }
0x3: {  	_ = 	snop  }
0x4: {  	_ = 	snop  }
0x5: {  	_ = 	snop  }
0x6: {  	_ = 	snop  }
0x7: {  	_ = 	snop  }
__scs_overlays_trampoline_lowered:
0x8: {  	[smem:$0x3F9A] =	sst s0  }
0x9: {  	[smem:$0x3F9B] =	sst s1  }
0xa: {  	[smem:$0x3F9C] =	sst s2  }
0xb: {  	[smem:$0x3F9D] =	sst s3  }
0xc: {  	[smem:$0x3F9E] =	sst s4  }
0xd: {  	[smem:$0x3F9F] =	sst s5  }
0xe: {  	[smem:$0x3FA0] =	sst s6  }
0xf: {  	[smem:$0x3FA1] =	sst s7  }
0x10: {  	[smem:$0x3FA2] =	sst s8  }
0x11: {  	[smem:$0x3FA3] =	sst s9;
	s0 =	simm.s32 @!p0 $0x0  }
0x12: {  	s1 =	sld [smem:$0x3F89];
	s0 =	simm.s32 @p0 $0x1  }
0x13: {  	[smem:$0x3FA4] =	sst s0;
	s0 =	simm.s32 @!p1 $0x0  }
0x14: {  	s2 =	sld [smem:$0x3F88];
	s0 =	simm.s32 @p1 $0x1  }
0x15: {  	[smem:$0x3FA5] =	sst s0;
	s0 =	simm.s32 @!p2 $0x0  }
0x16: {  	s3 =	sld [smem:$0x3FDB];
	s0 =	simm.s32 @p2 $0x1  }
0x17: {  	s4 =	simm.s32 $0x1BF5;
	[smem:$0x3FA7] =	sst s0  }
0x18: {  	s0 =	sld [smem:$0x3F8A];
	_ =	swait.ge [sflag:s4], $0x0  }
0x19: {  	s7 =	sld [smem:$0x3F8B]  }
0x1a: {  	s8 =	sadd.s32 $0xFFFFE003, lr  }
0x1b: {  	s9 =	sadd.s32 $0xFFFFFEF7, lr;
	s5 =	simm.s32 $0xFFFFFFFF;
	p2 =	slt.u32 s8, $0xFFFFF086  }
0x1c: {  	p1 =	slt.u32 s9, $0xF7A;
	s5 =	simm.s32 @!p2 $0x0  }
0x1d: {  	s5 =	simm.s32 @p1 $0x1;
	p0 =	seq.s32 s7, s2  }
0x1e: {  	s7 =	smul.u32 @!p0 $0xF7A, s2;
	p2 =	seq.s32 @!p0 s5, $0x0  }
0x1f: {  	s9 =	smul.u32 $0xF7A, s1;
	s8 =	simm.s32 @!p0 $0x1BF5;
	p2 =	por !p2, p0  }
0x20: {  	[sflag:s8] =	ssyncset.s32 @!p0 $0xFFFFF086;
	s6 =	sadd.s32 @!p0 s3, s7;
	s7 =	simm.s32 @!p0 $0x108  }
0x21: {  	s3 =	sadd.s32 s3, s9;
	s6 =	sadd.s32 @!p0 $0x88, s6;
	s7 =	simm.s32 @p2 $0x1082  }
0x22: {  	[simem:s7], [sflag:s8] =	dma.local @!p0 [hbm:s6], $0xF7A  }
0x23: {  	s9 =	sor.u32 $0xD0000000, s2;
	s6 =	simm.s32 $0x108;
	_ =	swait.ge @!p0 [sflag:s8], $0x0  }
0x24: {  	s3 =	sadd.s32 $0x88, s3;
	s6 =	simm.s32 @!p1 $0x1082;
	[sflag:s4] =	ssyncset.s32 $0xFFFFF086  }
0x25: {  	[simem:s6], [sflag:s4] =	dma.local [hbm:s3], $0xF7A  }
0x26: {  	[smem:$0x3F8B] =	sst s1;
	(tag) =	ssettag s2;
	_ =	strace s9  }
0x27: {  	s1 =	sld [smem:$0x3F9B]  }
0x28: {  	s2 =	sld [smem:$0x3F9C]  }
0x29: {  	s4 =	sld [smem:$0x3F9E]  }
0x2a: {  	p0 =	seq.s32 s5, $0x0;
	s5 =	sld [smem:$0x3F9F]  }
0x2b: {  	s6 =	sld [smem:$0x3FA0]  }
0x2c: {  	s7 =	sld [smem:$0x3FA1]  }
0x2d: {  	s3 =	simm.s32 $0x108;
	s8 =	sld [smem:$0x3FA2]  }
0x2e: {  	s3 =	simm.s32 @!p0 $0x1082;
	s9 =	sld [smem:$0x3FA3]  }
0x2f: {  	lr =	sadd.s32 s0, s3;
	s0 =	sld [smem:$0x3F9A]  }
0x30: {  	s3 =	sld [smem:$0x3F9D]  }
0x31: {  	[smem:$0x3FA6] =	sst s10  }
0x32: {  	s10 =	sld [smem:$0x3FA4];
	_ =	sdelay $0x3  }
0x33: {  	p0 =	seq.s32 s10, $0x1;
	s10 =	sld [smem:$0x3FA6];
	_ =	sdelay $0x3  }
0x34: {  	[smem:$0x3FA6] =	sst s10  }
0x35: {  	s10 =	sld [smem:$0x3FA5];
	_ =	sdelay $0x3  }
0x36: {  	p1 =	seq.s32 s10, $0x1;
	s10 =	sld [smem:$0x3FA6];
	_ =	sdelay $0x3  }
0x37: {  	[smem:$0x3FA6] =	sst s10  }
0x38: {  	s10 =	sld [smem:$0x3FA7]  }
0x39: {  	_ = 	snop;
	(pc) =	sbr.ind lr, $3  }
0x3a: {  	_ = 	snop  }
0x3b: {  	_ = 	snop  }
0x3c: {  	p2 =	seq.s32 s10, $0x1;
	s10 =	sld [smem:$0x3FA6]  }
0x3d: {  	_ =	shalt  }
0x3e: {  	_ =	shalt  }
0x3f: {  	_ =	shalt  }
0x40: {  	_ =	shalt  }
0x41: {  	_ =	shalt  }
0x42: {  	_ =	shalt  }
0x43: {  	_ =	shalt  }
0x44: {  	_ =	shalt  }
0x45: {  	_ =	shalt  }
0x46: {  	_ =	shalt  }
0x47: {  	_ =	shalt  }
0x48: {  	_ =	shalt  }
0x49: {  	_ =	shalt  }
0x4a: {  	_ =	shalt  }
0x4b: {  	_ =	shalt  }
0x4c: {  	_ =	shalt  }
0x4d: {  	_ =	shalt  }
0x4e: {  	_ =	shalt  }
0x4f: {  	_ =	shalt  }
0x50: {  	_ =	shalt  }
0x51: {  	_ =	shalt  }
0x52: {  	_ =	shalt  }
0x53: {  	_ =	shalt  }
0x54: {  	_ =	shalt  }
0x55: {  	_ =	shalt  }
0x56: {  	_ =	shalt  }
0x57: {  	_ =	shalt  }
0x58: {  	_ =	shalt  }
0x59: {  	_ =	shalt  }
0x5a: {  	_ =	shalt  }
0x5b: {  	_ =	shalt  }
0x5c: {  	_ =	shalt  }
0x5d: {  	_ =	shalt  }
0x5e: {  	_ =	shalt  }
0x5f: {  	_ =	shalt  }
0x60: {  	_ =	shalt  }
0x61: {  	_ =	shalt  }
0x62: {  	_ =	shalt  }
0x63: {  	_ =	shalt  }
0x64: {  	_ =	shalt  }
0x65: {  	_ =	shalt  }
0x66: {  	_ =	shalt  }
0x67: {  	_ =	shalt  }
0x68: {  	_ =	shalt  }
0x69: {  	_ =	shalt  }
0x6a: {  	_ =	shalt  }
0x6b: {  	_ =	shalt  }
0x6c: {  	_ =	shalt  }
0x6d: {  	_ =	shalt  }
0x6e: {  	_ =	shalt  }
0x6f: {  	_ =	shalt  }
0x70: {  	_ =	shalt  }
0x71: {  	_ =	shalt  }
0x72: {  	_ =	shalt  }
0x73: {  	_ =	shalt  }
0x74: {  	_ =	shalt  }
0x75: {  	_ =	shalt  }
0x76: {  	_ =	shalt  }
0x77: {  	_ =	shalt  }
0x78: {  	_ =	shalt  }
0x79: {  	_ =	shalt  }
0x7a: {  	_ =	shalt  }
0x7b: {  	_ =	shalt  }
0x7c: {  	_ =	shalt  }
0x7d: {  	_ =	shalt  }
0x7e: {  	_ =	shalt  }
0x7f: {  	_ =	shalt  }
0x80: {  	_ =	shalt  }
0x81: {  	_ =	shalt  }
0x82: {  	_ =	shalt  }
0x83: {  	_ =	shalt  }
0x84: {  	_ =	shalt  }
0x85: {  	_ =	shalt  }
0x86: {  	_ =	shalt  }
0x87: {  	_ =	shalt  }
.Lfunc_end0:
.L_simem_size_0:
called_computation_lowered:
.L_overlay_start_0:
0x88: {  	s2 =	sld [smem:$0x3FD9]  }
0x89: {  	s3 =	sld [smem:$0x3FFE];
	_ =	sdelay $0x1  }
0x8a: {  	s1 =	srdreg.scid  }
0x8b: {  	s0 =	sand.u32 $0x1, s1  }
0x8c: {  	s17 =	sshll.u32 s0, $0xA;
	s2 =	sadd.s32 s3, s2  }
0x8d: {  	s2 =	sadd.s32 s2, s17  }
0x8e: {  	[smem:$0x3FB2] =	sst s2  }
0x8f: {  	_ = 	snop  }
0x90: {  	s2 =	sld [smem:$0x3FD0];
	(tm) =	ssettm $0x1  }
0x91: {  	s18 =	sld [smem:$0x3FFB];
	_ =	sdelay $0x3  }
0x92: {  	_ =	strace s18  }
0x93: {  	s3 =	sld [smem:$0x3FFC];
	_ =	sdelay $0x3  }
0x94: {  	_ =	strace s3  }
0x95: {  	s3 =	sld [smem:$0x3FFD];
	_ =	sdelay $0x3  }
0x96: {  	_ =	strace s3  }
0x97: {  	_ =	strace $0x8FFFFFFF  }
0x98: {  	s19 =	sld [smem:$0x3FDB];
	_ =	sdelay $0x1  }
0x99: {  	s4 =	simm.s32 $_scs_section_size  }
0x9a: {  	s5 =	simm.s32 $_size__tile_overlayer_lowered;
	s6 =	simm.s32 $_tile_overlayer_lowered  }
0x9b: {  	s22 =	simm.s32 $0x1BFF;
	s21 =	sshll.u32 s6, $0x1;
	s3 =	sadd.s32 s4, s19  }
0x9c: {  	s7 =	simm.s32 $0x0;
	s20 =	sshll.u32 s5, $0x1;
	s5 =	sadd.s32 s21, s3  }
0x9d: {  	[timem:s7], [sflag:s22] =	dma.local [hbm:s5], s20  }
0x9e: {  	_ =	swait.ge [sflag:s22], s20  }
0x9f: {  	s4 =	ssub.s32 $0x0, s20;
	[sflag:s22] =	ssyncset.done $0x0  }
0xa0: {  	[sflag:s22] =	ssyncadd.s32 s4;
	_ =	sdelay $0x1  }
0xa1: {  	s23 =	simm.s32 $0x1B8B  }
0xa2: {  	_ =	swait.ge [sflag:s23], $0x1  }
0xa3: {  	[sflag:s23] =	ssyncset.done $0x0  }
0xa4: {  	s25 =	simm.s32 $0x1B8E;
	s24 =	sld [smem:$0x3FFE];
	[sflag:s23] =	ssyncadd.s32 $0xFFFFFFFF  }
0xa5: {  	s26 =	simm.s32 $execute0_lowered;
	[smem:$0x3FD2] =	sst s25  }
0xa6: {  	s5 =	sshll.u32 s26, $0x1;
	_ =	strace $0x80000046;
	[dreg:$0x1] =	wrdreg $0xFFFFFFFF  }
0xa7: {  	s28 =	simm.s32 $_size_execute0_lowered;
	s3 =	sadd.s32 s3, s5;
	[dreg:$0x0] =	wrdreg $0x0  }
0xa8: {  	s5 =	sshll.u32 s28, $0x1;
	[dreg:$0x2] =	wrdreg s3  }
0xa9: {  	[dreg:$0x3] =	wrdreg s5  }
0xaa: {  	[dreg:$0x4] =	wrdreg $0xC0  }
0xab: {  	_ =	task [dreg:s7], $0x5FFFF  }
0xac: {  	[dreg:$0x1] =	wrdreg $0xFFFFFFFF  }
0xad: {  	[dreg:$0x0] =	wrdreg $0x60  }
0xae: {  	[dreg:$0x2] =	wrdreg s2  }
0xaf: {  	[dreg:$0x3] =	wrdreg s24  }
0xb0: {  	[dreg:$0x4] =	wrdreg $0x9  }
0xb1: {  	_ =	task.clear_ibuf [dreg:s7], $0x5FFFF;
	_ =	strace $0x90000046  }
0xb2: {  	s29 =	simm.s32 $0x9;
	_ =	strace $0x80000048  }
0xb3: {  	_ =	swait.ge [sflag:s29], $0x1  }
0xb4: {  	[sflag:s29] =	ssyncadd.s32 $0xFFFFFFFF  }
0xb5: {  	_ =	strace $0x90000048  }
0xb6: {  	_ =	sfence  }
0xb7: {  	s30 =	sld [smem:$0x0];
	_ =	sdelay $0x2  }
0xb8: {  	s31 =	sshll.u32 s1, $0xD;
	s1 =	sshrl.u32 s1, $0x2  }
0xb9: {  	s3 =	sand.u32 $0x4000, s31;
	s1 =	sadd.s32 s1, s30  }
0xba: {  	s0 =	sor.u32 s3, s0;
	s1 =	sshll.u32 s1, $0x11  }
0xbb: {  	s0 =	sor.u32 s1, s0  }
0xbc: {  	s0 =	sadd.s32 $0x8F2B, s0  }
0xbd: {  	[sflag:s0] =	ssyncadd.remote.s32 $0x1  }
0xbe: {  	_ =	sfence.sel $0xFFFF  }
0xbf: {  	[dreg:$0x0] =	wrdreg $0xFFFFFFFF;
	(pc) =	sbr.abs _section_cstart, $3  }
0xc0: {  	[dreg:$0x1] =	wrdreg $0xFFFFFFFF  }
0xc1: {  	_ =	task.clear_ibuf [dreg:s7], $0x2FFFF;
	_ =	strace $0x9FFFFFFF  }
0xc2: {  	(tm) =	ssettm $0x7FFFFFFF  }
0xc3: {  	_ =	shalt  }
tec
execute0_lowered:
.L_overlay_start_1:
0x0: {  	(tag) =	ssettag $0x1  }
0x1: {  	s1 =	srdreg.scid;
	s4 =	rddreg [dreg:$0x0]  }
0x2: {  	s0 =	stileid.u32;
	s5 =	rddreg [dreg:$0x1];
	s24 =	simm.s32 $0x880  }
0x3: {  	s25 =	simm.s32 $0xC80;
	s26 =	simm.s32 $0x1480;
	s9 =	simm.s32 $0x2080  }
0x4: {  	s10 =	simm.s32 $0x2480;
	s11 =	simm.s32 $0x2C80;
	s12 =	simm.s32 $0x3080  }
0x5: {  	s13 =	simm.s32 $0x3880;
	s14 =	simm.s32 $0x3C80;
	s15 =	simm.s32 $0x4480  }
0x6: {  	s16 =	simm.s32 $0x4880;
	s1 =	sand.u32 $0x1, s1;
	s2 =	sshll.u32 s0, $0x1  }
0x7: {  	s17 =	simm.s32 $0x5080;
	s18 =	simm.s32 $0x5480;
	s2 =	sor.u32 s1, s2  }
0x8: {  	s19 =	simm.s32 $0x5C80;
	s20 =	simm.s32 $0x6080;
	s2 =	smul.u32 $0x70, s2  }
0x9: {  	s21 =	simm.s32 $0x6880;
	s28 =	simm.s32 $0x8C80;
	s29 =	simm.s32 $0x9080  }
0xa: {  	s30 =	simm.s32 $0x9880;
	s31 =	simm.s32 $0x9C80;
	s2 =	smin.u32 s2, $0xBE0  }
0xb: {  	s1 =	ssub.s32 $0x2, s1;
	s6 =	sshrl.u32 s2, $0x3;
	s2 =	simm.s32 $0x0  }
0xc: {  	s22 =	sshrl.u32 s1, $0x1;
	[smem:$0x7FF] =	sst s2;
	s4 =	sadd.s32 s4, s6  }
0xd: {  	s1 =	ssub.s32 s1, s22;
	_ =	strace $0x80000047;
	[dreg:$0x3] =	wrdreg s4  }
0xe: {  	s22 =	simm.s32 $0x6C80;
	s3 =	smul.u32 $0x180, s6;
	[dreg:$0x5] =	wrdreg s24  }
0xf: {  	s6 =	simm.s32 $0x80;
	s4 =	sadd.s32 $0x28700, s5;
	[dreg:$0x6] =	wrdreg s25  }
0x10: {  	[dreg:$0x7] =	wrdreg s26;
	s24 =	simm.s32 $0x7880;
	s25 =	simm.s32 $0x8080  }
0x11: {  	v2 =	vlaneseq.u32;
	s26 =	simm.s32 $0x8480;
	s7 =	sadd.s32 s3, s5;
	s3 =	sadd.s32 $0x28600, s5  }
0x12: {  	vm0 =	vmmov $0xffff;
	vm1 =	vmmov $0xff;
	v1 =	vshrl.u32 v2, $0x3;
	s5 =	smax.u32 s1, $0x1;
	s1 =	simm.s32 $0xA480;
	s23 =	sadd.s32 $0x3600, s7  }
0x13: {  	v0 =	vand.u32 $0x7, v2;
	v2 =	vor.u32 $0x8, v2;
	v1 =	vmul.u32 $0x8, v1;
	s7 =	simm.s32 $0x1;
	[dreg:$0x4] =	wrdreg s23;
	s23 =	simm.s32 $0x7480  }
.LBB2_1:
0x14: {  	s0 =	rddreg [dreg:$0x3]  }
0x15: {  	[tilespmem:s2], [sflag:$0x1] =	stream.linear.gather [hbm4b:s0+s2], $0x70, $0x38;
	[tilespmem:$0xA880] =	vst v63  }
0x16: {  	s8 =	rddreg [dreg:$0x4]  }
0x17: {  	[tilespmem:s6], [sflag:$0x1] =	stream.linear.gather [hbm4b:s8+s2], $0xA800, $0x38;
	[tilespmem:$0xA880] =	vst v63  }
0x18: {  	_ =	swait.ge [sflag:s7], $0x70  }
0x19: {  	[sflag:s7] =	ssyncset.done $0x0  }
0x1a: {  	[sflag:s7] =	ssyncadd.s32 $0xFFFFFF90  }
0x1b: {  	_ =	swait.ge [sflag:s7], $0xA800  }
0x1c: {  	[sflag:s7] =	ssyncset.done $0x0  }
0x1d: {  	[sflag:s7] =	ssyncadd.s32 $0xFFFF5800  }
0x1e: {  	v3 =	vld [tilespmem:$0x0];
	_ =	sdelay $0x4  }
0x1f: {  	v4 =	vshrl.u32 v3, $0x3  }
0x20: {  	v4 =	vmul.u32 $0x18, v4  }
0x21: {  	v3 =	vand.u32 $0x7, v3  }
0x22: {  	v3 =	vor.u32 v3, v4  }
0x23: {  	v4 =	vperm.xlane v3, v0;
	_ =	sdelay $0x1  }
0x24: {  	v4 =	vadd.s32 v1, v4;
	_ =	sdelay $0x1  }
0x25: {  	v3 =	vperm.xlane v3, v2;
	_ =	sdelay $0x1  }
0x26: {  	v3 =	vadd.s32 v1, v3  }
0x27: {  	[hbm4b:s3+s2] =	stream.indirect_vreg.scatter [tilespmem:s6], [sflag:$0x1], $0x80, v4, vm0, $0xb8;
	[tilespmem:$0xA880] =	vst v63  }
0x28: {  	s0 =	rddreg [dreg:$0x5]  }
0x29: {  	[hbm4b:s4+s2] =	stream.indirect_vreg.scatter [tilespmem:s0], [sflag:$0x1], $0x80, v4, vm1, $0xb8;
	[tilespmem:$0xA880] =	vst v63  }
0x2a: {  	s8 =	rddreg [dreg:$0x6]  }
0x2b: {  	[hbm4b:s3+s2] =	stream.indirect_vreg.scatter [tilespmem:s8], [sflag:$0x1], $0x80, v3, vm0, $0xb8;
	[tilespmem:$0xA880] =	vst v63  }
0x2c: {  	s0 =	rddreg [dreg:$0x7]  }
0x2d: {  	[hbm4b:s4+s2] =	stream.indirect_vreg.scatter [tilespmem:s0], [sflag:$0x1], $0x80, v3, vm1, $0xb8;
	[tilespmem:$0xA880] =	vst v63  }
0x2e: {  	v3 =	vld [tilespmem:$0x10];
	_ =	sdelay $0x4  }
0x2f: {  	v58 =	vshrl.u32 v3, $0x3  }
0x30: {  	v4 =	vmul.u32 $0x18, v58  }
0x31: {  	v3 =	vand.u32 $0x7, v3  }
0x32: {  	v3 =	vor.u32 v3, v4  }
0x33: {  	v4 =	vperm.xlane v3, v0;
	_ =	sdelay $0x1  }
0x34: {  	v4 =	vadd.s32 v1, v4;
	_ =	sdelay $0x1  }
0x35: {  	v3 =	vperm.xlane v3, v2;
	_ =	sdelay $0x1  }
0x36: {  	s8 =	simm.s32 $0x1880;
	v3 =	vadd.s32 v1, v3  }
0x37: {  	[hbm4b:s3+s2] =	stream.indirect_vreg.scatter [tilespmem:s8], [sflag:$0x1], $0x80, v4, vm0, $0xb8;
	[tilespmem:$0xA880] =	vst v63  }
0x38: {  	_ = 	snop  }
0x39: {  	[hbm4b:s4+s2] =	stream.indirect_vreg.scatter [tilespmem:s9], [sflag:$0x1], $0x80, v4, vm1, $0xb8;
	[tilespmem:$0xA880] =	vst v63  }
0x3a: {  	_ = 	snop  }
0x3b: {  	[hbm4b:s3+s2] =	stream.indirect_vreg.scatter [tilespmem:s10], [sflag:$0x1], $0x80, v3, vm0, $0xb8;
	[tilespmem:$0xA880] =	vst v63  }
0x3c: {  	_ = 	snop  }
0x3d: {  	[hbm4b:s4+s2] =	stream.indirect_vreg.scatter [tilespmem:s11], [sflag:$0x1], $0x80, v3, vm1, $0xb8;
	[tilespmem:$0xA880] =	vst v63  }
0x3e: {  	v3 =	vld [tilespmem:$0x20];
	_ =	sdelay $0x4  }
0x3f: {  	v59 =	vshrl.u32 v3, $0x3  }
0x40: {  	v4 =	vmul.u32 $0x18, v59  }
0x41: {  	v3 =	vand.u32 $0x7, v3  }
0x42: {  	v3 =	vor.u32 v3, v4  }
0x43: {  	v4 =	vperm.xlane v3, v0;
	_ =	sdelay $0x1  }
0x44: {  	v4 =	vadd.s32 v1, v4;
	_ =	sdelay $0x1  }
0x45: {  	v3 =	vperm.xlane v3, v2;
	_ =	sdelay $0x1  }
0x46: {  	v3 =	vadd.s32 v1, v3  }
0x47: {  	[hbm4b:s3+s2] =	stream.indirect_vreg.scatter [tilespmem:s12], [sflag:$0x1], $0x80, v4, vm0, $0xb8;
	[tilespmem:$0xA880] =	vst v63  }
0x48: {  	_ = 	snop  }
0x49: {  	[hbm4b:s4+s2] =	stream.indirect_vreg.scatter [tilespmem:s13], [sflag:$0x1], $0x80, v4, vm1, $0xb8;
	[tilespmem:$0xA880] =	vst v63  }
0x4a: {  	_ = 	snop  }
0x4b: {  	[hbm4b:s3+s2] =	stream.indirect_vreg.scatter [tilespmem:s14], [sflag:$0x1], $0x80, v3, vm0, $0xb8;
	[tilespmem:$0xA880] =	vst v63  }
0x4c: {  	_ = 	snop  }
0x4d: {  	[hbm4b:s4+s2] =	stream.indirect_vreg.scatter [tilespmem:s15], [sflag:$0x1], $0x80, v3, vm1, $0xb8;
	[tilespmem:$0xA880] =	vst v63  }
0x4e: {  	v3 =	vld [tilespmem:$0x30];
	_ =	sdelay $0x4  }
0x4f: {  	v60 =	vshrl.u32 v3, $0x3  }
0x50: {  	v4 =	vmul.u32 $0x18, v60  }
0x51: {  	v3 =	vand.u32 $0x7, v3  }
0x52: {  	v3 =	vor.u32 v3, v4  }
0x53: {  	v4 =	vperm.xlane v3, v0;
	_ =	sdelay $0x1  }
0x54: {  	v4 =	vadd.s32 v1, v4;
	_ =	sdelay $0x1  }
0x55: {  	v3 =	vperm.xlane v3, v2;
	_ =	sdelay $0x1  }
0x56: {  	v3 =	vadd.s32 v1, v3  }
0x57: {  	[hbm4b:s3+s2] =	stream.indirect_vreg.scatter [tilespmem:s16], [sflag:$0x1], $0x80, v4, vm0, $0xb8;
	[tilespmem:$0xA880] =	vst v63  }
0x58: {  	_ = 	snop  }
0x59: {  	[hbm4b:s4+s2] =	stream.indirect_vreg.scatter [tilespmem:s17], [sflag:$0x1], $0x80, v4, vm1, $0xb8;
	[tilespmem:$0xA880] =	vst v63  }
0x5a: {  	_ = 	snop  }
0x5b: {  	[hbm4b:s3+s2] =	stream.indirect_vreg.scatter [tilespmem:s18], [sflag:$0x1], $0x80, v3, vm0, $0xb8;
	[tilespmem:$0xA880] =	vst v63  }
0x5c: {  	_ = 	snop  }
0x5d: {  	[hbm4b:s4+s2] =	stream.indirect_vreg.scatter [tilespmem:s19], [sflag:$0x1], $0x80, v3, vm1, $0xb8;
	[tilespmem:$0xA880] =	vst v63  }
0x5e: {  	v3 =	vld [tilespmem:$0x40];
	_ =	sdelay $0x4  }
0x5f: {  	v61 =	vshrl.u32 v3, $0x3  }
0x60: {  	v4 =	vmul.u32 $0x18, v61  }
0x61: {  	v3 =	vand.u32 $0x7, v3  }
0x62: {  	v3 =	vor.u32 v3, v4  }
0x63: {  	v4 =	vperm.xlane v3, v0;
	_ =	sdelay $0x1  }
0x64: {  	v4 =	vadd.s32 v1, v4;
	_ =	sdelay $0x1  }
0x65: {  	v3 =	vperm.xlane v3, v2;
	_ =	sdelay $0x1  }
0x66: {  	v3 =	vadd.s32 v1, v3  }
0x67: {  	[hbm4b:s3+s2] =	stream.indirect_vreg.scatter [tilespmem:s20], [sflag:$0x1], $0x80, v4, vm0, $0xb8;
	[tilespmem:$0xA880] =	vst v63  }
0x68: {  	_ = 	snop  }
0x69: {  	[hbm4b:s4+s2] =	stream.indirect_vreg.scatter [tilespmem:s21], [sflag:$0x1], $0x80, v4, vm1, $0xb8;
	[tilespmem:$0xA880] =	vst v63  }
0x6a: {  	_ = 	snop  }
0x6b: {  	[hbm4b:s3+s2] =	stream.indirect_vreg.scatter [tilespmem:s22], [sflag:$0x1], $0x80, v3, vm0, $0xb8;
	[tilespmem:$0xA880] =	vst v63  }
0x6c: {  	_ = 	snop  }
0x6d: {  	[hbm4b:s4+s2] =	stream.indirect_vreg.scatter [tilespmem:s23], [sflag:$0x1], $0x80, v3, vm1, $0xb8;
	[tilespmem:$0xA880] =	vst v63  }
0x6e: {  	v3 =	vld [tilespmem:$0x50];
	_ =	sdelay $0x4  }
0x6f: {  	v62 =	vshrl.u32 v3, $0x3  }
0x70: {  	v4 =	vmul.u32 $0x18, v62  }
0x71: {  	v3 =	vand.u32 $0x7, v3  }
0x72: {  	v3 =	vor.u32 v3, v4  }
0x73: {  	v4 =	vperm.xlane v3, v0;
	_ =	sdelay $0x1  }
0x74: {  	v4 =	vadd.s32 v1, v4;
	_ =	sdelay $0x1  }
0x75: {  	v3 =	vperm.xlane v3, v2;
	_ =	sdelay $0x1  }
0x76: {  	v3 =	vadd.s32 v1, v3  }
0x77: {  	[hbm4b:s3+s2] =	stream.indirect_vreg.scatter [tilespmem:s24], [sflag:$0x1], $0x80, v4, vm0, $0xb8;
	[tilespmem:$0xA880] =	vst v63  }
0x78: {  	_ = 	snop  }
0x79: {  	[hbm4b:s4+s2] =	stream.indirect_vreg.scatter [tilespmem:s25], [sflag:$0x1], $0x80, v4, vm1, $0xb8;
	[tilespmem:$0xA880] =	vst v63  }
0x7a: {  	_ = 	snop  }
0x7b: {  	[hbm4b:s3+s2] =	stream.indirect_vreg.scatter [tilespmem:s26], [sflag:$0x1], $0x80, v3, vm0, $0xb8;
	[tilespmem:$0xA880] =	vst v63  }
0x7c: {  	_ = 	snop  }
0x7d: {  	[hbm4b:s4+s2] =	stream.indirect_vreg.scatter [tilespmem:s28], [sflag:$0x1], $0x80, v3, vm1, $0xb8;
	[tilespmem:$0xA880] =	vst v63  }
0x7e: {  	v3 =	vld [tilespmem:$0x60];
	_ =	sdelay $0x4  }
0x7f: {  	v63 =	vshrl.u32 v3, $0x3  }
0x80: {  	v4 =	vmul.u32 $0x18, v63  }
0x81: {  	v3 =	vand.u32 $0x7, v3  }
0x82: {  	v3 =	vor.u32 v3, v4  }
0x83: {  	v4 =	vperm.xlane v3, v0;
	_ =	sdelay $0x1  }
0x84: {  	v4 =	vadd.s32 v1, v4;
	_ =	sdelay $0x1  }
0x85: {  	v3 =	vperm.xlane v3, v2;
	_ =	sdelay $0x1  }
0x86: {  	v3 =	vadd.s32 v1, v3  }
0x87: {  	[hbm4b:s3+s2] =	stream.indirect_vreg.scatter [tilespmem:s29], [sflag:$0x1], $0x80, v4, vm0, $0xb8;
	[tilespmem:$0xA880] =	vst v63  }
0x88: {  	_ = 	snop  }
0x89: {  	[hbm4b:s4+s2] =	stream.indirect_vreg.scatter [tilespmem:s30], [sflag:$0x1], $0x80, v4, vm1, $0xb8;
	[tilespmem:$0xA880] =	vst v63  }
0x8a: {  	p0 =	sne.s32 s5, $0x1  }
0x8b: {  	[hbm4b:s3+s2] =	stream.indirect_vreg.scatter [tilespmem:s31], [sflag:$0x1], $0x80, v3, vm0, $0xb8;
	[tilespmem:$0xA880] =	vst v63  }
.Ltmp0:
0x8c: {  	_ = 	snop;
	(pc) =	sbr.rel @p0 .LBB2_1-.Ltmp0, $4  }
0x8d: {  	[hbm4b:s4+s2] =	stream.indirect_vreg.scatter [tilespmem:s1], [sflag:$0x1], $0x80, v3, vm1, $0xb8;
	[tilespmem:$0xA880] =	vst v63  }
0x8e: {  	_ =	swait.ge [sflag:s7], $0xA800  }
0x8f: {  	[sflag:s7] =	ssyncset.done $0x0  }
0x90: {  	s5 =	sadd.s32 $0xFFFFFFFF, s5;
	[sflag:s7] =	ssyncadd.s32 $0xFFFF5800  }
0x91: {  	_ =	sfence.sel $0x180000  }
0x92: {  	[bflag:$0x0] =	sbarrier.arrive $0xFFFF  }
0x93: {  	_ =	strace $0x90000047  }
0x94: {  	s0 =	stileid.u32;
	[bflag:$0x2] =	sbarrier.arrive $0xFFFF  }
0x95: {  	p0 =	sne.s32 s0, $0x0;
	s0 =	rddreg [dreg:$0x2]  }
0x96: {  	s0 =	sadd.s32 @!p0 $0x100000, s0  }
0x97: {  	[sflag:s0] =	ssyncadd.tile.s32 @!p0 $0x1;
	_ =	shalt  }
.Lfunc_end2:
_tile_overlayer_lowered:
.L_overlay_start_2:
0x98: {  	(tag) =	ssettag $0x2  }
0x99: {  	s0 =	rddreg [dreg:$0x0];
	s2 =	stileid.u32  }
0x9a: {  	s1 =	rddreg [dreg:$0x1];
	p0 =	sne.s32 s2, $0x0  }
0x9b: {  	s3 =	rddreg [dreg:$0x2];
	[bflag:$0x3] =	sbarrier.arrive $0xFFFF;
	s2 =	simm.s32 @!p0 $0x1C02  }
0x9c: {  	[timem:s3], [sflag:s2] =	dma.local @!p0 [hbm:s0], s1  }
0x9d: {  	s0 =	simm.s32 @!p0 $0x2  }
0x9e: {  	_ =	swait.ge @!p0 [sflag:s0], s1  }
0x9f: {  	s1 =	ssub.s32 @!p0 $0x0, s1;
	[sflag:s0] =	ssyncset.done @!p0 $0x0  }
0xa0: {  	[sflag:s0] =	ssyncadd.s32 @!p0 s1  }
0xa1: {  	[bflag:$0x3] =	sbarrier.arrive $0xFFFF  }
0xa2: {  	_ =	shalt  }

// kernel: kernel.16.cloned.1.call-start
scs
__scs_entry_jumppad:
0x0: {  	(pc) =	sbr.rel $0x88, $3  }
0x1: {  	(tag) =	ssettag $0x0;
	lr =	simm.s32 $0x1  }
0x2: {  	[smem:$0x3F8B] =	sst lr;
	_ =	strace $0xD0000000  }
0x3: {  	_ = 	snop  }
0x4: {  	_ = 	snop  }
0x5: {  	_ = 	snop  }
0x6: {  	_ = 	snop  }
0x7: {  	_ = 	snop  }
__scs_overlays_trampoline_lowered:
0x8: {  	[smem:$0x3F9A] =	sst s0  }
0x9: {  	[smem:$0x3F9B] =	sst s1  }
0xa: {  	[smem:$0x3F9C] =	sst s2  }
0xb: {  	[smem:$0x3F9D] =	sst s3  }
0xc: {  	[smem:$0x3F9E] =	sst s4  }
0xd: {  	[smem:$0x3F9F] =	sst s5  }
0xe: {  	[smem:$0x3FA0] =	sst s6  }
0xf: {  	[smem:$0x3FA1] =	sst s7  }
0x10: {  	[smem:$0x3FA2] =	sst s8  }
0x11: {  	[smem:$0x3FA3] =	sst s9;
	s0 =	simm.s32 @!p0 $0x0  }
0x12: {  	s1 =	sld [smem:$0x3F89];
	s0 =	simm.s32 @p0 $0x1  }
0x13: {  	[smem:$0x3FA4] =	sst s0;
	s0 =	simm.s32 @!p1 $0x0  }
0x14: {  	s2 =	sld [smem:$0x3F88];
	s0 =	simm.s32 @p1 $0x1  }
0x15: {  	[smem:$0x3FA5] =	sst s0;
	s0 =	simm.s32 @!p2 $0x0  }
0x16: {  	s3 =	sld [smem:$0x3FDB];
	s0 =	simm.s32 @p2 $0x1  }
0x17: {  	s4 =	simm.s32 $0x1BF5;
	[smem:$0x3FA7] =	sst s0  }
0x18: {  	s0 =	sld [smem:$0x3F8A];
	_ =	swait.ge [sflag:s4], $0x0  }
0x19: {  	s7 =	sld [smem:$0x3F8B]  }
0x1a: {  	s8 =	sadd.s32 $0xFFFFE003, lr  }
0x1b: {  	s9 =	sadd.s32 $0xFFFFFEF7, lr;
	s5 =	simm.s32 $0xFFFFFFFF;
	p2 =	slt.u32 s8, $0xFFFFF086  }
0x1c: {  	p1 =	slt.u32 s9, $0xF7A;
	s5 =	simm.s32 @!p2 $0x0  }
0x1d: {  	s5 =	simm.s32 @p1 $0x1;
	p0 =	seq.s32 s7, s2  }
0x1e: {  	s7 =	smul.u32 @!p0 $0xF7A, s2;
	p2 =	seq.s32 @!p0 s5, $0x0  }
0x1f: {  	s9 =	smul.u32 $0xF7A, s1;
	s8 =	simm.s32 @!p0 $0x1BF5;
	p2 =	por !p2, p0  }
0x20: {  	[sflag:s8] =	ssyncset.s32 @!p0 $0xFFFFF086;
	s6 =	sadd.s32 @!p0 s3, s7;
	s7 =	simm.s32 @!p0 $0x108  }
0x21: {  	s3 =	sadd.s32 s3, s9;
	s6 =	sadd.s32 @!p0 $0x88, s6;
	s7 =	simm.s32 @p2 $0x1082  }
0x22: {  	[simem:s7], [sflag:s8] =	dma.local @!p0 [hbm:s6], $0xF7A  }
0x23: {  	s9 =	sor.u32 $0xD0000000, s2;
	s6 =	simm.s32 $0x108;
	_ =	swait.ge @!p0 [sflag:s8], $0x0  }
0x24: {  	s3 =	sadd.s32 $0x88, s3;
	s6 =	simm.s32 @!p1 $0x1082;
	[sflag:s4] =	ssyncset.s32 $0xFFFFF086  }
0x25: {  	[simem:s6], [sflag:s4] =	dma.local [hbm:s3], $0xF7A  }
0x26: {  	[smem:$0x3F8B] =	sst s1;
	(tag) =	ssettag s2;
	_ =	strace s9  }
0x27: {  	s1 =	sld [smem:$0x3F9B]  }
0x28: {  	s2 =	sld [smem:$0x3F9C]  }
0x29: {  	s4 =	sld [smem:$0x3F9E]  }
0x2a: {  	p0 =	seq.s32 s5, $0x0;
	s5 =	sld [smem:$0x3F9F]  }
0x2b: {  	s6 =	sld [smem:$0x3FA0]  }
0x2c: {  	s7 =	sld [smem:$0x3FA1]  }
0x2d: {  	s3 =	simm.s32 $0x108;
	s8 =	sld [smem:$0x3FA2]  }
0x2e: {  	s3 =	simm.s32 @!p0 $0x1082;
	s9 =	sld [smem:$0x3FA3]  }
0x2f: {  	lr =	sadd.s32 s0, s3;
	s0 =	sld [smem:$0x3F9A]  }
0x30: {  	s3 =	sld [smem:$0x3F9D]  }
0x31: {  	[smem:$0x3FA6] =	sst s10  }
0x32: {  	s10 =	sld [smem:$0x3FA4];
	_ =	sdelay $0x3  }
0x33: {  	p0 =	seq.s32 s10, $0x1;
	s10 =	sld [smem:$0x3FA6];
	_ =	sdelay $0x3  }
0x34: {  	[smem:$0x3FA6] =	sst s10  }
0x35: {  	s10 =	sld [smem:$0x3FA5];
	_ =	sdelay $0x3  }
0x36: {  	p1 =	seq.s32 s10, $0x1;
	s10 =	sld [smem:$0x3FA6];
	_ =	sdelay $0x3  }
0x37: {  	[smem:$0x3FA6] =	sst s10  }
0x38: {  	s10 =	sld [smem:$0x3FA7]  }
0x39: {  	_ = 	snop;
	(pc) =	sbr.ind lr, $3  }
0x3a: {  	_ = 	snop  }
0x3b: {  	_ = 	snop  }
0x3c: {  	p2 =	seq.s32 s10, $0x1;
	s10 =	sld [smem:$0x3FA6]  }
0x3d: {  	_ =	shalt  }
0x3e: {  	_ =	shalt  }
0x3f: {  	_ =	shalt  }
0x40: {  	_ =	shalt  }
0x41: {  	_ =	shalt  }
0x42: {  	_ =	shalt  }
0x43: {  	_ =	shalt  }
0x44: {  	_ =	shalt  }
0x45: {  	_ =	shalt  }
0x46: {  	_ =	shalt  }
0x47: {  	_ =	shalt  }
0x48: {  	_ =	shalt  }
0x49: {  	_ =	shalt  }
0x4a: {  	_ =	shalt  }
0x4b: {  	_ =	shalt  }
0x4c: {  	_ =	shalt  }
0x4d: {  	_ =	shalt  }
0x4e: {  	_ =	shalt  }
0x4f: {  	_ =	shalt  }
0x50: {  	_ =	shalt  }
0x51: {  	_ =	shalt  }
0x52: {  	_ =	shalt  }
0x53: {  	_ =	shalt  }
0x54: {  	_ =	shalt  }
0x55: {  	_ =	shalt  }
0x56: {  	_ =	shalt  }
0x57: {  	_ =	shalt  }
0x58: {  	_ =	shalt  }
0x59: {  	_ =	shalt  }
0x5a: {  	_ =	shalt  }
0x5b: {  	_ =	shalt  }
0x5c: {  	_ =	shalt  }
0x5d: {  	_ =	shalt  }
0x5e: {  	_ =	shalt  }
0x5f: {  	_ =	shalt  }
0x60: {  	_ =	shalt  }
0x61: {  	_ =	shalt  }
0x62: {  	_ =	shalt  }
0x63: {  	_ =	shalt  }
0x64: {  	_ =	shalt  }
0x65: {  	_ =	shalt  }
0x66: {  	_ =	shalt  }
0x67: {  	_ =	shalt  }
0x68: {  	_ =	shalt  }
0x69: {  	_ =	shalt  }
0x6a: {  	_ =	shalt  }
0x6b: {  	_ =	shalt  }
0x6c: {  	_ =	shalt  }
0x6d: {  	_ =	shalt  }
0x6e: {  	_ =	shalt  }
0x6f: {  	_ =	shalt  }
0x70: {  	_ =	shalt  }
0x71: {  	_ =	shalt  }
0x72: {  	_ =	shalt  }
0x73: {  	_ =	shalt  }
0x74: {  	_ =	shalt  }
0x75: {  	_ =	shalt  }
0x76: {  	_ =	shalt  }
0x77: {  	_ =	shalt  }
0x78: {  	_ =	shalt  }
0x79: {  	_ =	shalt  }
0x7a: {  	_ =	shalt  }
0x7b: {  	_ =	shalt  }
0x7c: {  	_ =	shalt  }
0x7d: {  	_ =	shalt  }
0x7e: {  	_ =	shalt  }
0x7f: {  	_ =	shalt  }
0x80: {  	_ =	shalt  }
0x81: {  	_ =	shalt  }
0x82: {  	_ =	shalt  }
0x83: {  	_ =	shalt  }
0x84: {  	_ =	shalt  }
0x85: {  	_ =	shalt  }
0x86: {  	_ =	shalt  }
0x87: {  	_ =	shalt  }
.Lfunc_end0:
.L_simem_size_0:
called_computation.1_lowered:
.L_overlay_start_0:
0x88: {  	s2 =	sld [smem:$0x3FD9]  }
0x89: {  	s3 =	sld [smem:$0x3FFE];
	_ =	sdelay $0x1  }
0x8a: {  	s1 =	srdreg.scid  }
0x8b: {  	s0 =	sand.u32 $0x1, s1  }
0x8c: {  	s17 =	sshll.u32 s0, $0xA;
	s2 =	sadd.s32 s3, s2  }
0x8d: {  	s2 =	sadd.s32 s2, s17  }
0x8e: {  	[smem:$0x3FB2] =	sst s2  }
0x8f: {  	_ = 	snop  }
0x90: {  	s2 =	sld [smem:$0x3FD0];
	(tm) =	ssettm $0x1  }
0x91: {  	s18 =	sld [smem:$0x3FFB];
	_ =	sdelay $0x3  }
0x92: {  	_ =	strace s18  }
0x93: {  	s3 =	sld [smem:$0x3FFC];
	_ =	sdelay $0x3  }
0x94: {  	_ =	strace s3  }
0x95: {  	s3 =	sld [smem:$0x3FFD];
	_ =	sdelay $0x3  }
0x96: {  	_ =	strace s3  }
0x97: {  	_ =	strace $0x8FFFFFFF  }
0x98: {  	s19 =	sld [smem:$0x3FDB];
	_ =	sdelay $0x1  }
0x99: {  	s4 =	simm.s32 $_scs_section_size  }
0x9a: {  	s5 =	simm.s32 $_size__tile_overlayer_lowered;
	s6 =	simm.s32 $_tile_overlayer_lowered  }
0x9b: {  	s22 =	simm.s32 $0x1BFF;
	s21 =	sshll.u32 s6, $0x1;
	s3 =	sadd.s32 s4, s19  }
0x9c: {  	s7 =	simm.s32 $0x0;
	s20 =	sshll.u32 s5, $0x1;
	s5 =	sadd.s32 s21, s3  }
0x9d: {  	[timem:s7], [sflag:s22] =	dma.local [hbm:s5], s20  }
0x9e: {  	_ =	swait.ge [sflag:s22], s20  }
0x9f: {  	s4 =	ssub.s32 $0x0, s20;
	[sflag:s22] =	ssyncset.done $0x0  }
0xa0: {  	[sflag:s22] =	ssyncadd.s32 s4;
	_ =	sdelay $0x1  }
0xa1: {  	s23 =	simm.s32 $0x1B8B  }
0xa2: {  	_ =	swait.ge [sflag:s23], $0x1  }
0xa3: {  	[sflag:s23] =	ssyncset.done $0x0  }
0xa4: {  	s25 =	simm.s32 $0x1B8E;
	s24 =	sld [smem:$0x3FFE];
	[sflag:s23] =	ssyncadd.s32 $0xFFFFFFFF  }
0xa5: {  	s26 =	simm.s32 $execute0_lowered;
	[smem:$0x3FD2] =	sst s25  }
0xa6: {  	s5 =	sshll.u32 s26, $0x1;
	_ =	strace $0x80000049;
	[dreg:$0x1] =	wrdreg $0xFFFFFFFF  }
0xa7: {  	s28 =	simm.s32 $_size_execute0_lowered;
	s3 =	sadd.s32 s3, s5;
	[dreg:$0x0] =	wrdreg $0x0  }
0xa8: {  	s5 =	sshll.u32 s28, $0x1;
	[dreg:$0x2] =	wrdreg s3  }
0xa9: {  	[dreg:$0x3] =	wrdreg s5  }
0xaa: {  	[dreg:$0x4] =	wrdreg $0xC0  }
0xab: {  	_ =	task [dreg:s7], $0x5FFFF  }
0xac: {  	[dreg:$0x1] =	wrdreg $0xFFFFFFFF  }
0xad: {  	[dreg:$0x0] =	wrdreg $0x60  }
0xae: {  	[dreg:$0x2] =	wrdreg s2  }
0xaf: {  	[dreg:$0x3] =	wrdreg s24  }
0xb0: {  	[dreg:$0x4] =	wrdreg $0x9  }
0xb1: {  	_ =	task.clear_ibuf [dreg:s7], $0x5FFFF;
	_ =	strace $0x90000049  }
0xb2: {  	s29 =	simm.s32 $0x9;
	_ =	strace $0x8000004B  }
0xb3: {  	_ =	swait.ge [sflag:s29], $0x1  }
0xb4: {  	[sflag:s29] =	ssyncadd.s32 $0xFFFFFFFF  }
0xb5: {  	_ =	strace $0x9000004B  }
0xb6: {  	_ =	sfence  }
0xb7: {  	s30 =	sld [smem:$0x0];
	_ =	sdelay $0x2  }
0xb8: {  	s31 =	sshll.u32 s1, $0xD;
	s1 =	sshrl.u32 s1, $0x2  }
0xb9: {  	s3 =	sand.u32 $0x4000, s31;
	s1 =	sadd.s32 s1, s30  }
0xba: {  	s0 =	sor.u32 s3, s0;
	s1 =	sshll.u32 s1, $0x11  }
0xbb: {  	s0 =	sor.u32 s1, s0  }
0xbc: {  	s0 =	sadd.s32 $0x8F2B, s0  }
0xbd: {  	[sflag:s0] =	ssyncadd.remote.s32 $0x1  }
0xbe: {  	_ =	sfence.sel $0xFFFF  }
0xbf: {  	[dreg:$0x0] =	wrdreg $0xFFFFFFFF;
	(pc) =	sbr.abs _section_cstart, $3  }
0xc0: {  	[dreg:$0x1] =	wrdreg $0xFFFFFFFF  }
0xc1: {  	_ =	task.clear_ibuf [dreg:s7], $0x2FFFF;
	_ =	strace $0x9FFFFFFF  }
0xc2: {  	(tm) =	ssettm $0x7FFFFFFF  }
0xc3: {  	_ =	shalt  }
tec
execute0_lowered:
.L_overlay_start_1:
0x0: {  	(tag) =	ssettag $0x1  }
0x1: {  	s1 =	srdreg.scid;
	s4 =	rddreg [dreg:$0x0]  }
0x2: {  	s0 =	stileid.u32;
	s5 =	rddreg [dreg:$0x1]  }
0x3: {  	s23 =	simm.s32 $0x880;
	s24 =	simm.s32 $0xC80;
	s25 =	simm.s32 $0x1480  }
0x4: {  	s26 =	simm.s32 $0x1880;
	s9 =	simm.s32 $0x2480;
	s10 =	simm.s32 $0x2C80  }
0x5: {  	s11 =	simm.s32 $0x3080;
	s12 =	simm.s32 $0x3880;
	s13 =	simm.s32 $0x3C80  }
0x6: {  	s14 =	simm.s32 $0x4480;
	s15 =	simm.s32 $0x4880;
	s16 =	simm.s32 $0x5080  }
0x7: {  	s17 =	simm.s32 $0x5480;
	s1 =	sand.u32 $0x1, s1;
	s2 =	sshll.u32 s0, $0x1  }
0x8: {  	s18 =	simm.s32 $0x5C80;
	s19 =	simm.s32 $0x6080;
	s2 =	sor.u32 s1, s2  }
0x9: {  	s20 =	simm.s32 $0x6880;
	s28 =	simm.s32 $0x9080;
	s2 =	smul.u32 $0x70, s2  }
0xa: {  	s29 =	simm.s32 $0x9880;
	s30 =	simm.s32 $0x9C80;
	s1 =	ssub.s32 $0x2, s1  }
0xb: {  	s22 =	sshrl.u32 s1, $0x1;
	s3 =	smin.u32 s2, $0xBE0;
	s2 =	simm.s32 $0x0  }
0xc: {  	s31 =	simm.s32 $0xA480;
	s1 =	ssub.s32 s1, s22;
	[smem:$0x7FF] =	sst s2  }
0xd: {  	s22 =	simm.s32 $0x7480;
	_ =	strace $0x8000004A;
	[dreg:$0x5] =	wrdreg s23  }
0xe: {  	s6 =	sshrl.u32 s3, $0x3;
	s3 =	sadd.s32 $0x3600, s5;
	[dreg:$0x6] =	wrdreg s24  }
0xf: {  	s7 =	smul.u32 $0x180, s6;
	s4 =	sadd.s32 s4, s6;
	[dreg:$0x7] =	wrdreg s25  }
0x10: {  	s6 =	simm.s32 $0x2;
	[dreg:$0x8] =	wrdreg s26;
	s23 =	simm.s32 $0x7880  }
0x11: {  	s24 =	simm.s32 $0x8080;
	s25 =	simm.s32 $0x8480;
	s26 =	simm.s32 $0x8C80  }
0x12: {  	v2 =	vlaneseq.u32;
	[dreg:$0x3] =	wrdreg s4;
	s4 =	sadd.s32 $0x3700, s5;
	s7 =	sadd.s32 s7, s5  }
0x13: {  	vm0 =	vmmov $0xffff;
	vm1 =	vmmov $0xff;
	v1 =	vshrl.u32 v2, $0x3;
	s5 =	smax.u32 s1, $0x1;
	s1 =	simm.s32 $0x1;
	s21 =	sadd.s32 $0x33600, s7  }
0x14: {  	v0 =	vand.u32 $0x7, v2;
	v2 =	vor.u32 $0x8, v2;
	v1 =	vmul.u32 $0x8, v1;
	s7 =	simm.s32 $0x80;
	[dreg:$0x4] =	wrdreg s21;
	s21 =	simm.s32 $0x6C80  }
.LBB2_1:
0x15: {  	s0 =	rddreg [dreg:$0x3]  }
0x16: {  	[tilespmem:s2], [sflag:$0x2] =	stream.linear.gather [hbm4b:s0+s2], $0x70, $0x38;
	[tilespmem:$0xA880] =	vst v63  }
0x17: {  	_ =	swait.ge [sflag:s6], $0x70  }
0x18: {  	[sflag:s6] =	ssyncset.done $0x0  }
0x19: {  	[sflag:s6] =	ssyncadd.s32 $0xFFFFFF90  }
0x1a: {  	v3 =	vld [tilespmem:$0x0];
	_ =	sdelay $0x4  }
0x1b: {  	v4 =	vshrl.u32 v3, $0x3  }
0x1c: {  	v4 =	vmul.u32 $0x18, v4  }
0x1d: {  	v3 =	vand.u32 $0x7, v3  }
0x1e: {  	v3 =	vor.u32 v3, v4  }
0x1f: {  	v4 =	vperm.xlane v3, v0;
	_ =	sdelay $0x1  }
0x20: {  	v4 =	vadd.s32 v1, v4;
	_ =	sdelay $0x1  }
0x21: {  	v3 =	vperm.xlane v3, v2;
	_ =	sdelay $0x1  }
0x22: {  	v3 =	vadd.s32 v1, v3  }
0x23: {  	[tilespmem:s7], [sflag:$0x1] =	stream.indirect_vreg.gather [hbm4b:s3+s2], $0x80, v4, vm0, $0xb8;
	[tilespmem:$0xA880] =	vst v63  }
0x24: {  	s0 =	rddreg [dreg:$0x5]  }
0x25: {  	[tilespmem:s0], [sflag:$0x1] =	stream.indirect_vreg.gather [hbm4b:s4+s2], $0x80, v4, vm1, $0xb8;
	[tilespmem:$0xA880] =	vst v63  }
0x26: {  	s8 =	rddreg [dreg:$0x6]  }
0x27: {  	[tilespmem:s8], [sflag:$0x1] =	stream.indirect_vreg.gather [hbm4b:s3+s2], $0x80, v3, vm0, $0xb8;
	[tilespmem:$0xA880] =	vst v63  }
0x28: {  	s0 =	rddreg [dreg:$0x7]  }
0x29: {  	[tilespmem:s0], [sflag:$0x1] =	stream.indirect_vreg.gather [hbm4b:s4+s2], $0x80, v3, vm1, $0xb8;
	[tilespmem:$0xA880] =	vst v63  }
0x2a: {  	v3 =	vld [tilespmem:$0x10];
	_ =	sdelay $0x4  }
0x2b: {  	v58 =	vshrl.u32 v3, $0x3  }
0x2c: {  	v4 =	vmul.u32 $0x18, v58  }
0x2d: {  	v3 =	vand.u32 $0x7, v3  }
0x2e: {  	v3 =	vor.u32 v3, v4  }
0x2f: {  	v4 =	vperm.xlane v3, v0;
	_ =	sdelay $0x1  }
0x30: {  	v4 =	vadd.s32 v1, v4;
	_ =	sdelay $0x1  }
0x31: {  	v3 =	vperm.xlane v3, v2;
	_ =	sdelay $0x1  }
0x32: {  	s8 =	rddreg [dreg:$0x8];
	v3 =	vadd.s32 v1, v3  }
0x33: {  	[tilespmem:s8], [sflag:$0x1] =	stream.indirect_vreg.gather [hbm4b:s3+s2], $0x80, v4, vm0, $0xb8;
	[tilespmem:$0xA880] =	vst v63  }
0x34: {  	s8 =	simm.s32 $0x2080  }
0x35: {  	[tilespmem:s8], [sflag:$0x1] =	stream.indirect_vreg.gather [hbm4b:s4+s2], $0x80, v4, vm1, $0xb8;
	[tilespmem:$0xA880] =	vst v63  }
0x36: {  	_ = 	snop  }
0x37: {  	[tilespmem:s9], [sflag:$0x1] =	stream.indirect_vreg.gather [hbm4b:s3+s2], $0x80, v3, vm0, $0xb8;
	[tilespmem:$0xA880] =	vst v63  }
0x38: {  	_ = 	snop  }
0x39: {  	[tilespmem:s10], [sflag:$0x1] =	stream.indirect_vreg.gather [hbm4b:s4+s2], $0x80, v3, vm1, $0xb8;
	[tilespmem:$0xA880] =	vst v63  }
0x3a: {  	v3 =	vld [tilespmem:$0x20];
	_ =	sdelay $0x4  }
0x3b: {  	v59 =	vshrl.u32 v3, $0x3  }
0x3c: {  	v4 =	vmul.u32 $0x18, v59  }
0x3d: {  	v3 =	vand.u32 $0x7, v3  }
0x3e: {  	v3 =	vor.u32 v3, v4  }
0x3f: {  	v4 =	vperm.xlane v3, v0;
	_ =	sdelay $0x1  }
0x40: {  	v4 =	vadd.s32 v1, v4;
	_ =	sdelay $0x1  }
0x41: {  	v3 =	vperm.xlane v3, v2;
	_ =	sdelay $0x1  }
0x42: {  	v3 =	vadd.s32 v1, v3  }
0x43: {  	[tilespmem:s11], [sflag:$0x1] =	stream.indirect_vreg.gather [hbm4b:s3+s2], $0x80, v4, vm0, $0xb8;
	[tilespmem:$0xA880] =	vst v63  }
0x44: {  	_ = 	snop  }
0x45: {  	[tilespmem:s12], [sflag:$0x1] =	stream.indirect_vreg.gather [hbm4b:s4+s2], $0x80, v4, vm1, $0xb8;
	[tilespmem:$0xA880] =	vst v63  }
0x46: {  	_ = 	snop  }
0x47: {  	[tilespmem:s13], [sflag:$0x1] =	stream.indirect_vreg.gather [hbm4b:s3+s2], $0x80, v3, vm0, $0xb8;
	[tilespmem:$0xA880] =	vst v63  }
0x48: {  	_ = 	snop  }
0x49: {  	[tilespmem:s14], [sflag:$0x1] =	stream.indirect_vreg.gather [hbm4b:s4+s2], $0x80, v3, vm1, $0xb8;
	[tilespmem:$0xA880] =	vst v63  }
0x4a: {  	v3 =	vld [tilespmem:$0x30];
	_ =	sdelay $0x4  }
0x4b: {  	v60 =	vshrl.u32 v3, $0x3  }
0x4c: {  	v4 =	vmul.u32 $0x18, v60  }
0x4d: {  	v3 =	vand.u32 $0x7, v3  }
0x4e: {  	v3 =	vor.u32 v3, v4  }
0x4f: {  	v4 =	vperm.xlane v3, v0;
	_ =	sdelay $0x1  }
0x50: {  	v4 =	vadd.s32 v1, v4;
	_ =	sdelay $0x1  }
0x51: {  	v3 =	vperm.xlane v3, v2;
	_ =	sdelay $0x1  }
0x52: {  	v3 =	vadd.s32 v1, v3  }
0x53: {  	[tilespmem:s15], [sflag:$0x1] =	stream.indirect_vreg.gather [hbm4b:s3+s2], $0x80, v4, vm0, $0xb8;
	[tilespmem:$0xA880] =	vst v63  }
0x54: {  	_ = 	snop  }
0x55: {  	[tilespmem:s16], [sflag:$0x1] =	stream.indirect_vreg.gather [hbm4b:s4+s2], $0x80, v4, vm1, $0xb8;
	[tilespmem:$0xA880] =	vst v63  }
0x56: {  	_ = 	snop  }
0x57: {  	[tilespmem:s17], [sflag:$0x1] =	stream.indirect_vreg.gather [hbm4b:s3+s2], $0x80, v3, vm0, $0xb8;
	[tilespmem:$0xA880] =	vst v63  }
0x58: {  	_ = 	snop  }
0x59: {  	[tilespmem:s18], [sflag:$0x1] =	stream.indirect_vreg.gather [hbm4b:s4+s2], $0x80, v3, vm1, $0xb8;
	[tilespmem:$0xA880] =	vst v63  }
0x5a: {  	v3 =	vld [tilespmem:$0x40];
	_ =	sdelay $0x4  }
0x5b: {  	v61 =	vshrl.u32 v3, $0x3  }
0x5c: {  	v4 =	vmul.u32 $0x18, v61  }
0x5d: {  	v3 =	vand.u32 $0x7, v3  }
0x5e: {  	v3 =	vor.u32 v3, v4  }
0x5f: {  	v4 =	vperm.xlane v3, v0;
	_ =	sdelay $0x1  }
0x60: {  	v4 =	vadd.s32 v1, v4;
	_ =	sdelay $0x1  }
0x61: {  	v3 =	vperm.xlane v3, v2;
	_ =	sdelay $0x1  }
0x62: {  	v3 =	vadd.s32 v1, v3  }
0x63: {  	[tilespmem:s19], [sflag:$0x1] =	stream.indirect_vreg.gather [hbm4b:s3+s2], $0x80, v4, vm0, $0xb8;
	[tilespmem:$0xA880] =	vst v63  }
0x64: {  	_ = 	snop  }
0x65: {  	[tilespmem:s20], [sflag:$0x1] =	stream.indirect_vreg.gather [hbm4b:s4+s2], $0x80, v4, vm1, $0xb8;
	[tilespmem:$0xA880] =	vst v63  }
0x66: {  	_ = 	snop  }
0x67: {  	[tilespmem:s21], [sflag:$0x1] =	stream.indirect_vreg.gather [hbm4b:s3+s2], $0x80, v3, vm0, $0xb8;
	[tilespmem:$0xA880] =	vst v63  }
0x68: {  	_ = 	snop  }
0x69: {  	[tilespmem:s22], [sflag:$0x1] =	stream.indirect_vreg.gather [hbm4b:s4+s2], $0x80, v3, vm1, $0xb8;
	[tilespmem:$0xA880] =	vst v63  }
0x6a: {  	v3 =	vld [tilespmem:$0x50];
	_ =	sdelay $0x4  }
0x6b: {  	v62 =	vshrl.u32 v3, $0x3  }
0x6c: {  	v4 =	vmul.u32 $0x18, v62  }
0x6d: {  	v3 =	vand.u32 $0x7, v3  }
0x6e: {  	v3 =	vor.u32 v3, v4  }
0x6f: {  	v4 =	vperm.xlane v3, v0;
	_ =	sdelay $0x1  }
0x70: {  	v4 =	vadd.s32 v1, v4;
	_ =	sdelay $0x1  }
0x71: {  	v3 =	vperm.xlane v3, v2;
	_ =	sdelay $0x1  }
0x72: {  	v3 =	vadd.s32 v1, v3  }
0x73: {  	[tilespmem:s23], [sflag:$0x1] =	stream.indirect_vreg.gather [hbm4b:s3+s2], $0x80, v4, vm0, $0xb8;
	[tilespmem:$0xA880] =	vst v63  }
0x74: {  	_ = 	snop  }
0x75: {  	[tilespmem:s24], [sflag:$0x1] =	stream.indirect_vreg.gather [hbm4b:s4+s2], $0x80, v4, vm1, $0xb8;
	[tilespmem:$0xA880] =	vst v63  }
0x76: {  	_ = 	snop  }
0x77: {  	[tilespmem:s25], [sflag:$0x1] =	stream.indirect_vreg.gather [hbm4b:s3+s2], $0x80, v3, vm0, $0xb8;
	[tilespmem:$0xA880] =	vst v63  }
0x78: {  	_ = 	snop  }
0x79: {  	[tilespmem:s26], [sflag:$0x1] =	stream.indirect_vreg.gather [hbm4b:s4+s2], $0x80, v3, vm1, $0xb8;
	[tilespmem:$0xA880] =	vst v63  }
0x7a: {  	v3 =	vld [tilespmem:$0x60];
	_ =	sdelay $0x4  }
0x7b: {  	v63 =	vshrl.u32 v3, $0x3  }
0x7c: {  	v4 =	vmul.u32 $0x18, v63  }
0x7d: {  	v3 =	vand.u32 $0x7, v3  }
0x7e: {  	v3 =	vor.u32 v3, v4  }
0x7f: {  	v4 =	vperm.xlane v3, v0;
	_ =	sdelay $0x1  }
0x80: {  	v4 =	vadd.s32 v1, v4;
	_ =	sdelay $0x1  }
0x81: {  	v3 =	vperm.xlane v3, v2;
	_ =	sdelay $0x1  }
0x82: {  	v3 =	vadd.s32 v1, v3  }
0x83: {  	[tilespmem:s28], [sflag:$0x1] =	stream.indirect_vreg.gather [hbm4b:s3+s2], $0x80, v4, vm0, $0xb8;
	[tilespmem:$0xA880] =	vst v63  }
0x84: {  	_ = 	snop  }
0x85: {  	[tilespmem:s29], [sflag:$0x1] =	stream.indirect_vreg.gather [hbm4b:s4+s2], $0x80, v4, vm1, $0xb8;
	[tilespmem:$0xA880] =	vst v63  }
0x86: {  	_ = 	snop  }
0x87: {  	[tilespmem:s30], [sflag:$0x1] =	stream.indirect_vreg.gather [hbm4b:s3+s2], $0x80, v3, vm0, $0xb8;
	[tilespmem:$0xA880] =	vst v63  }
0x88: {  	_ = 	snop  }
0x89: {  	[tilespmem:s31], [sflag:$0x1] =	stream.indirect_vreg.gather [hbm4b:s4+s2], $0x80, v3, vm1, $0xb8;
	[tilespmem:$0xA880] =	vst v63  }
0x8a: {  	_ =	swait.ge [sflag:s1], $0xA800  }
0x8b: {  	p0 =	sne.s32 s5, $0x1;
	[sflag:s1] =	ssyncset.done $0x0  }
.Ltmp0:
0x8c: {  	s8 =	rddreg [dreg:$0x4];
	[sflag:s1] =	ssyncadd.s32 $0xFFFF5800;
	(pc) =	sbr.rel @p0 .LBB2_1-.Ltmp0, $4  }
0x8d: {  	[hbm4b:s8+s2] =	stream.linear.scatter [tilespmem:s7], [sflag:$0x2], $0xA800, $0x38;
	[tilespmem:$0xA880] =	vst v63  }
0x8e: {  	_ =	swait.ge [sflag:s6], $0xA800  }
0x8f: {  	[sflag:s6] =	ssyncset.done $0x0  }
0x90: {  	s5 =	sadd.s32 $0xFFFFFFFF, s5;
	[sflag:s6] =	ssyncadd.s32 $0xFFFF5800  }
0x91: {  	_ =	sfence.sel $0x180000  }
0x92: {  	[bflag:$0x0] =	sbarrier.arrive $0xFFFF  }
0x93: {  	_ =	strace $0x9000004A  }
0x94: {  	s0 =	stileid.u32;
	[bflag:$0x2] =	sbarrier.arrive $0xFFFF  }
0x95: {  	p0 =	sne.s32 s0, $0x0;
	s0 =	rddreg [dreg:$0x2]  }
0x96: {  	s0 =	sadd.s32 @!p0 $0x100000, s0  }
0x97: {  	[sflag:s0] =	ssyncadd.tile.s32 @!p0 $0x1;
	_ =	shalt  }
.Lfunc_end2:
_tile_overlayer_lowered:
.L_overlay_start_2:
0x98: {  	(tag) =	ssettag $0x2  }
0x99: {  	s0 =	rddreg [dreg:$0x0];
	s2 =	stileid.u32  }
0x9a: {  	s1 =	rddreg [dreg:$0x1];
	p0 =	sne.s32 s2, $0x0  }
0x9b: {  	s3 =	rddreg [dreg:$0x2];
	[bflag:$0x3] =	sbarrier.arrive $0xFFFF;
	s2 =	simm.s32 @!p0 $0x1C02  }
0x9c: {  	[timem:s3], [sflag:s2] =	dma.local @!p0 [hbm:s0], s1  }
0x9d: {  	s0 =	simm.s32 @!p0 $0x2  }
0x9e: {  	_ =	swait.ge @!p0 [sflag:s0], s1  }
0x9f: {  	s1 =	ssub.s32 @!p0 $0x0, s1;
	[sflag:s0] =	ssyncset.done @!p0 $0x0  }
0xa0: {  	[sflag:s0] =	ssyncadd.s32 @!p0 s1  }
0xa1: {  	[bflag:$0x3] =	sbarrier.arrive $0xFFFF  }
0xa2: {  	_ =	shalt  }

// kernel: kernel.19.cloned.1.call-start
scs
__scs_entry_jumppad:
0x0: {  	(pc) =	sbr.rel $0x88, $3  }
0x1: {  	(tag) =	ssettag $0x0;
	lr =	simm.s32 $0x1  }
0x2: {  	[smem:$0x3F8B] =	sst lr;
	_ =	strace $0xD0000000  }
0x3: {  	_ = 	snop  }
0x4: {  	_ = 	snop  }
0x5: {  	_ = 	snop  }
0x6: {  	_ = 	snop  }
0x7: {  	_ = 	snop  }
__scs_overlays_trampoline_lowered:
0x8: {  	[smem:$0x3F9A] =	sst s0  }
0x9: {  	[smem:$0x3F9B] =	sst s1  }
0xa: {  	[smem:$0x3F9C] =	sst s2  }
0xb: {  	[smem:$0x3F9D] =	sst s3  }
0xc: {  	[smem:$0x3F9E] =	sst s4  }
0xd: {  	[smem:$0x3F9F] =	sst s5  }
0xe: {  	[smem:$0x3FA0] =	sst s6  }
0xf: {  	[smem:$0x3FA1] =	sst s7  }
0x10: {  	[smem:$0x3FA2] =	sst s8  }
0x11: {  	[smem:$0x3FA3] =	sst s9;
	s0 =	simm.s32 @!p0 $0x0  }
0x12: {  	s1 =	sld [smem:$0x3F89];
	s0 =	simm.s32 @p0 $0x1  }
0x13: {  	[smem:$0x3FA4] =	sst s0;
	s0 =	simm.s32 @!p1 $0x0  }
0x14: {  	s2 =	sld [smem:$0x3F88];
	s0 =	simm.s32 @p1 $0x1  }
0x15: {  	[smem:$0x3FA5] =	sst s0;
	s0 =	simm.s32 @!p2 $0x0  }
0x16: {  	s3 =	sld [smem:$0x3FDB];
	s0 =	simm.s32 @p2 $0x1  }
0x17: {  	s4 =	simm.s32 $0x1BF5;
	[smem:$0x3FA7] =	sst s0  }
0x18: {  	s0 =	sld [smem:$0x3F8A];
	_ =	swait.ge [sflag:s4], $0x0  }
0x19: {  	s7 =	sld [smem:$0x3F8B]  }
0x1a: {  	s8 =	sadd.s32 $0xFFFFE003, lr  }
0x1b: {  	s9 =	sadd.s32 $0xFFFFFEF7, lr;
	s5 =	simm.s32 $0xFFFFFFFF;
	p2 =	slt.u32 s8, $0xFFFFF086  }
0x1c: {  	p1 =	slt.u32 s9, $0xF7A;
	s5 =	simm.s32 @!p2 $0x0  }
0x1d: {  	s5 =	simm.s32 @p1 $0x1;
	p0 =	seq.s32 s7, s2  }
0x1e: {  	s7 =	smul.u32 @!p0 $0xF7A, s2;
	p2 =	seq.s32 @!p0 s5, $0x0  }
0x1f: {  	s9 =	smul.u32 $0xF7A, s1;
	s8 =	simm.s32 @!p0 $0x1BF5;
	p2 =	por !p2, p0  }
0x20: {  	[sflag:s8] =	ssyncset.s32 @!p0 $0xFFFFF086;
	s6 =	sadd.s32 @!p0 s3, s7;
	s7 =	simm.s32 @!p0 $0x108  }
0x21: {  	s3 =	sadd.s32 s3, s9;
	s6 =	sadd.s32 @!p0 $0x88, s6;
	s7 =	simm.s32 @p2 $0x1082  }
0x22: {  	[simem:s7], [sflag:s8] =	dma.local @!p0 [hbm:s6], $0xF7A  }
0x23: {  	s9 =	sor.u32 $0xD0000000, s2;
	s6 =	simm.s32 $0x108;
	_ =	swait.ge @!p0 [sflag:s8], $0x0  }
0x24: {  	s3 =	sadd.s32 $0x88, s3;
	s6 =	simm.s32 @!p1 $0x1082;
	[sflag:s4] =	ssyncset.s32 $0xFFFFF086  }
0x25: {  	[simem:s6], [sflag:s4] =	dma.local [hbm:s3], $0xF7A  }
0x26: {  	[smem:$0x3F8B] =	sst s1;
	(tag) =	ssettag s2;
	_ =	strace s9  }
0x27: {  	s1 =	sld [smem:$0x3F9B]  }
0x28: {  	s2 =	sld [smem:$0x3F9C]  }
0x29: {  	s4 =	sld [smem:$0x3F9E]  }
0x2a: {  	p0 =	seq.s32 s5, $0x0;
	s5 =	sld [smem:$0x3F9F]  }
0x2b: {  	s6 =	sld [smem:$0x3FA0]  }
0x2c: {  	s7 =	sld [smem:$0x3FA1]  }
0x2d: {  	s3 =	simm.s32 $0x108;
	s8 =	sld [smem:$0x3FA2]  }
0x2e: {  	s3 =	simm.s32 @!p0 $0x1082;
	s9 =	sld [smem:$0x3FA3]  }
0x2f: {  	lr =	sadd.s32 s0, s3;
	s0 =	sld [smem:$0x3F9A]  }
0x30: {  	s3 =	sld [smem:$0x3F9D]  }
0x31: {  	[smem:$0x3FA6] =	sst s10  }
0x32: {  	s10 =	sld [smem:$0x3FA4];
	_ =	sdelay $0x3  }
0x33: {  	p0 =	seq.s32 s10, $0x1;
	s10 =	sld [smem:$0x3FA6];
	_ =	sdelay $0x3  }
0x34: {  	[smem:$0x3FA6] =	sst s10  }
0x35: {  	s10 =	sld [smem:$0x3FA5];
	_ =	sdelay $0x3  }
0x36: {  	p1 =	seq.s32 s10, $0x1;
	s10 =	sld [smem:$0x3FA6];
	_ =	sdelay $0x3  }
0x37: {  	[smem:$0x3FA6] =	sst s10  }
0x38: {  	s10 =	sld [smem:$0x3FA7]  }
0x39: {  	_ = 	snop;
	(pc) =	sbr.ind lr, $3  }
0x3a: {  	_ = 	snop  }
0x3b: {  	_ = 	snop  }
0x3c: {  	p2 =	seq.s32 s10, $0x1;
	s10 =	sld [smem:$0x3FA6]  }
0x3d: {  	_ =	shalt  }
0x3e: {  	_ =	shalt  }
0x3f: {  	_ =	shalt  }
0x40: {  	_ =	shalt  }
0x41: {  	_ =	shalt  }
0x42: {  	_ =	shalt  }
0x43: {  	_ =	shalt  }
0x44: {  	_ =	shalt  }
0x45: {  	_ =	shalt  }
0x46: {  	_ =	shalt  }
0x47: {  	_ =	shalt  }
0x48: {  	_ =	shalt  }
0x49: {  	_ =	shalt  }
0x4a: {  	_ =	shalt  }
0x4b: {  	_ =	shalt  }
0x4c: {  	_ =	shalt  }
0x4d: {  	_ =	shalt  }
0x4e: {  	_ =	shalt  }
0x4f: {  	_ =	shalt  }
0x50: {  	_ =	shalt  }
0x51: {  	_ =	shalt  }
0x52: {  	_ =	shalt  }
0x53: {  	_ =	shalt  }
0x54: {  	_ =	shalt  }
0x55: {  	_ =	shalt  }
0x56: {  	_ =	shalt  }
0x57: {  	_ =	shalt  }
0x58: {  	_ =	shalt  }
0x59: {  	_ =	shalt  }
0x5a: {  	_ =	shalt  }
0x5b: {  	_ =	shalt  }
0x5c: {  	_ =	shalt  }
0x5d: {  	_ =	shalt  }
0x5e: {  	_ =	shalt  }
0x5f: {  	_ =	shalt  }
0x60: {  	_ =	shalt  }
0x61: {  	_ =	shalt  }
0x62: {  	_ =	shalt  }
0x63: {  	_ =	shalt  }
0x64: {  	_ =	shalt  }
0x65: {  	_ =	shalt  }
0x66: {  	_ =	shalt  }
0x67: {  	_ =	shalt  }
0x68: {  	_ =	shalt  }
0x69: {  	_ =	shalt  }
0x6a: {  	_ =	shalt  }
0x6b: {  	_ =	shalt  }
0x6c: {  	_ =	shalt  }
0x6d: {  	_ =	shalt  }
0x6e: {  	_ =	shalt  }
0x6f: {  	_ =	shalt  }
0x70: {  	_ =	shalt  }
0x71: {  	_ =	shalt  }
0x72: {  	_ =	shalt  }
0x73: {  	_ =	shalt  }
0x74: {  	_ =	shalt  }
0x75: {  	_ =	shalt  }
0x76: {  	_ =	shalt  }
0x77: {  	_ =	shalt  }
0x78: {  	_ =	shalt  }
0x79: {  	_ =	shalt  }
0x7a: {  	_ =	shalt  }
0x7b: {  	_ =	shalt  }
0x7c: {  	_ =	shalt  }
0x7d: {  	_ =	shalt  }
0x7e: {  	_ =	shalt  }
0x7f: {  	_ =	shalt  }
0x80: {  	_ =	shalt  }
0x81: {  	_ =	shalt  }
0x82: {  	_ =	shalt  }
0x83: {  	_ =	shalt  }
0x84: {  	_ =	shalt  }
0x85: {  	_ =	shalt  }
0x86: {  	_ =	shalt  }
0x87: {  	_ =	shalt  }
.Lfunc_end0:
.L_simem_size_0:
called_computation.2_lowered:
.L_overlay_start_0:
0x88: {  	s2 =	sld [smem:$0x3FD9]  }
0x89: {  	s3 =	sld [smem:$0x3FFE];
	_ =	sdelay $0x1  }
0x8a: {  	s1 =	srdreg.scid  }
0x8b: {  	s0 =	sand.u32 $0x1, s1  }
0x8c: {  	s17 =	sshll.u32 s0, $0xA;
	s2 =	sadd.s32 s3, s2  }
0x8d: {  	s2 =	sadd.s32 s2, s17  }
0x8e: {  	[smem:$0x3FB2] =	sst s2  }
0x8f: {  	_ = 	snop  }
0x90: {  	s2 =	sld [smem:$0x3FD0];
	(tm) =	ssettm $0x1  }
0x91: {  	s18 =	sld [smem:$0x3FFB];
	_ =	sdelay $0x3  }
0x92: {  	_ =	strace s18  }
0x93: {  	s3 =	sld [smem:$0x3FFC];
	_ =	sdelay $0x3  }
0x94: {  	_ =	strace s3  }
0x95: {  	s3 =	sld [smem:$0x3FFD];
	_ =	sdelay $0x3  }
0x96: {  	_ =	strace s3  }
0x97: {  	_ =	strace $0x8FFFFFFF  }
0x98: {  	s19 =	sld [smem:$0x3FDB];
	_ =	sdelay $0x1  }
0x99: {  	s4 =	simm.s32 $_scs_section_size  }
0x9a: {  	s5 =	simm.s32 $_size__tile_overlayer_lowered;
	s6 =	simm.s32 $_tile_overlayer_lowered  }
0x9b: {  	s22 =	simm.s32 $0x1BFF;
	s21 =	sshll.u32 s6, $0x1;
	s3 =	sadd.s32 s4, s19  }
0x9c: {  	s7 =	simm.s32 $0x0;
	s20 =	sshll.u32 s5, $0x1;
	s5 =	sadd.s32 s21, s3  }
0x9d: {  	[timem:s7], [sflag:s22] =	dma.local [hbm:s5], s20  }
0x9e: {  	_ =	swait.ge [sflag:s22], s20  }
0x9f: {  	s4 =	ssub.s32 $0x0, s20;
	[sflag:s22] =	ssyncset.done $0x0  }
0xa0: {  	[sflag:s22] =	ssyncadd.s32 s4;
	_ =	sdelay $0x1  }
0xa1: {  	s23 =	simm.s32 $0x1B8B  }
0xa2: {  	_ =	swait.ge [sflag:s23], $0x1  }
0xa3: {  	[sflag:s23] =	ssyncset.done $0x0  }
0xa4: {  	s25 =	simm.s32 $0x1B8E;
	s24 =	sld [smem:$0x3FFE];
	[sflag:s23] =	ssyncadd.s32 $0xFFFFFFFF  }
0xa5: {  	s26 =	simm.s32 $execute0_lowered;
	[smem:$0x3FD2] =	sst s25  }
0xa6: {  	s5 =	sshll.u32 s26, $0x1;
	_ =	strace $0x8000004C;
	[dreg:$0x1] =	wrdreg $0xFFFFFFFF  }
0xa7: {  	s28 =	simm.s32 $_size_execute0_lowered;
	s3 =	sadd.s32 s3, s5;
	[dreg:$0x0] =	wrdreg $0x0  }
0xa8: {  	s5 =	sshll.u32 s28, $0x1;
	[dreg:$0x2] =	wrdreg s3  }
0xa9: {  	[dreg:$0x3] =	wrdreg s5  }
0xaa: {  	[dreg:$0x4] =	wrdreg $0xC0  }
0xab: {  	_ =	task [dreg:s7], $0x5FFFF  }
0xac: {  	[dreg:$0x1] =	wrdreg $0xFFFFFFFF  }
0xad: {  	[dreg:$0x0] =	wrdreg $0x60  }
0xae: {  	[dreg:$0x2] =	wrdreg s2  }
0xaf: {  	[dreg:$0x3] =	wrdreg s24  }
0xb0: {  	[dreg:$0x4] =	wrdreg $0x9  }
0xb1: {  	_ =	task.clear_ibuf [dreg:s7], $0x5FFFF;
	_ =	strace $0x9000004C  }
0xb2: {  	s29 =	simm.s32 $0x9;
	_ =	strace $0x8000004E  }
0xb3: {  	_ =	swait.ge [sflag:s29], $0x1  }
0xb4: {  	[sflag:s29] =	ssyncadd.s32 $0xFFFFFFFF  }
0xb5: {  	_ =	strace $0x9000004E  }
0xb6: {  	_ =	sfence  }
0xb7: {  	s30 =	sld [smem:$0x0];
	_ =	sdelay $0x2  }
0xb8: {  	s31 =	sshll.u32 s1, $0xD;
	s1 =	sshrl.u32 s1, $0x2  }
0xb9: {  	s3 =	sand.u32 $0x4000, s31;
	s1 =	sadd.s32 s1, s30  }
0xba: {  	s0 =	sor.u32 s3, s0;
	s1 =	sshll.u32 s1, $0x11  }
0xbb: {  	s0 =	sor.u32 s1, s0  }
0xbc: {  	s0 =	sadd.s32 $0x8F2B, s0  }
0xbd: {  	[sflag:s0] =	ssyncadd.remote.s32 $0x1  }
0xbe: {  	_ =	sfence.sel $0xFFFF  }
0xbf: {  	[dreg:$0x0] =	wrdreg $0xFFFFFFFF;
	(pc) =	sbr.abs _section_cstart, $3  }
0xc0: {  	[dreg:$0x1] =	wrdreg $0xFFFFFFFF  }
0xc1: {  	_ =	task.clear_ibuf [dreg:s7], $0x2FFFF;
	_ =	strace $0x9FFFFFFF  }
0xc2: {  	(tm) =	ssettm $0x7FFFFFFF  }
0xc3: {  	_ =	shalt  }
tec
execute0_lowered:
.L_overlay_start_1:
0x0: {  	(tag) =	ssettag $0x1  }
0x1: {  	s1 =	srdreg.scid;
	s4 =	rddreg [dreg:$0x0]  }
0x2: {  	s0 =	stileid.u32;
	s5 =	rddreg [dreg:$0x1];
	s24 =	simm.s32 $0x880  }
0x3: {  	s25 =	simm.s32 $0xC80;
	s26 =	simm.s32 $0x1480;
	s9 =	simm.s32 $0x2080  }
0x4: {  	s10 =	simm.s32 $0x2480;
	s11 =	simm.s32 $0x2C80;
	s12 =	simm.s32 $0x3080  }
0x5: {  	s13 =	simm.s32 $0x3880;
	s14 =	simm.s32 $0x3C80;
	s15 =	simm.s32 $0x4480  }
0x6: {  	s16 =	simm.s32 $0x4880;
	s1 =	sand.u32 $0x1, s1;
	s2 =	sshll.u32 s0, $0x1  }
0x7: {  	s17 =	simm.s32 $0x5080;
	s18 =	simm.s32 $0x5480;
	s2 =	sor.u32 s1, s2  }
0x8: {  	s19 =	simm.s32 $0x5C80;
	s20 =	simm.s32 $0x6080;
	s2 =	smul.u32 $0x70, s2  }
0x9: {  	s21 =	simm.s32 $0x6880;
	s28 =	simm.s32 $0x8C80;
	s29 =	simm.s32 $0x9080  }
0xa: {  	s30 =	simm.s32 $0x9880;
	s31 =	simm.s32 $0x9C80;
	s2 =	smin.u32 s2, $0xBE0  }
0xb: {  	s1 =	ssub.s32 $0x2, s1;
	s6 =	sshrl.u32 s2, $0x3;
	s2 =	simm.s32 $0x0  }
0xc: {  	s22 =	sshrl.u32 s1, $0x1;
	[smem:$0x7FF] =	sst s2;
	s4 =	sadd.s32 s4, s6  }
0xd: {  	s1 =	ssub.s32 s1, s22;
	_ =	strace $0x8000004D;
	[dreg:$0x3] =	wrdreg s4  }
0xe: {  	s22 =	simm.s32 $0x6C80;
	s3 =	smul.u32 $0x180, s6;
	[dreg:$0x5] =	wrdreg s24  }
0xf: {  	s6 =	simm.s32 $0x80;
	s4 =	sadd.s32 $0x28700, s5;
	[dreg:$0x6] =	wrdreg s25  }
0x10: {  	[dreg:$0x7] =	wrdreg s26;
	s24 =	simm.s32 $0x7880;
	s25 =	simm.s32 $0x8080  }
0x11: {  	v2 =	vlaneseq.u32;
	s26 =	simm.s32 $0x8480;
	s7 =	sadd.s32 s3, s5;
	s3 =	sadd.s32 $0x28600, s5  }
0x12: {  	vm0 =	vmmov $0xffff;
	vm1 =	vmmov $0xff;
	v1 =	vshrl.u32 v2, $0x3;
	s5 =	smax.u32 s1, $0x1;
	s1 =	simm.s32 $0xA480;
	s23 =	sadd.s32 $0x3600, s7  }
0x13: {  	v0 =	vand.u32 $0x7, v2;
	v2 =	vor.u32 $0x8, v2;
	v1 =	vmul.u32 $0x8, v1;
	s7 =	simm.s32 $0x1;
	[dreg:$0x4] =	wrdreg s23;
	s23 =	simm.s32 $0x7480  }
.LBB2_1:
0x14: {  	s0 =	rddreg [dreg:$0x3]  }
0x15: {  	[tilespmem:s2], [sflag:$0x1] =	stream.linear.gather [hbm4b:s0+s2], $0x70, $0x38;
	[tilespmem:$0xA880] =	vst v63  }
0x16: {  	s8 =	rddreg [dreg:$0x4]  }
0x17: {  	[tilespmem:s6], [sflag:$0x1] =	stream.linear.gather [hbm4b:s8+s2], $0xA800, $0x38;
	[tilespmem:$0xA880] =	vst v63  }
0x18: {  	_ =	swait.ge [sflag:s7], $0x70  }
0x19: {  	[sflag:s7] =	ssyncset.done $0x0  }
0x1a: {  	[sflag:s7] =	ssyncadd.s32 $0xFFFFFF90  }
0x1b: {  	_ =	swait.ge [sflag:s7], $0xA800  }
0x1c: {  	[sflag:s7] =	ssyncset.done $0x0  }
0x1d: {  	[sflag:s7] =	ssyncadd.s32 $0xFFFF5800  }
0x1e: {  	v3 =	vld [tilespmem:$0x0];
	_ =	sdelay $0x4  }
0x1f: {  	v4 =	vshrl.u32 v3, $0x3  }
0x20: {  	v4 =	vmul.u32 $0x18, v4  }
0x21: {  	v3 =	vand.u32 $0x7, v3  }
0x22: {  	v3 =	vor.u32 v3, v4  }
0x23: {  	v4 =	vperm.xlane v3, v0;
	_ =	sdelay $0x1  }
0x24: {  	v4 =	vadd.s32 v1, v4;
	_ =	sdelay $0x1  }
0x25: {  	v3 =	vperm.xlane v3, v2;
	_ =	sdelay $0x1  }
0x26: {  	v3 =	vadd.s32 v1, v3  }
0x27: {  	[hbm4b:s3+s2] =	stream.indirect_vreg.scatter [tilespmem:s6], [sflag:$0x1], $0x80, v4, vm0, $0xb8;
	[tilespmem:$0xA880] =	vst v63  }
0x28: {  	s0 =	rddreg [dreg:$0x5]  }
0x29: {  	[hbm4b:s4+s2] =	stream.indirect_vreg.scatter [tilespmem:s0], [sflag:$0x1], $0x80, v4, vm1, $0xb8;
	[tilespmem:$0xA880] =	vst v63  }
0x2a: {  	s8 =	rddreg [dreg:$0x6]  }
0x2b: {  	[hbm4b:s3+s2] =	stream.indirect_vreg.scatter [tilespmem:s8], [sflag:$0x1], $0x80, v3, vm0, $0xb8;
	[tilespmem:$0xA880] =	vst v63  }
0x2c: {  	s0 =	rddreg [dreg:$0x7]  }
0x2d: {  	[hbm4b:s4+s2] =	stream.indirect_vreg.scatter [tilespmem:s0], [sflag:$0x1], $0x80, v3, vm1, $0xb8;
	[tilespmem:$0xA880] =	vst v63  }
0x2e: {  	v3 =	vld [tilespmem:$0x10];
	_ =	sdelay $0x4  }
0x2f: {  	v58 =	vshrl.u32 v3, $0x3  }
0x30: {  	v4 =	vmul.u32 $0x18, v58  }
0x31: {  	v3 =	vand.u32 $0x7, v3  }
0x32: {  	v3 =	vor.u32 v3, v4  }
0x33: {  	v4 =	vperm.xlane v3, v0;
	_ =	sdelay $0x1  }
0x34: {  	v4 =	vadd.s32 v1, v4;
	_ =	sdelay $0x1  }
0x35: {  	v3 =	vperm.xlane v3, v2;
	_ =	sdelay $0x1  }
0x36: {  	s8 =	simm.s32 $0x1880;
	v3 =	vadd.s32 v1, v3  }
0x37: {  	[hbm4b:s3+s2] =	stream.indirect_vreg.scatter [tilespmem:s8], [sflag:$0x1], $0x80, v4, vm0, $0xb8;
	[tilespmem:$0xA880] =	vst v63  }
0x38: {  	_ = 	snop  }
0x39: {  	[hbm4b:s4+s2] =	stream.indirect_vreg.scatter [tilespmem:s9], [sflag:$0x1], $0x80, v4, vm1, $0xb8;
	[tilespmem:$0xA880] =	vst v63  }
0x3a: {  	_ = 	snop  }
0x3b: {  	[hbm4b:s3+s2] =	stream.indirect_vreg.scatter [tilespmem:s10], [sflag:$0x1], $0x80, v3, vm0, $0xb8;
	[tilespmem:$0xA880] =	vst v63  }
0x3c: {  	_ = 	snop  }
0x3d: {  	[hbm4b:s4+s2] =	stream.indirect_vreg.scatter [tilespmem:s11], [sflag:$0x1], $0x80, v3, vm1, $0xb8;
	[tilespmem:$0xA880] =	vst v63  }
0x3e: {  	v3 =	vld [tilespmem:$0x20];
	_ =	sdelay $0x4  }
0x3f: {  	v59 =	vshrl.u32 v3, $0x3  }
0x40: {  	v4 =	vmul.u32 $0x18, v59  }
0x41: {  	v3 =	vand.u32 $0x7, v3  }
0x42: {  	v3 =	vor.u32 v3, v4  }
0x43: {  	v4 =	vperm.xlane v3, v0;
	_ =	sdelay $0x1  }
0x44: {  	v4 =	vadd.s32 v1, v4;
	_ =	sdelay $0x1  }
0x45: {  	v3 =	vperm.xlane v3, v2;
	_ =	sdelay $0x1  }
0x46: {  	v3 =	vadd.s32 v1, v3  }
0x47: {  	[hbm4b:s3+s2] =	stream.indirect_vreg.scatter [tilespmem:s12], [sflag:$0x1], $0x80, v4, vm0, $0xb8;
	[tilespmem:$0xA880] =	vst v63  }
0x48: {  	_ = 	snop  }
0x49: {  	[hbm4b:s4+s2] =	stream.indirect_vreg.scatter [tilespmem:s13], [sflag:$0x1], $0x80, v4, vm1, $0xb8;
	[tilespmem:$0xA880] =	vst v63  }
0x4a: {  	_ = 	snop  }
0x4b: {  	[hbm4b:s3+s2] =	stream.indirect_vreg.scatter [tilespmem:s14], [sflag:$0x1], $0x80, v3, vm0, $0xb8;
	[tilespmem:$0xA880] =	vst v63  }
0x4c: {  	_ = 	snop  }
0x4d: {  	[hbm4b:s4+s2] =	stream.indirect_vreg.scatter [tilespmem:s15], [sflag:$0x1], $0x80, v3, vm1, $0xb8;
	[tilespmem:$0xA880] =	vst v63  }
0x4e: {  	v3 =	vld [tilespmem:$0x30];
	_ =	sdelay $0x4  }
0x4f: {  	v60 =	vshrl.u32 v3, $0x3  }
0x50: {  	v4 =	vmul.u32 $0x18, v60  }
0x51: {  	v3 =	vand.u32 $0x7, v3  }
0x52: {  	v3 =	vor.u32 v3, v4  }
0x53: {  	v4 =	vperm.xlane v3, v0;
	_ =	sdelay $0x1  }
0x54: {  	v4 =	vadd.s32 v1, v4;
	_ =	sdelay $0x1  }
0x55: {  	v3 =	vperm.xlane v3, v2;
	_ =	sdelay $0x1  }
0x56: {  	v3 =	vadd.s32 v1, v3  }
0x57: {  	[hbm4b:s3+s2] =	stream.indirect_vreg.scatter [tilespmem:s16], [sflag:$0x1], $0x80, v4, vm0, $0xb8;
	[tilespmem:$0xA880] =	vst v63  }
0x58: {  	_ = 	snop  }
0x59: {  	[hbm4b:s4+s2] =	stream.indirect_vreg.scatter [tilespmem:s17], [sflag:$0x1], $0x80, v4, vm1, $0xb8;
	[tilespmem:$0xA880] =	vst v63  }
0x5a: {  	_ = 	snop  }
0x5b: {  	[hbm4b:s3+s2] =	stream.indirect_vreg.scatter [tilespmem:s18], [sflag:$0x1], $0x80, v3, vm0, $0xb8;
	[tilespmem:$0xA880] =	vst v63  }
0x5c: {  	_ = 	snop  }
0x5d: {  	[hbm4b:s4+s2] =	stream.indirect_vreg.scatter [tilespmem:s19], [sflag:$0x1], $0x80, v3, vm1, $0xb8;
	[tilespmem:$0xA880] =	vst v63  }
0x5e: {  	v3 =	vld [tilespmem:$0x40];
	_ =	sdelay $0x4  }
0x5f: {  	v61 =	vshrl.u32 v3, $0x3  }
0x60: {  	v4 =	vmul.u32 $0x18, v61  }
0x61: {  	v3 =	vand.u32 $0x7, v3  }
0x62: {  	v3 =	vor.u32 v3, v4  }
0x63: {  	v4 =	vperm.xlane v3, v0;
	_ =	sdelay $0x1  }
0x64: {  	v4 =	vadd.s32 v1, v4;
	_ =	sdelay $0x1  }
0x65: {  	v3 =	vperm.xlane v3, v2;
	_ =	sdelay $0x1  }
0x66: {  	v3 =	vadd.s32 v1, v3  }
0x67: {  	[hbm4b:s3+s2] =	stream.indirect_vreg.scatter [tilespmem:s20], [sflag:$0x1], $0x80, v4, vm0, $0xb8;
	[tilespmem:$0xA880] =	vst v63  }
0x68: {  	_ = 	snop  }
0x69: {  	[hbm4b:s4+s2] =	stream.indirect_vreg.scatter [tilespmem:s21], [sflag:$0x1], $0x80, v4, vm1, $0xb8;
	[tilespmem:$0xA880] =	vst v63  }
0x6a: {  	_ = 	snop  }
0x6b: {  	[hbm4b:s3+s2] =	stream.indirect_vreg.scatter [tilespmem:s22], [sflag:$0x1], $0x80, v3, vm0, $0xb8;
	[tilespmem:$0xA880] =	vst v63  }
0x6c: {  	_ = 	snop  }
0x6d: {  	[hbm4b:s4+s2] =	stream.indirect_vreg.scatter [tilespmem:s23], [sflag:$0x1], $0x80, v3, vm1, $0xb8;
	[tilespmem:$0xA880] =	vst v63  }
0x6e: {  	v3 =	vld [tilespmem:$0x50];
	_ =	sdelay $0x4  }
0x6f: {  	v62 =	vshrl.u32 v3, $0x3  }
0x70: {  	v4 =	vmul.u32 $0x18, v62  }
0x71: {  	v3 =	vand.u32 $0x7, v3  }
0x72: {  	v3 =	vor.u32 v3, v4  }
0x73: {  	v4 =	vperm.xlane v3, v0;
	_ =	sdelay $0x1  }
0x74: {  	v4 =	vadd.s32 v1, v4;
	_ =	sdelay $0x1  }
0x75: {  	v3 =	vperm.xlane v3, v2;
	_ =	sdelay $0x1  }
0x76: {  	v3 =	vadd.s32 v1, v3  }
0x77: {  	[hbm4b:s3+s2] =	stream.indirect_vreg.scatter [tilespmem:s24], [sflag:$0x1], $0x80, v4, vm0, $0xb8;
	[tilespmem:$0xA880] =	vst v63  }
0x78: {  	_ = 	snop  }
0x79: {  	[hbm4b:s4+s2] =	stream.indirect_vreg.scatter [tilespmem:s25], [sflag:$0x1], $0x80, v4, vm1, $0xb8;
	[tilespmem:$0xA880] =	vst v63  }
0x7a: {  	_ = 	snop  }
0x7b: {  	[hbm4b:s3+s2] =	stream.indirect_vreg.scatter [tilespmem:s26], [sflag:$0x1], $0x80, v3, vm0, $0xb8;
	[tilespmem:$0xA880] =	vst v63  }
0x7c: {  	_ = 	snop  }
0x7d: {  	[hbm4b:s4+s2] =	stream.indirect_vreg.scatter [tilespmem:s28], [sflag:$0x1], $0x80, v3, vm1, $0xb8;
	[tilespmem:$0xA880] =	vst v63  }
0x7e: {  	v3 =	vld [tilespmem:$0x60];
	_ =	sdelay $0x4  }
0x7f: {  	v63 =	vshrl.u32 v3, $0x3  }
0x80: {  	v4 =	vmul.u32 $0x18, v63  }
0x81: {  	v3 =	vand.u32 $0x7, v3  }
0x82: {  	v3 =	vor.u32 v3, v4  }
0x83: {  	v4 =	vperm.xlane v3, v0;
	_ =	sdelay $0x1  }
0x84: {  	v4 =	vadd.s32 v1, v4;
	_ =	sdelay $0x1  }
0x85: {  	v3 =	vperm.xlane v3, v2;
	_ =	sdelay $0x1  }
0x86: {  	v3 =	vadd.s32 v1, v3  }
0x87: {  	[hbm4b:s3+s2] =	stream.indirect_vreg.scatter [tilespmem:s29], [sflag:$0x1], $0x80, v4, vm0, $0xb8;
	[tilespmem:$0xA880] =	vst v63  }
0x88: {  	_ = 	snop  }
0x89: {  	[hbm4b:s4+s2] =	stream.indirect_vreg.scatter [tilespmem:s30], [sflag:$0x1], $0x80, v4, vm1, $0xb8;
	[tilespmem:$0xA880] =	vst v63  }
0x8a: {  	p0 =	sne.s32 s5, $0x1  }
0x8b: {  	[hbm4b:s3+s2] =	stream.indirect_vreg.scatter [tilespmem:s31], [sflag:$0x1], $0x80, v3, vm0, $0xb8;
	[tilespmem:$0xA880] =	vst v63  }
.Ltmp0:
0x8c: {  	_ = 	snop;
	(pc) =	sbr.rel @p0 .LBB2_1-.Ltmp0, $4  }
0x8d: {  	[hbm4b:s4+s2] =	stream.indirect_vreg.scatter [tilespmem:s1], [sflag:$0x1], $0x80, v3, vm1, $0xb8;
	[tilespmem:$0xA880] =	vst v63  }
0x8e: {  	_ =	swait.ge [sflag:s7], $0xA800  }
0x8f: {  	[sflag:s7] =	ssyncset.done $0x0  }
0x90: {  	s5 =	sadd.s32 $0xFFFFFFFF, s5;
	[sflag:s7] =	ssyncadd.s32 $0xFFFF5800  }
0x91: {  	_ =	sfence.sel $0x180000  }
0x92: {  	[bflag:$0x0] =	sbarrier.arrive $0xFFFF  }
0x93: {  	_ =	strace $0x9000004D  }
0x94: {  	s0 =	stileid.u32;
	[bflag:$0x2] =	sbarrier.arrive $0xFFFF  }
0x95: {  	p0 =	sne.s32 s0, $0x0;
	s0 =	rddreg [dreg:$0x2]  }
0x96: {  	s0 =	sadd.s32 @!p0 $0x100000, s0  }
0x97: {  	[sflag:s0] =	ssyncadd.tile.s32 @!p0 $0x1;
	_ =	shalt  }
.Lfunc_end2:
_tile_overlayer_lowered:
.L_overlay_start_2:
0x98: {  	(tag) =	ssettag $0x2  }
0x99: {  	s0 =	rddreg [dreg:$0x0];
	s2 =	stileid.u32  }
0x9a: {  	s1 =	rddreg [dreg:$0x1];
	p0 =	sne.s32 s2, $0x0  }
0x9b: {  	s3 =	rddreg [dreg:$0x2];
	[bflag:$0x3] =	sbarrier.arrive $0xFFFF;
	s2 =	simm.s32 @!p0 $0x1C02  }
0x9c: {  	[timem:s3], [sflag:s2] =	dma.local @!p0 [hbm:s0], s1  }
0x9d: {  	s0 =	simm.s32 @!p0 $0x2  }
0x9e: {  	_ =	swait.ge @!p0 [sflag:s0], s1  }
0x9f: {  	s1 =	ssub.s32 @!p0 $0x0, s1;
	[sflag:s0] =	ssyncset.done @!p0 $0x0  }
0xa0: {  	[sflag:s0] =	ssyncadd.s32 @!p0 s1  }
0xa1: {  	[bflag:$0x3] =	sbarrier.arrive $0xFFFF  }
0xa2: {  	_ =	shalt  }

// kernel: kernel.22.cloned.1.call-start
scs
__scs_entry_jumppad:
0x0: {  	(pc) =	sbr.rel $0x88, $3  }
0x1: {  	(tag) =	ssettag $0x0;
	lr =	simm.s32 $0x1  }
0x2: {  	[smem:$0x3F8B] =	sst lr;
	_ =	strace $0xD0000000  }
0x3: {  	_ = 	snop  }
0x4: {  	_ = 	snop  }
0x5: {  	_ = 	snop  }
0x6: {  	_ = 	snop  }
0x7: {  	_ = 	snop  }
__scs_overlays_trampoline_lowered:
0x8: {  	[smem:$0x3F9A] =	sst s0  }
0x9: {  	[smem:$0x3F9B] =	sst s1  }
0xa: {  	[smem:$0x3F9C] =	sst s2  }
0xb: {  	[smem:$0x3F9D] =	sst s3  }
0xc: {  	[smem:$0x3F9E] =	sst s4  }
0xd: {  	[smem:$0x3F9F] =	sst s5  }
0xe: {  	[smem:$0x3FA0] =	sst s6  }
0xf: {  	[smem:$0x3FA1] =	sst s7  }
0x10: {  	[smem:$0x3FA2] =	sst s8  }
0x11: {  	[smem:$0x3FA3] =	sst s9;
	s0 =	simm.s32 @!p0 $0x0  }
0x12: {  	s1 =	sld [smem:$0x3F89];
	s0 =	simm.s32 @p0 $0x1  }
0x13: {  	[smem:$0x3FA4] =	sst s0;
	s0 =	simm.s32 @!p1 $0x0  }
0x14: {  	s2 =	sld [smem:$0x3F88];
	s0 =	simm.s32 @p1 $0x1  }
0x15: {  	[smem:$0x3FA5] =	sst s0;
	s0 =	simm.s32 @!p2 $0x0  }
0x16: {  	s3 =	sld [smem:$0x3FDB];
	s0 =	simm.s32 @p2 $0x1  }
0x17: {  	s4 =	simm.s32 $0x1BF5;
	[smem:$0x3FA7] =	sst s0  }
0x18: {  	s0 =	sld [smem:$0x3F8A];
	_ =	swait.ge [sflag:s4], $0x0  }
0x19: {  	s7 =	sld [smem:$0x3F8B]  }
0x1a: {  	s8 =	sadd.s32 $0xFFFFE003, lr  }
0x1b: {  	s9 =	sadd.s32 $0xFFFFFEF7, lr;
	s5 =	simm.s32 $0xFFFFFFFF;
	p2 =	slt.u32 s8, $0xFFFFF086  }
0x1c: {  	p1 =	slt.u32 s9, $0xF7A;
	s5 =	simm.s32 @!p2 $0x0  }
0x1d: {  	s5 =	simm.s32 @p1 $0x1;
	p0 =	seq.s32 s7, s2  }
0x1e: {  	s7 =	smul.u32 @!p0 $0xF7A, s2;
	p2 =	seq.s32 @!p0 s5, $0x0  }
0x1f: {  	s9 =	smul.u32 $0xF7A, s1;
	s8 =	simm.s32 @!p0 $0x1BF5;
	p2 =	por !p2, p0  }
0x20: {  	[sflag:s8] =	ssyncset.s32 @!p0 $0xFFFFF086;
	s6 =	sadd.s32 @!p0 s3, s7;
	s7 =	simm.s32 @!p0 $0x108  }
0x21: {  	s3 =	sadd.s32 s3, s9;
	s6 =	sadd.s32 @!p0 $0x88, s6;
	s7 =	simm.s32 @p2 $0x1082  }
0x22: {  	[simem:s7], [sflag:s8] =	dma.local @!p0 [hbm:s6], $0xF7A  }
0x23: {  	s9 =	sor.u32 $0xD0000000, s2;
	s6 =	simm.s32 $0x108;
	_ =	swait.ge @!p0 [sflag:s8], $0x0  }
0x24: {  	s3 =	sadd.s32 $0x88, s3;
	s6 =	simm.s32 @!p1 $0x1082;
	[sflag:s4] =	ssyncset.s32 $0xFFFFF086  }
0x25: {  	[simem:s6], [sflag:s4] =	dma.local [hbm:s3], $0xF7A  }
0x26: {  	[smem:$0x3F8B] =	sst s1;
	(tag) =	ssettag s2;
	_ =	strace s9  }
0x27: {  	s1 =	sld [smem:$0x3F9B]  }
0x28: {  	s2 =	sld [smem:$0x3F9C]  }
0x29: {  	s4 =	sld [smem:$0x3F9E]  }
0x2a: {  	p0 =	seq.s32 s5, $0x0;
	s5 =	sld [smem:$0x3F9F]  }
0x2b: {  	s6 =	sld [smem:$0x3FA0]  }
0x2c: {  	s7 =	sld [smem:$0x3FA1]  }
0x2d: {  	s3 =	simm.s32 $0x108;
	s8 =	sld [smem:$0x3FA2]  }
0x2e: {  	s3 =	simm.s32 @!p0 $0x1082;
	s9 =	sld [smem:$0x3FA3]  }
0x2f: {  	lr =	sadd.s32 s0, s3;
	s0 =	sld [smem:$0x3F9A]  }
0x30: {  	s3 =	sld [smem:$0x3F9D]  }
0x31: {  	[smem:$0x3FA6] =	sst s10  }
0x32: {  	s10 =	sld [smem:$0x3FA4];
	_ =	sdelay $0x3  }
0x33: {  	p0 =	seq.s32 s10, $0x1;
	s10 =	sld [smem:$0x3FA6];
	_ =	sdelay $0x3  }
0x34: {  	[smem:$0x3FA6] =	sst s10  }
0x35: {  	s10 =	sld [smem:$0x3FA5];
	_ =	sdelay $0x3  }
0x36: {  	p1 =	seq.s32 s10, $0x1;
	s10 =	sld [smem:$0x3FA6];
	_ =	sdelay $0x3  }
0x37: {  	[smem:$0x3FA6] =	sst s10  }
0x38: {  	s10 =	sld [smem:$0x3FA7]  }
0x39: {  	_ = 	snop;
	(pc) =	sbr.ind lr, $3  }
0x3a: {  	_ = 	snop  }
0x3b: {  	_ = 	snop  }
0x3c: {  	p2 =	seq.s32 s10, $0x1;
	s10 =	sld [smem:$0x3FA6]  }
0x3d: {  	_ =	shalt  }
0x3e: {  	_ =	shalt  }
0x3f: {  	_ =	shalt  }
0x40: {  	_ =	shalt  }
0x41: {  	_ =	shalt  }
0x42: {  	_ =	shalt  }
0x43: {  	_ =	shalt  }
0x44: {  	_ =	shalt  }
0x45: {  	_ =	shalt  }
0x46: {  	_ =	shalt  }
0x47: {  	_ =	shalt  }
0x48: {  	_ =	shalt  }
0x49: {  	_ =	shalt  }
0x4a: {  	_ =	shalt  }
0x4b: {  	_ =	shalt  }
0x4c: {  	_ =	shalt  }
0x4d: {  	_ =	shalt  }
0x4e: {  	_ =	shalt  }
0x4f: {  	_ =	shalt  }
0x50: {  	_ =	shalt  }
0x51: {  	_ =	shalt  }
0x52: {  	_ =	shalt  }
0x53: {  	_ =	shalt  }
0x54: {  	_ =	shalt  }
0x55: {  	_ =	shalt  }
0x56: {  	_ =	shalt  }
0x57: {  	_ =	shalt  }
0x58: {  	_ =	shalt  }
0x59: {  	_ =	shalt  }
0x5a: {  	_ =	shalt  }
0x5b: {  	_ =	shalt  }
0x5c: {  	_ =	shalt  }
0x5d: {  	_ =	shalt  }
0x5e: {  	_ =	shalt  }
0x5f: {  	_ =	shalt  }
0x60: {  	_ =	shalt  }
0x61: {  	_ =	shalt  }
0x62: {  	_ =	shalt  }
0x63: {  	_ =	shalt  }
0x64: {  	_ =	shalt  }
0x65: {  	_ =	shalt  }
0x66: {  	_ =	shalt  }
0x67: {  	_ =	shalt  }
0x68: {  	_ =	shalt  }
0x69: {  	_ =	shalt  }
0x6a: {  	_ =	shalt  }
0x6b: {  	_ =	shalt  }
0x6c: {  	_ =	shalt  }
0x6d: {  	_ =	shalt  }
0x6e: {  	_ =	shalt  }
0x6f: {  	_ =	shalt  }
0x70: {  	_ =	shalt  }
0x71: {  	_ =	shalt  }
0x72: {  	_ =	shalt  }
0x73: {  	_ =	shalt  }
0x74: {  	_ =	shalt  }
0x75: {  	_ =	shalt  }
0x76: {  	_ =	shalt  }
0x77: {  	_ =	shalt  }
0x78: {  	_ =	shalt  }
0x79: {  	_ =	shalt  }
0x7a: {  	_ =	shalt  }
0x7b: {  	_ =	shalt  }
0x7c: {  	_ =	shalt  }
0x7d: {  	_ =	shalt  }
0x7e: {  	_ =	shalt  }
0x7f: {  	_ =	shalt  }
0x80: {  	_ =	shalt  }
0x81: {  	_ =	shalt  }
0x82: {  	_ =	shalt  }
0x83: {  	_ =	shalt  }
0x84: {  	_ =	shalt  }
0x85: {  	_ =	shalt  }
0x86: {  	_ =	shalt  }
0x87: {  	_ =	shalt  }
.Lfunc_end0:
.L_simem_size_0:
called_computation.3_lowered:
.L_overlay_start_0:
0x88: {  	s2 =	sld [smem:$0x3FD9]  }
0x89: {  	s3 =	sld [smem:$0x3FFE];
	_ =	sdelay $0x1  }
0x8a: {  	s1 =	srdreg.scid  }
0x8b: {  	s0 =	sand.u32 $0x1, s1  }
0x8c: {  	s17 =	sshll.u32 s0, $0xA;
	s2 =	sadd.s32 s3, s2  }
0x8d: {  	s2 =	sadd.s32 s2, s17  }
0x8e: {  	[smem:$0x3FB2] =	sst s2  }
0x8f: {  	_ = 	snop  }
0x90: {  	s2 =	sld [smem:$0x3FD0];
	(tm) =	ssettm $0x1  }
0x91: {  	s18 =	sld [smem:$0x3FFB];
	_ =	sdelay $0x3  }
0x92: {  	_ =	strace s18  }
0x93: {  	s3 =	sld [smem:$0x3FFC];
	_ =	sdelay $0x3  }
0x94: {  	_ =	strace s3  }
0x95: {  	s3 =	sld [smem:$0x3FFD];
	_ =	sdelay $0x3  }
0x96: {  	_ =	strace s3  }
0x97: {  	_ =	strace $0x8FFFFFFF  }
0x98: {  	s19 =	sld [smem:$0x3FDB];
	_ =	sdelay $0x1  }
0x99: {  	s4 =	simm.s32 $_scs_section_size  }
0x9a: {  	s5 =	simm.s32 $_size__tile_overlayer_lowered;
	s6 =	simm.s32 $_tile_overlayer_lowered  }
0x9b: {  	s22 =	simm.s32 $0x1BFF;
	s21 =	sshll.u32 s6, $0x1;
	s3 =	sadd.s32 s4, s19  }
0x9c: {  	s7 =	simm.s32 $0x0;
	s20 =	sshll.u32 s5, $0x1;
	s5 =	sadd.s32 s21, s3  }
0x9d: {  	[timem:s7], [sflag:s22] =	dma.local [hbm:s5], s20  }
0x9e: {  	_ =	swait.ge [sflag:s22], s20  }
0x9f: {  	s4 =	ssub.s32 $0x0, s20;
	[sflag:s22] =	ssyncset.done $0x0  }
0xa0: {  	[sflag:s22] =	ssyncadd.s32 s4;
	_ =	sdelay $0x1  }
0xa1: {  	s23 =	simm.s32 $0x1B8B  }
0xa2: {  	_ =	swait.ge [sflag:s23], $0x1  }
0xa3: {  	[sflag:s23] =	ssyncset.done $0x0  }
0xa4: {  	s25 =	simm.s32 $0x1B8E;
	s24 =	sld [smem:$0x3FFE];
	[sflag:s23] =	ssyncadd.s32 $0xFFFFFFFF  }
0xa5: {  	s26 =	simm.s32 $execute0_lowered;
	[smem:$0x3FD2] =	sst s25  }
0xa6: {  	s5 =	sshll.u32 s26, $0x1;
	_ =	strace $0x8000004F;
	[dreg:$0x1] =	wrdreg $0xFFFFFFFF  }
0xa7: {  	s28 =	simm.s32 $_size_execute0_lowered;
	s3 =	sadd.s32 s3, s5;
	[dreg:$0x0] =	wrdreg $0x0  }
0xa8: {  	s5 =	sshll.u32 s28, $0x1;
	[dreg:$0x2] =	wrdreg s3  }
0xa9: {  	[dreg:$0x3] =	wrdreg s5  }
0xaa: {  	[dreg:$0x4] =	wrdreg $0xC0  }
0xab: {  	_ =	task [dreg:s7], $0x5FFFF  }
0xac: {  	[dreg:$0x1] =	wrdreg $0xFFFFFFFF  }
0xad: {  	[dreg:$0x0] =	wrdreg $0x60  }
0xae: {  	[dreg:$0x2] =	wrdreg s2  }
0xaf: {  	[dreg:$0x3] =	wrdreg s24  }
0xb0: {  	[dreg:$0x4] =	wrdreg $0x9  }
0xb1: {  	_ =	task.clear_ibuf [dreg:s7], $0x5FFFF;
	_ =	strace $0x9000004F  }
0xb2: {  	s29 =	simm.s32 $0x9;
	_ =	strace $0x80000051  }
0xb3: {  	_ =	swait.ge [sflag:s29], $0x1  }
0xb4: {  	[sflag:s29] =	ssyncadd.s32 $0xFFFFFFFF  }
0xb5: {  	_ =	strace $0x90000051  }
0xb6: {  	_ =	sfence  }
0xb7: {  	s30 =	sld [smem:$0x0];
	_ =	sdelay $0x2  }
0xb8: {  	s31 =	sshll.u32 s1, $0xD;
	s1 =	sshrl.u32 s1, $0x2  }
0xb9: {  	s3 =	sand.u32 $0x4000, s31;
	s1 =	sadd.s32 s1, s30  }
0xba: {  	s0 =	sor.u32 s3, s0;
	s1 =	sshll.u32 s1, $0x11  }
0xbb: {  	s0 =	sor.u32 s1, s0  }
0xbc: {  	s0 =	sadd.s32 $0x8F2B, s0  }
0xbd: {  	[sflag:s0] =	ssyncadd.remote.s32 $0x1  }
0xbe: {  	_ =	sfence.sel $0xFFFF  }
0xbf: {  	[dreg:$0x0] =	wrdreg $0xFFFFFFFF;
	(pc) =	sbr.abs _section_cstart, $3  }
0xc0: {  	[dreg:$0x1] =	wrdreg $0xFFFFFFFF  }
0xc1: {  	_ =	task.clear_ibuf [dreg:s7], $0x2FFFF;
	_ =	strace $0x9FFFFFFF  }
0xc2: {  	(tm) =	ssettm $0x7FFFFFFF  }
0xc3: {  	_ =	shalt  }
tec
execute0_lowered:
.L_overlay_start_1:
0x0: {  	(tag) =	ssettag $0x1  }
0x1: {  	s1 =	srdreg.scid;
	s4 =	rddreg [dreg:$0x0]  }
0x2: {  	s0 =	stileid.u32;
	s5 =	rddreg [dreg:$0x1]  }
0x3: {  	s23 =	simm.s32 $0x880;
	s24 =	simm.s32 $0xC80;
	s25 =	simm.s32 $0x1480  }
0x4: {  	s26 =	simm.s32 $0x1880;
	s9 =	simm.s32 $0x2480;
	s10 =	simm.s32 $0x2C80  }
0x5: {  	s11 =	simm.s32 $0x3080;
	s12 =	simm.s32 $0x3880;
	s13 =	simm.s32 $0x3C80  }
0x6: {  	s14 =	simm.s32 $0x4480;
	s15 =	simm.s32 $0x4880;
	s16 =	simm.s32 $0x5080  }
0x7: {  	s17 =	simm.s32 $0x5480;
	s1 =	sand.u32 $0x1, s1;
	s2 =	sshll.u32 s0, $0x1  }
0x8: {  	s18 =	simm.s32 $0x5C80;
	s19 =	simm.s32 $0x6080;
	s2 =	sor.u32 s1, s2  }
0x9: {  	s20 =	simm.s32 $0x6880;
	s28 =	simm.s32 $0x9080;
	s2 =	smul.u32 $0x70, s2  }
0xa: {  	s29 =	simm.s32 $0x9880;
	s30 =	simm.s32 $0x9C80;
	s1 =	ssub.s32 $0x2, s1  }
0xb: {  	s22 =	sshrl.u32 s1, $0x1;
	s3 =	smin.u32 s2, $0xBE0;
	s2 =	simm.s32 $0x0  }
0xc: {  	s31 =	simm.s32 $0xA480;
	s1 =	ssub.s32 s1, s22;
	[smem:$0x7FF] =	sst s2  }
0xd: {  	s22 =	simm.s32 $0x7480;
	_ =	strace $0x80000050;
	[dreg:$0x5] =	wrdreg s23  }
0xe: {  	s6 =	sshrl.u32 s3, $0x3;
	s3 =	sadd.s32 $0x3600, s5;
	[dreg:$0x6] =	wrdreg s24  }
0xf: {  	s7 =	smul.u32 $0x180, s6;
	s4 =	sadd.s32 s4, s6;
	[dreg:$0x7] =	wrdreg s25  }
0x10: {  	s6 =	simm.s32 $0x2;
	[dreg:$0x8] =	wrdreg s26;
	s23 =	simm.s32 $0x7880  }
0x11: {  	s24 =	simm.s32 $0x8080;
	s25 =	simm.s32 $0x8480;
	s26 =	simm.s32 $0x8C80  }
0x12: {  	v2 =	vlaneseq.u32;
	[dreg:$0x3] =	wrdreg s4;
	s4 =	sadd.s32 $0x3700, s5;
	s7 =	sadd.s32 s7, s5  }
0x13: {  	vm0 =	vmmov $0xffff;
	vm1 =	vmmov $0xff;
	v1 =	vshrl.u32 v2, $0x3;
	s5 =	smax.u32 s1, $0x1;
	s1 =	simm.s32 $0x1;
	s21 =	sadd.s32 $0x33600, s7  }
0x14: {  	v0 =	vand.u32 $0x7, v2;
	v2 =	vor.u32 $0x8, v2;
	v1 =	vmul.u32 $0x8, v1;
	s7 =	simm.s32 $0x80;
	[dreg:$0x4] =	wrdreg s21;
	s21 =	simm.s32 $0x6C80  }
.LBB2_1:
0x15: {  	s0 =	rddreg [dreg:$0x3]  }
0x16: {  	[tilespmem:s2], [sflag:$0x2] =	stream.linear.gather [hbm4b:s0+s2], $0x70, $0x38;
	[tilespmem:$0xA880] =	vst v63  }
0x17: {  	_ =	swait.ge [sflag:s6], $0x70  }
0x18: {  	[sflag:s6] =	ssyncset.done $0x0  }
0x19: {  	[sflag:s6] =	ssyncadd.s32 $0xFFFFFF90  }
0x1a: {  	v3 =	vld [tilespmem:$0x0];
	_ =	sdelay $0x4  }
0x1b: {  	v4 =	vshrl.u32 v3, $0x3  }
0x1c: {  	v4 =	vmul.u32 $0x18, v4  }
0x1d: {  	v3 =	vand.u32 $0x7, v3  }
0x1e: {  	v3 =	vor.u32 v3, v4  }
0x1f: {  	v4 =	vperm.xlane v3, v0;
	_ =	sdelay $0x1  }
0x20: {  	v4 =	vadd.s32 v1, v4;
	_ =	sdelay $0x1  }
0x21: {  	v3 =	vperm.xlane v3, v2;
	_ =	sdelay $0x1  }
0x22: {  	v3 =	vadd.s32 v1, v3  }
0x23: {  	[tilespmem:s7], [sflag:$0x1] =	stream.indirect_vreg.gather [hbm4b:s3+s2], $0x80, v4, vm0, $0xb8;
	[tilespmem:$0xA880] =	vst v63  }
0x24: {  	s0 =	rddreg [dreg:$0x5]  }
0x25: {  	[tilespmem:s0], [sflag:$0x1] =	stream.indirect_vreg.gather [hbm4b:s4+s2], $0x80, v4, vm1, $0xb8;
	[tilespmem:$0xA880] =	vst v63  }
0x26: {  	s8 =	rddreg [dreg:$0x6]  }
0x27: {  	[tilespmem:s8], [sflag:$0x1] =	stream.indirect_vreg.gather [hbm4b:s3+s2], $0x80, v3, vm0, $0xb8;
	[tilespmem:$0xA880] =	vst v63  }
0x28: {  	s0 =	rddreg [dreg:$0x7]  }
0x29: {  	[tilespmem:s0], [sflag:$0x1] =	stream.indirect_vreg.gather [hbm4b:s4+s2], $0x80, v3, vm1, $0xb8;
	[tilespmem:$0xA880] =	vst v63  }
0x2a: {  	v3 =	vld [tilespmem:$0x10];
	_ =	sdelay $0x4  }
0x2b: {  	v58 =	vshrl.u32 v3, $0x3  }
0x2c: {  	v4 =	vmul.u32 $0x18, v58  }
0x2d: {  	v3 =	vand.u32 $0x7, v3  }
0x2e: {  	v3 =	vor.u32 v3, v4  }
0x2f: {  	v4 =	vperm.xlane v3, v0;
	_ =	sdelay $0x1  }
0x30: {  	v4 =	vadd.s32 v1, v4;
	_ =	sdelay $0x1  }
0x31: {  	v3 =	vperm.xlane v3, v2;
	_ =	sdelay $0x1  }
0x32: {  	s8 =	rddreg [dreg:$0x8];
	v3 =	vadd.s32 v1, v3  }
0x33: {  	[tilespmem:s8], [sflag:$0x1] =	stream.indirect_vreg.gather [hbm4b:s3+s2], $0x80, v4, vm0, $0xb8;
	[tilespmem:$0xA880] =	vst v63  }
0x34: {  	s8 =	simm.s32 $0x2080  }
0x35: {  	[tilespmem:s8], [sflag:$0x1] =	stream.indirect_vreg.gather [hbm4b:s4+s2], $0x80, v4, vm1, $0xb8;
	[tilespmem:$0xA880] =	vst v63  }
0x36: {  	_ = 	snop  }
0x37: {  	[tilespmem:s9], [sflag:$0x1] =	stream.indirect_vreg.gather [hbm4b:s3+s2], $0x80, v3, vm0, $0xb8;
	[tilespmem:$0xA880] =	vst v63  }
0x38: {  	_ = 	snop  }
0x39: {  	[tilespmem:s10], [sflag:$0x1] =	stream.indirect_vreg.gather [hbm4b:s4+s2], $0x80, v3, vm1, $0xb8;
	[tilespmem:$0xA880] =	vst v63  }
0x3a: {  	v3 =	vld [tilespmem:$0x20];
	_ =	sdelay $0x4  }
0x3b: {  	v59 =	vshrl.u32 v3, $0x3  }
0x3c: {  	v4 =	vmul.u32 $0x18, v59  }
0x3d: {  	v3 =	vand.u32 $0x7, v3  }
0x3e: {  	v3 =	vor.u32 v3, v4  }
0x3f: {  	v4 =	vperm.xlane v3, v0;
	_ =	sdelay $0x1  }
0x40: {  	v4 =	vadd.s32 v1, v4;
	_ =	sdelay $0x1  }
0x41: {  	v3 =	vperm.xlane v3, v2;
	_ =	sdelay $0x1  }
0x42: {  	v3 =	vadd.s32 v1, v3  }
0x43: {  	[tilespmem:s11], [sflag:$0x1] =	stream.indirect_vreg.gather [hbm4b:s3+s2], $0x80, v4, vm0, $0xb8;
	[tilespmem:$0xA880] =	vst v63  }
0x44: {  	_ = 	snop  }
0x45: {  	[tilespmem:s12], [sflag:$0x1] =	stream.indirect_vreg.gather [hbm4b:s4+s2], $0x80, v4, vm1, $0xb8;
	[tilespmem:$0xA880] =	vst v63  }
0x46: {  	_ = 	snop  }
0x47: {  	[tilespmem:s13], [sflag:$0x1] =	stream.indirect_vreg.gather [hbm4b:s3+s2], $0x80, v3, vm0, $0xb8;
	[tilespmem:$0xA880] =	vst v63  }
0x48: {  	_ = 	snop  }
0x49: {  	[tilespmem:s14], [sflag:$0x1] =	stream.indirect_vreg.gather [hbm4b:s4+s2], $0x80, v3, vm1, $0xb8;
	[tilespmem:$0xA880] =	vst v63  }
0x4a: {  	v3 =	vld [tilespmem:$0x30];
	_ =	sdelay $0x4  }
0x4b: {  	v60 =	vshrl.u32 v3, $0x3  }
0x4c: {  	v4 =	vmul.u32 $0x18, v60  }
0x4d: {  	v3 =	vand.u32 $0x7, v3  }
0x4e: {  	v3 =	vor.u32 v3, v4  }
0x4f: {  	v4 =	vperm.xlane v3, v0;
	_ =	sdelay $0x1  }
0x50: {  	v4 =	vadd.s32 v1, v4;
	_ =	sdelay $0x1  }
0x51: {  	v3 =	vperm.xlane v3, v2;
	_ =	sdelay $0x1  }
0x52: {  	v3 =	vadd.s32 v1, v3  }
0x53: {  	[tilespmem:s15], [sflag:$0x1] =	stream.indirect_vreg.gather [hbm4b:s3+s2], $0x80, v4, vm0, $0xb8;
	[tilespmem:$0xA880] =	vst v63  }
0x54: {  	_ = 	snop  }
0x55: {  	[tilespmem:s16], [sflag:$0x1] =	stream.indirect_vreg.gather [hbm4b:s4+s2], $0x80, v4, vm1, $0xb8;
	[tilespmem:$0xA880] =	vst v63  }
0x56: {  	_ = 	snop  }
0x57: {  	[tilespmem:s17], [sflag:$0x1] =	stream.indirect_vreg.gather [hbm4b:s3+s2], $0x80, v3, vm0, $0xb8;
	[tilespmem:$0xA880] =	vst v63  }
0x58: {  	_ = 	snop  }
0x59: {  	[tilespmem:s18], [sflag:$0x1] =	stream.indirect_vreg.gather [hbm4b:s4+s2], $0x80, v3, vm1, $0xb8;
	[tilespmem:$0xA880] =	vst v63  }
0x5a: {  	v3 =	vld [tilespmem:$0x40];
	_ =	sdelay $0x4  }
0x5b: {  	v61 =	vshrl.u32 v3, $0x3  }
0x5c: {  	v4 =	vmul.u32 $0x18, v61  }
0x5d: {  	v3 =	vand.u32 $0x7, v3  }
0x5e: {  	v3 =	vor.u32 v3, v4  }
0x5f: {  	v4 =	vperm.xlane v3, v0;
	_ =	sdelay $0x1  }
0x60: {  	v4 =	vadd.s32 v1, v4;
	_ =	sdelay $0x1  }
0x61: {  	v3 =	vperm.xlane v3, v2;
	_ =	sdelay $0x1  }
0x62: {  	v3 =	vadd.s32 v1, v3  }
0x63: {  	[tilespmem:s19], [sflag:$0x1] =	stream.indirect_vreg.gather [hbm4b:s3+s2], $0x80, v4, vm0, $0xb8;
	[tilespmem:$0xA880] =	vst v63  }
0x64: {  	_ = 	snop  }
0x65: {  	[tilespmem:s20], [sflag:$0x1] =	stream.indirect_vreg.gather [hbm4b:s4+s2], $0x80, v4, vm1, $0xb8;
	[tilespmem:$0xA880] =	vst v63  }
0x66: {  	_ = 	snop  }
0x67: {  	[tilespmem:s21], [sflag:$0x1] =	stream.indirect_vreg.gather [hbm4b:s3+s2], $0x80, v3, vm0, $0xb8;
	[tilespmem:$0xA880] =	vst v63  }
0x68: {  	_ = 	snop  }
0x69: {  	[tilespmem:s22], [sflag:$0x1] =	stream.indirect_vreg.gather [hbm4b:s4+s2], $0x80, v3, vm1, $0xb8;
	[tilespmem:$0xA880] =	vst v63  }
0x6a: {  	v3 =	vld [tilespmem:$0x50];
	_ =	sdelay $0x4  }
0x6b: {  	v62 =	vshrl.u32 v3, $0x3  }
0x6c: {  	v4 =	vmul.u32 $0x18, v62  }
0x6d: {  	v3 =	vand.u32 $0x7, v3  }
0x6e: {  	v3 =	vor.u32 v3, v4  }
0x6f: {  	v4 =	vperm.xlane v3, v0;
	_ =	sdelay $0x1  }
0x70: {  	v4 =	vadd.s32 v1, v4;
	_ =	sdelay $0x1  }
0x71: {  	v3 =	vperm.xlane v3, v2;
	_ =	sdelay $0x1  }
0x72: {  	v3 =	vadd.s32 v1, v3  }
0x73: {  	[tilespmem:s23], [sflag:$0x1] =	stream.indirect_vreg.gather [hbm4b:s3+s2], $0x80, v4, vm0, $0xb8;
	[tilespmem:$0xA880] =	vst v63  }
0x74: {  	_ = 	snop  }
0x75: {  	[tilespmem:s24], [sflag:$0x1] =	stream.indirect_vreg.gather [hbm4b:s4+s2], $0x80, v4, vm1, $0xb8;
	[tilespmem:$0xA880] =	vst v63  }
0x76: {  	_ = 	snop  }
0x77: {  	[tilespmem:s25], [sflag:$0x1] =	stream.indirect_vreg.gather [hbm4b:s3+s2], $0x80, v3, vm0, $0xb8;
	[tilespmem:$0xA880] =	vst v63  }
0x78: {  	_ = 	snop  }
0x79: {  	[tilespmem:s26], [sflag:$0x1] =	stream.indirect_vreg.gather [hbm4b:s4+s2], $0x80, v3, vm1, $0xb8;
	[tilespmem:$0xA880] =	vst v63  }
0x7a: {  	v3 =	vld [tilespmem:$0x60];
	_ =	sdelay $0x4  }
0x7b: {  	v63 =	vshrl.u32 v3, $0x3  }
0x7c: {  	v4 =	vmul.u32 $0x18, v63  }
0x7d: {  	v3 =	vand.u32 $0x7, v3  }
0x7e: {  	v3 =	vor.u32 v3, v4  }
0x7f: {  	v4 =	vperm.xlane v3, v0;
	_ =	sdelay $0x1  }
0x80: {  	v4 =	vadd.s32 v1, v4;
	_ =	sdelay $0x1  }
0x81: {  	v3 =	vperm.xlane v3, v2;
	_ =	sdelay $0x1  }
0x82: {  	v3 =	vadd.s32 v1, v3  }
0x83: {  	[tilespmem:s28], [sflag:$0x1] =	stream.indirect_vreg.gather [hbm4b:s3+s2], $0x80, v4, vm0, $0xb8;
	[tilespmem:$0xA880] =	vst v63  }
0x84: {  	_ = 	snop  }
0x85: {  	[tilespmem:s29], [sflag:$0x1] =	stream.indirect_vreg.gather [hbm4b:s4+s2], $0x80, v4, vm1, $0xb8;
	[tilespmem:$0xA880] =	vst v63  }
0x86: {  	_ = 	snop  }
0x87: {  	[tilespmem:s30], [sflag:$0x1] =	stream.indirect_vreg.gather [hbm4b:s3+s2], $0x80, v3, vm0, $0xb8;
	[tilespmem:$0xA880] =	vst v63  }
0x88: {  	_ = 	snop  }
0x89: {  	[tilespmem:s31], [sflag:$0x1] =	stream.indirect_vreg.gather [hbm4b:s4+s2], $0x80, v3, vm1, $0xb8;
	[tilespmem:$0xA880] =	vst v63  }
0x8a: {  	_ =	swait.ge [sflag:s1], $0xA800  }
0x8b: {  	p0 =	sne.s32 s5, $0x1;
	[sflag:s1] =	ssyncset.done $0x0  }
.Ltmp0:
0x8c: {  	s8 =	rddreg [dreg:$0x4];
	[sflag:s1] =	ssyncadd.s32 $0xFFFF5800;
	(pc) =	sbr.rel @p0 .LBB2_1-.Ltmp0, $4  }
0x8d: {  	[hbm4b:s8+s2] =	stream.linear.scatter [tilespmem:s7], [sflag:$0x2], $0xA800, $0x38;
	[tilespmem:$0xA880] =	vst v63  }
0x8e: {  	_ =	swait.ge [sflag:s6], $0xA800  }
0x8f: {  	[sflag:s6] =	ssyncset.done $0x0  }
0x90: {  	s5 =	sadd.s32 $0xFFFFFFFF, s5;
	[sflag:s6] =	ssyncadd.s32 $0xFFFF5800  }
0x91: {  	_ =	sfence.sel $0x180000  }
0x92: {  	[bflag:$0x0] =	sbarrier.arrive $0xFFFF  }
0x93: {  	_ =	strace $0x90000050  }
0x94: {  	s0 =	stileid.u32;
	[bflag:$0x2] =	sbarrier.arrive $0xFFFF  }
0x95: {  	p0 =	sne.s32 s0, $0x0;
	s0 =	rddreg [dreg:$0x2]  }
0x96: {  	s0 =	sadd.s32 @!p0 $0x100000, s0  }
0x97: {  	[sflag:s0] =	ssyncadd.tile.s32 @!p0 $0x1;
	_ =	shalt  }
.Lfunc_end2:
_tile_overlayer_lowered:
.L_overlay_start_2:
0x98: {  	(tag) =	ssettag $0x2  }
0x99: {  	s0 =	rddreg [dreg:$0x0];
	s2 =	stileid.u32  }
0x9a: {  	s1 =	rddreg [dreg:$0x1];
	p0 =	sne.s32 s2, $0x0  }
0x9b: {  	s3 =	rddreg [dreg:$0x2];
	[bflag:$0x3] =	sbarrier.arrive $0xFFFF;
	s2 =	simm.s32 @!p0 $0x1C02  }
0x9c: {  	[timem:s3], [sflag:s2] =	dma.local @!p0 [hbm:s0], s1  }
0x9d: {  	s0 =	simm.s32 @!p0 $0x2  }
0x9e: {  	_ =	swait.ge @!p0 [sflag:s0], s1  }
0x9f: {  	s1 =	ssub.s32 @!p0 $0x0, s1;
	[sflag:s0] =	ssyncset.done @!p0 $0x0  }
0xa0: {  	[sflag:s0] =	ssyncadd.s32 @!p0 s1  }
0xa1: {  	[bflag:$0x3] =	sbarrier.arrive $0xFFFF  }
0xa2: {  	_ =	shalt  }

</sc_bundles>
